<compile_context>
chip_gen: v7x
topology: tpu7x:2x2x1
jax: 0.10.2.dev20260603
libtpu: 0.0.44.dev20260713+nightly
codegen_flags: <defaults>
</compile_context>

<pallas_src>
import functools
import jax
import jax.numpy as jnp
from jax import lax
from jax.experimental import pallas as pl
from jax.experimental.pallas import tpu as pltpu, tpu_sc as plsc

_N = 1000
_B = 16384
_CC = 128
_PARTS = (504, 496)


@functools.cache
def _make_sc_kernel():
    info = plsc.get_sparse_core_info()
    NC, NS, L = info.num_cores, info.num_subcores, info.num_lanes
    NW = NC * NS
    cols_per_w = _B // NW
    n_chunks = cols_per_w // _CC
    n_parts = len(_PARTS)
    row_lo = [sum(_PARTS[:p]) for p in range(n_parts)]
    mesh = plsc.VectorSubcoreMesh(core_axis_name="c", subcore_axis_name="s")

    @functools.partial(
        pl.kernel, mesh=mesh,
        compiler_params=pltpu.CompilerParams(
            use_tc_tiling_on_sc=True, needs_layout_passes=False),
        out_type=jax.ShapeDtypeStruct((_N, _B), jnp.float32),
        scratch_types=(
            [pltpu.VMEM((cols_per_w,), jnp.int32)]
            + [pltpu.VMEM((nr, _CC), jnp.float32) for nr in _PARTS]
            + [pltpu.SemaphoreType.DMA] * n_parts
        ),
    )
    def k(idx_hbm, out_hbm, idx_v, *bufs_sems):
        bufs = bufs_sems[:n_parts]
        sems = bufs_sems[n_parts:]
        wid = lax.axis_index("s") * NC + lax.axis_index("c")
        base = wid * cols_per_w
        idx_h = pltpu.async_copy(
            idx_hbm.at[pl.ds(base, cols_per_w)], idx_v, sems[0])
        zeros = jnp.zeros((L,), jnp.float32)
        ones = jnp.ones((L,), jnp.float32)
        lane = lax.iota(jnp.int32, L)

        def zfill(p, r0, r1):
            def zrow(r, carry):
                for j in range(_CC // L):
                    bufs[p][r, pl.ds(j * L, L)] = zeros
                return carry
            lax.fori_loop(r0, r1, zrow, 0)

        def scatter(p, c, val, r0=0, r1=None):
            lo, nr = row_lo[p], _PARTS[p]
            if r1 is None:
                r1 = nr
            for g in range(_CC // L):
                rows = idx_v[pl.ds(c * _CC + g * L, L)]
                r = jnp.clip(rows - lo, 0, nr - 1)
                m = (rows >= lo + r0) & (rows < lo + r1)
                plsc.store_scatter(bufs[p], [r, g * L + lane], val, mask=m)

        def dma(p, c, r0=0, r1=None):
            if r1 is None:
                r1 = _PARTS[p]
            return pltpu.async_copy(
                bufs[p].at[pl.ds(r0, r1 - r0)],
                out_hbm.at[pl.ds(row_lo[p] + r0, r1 - r0),
                           pl.ds(base + c * _CC, _CC)],
                sems[p])

        _SUB = 256
        first_handles = []
        for p in range(n_parts):
            zfill(p, 0, _SUB)
            if p == 0:
                idx_h.wait()
            scatter(p, 0, ones, 0, _SUB)
            first_handles.append(dma(p, 0, 0, _SUB))
            zfill(p, _SUB, _PARTS[p])
            scatter(p, 0, ones, _SUB, _PARTS[p])
            first_handles.append(dma(p, 0, _SUB, _PARTS[p]))
        handles = [None] * n_parts
        for c in range(1, n_chunks):
            for p in range(n_parts):
                if c == 1:
                    first_handles[2 * p].wait()
                    first_handles[2 * p + 1].wait()
                else:
                    handles[p].wait()
                scatter(p, c - 1, zeros)
                scatter(p, c, ones)
                handles[p] = dma(p, c)
        for p in range(n_parts):
            handles[p].wait()

    return k


def kernel(inputs, indices):
    del inputs
    return _make_sc_kernel()(indices).T

# --- scband reference (transcript-rebuilt; emitter-appended) ---
"""Pipeline reference for scband-pos-abstract-encoder-24859270710026 (READ-ONLY COPY).

The authoritative reference and input builder live on the scoring server;
editing this copy changes nothing except your own understanding.
"""

import jax, jax.numpy as jnp
import numpy as np

N_ABS = 1000
B = 16384

def setup_inputs(seed: int = 0) -> dict:
    key = jax.random.key(seed)
    k1, k2 = jax.random.split(key)
    inputs = jax.random.normal(k1, (B, 128), dtype=jnp.float32)
    # indices = abs_dict[map_id][pos] for each batch element (host-side dict lookup
    # in the original torch code); modeled as a precomputed int tensor in [0, n_abs)
    indices = jax.random.randint(k2, (B,), 0, N_ABS, dtype=jnp.int32)
    return {"inputs": inputs, "indices": indices}

def reference(inputs, indices):
    # one_hot.encode(tensor(c_indices), dim=self.n_abs)
    # implemented as a scatter-overwrite (SparseCore-mappable .at[].set)
    b = indices.shape[0]
    cs = jnp.zeros((b, N_ABS), dtype=jnp.float32)
    cs = cs.at[jnp.arange(b), indices].set(1.0)
    return cs

if __name__ == "__main__":
    import jax
    _d = setup_inputs()
    print(jax.jit(kernel)(*tuple(_d.values())))

</pallas_src>

<mosaic_0001>
#map = affine_map<(d0, d1) -> (0)>
#map1 = affine_map<(d0, d1) -> (0, 0)>
module attributes {stable_mosaic.version = 14 : i64} {
  func.func @k(%arg0: i32, %arg1: i32, %arg2: memref<16384xi32, #tpu.memory_space<hbm>>, %arg3: memref<1000x16384xf32, #tpu.memory_space<hbm>>, %arg4: memref<512xi32, #tpu.memory_space<vmem>>, %arg5: memref<504x128xf32, #tpu.memory_space<vmem>>, %arg6: memref<496x128xf32, #tpu.memory_space<vmem>>, %arg7: memref<!tpu.dma_semaphore, #tpu.memory_space<semaphore_mem>>, %arg8: memref<!tpu.dma_semaphore, #tpu.memory_space<semaphore_mem>>) attributes {dimension_semantics = [#tpu.dimension_semantics<core_parallel>, #tpu.dimension_semantics<subcore_parallel>], iteration_bounds = array<i64: 2, 16>, scalar_prefetch = 0 : i64, scratch_operands = 5 : i64, tpu.core_type = #tpu.core_type<sc_vector_subcore>, window_params = [{transform_indices = #map}, {transform_indices = #map1}]} {
    %mul3A = arith.constant 2 : i32
    %mul3A_0 = arith.muli %arg1, %mul3A : i32
    %add3A = arith.addi %mul3A_0, %arg0 : i32
    %mul3A_1 = arith.constant 512 : i32
    %mul3A_2 = arith.muli %add3A, %mul3A_1 : i32
    %dma_start3A = tpu.memref_slice %arg2[%mul3A_2] : memref<16384xi32, #tpu.memory_space<hbm>> -> memref<512xi32, #tpu.memory_space<hbm>>
    %dma_start3A_3 = tpu.memref_slice %arg2[%mul3A_2] : memref<16384xi32, #tpu.memory_space<hbm>> -> memref<512xi32, #tpu.memory_space<hbm>>
    tpu.enqueue_dma source(%dma_start3A_3 : memref<512xi32, #tpu.memory_space<hbm>>) target(%arg4 : memref<512xi32, #tpu.memory_space<vmem>>) target_semaphore(%arg7 : memref<!tpu.dma_semaphore, #tpu.memory_space<semaphore_mem>>)
    %broadcast_in_dim3A = arith.constant 0.000000e+00 : f32
    %broadcast_in_dim3A_4 = vector.broadcast %broadcast_in_dim3A : f32 to vector<16xf32>
    %broadcast_in_dim3A_5 = arith.constant 1.000000e+00 : f32
    %broadcast_in_dim3A_6 = vector.broadcast %broadcast_in_dim3A_5 : f32 to vector<16xf32>
    %iota3A = tpu.iota {dimensions = array<i32: 0>} : vector<16xi32>
    %scan3A = arith.constant 0 : i32
    %scan3A_7 = arith.constant 0 : i32
    %scan3A_8 = arith.constant 256 : i32
    %scan3A_9 = arith.addi %scan3A_7, %scan3A_8 : i32
    %scan3A_10 = arith.constant 1 : i32
    scf.for %scan3A_2931 = %scan3A_7 to %scan3A_9 step %scan3A_10  : i32 {
      %swap3A = arith.index_cast %scan3A_2931 : i32 to index
      %swap3A_2932 = arith.constant 0 : index
      %swap3A_2933 = tpu.vector_load %arg5[%swap3A, %swap3A_2932] {strides = array<i32>} : memref<504x128xf32, #tpu.memory_space<vmem>>, vector<16xf32>,
      tpu.vector_store %arg5[%swap3A, %swap3A_2932], %broadcast_in_dim3A_4 {strides = array<i32>} : memref<504x128xf32, #tpu.memory_space<vmem>>, vector<16xf32>,
      %swap3A_2934 = arith.index_cast %scan3A_2931 : i32 to index
      %swap3A_2935 = arith.constant 16 : index
      %swap3A_2936 = tpu.vector_load %arg5[%swap3A_2934, %swap3A_2935] {strides = array<i32>} : memref<504x128xf32, #tpu.memory_space<vmem>>, vector<16xf32>,
      tpu.vector_store %arg5[%swap3A_2934, %swap3A_2935], %broadcast_in_dim3A_4 {strides = array<i32>} : memref<504x128xf32, #tpu.memory_space<vmem>>, vector<16xf32>,
      %swap3A_2937 = arith.index_cast %scan3A_2931 : i32 to index
      %swap3A_2938 = arith.constant 32 : index
      %swap3A_2939 = tpu.vector_load %arg5[%swap3A_2937, %swap3A_2938] {strides = array<i32>} : memref<504x128xf32, #tpu.memory_space<vmem>>, vector<16xf32>,
      tpu.vector_store %arg5[%swap3A_2937, %swap3A_2938], %broadcast_in_dim3A_4 {strides = array<i32>} : memref<504x128xf32, #tpu.memory_space<vmem>>, vector<16xf32>,
      %swap3A_2940 = arith.index_cast %scan3A_2931 : i32 to index
      %swap3A_2941 = arith.constant 48 : index
      %swap3A_2942 = tpu.vector_load %arg5[%swap3A_2940, %swap3A_2941] {strides = array<i32>} : memref<504x128xf32, #tpu.memory_space<vmem>>, vector<16xf32>,
      tpu.vector_store %arg5[%swap3A_2940, %swap3A_2941], %broadcast_in_dim3A_4 {strides = array<i32>} : memref<504x128xf32, #tpu.memory_space<vmem>>, vector<16xf32>,
      %swap3A_2943 = arith.index_cast %scan3A_2931 : i32 to index
      %swap3A_2944 = arith.constant 64 : index
      %swap3A_2945 = tpu.vector_load %arg5[%swap3A_2943, %swap3A_2944] {strides = array<i32>} : memref<504x128xf32, #tpu.memory_space<vmem>>, vector<16xf32>,
      tpu.vector_store %arg5[%swap3A_2943, %swap3A_2944], %broadcast_in_dim3A_4 {strides = array<i32>} : memref<504x128xf32, #tpu.memory_space<vmem>>, vector<16xf32>,
      %swap3A_2946 = arith.index_cast %scan3A_2931 : i32 to index
      %swap3A_2947 = arith.constant 80 : index
      %swap3A_2948 = tpu.vector_load %arg5[%swap3A_2946, %swap3A_2947] {strides = array<i32>} : memref<504x128xf32, #tpu.memory_space<vmem>>, vector<16xf32>,
      tpu.vector_store %arg5[%swap3A_2946, %swap3A_2947], %broadcast_in_dim3A_4 {strides = array<i32>} : memref<504x128xf32, #tpu.memory_space<vmem>>, vector<16xf32>,
      %swap3A_2949 = arith.index_cast %scan3A_2931 : i32 to index
      %swap3A_2950 = arith.constant 96 : index
      %swap3A_2951 = tpu.vector_load %arg5[%swap3A_2949, %swap3A_2950] {strides = array<i32>} : memref<504x128xf32, #tpu.memory_space<vmem>>, vector<16xf32>,
      tpu.vector_store %arg5[%swap3A_2949, %swap3A_2950], %broadcast_in_dim3A_4 {strides = array<i32>} : memref<504x128xf32, #tpu.memory_space<vmem>>, vector<16xf32>,
      %swap3A_2952 = arith.index_cast %scan3A_2931 : i32 to index
      %swap3A_2953 = arith.constant 112 : index
      %swap3A_2954 = tpu.vector_load %arg5[%swap3A_2952, %swap3A_2953] {strides = array<i32>} : memref<504x128xf32, #tpu.memory_space<vmem>>, vector<16xf32>,
      tpu.vector_store %arg5[%swap3A_2952, %swap3A_2953], %broadcast_in_dim3A_4 {strides = array<i32>} : memref<504x128xf32, #tpu.memory_space<vmem>>, vector<16xf32>,
    }
    %scan3A_11 = arith.constant 256 : i32
    %dma_wait3A = tpu.memref_slice %arg2[%mul3A_2] : memref<16384xi32, #tpu.memory_space<hbm>> -> memref<512xi32, #tpu.memory_space<hbm>>
    %dma_wait3A_12 = tpu.memref_slice %arg2[%mul3A_2] : memref<16384xi32, #tpu.memory_space<hbm>> -> memref<512xi32, #tpu.memory_space<hbm>>
    tpu.wait_dma2 semaphore(%arg7 : memref<!tpu.dma_semaphore, #tpu.memory_space<semaphore_mem>>) src(%dma_wait3A_12 : memref<512xi32, #tpu.memory_space<hbm>>) dst(%arg4 : memref<512xi32, #tpu.memory_space<vmem>>)
    %get3A = arith.constant 0 : index
    %get3A_13 = tpu.vector_load %arg4[%get3A] {strides = array<i32>} : memref<512xi32, #tpu.memory_space<vmem>>, vector<16xi32>,
    %sub3A = arith.constant 0 : i32
    %sub3A_14 = vector.broadcast %sub3A : i32 to vector<16xi32>
    %sub3A_15 = arith.subi %get3A_13, %sub3A_14 : vector<16xi32>
    %jit3A = arith.constant 0 : i32
    %jit3A_16 = arith.constant 503 : i32
    %max3A = vector.broadcast %jit3A : i32 to vector<16xi32>
    %max3A_17 = arith.maxsi %max3A, %sub3A_15 : vector<16xi32>
    %min3A = vector.broadcast %jit3A_16 : i32 to vector<16xi32>
    %min3A_18 = arith.minsi %min3A, %max3A_17 : vector<16xi32>
    %ge3A = arith.constant 0 : i32
    %ge3A_19 = vector.broadcast %ge3A : i32 to vector<16xi32>
    %ge3A_20 = arith.cmpi sge, %get3A_13, %ge3A_19 : vector<16xi32>
    %lt3A = arith.constant 256 : i32
    %lt3A_21 = vector.broadcast %lt3A : i32 to vector<16xi32>
    %lt3A_22 = arith.cmpi slt, %get3A_13, %lt3A_21 : vector<16xi32>
    %and3A = arith.andi %ge3A_20, %lt3A_22 : vector<16xi1>
    %add3A_23 = arith.constant 0 : i32
    %add3A_24 = vector.broadcast %add3A_23 : i32 to vector<16xi32>
    %add3A_25 = arith.addi %add3A_24, %iota3A : vector<16xi32>
    tpu.vector_store_idx %arg5[%min3A_18, %add3A_25], %broadcast_in_dim3A_6 masked %and3A : memref<504x128xf32, #tpu.memory_space<vmem>>[vector<16xi32>, vector<16xi32>], vector<16xf32>, vector<16xi1>
    %get3A_26 = arith.constant 16 : index
    %get3A_27 = tpu.vector_load %arg4[%get3A_26] {strides = array<i32>} : memref<512xi32, #tpu.memory_space<vmem>>, vector<16xi32>,
    %sub3A_28 = arith.constant 0 : i32
    %sub3A_29 = vector.broadcast %sub3A_28 : i32 to vector<16xi32>
    %sub3A_30 = arith.subi %get3A_27, %sub3A_29 : vector<16xi32>
    %jit3A_31 = arith.constant 0 : i32
    %jit3A_32 = arith.constant 503 : i32
    %max3A_33 = vector.broadcast %jit3A_31 : i32 to vector<16xi32>
    %max3A_34 = arith.maxsi %max3A_33, %sub3A_30 : vector<16xi32>
    %min3A_35 = vector.broadcast %jit3A_32 : i32 to vector<16xi32>
    %min3A_36 = arith.minsi %min3A_35, %max3A_34 : vector<16xi32>
    %ge3A_37 = arith.constant 0 : i32
    %ge3A_38 = vector.broadcast %ge3A_37 : i32 to vector<16xi32>
    %ge3A_39 = arith.cmpi sge, %get3A_27, %ge3A_38 : vector<16xi32>
    %lt3A_40 = arith.constant 256 : i32
    %lt3A_41 = vector.broadcast %lt3A_40 : i32 to vector<16xi32>
    %lt3A_42 = arith.cmpi slt, %get3A_27, %lt3A_41 : vector<16xi32>
    %and3A_43 = arith.andi %ge3A_39, %lt3A_42 : vector<16xi1>
    %add3A_44 = arith.constant 16 : i32
    %add3A_45 = vector.broadcast %add3A_44 : i32 to vector<16xi32>
    %add3A_46 = arith.addi %add3A_45, %iota3A : vector<16xi32>
    tpu.vector_store_idx %arg5[%min3A_36, %add3A_46], %broadcast_in_dim3A_6 masked %and3A_43 : memref<504x128xf32, #tpu.memory_space<vmem>>[vector<16xi32>, vector<16xi32>], vector<16xf32>, vector<16xi1>
    %get3A_47 = arith.constant 32 : index
    %get3A_48 = tpu.vector_load %arg4[%get3A_47] {strides = array<i32>} : memref<512xi32, #tpu.memory_space<vmem>>, vector<16xi32>,
    %sub3A_49 = arith.constant 0 : i32
    %sub3A_50 = vector.broadcast %sub3A_49 : i32 to vector<16xi32>
    %sub3A_51 = arith.subi %get3A_48, %sub3A_50 : vector<16xi32>
    %jit3A_52 = arith.constant 0 : i32
    %jit3A_53 = arith.constant 503 : i32
    %max3A_54 = vector.broadcast %jit3A_52 : i32 to vector<16xi32>
    %max3A_55 = arith.maxsi %max3A_54, %sub3A_51 : vector<16xi32>
    %min3A_56 = vector.broadcast %jit3A_53 : i32 to vector<16xi32>
    %min3A_57 = arith.minsi %min3A_56, %max3A_55 : vector<16xi32>
    %ge3A_58 = arith.constant 0 : i32
    %ge3A_59 = vector.broadcast %ge3A_58 : i32 to vector<16xi32>
    %ge3A_60 = arith.cmpi sge, %get3A_48, %ge3A_59 : vector<16xi32>
    %lt3A_61 = arith.constant 256 : i32
    %lt3A_62 = vector.broadcast %lt3A_61 : i32 to vector<16xi32>
    %lt3A_63 = arith.cmpi slt, %get3A_48, %lt3A_62 : vector<16xi32>
    %and3A_64 = arith.andi %ge3A_60, %lt3A_63 : vector<16xi1>
    %add3A_65 = arith.constant 32 : i32
    %add3A_66 = vector.broadcast %add3A_65 : i32 to vector<16xi32>
    %add3A_67 = arith.addi %add3A_66, %iota3A : vector<16xi32>
    tpu.vector_store_idx %arg5[%min3A_57, %add3A_67], %broadcast_in_dim3A_6 masked %and3A_64 : memref<504x128xf32, #tpu.memory_space<vmem>>[vector<16xi32>, vector<16xi32>], vector<16xf32>, vector<16xi1>
    %get3A_68 = arith.constant 48 : index
    %get3A_69 = tpu.vector_load %arg4[%get3A_68] {strides = array<i32>} : memref<512xi32, #tpu.memory_space<vmem>>, vector<16xi32>,
    %sub3A_70 = arith.constant 0 : i32
    %sub3A_71 = vector.broadcast %sub3A_70 : i32 to vector<16xi32>
    %sub3A_72 = arith.subi %get3A_69, %sub3A_71 : vector<16xi32>
    %jit3A_73 = arith.constant 0 : i32
    %jit3A_74 = arith.constant 503 : i32
    %max3A_75 = vector.broadcast %jit3A_73 : i32 to vector<16xi32>
    %max3A_76 = arith.maxsi %max3A_75, %sub3A_72 : vector<16xi32>
    %min3A_77 = vector.broadcast %jit3A_74 : i32 to vector<16xi32>
    %min3A_78 = arith.minsi %min3A_77, %max3A_76 : vector<16xi32>
    %ge3A_79 = arith.constant 0 : i32
    %ge3A_80 = vector.broadcast %ge3A_79 : i32 to vector<16xi32>
    %ge3A_81 = arith.cmpi sge, %get3A_69, %ge3A_80 : vector<16xi32>
    %lt3A_82 = arith.constant 256 : i32
    %lt3A_83 = vector.broadcast %lt3A_82 : i32 to vector<16xi32>
    %lt3A_84 = arith.cmpi slt, %get3A_69, %lt3A_83 : vector<16xi32>
    %and3A_85 = arith.andi %ge3A_81, %lt3A_84 : vector<16xi1>
    %add3A_86 = arith.constant 48 : i32
    %add3A_87 = vector.broadcast %add3A_86 : i32 to vector<16xi32>
    %add3A_88 = arith.addi %add3A_87, %iota3A : vector<16xi32>
    tpu.vector_store_idx %arg5[%min3A_78, %add3A_88], %broadcast_in_dim3A_6 masked %and3A_85 : memref<504x128xf32, #tpu.memory_space<vmem>>[vector<16xi32>, vector<16xi32>], vector<16xf32>, vector<16xi1>
    %get3A_89 = arith.constant 64 : index
    %get3A_90 = tpu.vector_load %arg4[%get3A_89] {strides = array<i32>} : memref<512xi32, #tpu.memory_space<vmem>>, vector<16xi32>,
    %sub3A_91 = arith.constant 0 : i32
    %sub3A_92 = vector.broadcast %sub3A_91 : i32 to vector<16xi32>
    %sub3A_93 = arith.subi %get3A_90, %sub3A_92 : vector<16xi32>
    %jit3A_94 = arith.constant 0 : i32
    %jit3A_95 = arith.constant 503 : i32
    %max3A_96 = vector.broadcast %jit3A_94 : i32 to vector<16xi32>
    %max3A_97 = arith.maxsi %max3A_96, %sub3A_93 : vector<16xi32>
    %min3A_98 = vector.broadcast %jit3A_95 : i32 to vector<16xi32>
    %min3A_99 = arith.minsi %min3A_98, %max3A_97 : vector<16xi32>
    %ge3A_100 = arith.constant 0 : i32
    %ge3A_101 = vector.broadcast %ge3A_100 : i32 to vector<16xi32>
    %ge3A_102 = arith.cmpi sge, %get3A_90, %ge3A_101 : vector<16xi32>
    %lt3A_103 = arith.constant 256 : i32
    %lt3A_104 = vector.broadcast %lt3A_103 : i32 to vector<16xi32>
    %lt3A_105 = arith.cmpi slt, %get3A_90, %lt3A_104 : vector<16xi32>
    %and3A_106 = arith.andi %ge3A_102, %lt3A_105 : vector<16xi1>
    %add3A_107 = arith.constant 64 : i32
    %add3A_108 = vector.broadcast %add3A_107 : i32 to vector<16xi32>
    %add3A_109 = arith.addi %add3A_108, %iota3A : vector<16xi32>
    tpu.vector_store_idx %arg5[%min3A_99, %add3A_109], %broadcast_in_dim3A_6 masked %and3A_106 : memref<504x128xf32, #tpu.memory_space<vmem>>[vector<16xi32>, vector<16xi32>], vector<16xf32>, vector<16xi1>
    %get3A_110 = arith.constant 80 : index
    %get3A_111 = tpu.vector_load %arg4[%get3A_110] {strides = array<i32>} : memref<512xi32, #tpu.memory_space<vmem>>, vector<16xi32>,
    %sub3A_112 = arith.constant 0 : i32
    %sub3A_113 = vector.broadcast %sub3A_112 : i32 to vector<16xi32>
    %sub3A_114 = arith.subi %get3A_111, %sub3A_113 : vector<16xi32>
    %jit3A_115 = arith.constant 0 : i32
    %jit3A_116 = arith.constant 503 : i32
    %max3A_117 = vector.broadcast %jit3A_115 : i32 to vector<16xi32>
    %max3A_118 = arith.maxsi %max3A_117, %sub3A_114 : vector<16xi32>
    %min3A_119 = vector.broadcast %jit3A_116 : i32 to vector<16xi32>
    %min3A_120 = arith.minsi %min3A_119, %max3A_118 : vector<16xi32>
    %ge3A_121 = arith.constant 0 : i32
    %ge3A_122 = vector.broadcast %ge3A_121 : i32 to vector<16xi32>
    %ge3A_123 = arith.cmpi sge, %get3A_111, %ge3A_122 : vector<16xi32>
    %lt3A_124 = arith.constant 256 : i32
    %lt3A_125 = vector.broadcast %lt3A_124 : i32 to vector<16xi32>
    %lt3A_126 = arith.cmpi slt, %get3A_111, %lt3A_125 : vector<16xi32>
    %and3A_127 = arith.andi %ge3A_123, %lt3A_126 : vector<16xi1>
    %add3A_128 = arith.constant 80 : i32
    %add3A_129 = vector.broadcast %add3A_128 : i32 to vector<16xi32>
    %add3A_130 = arith.addi %add3A_129, %iota3A : vector<16xi32>
    tpu.vector_store_idx %arg5[%min3A_120, %add3A_130], %broadcast_in_dim3A_6 masked %and3A_127 : memref<504x128xf32, #tpu.memory_space<vmem>>[vector<16xi32>, vector<16xi32>], vector<16xf32>, vector<16xi1>
    %get3A_131 = arith.constant 96 : index
    %get3A_132 = tpu.vector_load %arg4[%get3A_131] {strides = array<i32>} : memref<512xi32, #tpu.memory_space<vmem>>, vector<16xi32>,
    %sub3A_133 = arith.constant 0 : i32
    %sub3A_134 = vector.broadcast %sub3A_133 : i32 to vector<16xi32>
    %sub3A_135 = arith.subi %get3A_132, %sub3A_134 : vector<16xi32>
    %jit3A_136 = arith.constant 0 : i32
    %jit3A_137 = arith.constant 503 : i32
    %max3A_138 = vector.broadcast %jit3A_136 : i32 to vector<16xi32>
    %max3A_139 = arith.maxsi %max3A_138, %sub3A_135 : vector<16xi32>
    %min3A_140 = vector.broadcast %jit3A_137 : i32 to vector<16xi32>
    %min3A_141 = arith.minsi %min3A_140, %max3A_139 : vector<16xi32>
    %ge3A_142 = arith.constant 0 : i32
    %ge3A_143 = vector.broadcast %ge3A_142 : i32 to vector<16xi32>
    %ge3A_144 = arith.cmpi sge, %get3A_132, %ge3A_143 : vector<16xi32>
    %lt3A_145 = arith.constant 256 : i32
    %lt3A_146 = vector.broadcast %lt3A_145 : i32 to vector<16xi32>
    %lt3A_147 = arith.cmpi slt, %get3A_132, %lt3A_146 : vector<16xi32>
    %and3A_148 = arith.andi %ge3A_144, %lt3A_147 : vector<16xi1>
    %add3A_149 = arith.constant 96 : i32
    %add3A_150 = vector.broadcast %add3A_149 : i32 to vector<16xi32>
    %add3A_151 = arith.addi %add3A_150, %iota3A : vector<16xi32>
    tpu.vector_store_idx %arg5[%min3A_141, %add3A_151], %broadcast_in_dim3A_6 masked %and3A_148 : memref<504x128xf32, #tpu.memory_space<vmem>>[vector<16xi32>, vector<16xi32>], vector<16xf32>, vector<16xi1>
    %get3A_152 = arith.constant 112 : index
    %get3A_153 = tpu.vector_load %arg4[%get3A_152] {strides = array<i32>} : memref<512xi32, #tpu.memory_space<vmem>>, vector<16xi32>,
    %sub3A_154 = arith.constant 0 : i32
    %sub3A_155 = vector.broadcast %sub3A_154 : i32 to vector<16xi32>
    %sub3A_156 = arith.subi %get3A_153, %sub3A_155 : vector<16xi32>
    %jit3A_157 = arith.constant 0 : i32
    %jit3A_158 = arith.constant 503 : i32
    %max3A_159 = vector.broadcast %jit3A_157 : i32 to vector<16xi32>
    %max3A_160 = arith.maxsi %max3A_159, %sub3A_156 : vector<16xi32>
    %min3A_161 = vector.broadcast %jit3A_158 : i32 to vector<16xi32>
    %min3A_162 = arith.minsi %min3A_161, %max3A_160 : vector<16xi32>
    %ge3A_163 = arith.constant 0 : i32
    %ge3A_164 = vector.broadcast %ge3A_163 : i32 to vector<16xi32>
    %ge3A_165 = arith.cmpi sge, %get3A_153, %ge3A_164 : vector<16xi32>
    %lt3A_166 = arith.constant 256 : i32
    %lt3A_167 = vector.broadcast %lt3A_166 : i32 to vector<16xi32>
    %lt3A_168 = arith.cmpi slt, %get3A_153, %lt3A_167 : vector<16xi32>
    %and3A_169 = arith.andi %ge3A_165, %lt3A_168 : vector<16xi1>
    %add3A_170 = arith.constant 112 : i32
    %add3A_171 = vector.broadcast %add3A_170 : i32 to vector<16xi32>
    %add3A_172 = arith.addi %add3A_171, %iota3A : vector<16xi32>
    tpu.vector_store_idx %arg5[%min3A_162, %add3A_172], %broadcast_in_dim3A_6 masked %and3A_169 : memref<504x128xf32, #tpu.memory_space<vmem>>[vector<16xi32>, vector<16xi32>], vector<16xf32>, vector<16xi1>
    %add3A_173 = arith.constant 0 : i32
    %add3A_174 = arith.addi %mul3A_2, %add3A_173 : i32
    %dma_start3A_175 = arith.constant 0 : i32
    %dma_start3A_176 = arith.constant 0 : i32
    %dma_start3A_177 = tpu.memref_slice %arg5[%dma_start3A_175, %dma_start3A_176] : memref<504x128xf32, #tpu.memory_space<vmem>> -> memref<256x128xf32, #tpu.memory_space<vmem>>
    %dma_start3A_178 = arith.constant 0 : i32
    %dma_start3A_179 = tpu.memref_slice %arg3[%dma_start3A_178, %add3A_174] : memref<1000x16384xf32, #tpu.memory_space<hbm>> -> memref<256x128xf32, #tpu.memory_space<hbm>>
    %dma_start3A_180 = arith.constant 0 : i32
    %dma_start3A_181 = tpu.memref_slice %arg3[%dma_start3A_180, %add3A_174] : memref<1000x16384xf32, #tpu.memory_space<hbm>> -> memref<256x128xf32, #tpu.memory_space<hbm>>
    %dma_start3A_182 = arith.constant 0 : i32
    %dma_start3A_183 = arith.constant 0 : i32
    %dma_start3A_184 = tpu.memref_slice %arg5[%dma_start3A_182, %dma_start3A_183] : memref<504x128xf32, #tpu.memory_space<vmem>> -> memref<256x128xf32, #tpu.memory_space<vmem>>
    tpu.enqueue_dma source(%dma_start3A_184 : memref<256x128xf32, #tpu.memory_space<vmem>>) target(%dma_start3A_181 : memref<256x128xf32, #tpu.memory_space<hbm>>) target_semaphore(%arg7 : memref<!tpu.dma_semaphore, #tpu.memory_space<semaphore_mem>>)
    %scan3A_185 = arith.constant 0 : i32
    %scan3A_186 = arith.constant 256 : i32
    %scan3A_187 = arith.constant 248 : i32
    %scan3A_188 = arith.addi %scan3A_186, %scan3A_187 : i32
    %scan3A_189 = arith.constant 1 : i32
    scf.for %scan3A_2931 = %scan3A_186 to %scan3A_188 step %scan3A_189  : i32 {
      %swap3A = arith.index_cast %scan3A_2931 : i32 to index
      %swap3A_2932 = arith.constant 0 : index
      %swap3A_2933 = tpu.vector_load %arg5[%swap3A, %swap3A_2932] {strides = array<i32>} : memref<504x128xf32, #tpu.memory_space<vmem>>, vector<16xf32>,
      tpu.vector_store %arg5[%swap3A, %swap3A_2932], %broadcast_in_dim3A_4 {strides = array<i32>} : memref<504x128xf32, #tpu.memory_space<vmem>>, vector<16xf32>,
      %swap3A_2934 = arith.index_cast %scan3A_2931 : i32 to index
      %swap3A_2935 = arith.constant 16 : index
      %swap3A_2936 = tpu.vector_load %arg5[%swap3A_2934, %swap3A_2935] {strides = array<i32>} : memref<504x128xf32, #tpu.memory_space<vmem>>, vector<16xf32>,
      tpu.vector_store %arg5[%swap3A_2934, %swap3A_2935], %broadcast_in_dim3A_4 {strides = array<i32>} : memref<504x128xf32, #tpu.memory_space<vmem>>, vector<16xf32>,
      %swap3A_2937 = arith.index_cast %scan3A_2931 : i32 to index
      %swap3A_2938 = arith.constant 32 : index
      %swap3A_2939 = tpu.vector_load %arg5[%swap3A_2937, %swap3A_2938] {strides = array<i32>} : memref<504x128xf32, #tpu.memory_space<vmem>>, vector<16xf32>,
      tpu.vector_store %arg5[%swap3A_2937, %swap3A_2938], %broadcast_in_dim3A_4 {strides = array<i32>} : memref<504x128xf32, #tpu.memory_space<vmem>>, vector<16xf32>,
      %swap3A_2940 = arith.index_cast %scan3A_2931 : i32 to index
      %swap3A_2941 = arith.constant 48 : index
      %swap3A_2942 = tpu.vector_load %arg5[%swap3A_2940, %swap3A_2941] {strides = array<i32>} : memref<504x128xf32, #tpu.memory_space<vmem>>, vector<16xf32>,
      tpu.vector_store %arg5[%swap3A_2940, %swap3A_2941], %broadcast_in_dim3A_4 {strides = array<i32>} : memref<504x128xf32, #tpu.memory_space<vmem>>, vector<16xf32>,
      %swap3A_2943 = arith.index_cast %scan3A_2931 : i32 to index
      %swap3A_2944 = arith.constant 64 : index
      %swap3A_2945 = tpu.vector_load %arg5[%swap3A_2943, %swap3A_2944] {strides = array<i32>} : memref<504x128xf32, #tpu.memory_space<vmem>>, vector<16xf32>,
      tpu.vector_store %arg5[%swap3A_2943, %swap3A_2944], %broadcast_in_dim3A_4 {strides = array<i32>} : memref<504x128xf32, #tpu.memory_space<vmem>>, vector<16xf32>,
      %swap3A_2946 = arith.index_cast %scan3A_2931 : i32 to index
      %swap3A_2947 = arith.constant 80 : index
      %swap3A_2948 = tpu.vector_load %arg5[%swap3A_2946, %swap3A_2947] {strides = array<i32>} : memref<504x128xf32, #tpu.memory_space<vmem>>, vector<16xf32>,
      tpu.vector_store %arg5[%swap3A_2946, %swap3A_2947], %broadcast_in_dim3A_4 {strides = array<i32>} : memref<504x128xf32, #tpu.memory_space<vmem>>, vector<16xf32>,
      %swap3A_2949 = arith.index_cast %scan3A_2931 : i32 to index
      %swap3A_2950 = arith.constant 96 : index
      %swap3A_2951 = tpu.vector_load %arg5[%swap3A_2949, %swap3A_2950] {strides = array<i32>} : memref<504x128xf32, #tpu.memory_space<vmem>>, vector<16xf32>,
      tpu.vector_store %arg5[%swap3A_2949, %swap3A_2950], %broadcast_in_dim3A_4 {strides = array<i32>} : memref<504x128xf32, #tpu.memory_space<vmem>>, vector<16xf32>,
      %swap3A_2952 = arith.index_cast %scan3A_2931 : i32 to index
      %swap3A_2953 = arith.constant 112 : index
      %swap3A_2954 = tpu.vector_load %arg5[%swap3A_2952, %swap3A_2953] {strides = array<i32>} : memref<504x128xf32, #tpu.memory_space<vmem>>, vector<16xf32>,
      tpu.vector_store %arg5[%swap3A_2952, %swap3A_2953], %broadcast_in_dim3A_4 {strides = array<i32>} : memref<504x128xf32, #tpu.memory_space<vmem>>, vector<16xf32>,
    }
    %scan3A_190 = arith.constant 248 : i32
    %get3A_191 = arith.constant 0 : index
    %get3A_192 = tpu.vector_load %arg4[%get3A_191] {strides = array<i32>} : memref<512xi32, #tpu.memory_space<vmem>>, vector<16xi32>,
    %sub3A_193 = arith.constant 0 : i32
    %sub3A_194 = vector.broadcast %sub3A_193 : i32 to vector<16xi32>
    %sub3A_195 = arith.subi %get3A_192, %sub3A_194 : vector<16xi32>
    %jit3A_196 = arith.constant 0 : i32
    %jit3A_197 = arith.constant 503 : i32
    %max3A_198 = vector.broadcast %jit3A_196 : i32 to vector<16xi32>
    %max3A_199 = arith.maxsi %max3A_198, %sub3A_195 : vector<16xi32>
    %min3A_200 = vector.broadcast %jit3A_197 : i32 to vector<16xi32>
    %min3A_201 = arith.minsi %min3A_200, %max3A_199 : vector<16xi32>
    %ge3A_202 = arith.constant 256 : i32
    %ge3A_203 = vector.broadcast %ge3A_202 : i32 to vector<16xi32>
    %ge3A_204 = arith.cmpi sge, %get3A_192, %ge3A_203 : vector<16xi32>
    %lt3A_205 = arith.constant 504 : i32
    %lt3A_206 = vector.broadcast %lt3A_205 : i32 to vector<16xi32>
    %lt3A_207 = arith.cmpi slt, %get3A_192, %lt3A_206 : vector<16xi32>
    %and3A_208 = arith.andi %ge3A_204, %lt3A_207 : vector<16xi1>
    %add3A_209 = arith.constant 0 : i32
    %add3A_210 = vector.broadcast %add3A_209 : i32 to vector<16xi32>
    %add3A_211 = arith.addi %add3A_210, %iota3A : vector<16xi32>
    tpu.vector_store_idx %arg5[%min3A_201, %add3A_211], %broadcast_in_dim3A_6 masked %and3A_208 : memref<504x128xf32, #tpu.memory_space<vmem>>[vector<16xi32>, vector<16xi32>], vector<16xf32>, vector<16xi1>
    %get3A_212 = arith.constant 16 : index
    %get3A_213 = tpu.vector_load %arg4[%get3A_212] {strides = array<i32>} : memref<512xi32, #tpu.memory_space<vmem>>, vector<16xi32>,
    %sub3A_214 = arith.constant 0 : i32
    %sub3A_215 = vector.broadcast %sub3A_214 : i32 to vector<16xi32>
    %sub3A_216 = arith.subi %get3A_213, %sub3A_215 : vector<16xi32>
    %jit3A_217 = arith.constant 0 : i32
    %jit3A_218 = arith.constant 503 : i32
    %max3A_219 = vector.broadcast %jit3A_217 : i32 to vector<16xi32>
    %max3A_220 = arith.maxsi %max3A_219, %sub3A_216 : vector<16xi32>
    %min3A_221 = vector.broadcast %jit3A_218 : i32 to vector<16xi32>
    %min3A_222 = arith.minsi %min3A_221, %max3A_220 : vector<16xi32>
    %ge3A_223 = arith.constant 256 : i32
    %ge3A_224 = vector.broadcast %ge3A_223 : i32 to vector<16xi32>
    %ge3A_225 = arith.cmpi sge, %get3A_213, %ge3A_224 : vector<16xi32>
    %lt3A_226 = arith.constant 504 : i32
    %lt3A_227 = vector.broadcast %lt3A_226 : i32 to vector<16xi32>
    %lt3A_228 = arith.cmpi slt, %get3A_213, %lt3A_227 : vector<16xi32>
    %and3A_229 = arith.andi %ge3A_225, %lt3A_228 : vector<16xi1>
    %add3A_230 = arith.constant 16 : i32
    %add3A_231 = vector.broadcast %add3A_230 : i32 to vector<16xi32>
    %add3A_232 = arith.addi %add3A_231, %iota3A : vector<16xi32>
    tpu.vector_store_idx %arg5[%min3A_222, %add3A_232], %broadcast_in_dim3A_6 masked %and3A_229 : memref<504x128xf32, #tpu.memory_space<vmem>>[vector<16xi32>, vector<16xi32>], vector<16xf32>, vector<16xi1>
    %get3A_233 = arith.constant 32 : index
    %get3A_234 = tpu.vector_load %arg4[%get3A_233] {strides = array<i32>} : memref<512xi32, #tpu.memory_space<vmem>>, vector<16xi32>,
    %sub3A_235 = arith.constant 0 : i32
    %sub3A_236 = vector.broadcast %sub3A_235 : i32 to vector<16xi32>
    %sub3A_237 = arith.subi %get3A_234, %sub3A_236 : vector<16xi32>
    %jit3A_238 = arith.constant 0 : i32
    %jit3A_239 = arith.constant 503 : i32
    %max3A_240 = vector.broadcast %jit3A_238 : i32 to vector<16xi32>
    %max3A_241 = arith.maxsi %max3A_240, %sub3A_237 : vector<16xi32>
    %min3A_242 = vector.broadcast %jit3A_239 : i32 to vector<16xi32>
    %min3A_243 = arith.minsi %min3A_242, %max3A_241 : vector<16xi32>
    %ge3A_244 = arith.constant 256 : i32
    %ge3A_245 = vector.broadcast %ge3A_244 : i32 to vector<16xi32>
    %ge3A_246 = arith.cmpi sge, %get3A_234, %ge3A_245 : vector<16xi32>
    %lt3A_247 = arith.constant 504 : i32
    %lt3A_248 = vector.broadcast %lt3A_247 : i32 to vector<16xi32>
    %lt3A_249 = arith.cmpi slt, %get3A_234, %lt3A_248 : vector<16xi32>
    %and3A_250 = arith.andi %ge3A_246, %lt3A_249 : vector<16xi1>
    %add3A_251 = arith.constant 32 : i32
    %add3A_252 = vector.broadcast %add3A_251 : i32 to vector<16xi32>
    %add3A_253 = arith.addi %add3A_252, %iota3A : vector<16xi32>
    tpu.vector_store_idx %arg5[%min3A_243, %add3A_253], %broadcast_in_dim3A_6 masked %and3A_250 : memref<504x128xf32, #tpu.memory_space<vmem>>[vector<16xi32>, vector<16xi32>], vector<16xf32>, vector<16xi1>
    %get3A_254 = arith.constant 48 : index
    %get3A_255 = tpu.vector_load %arg4[%get3A_254] {strides = array<i32>} : memref<512xi32, #tpu.memory_space<vmem>>, vector<16xi32>,
    %sub3A_256 = arith.constant 0 : i32
    %sub3A_257 = vector.broadcast %sub3A_256 : i32 to vector<16xi32>
    %sub3A_258 = arith.subi %get3A_255, %sub3A_257 : vector<16xi32>
    %jit3A_259 = arith.constant 0 : i32
    %jit3A_260 = arith.constant 503 : i32
    %max3A_261 = vector.broadcast %jit3A_259 : i32 to vector<16xi32>
    %max3A_262 = arith.maxsi %max3A_261, %sub3A_258 : vector<16xi32>
    %min3A_263 = vector.broadcast %jit3A_260 : i32 to vector<16xi32>
    %min3A_264 = arith.minsi %min3A_263, %max3A_262 : vector<16xi32>
    %ge3A_265 = arith.constant 256 : i32
    %ge3A_266 = vector.broadcast %ge3A_265 : i32 to vector<16xi32>
    %ge3A_267 = arith.cmpi sge, %get3A_255, %ge3A_266 : vector<16xi32>
    %lt3A_268 = arith.constant 504 : i32
    %lt3A_269 = vector.broadcast %lt3A_268 : i32 to vector<16xi32>
    %lt3A_270 = arith.cmpi slt, %get3A_255, %lt3A_269 : vector<16xi32>
    %and3A_271 = arith.andi %ge3A_267, %lt3A_270 : vector<16xi1>
    %add3A_272 = arith.constant 48 : i32
    %add3A_273 = vector.broadcast %add3A_272 : i32 to vector<16xi32>
    %add3A_274 = arith.addi %add3A_273, %iota3A : vector<16xi32>
    tpu.vector_store_idx %arg5[%min3A_264, %add3A_274], %broadcast_in_dim3A_6 masked %and3A_271 : memref<504x128xf32, #tpu.memory_space<vmem>>[vector<16xi32>, vector<16xi32>], vector<16xf32>, vector<16xi1>
    %get3A_275 = arith.constant 64 : index
    %get3A_276 = tpu.vector_load %arg4[%get3A_275] {strides = array<i32>} : memref<512xi32, #tpu.memory_space<vmem>>, vector<16xi32>,
    %sub3A_277 = arith.constant 0 : i32
    %sub3A_278 = vector.broadcast %sub3A_277 : i32 to vector<16xi32>
    %sub3A_279 = arith.subi %get3A_276, %sub3A_278 : vector<16xi32>
    %jit3A_280 = arith.constant 0 : i32
    %jit3A_281 = arith.constant 503 : i32
    %max3A_282 = vector.broadcast %jit3A_280 : i32 to vector<16xi32>
    %max3A_283 = arith.maxsi %max3A_282, %sub3A_279 : vector<16xi32>
    %min3A_284 = vector.broadcast %jit3A_281 : i32 to vector<16xi32>
    %min3A_285 = arith.minsi %min3A_284, %max3A_283 : vector<16xi32>
    %ge3A_286 = arith.constant 256 : i32
    %ge3A_287 = vector.broadcast %ge3A_286 : i32 to vector<16xi32>
    %ge3A_288 = arith.cmpi sge, %get3A_276, %ge3A_287 : vector<16xi32>
    %lt3A_289 = arith.constant 504 : i32
    %lt3A_290 = vector.broadcast %lt3A_289 : i32 to vector<16xi32>
    %lt3A_291 = arith.cmpi slt, %get3A_276, %lt3A_290 : vector<16xi32>
    %and3A_292 = arith.andi %ge3A_288, %lt3A_291 : vector<16xi1>
    %add3A_293 = arith.constant 64 : i32
    %add3A_294 = vector.broadcast %add3A_293 : i32 to vector<16xi32>
    %add3A_295 = arith.addi %add3A_294, %iota3A : vector<16xi32>
    tpu.vector_store_idx %arg5[%min3A_285, %add3A_295], %broadcast_in_dim3A_6 masked %and3A_292 : memref<504x128xf32, #tpu.memory_space<vmem>>[vector<16xi32>, vector<16xi32>], vector<16xf32>, vector<16xi1>
    %get3A_296 = arith.constant 80 : index
    %get3A_297 = tpu.vector_load %arg4[%get3A_296] {strides = array<i32>} : memref<512xi32, #tpu.memory_space<vmem>>, vector<16xi32>,
    %sub3A_298 = arith.constant 0 : i32
    %sub3A_299 = vector.broadcast %sub3A_298 : i32 to vector<16xi32>
    %sub3A_300 = arith.subi %get3A_297, %sub3A_299 : vector<16xi32>
    %jit3A_301 = arith.constant 0 : i32
    %jit3A_302 = arith.constant 503 : i32
    %max3A_303 = vector.broadcast %jit3A_301 : i32 to vector<16xi32>
    %max3A_304 = arith.maxsi %max3A_303, %sub3A_300 : vector<16xi32>
    %min3A_305 = vector.broadcast %jit3A_302 : i32 to vector<16xi32>
    %min3A_306 = arith.minsi %min3A_305, %max3A_304 : vector<16xi32>
    %ge3A_307 = arith.constant 256 : i32
    %ge3A_308 = vector.broadcast %ge3A_307 : i32 to vector<16xi32>
    %ge3A_309 = arith.cmpi sge, %get3A_297, %ge3A_308 : vector<16xi32>
    %lt3A_310 = arith.constant 504 : i32
    %lt3A_311 = vector.broadcast %lt3A_310 : i32 to vector<16xi32>
    %lt3A_312 = arith.cmpi slt, %get3A_297, %lt3A_311 : vector<16xi32>
    %and3A_313 = arith.andi %ge3A_309, %lt3A_312 : vector<16xi1>
    %add3A_314 = arith.constant 80 : i32
    %add3A_315 = vector.broadcast %add3A_314 : i32 to vector<16xi32>
    %add3A_316 = arith.addi %add3A_315, %iota3A : vector<16xi32>
    tpu.vector_store_idx %arg5[%min3A_306, %add3A_316], %broadcast_in_dim3A_6 masked %and3A_313 : memref<504x128xf32, #tpu.memory_space<vmem>>[vector<16xi32>, vector<16xi32>], vector<16xf32>, vector<16xi1>
    %get3A_317 = arith.constant 96 : index
    %get3A_318 = tpu.vector_load %arg4[%get3A_317] {strides = array<i32>} : memref<512xi32, #tpu.memory_space<vmem>>, vector<16xi32>,
    %sub3A_319 = arith.constant 0 : i32
    %sub3A_320 = vector.broadcast %sub3A_319 : i32 to vector<16xi32>
    %sub3A_321 = arith.subi %get3A_318, %sub3A_320 : vector<16xi32>
    %jit3A_322 = arith.constant 0 : i32
    %jit3A_323 = arith.constant 503 : i32
    %max3A_324 = vector.broadcast %jit3A_322 : i32 to vector<16xi32>
    %max3A_325 = arith.maxsi %max3A_324, %sub3A_321 : vector<16xi32>
    %min3A_326 = vector.broadcast %jit3A_323 : i32 to vector<16xi32>
    %min3A_327 = arith.minsi %min3A_326, %max3A_325 : vector<16xi32>
    %ge3A_328 = arith.constant 256 : i32
    %ge3A_329 = vector.broadcast %ge3A_328 : i32 to vector<16xi32>
    %ge3A_330 = arith.cmpi sge, %get3A_318, %ge3A_329 : vector<16xi32>
    %lt3A_331 = arith.constant 504 : i32
    %lt3A_332 = vector.broadcast %lt3A_331 : i32 to vector<16xi32>
    %lt3A_333 = arith.cmpi slt, %get3A_318, %lt3A_332 : vector<16xi32>
    %and3A_334 = arith.andi %ge3A_330, %lt3A_333 : vector<16xi1>
    %add3A_335 = arith.constant 96 : i32
    %add3A_336 = vector.broadcast %add3A_335 : i32 to vector<16xi32>
    %add3A_337 = arith.addi %add3A_336, %iota3A : vector<16xi32>
    tpu.vector_store_idx %arg5[%min3A_327, %add3A_337], %broadcast_in_dim3A_6 masked %and3A_334 : memref<504x128xf32, #tpu.memory_space<vmem>>[vector<16xi32>, vector<16xi32>], vector<16xf32>, vector<16xi1>
    %get3A_338 = arith.constant 112 : index
    %get3A_339 = tpu.vector_load %arg4[%get3A_338] {strides = array<i32>} : memref<512xi32, #tpu.memory_space<vmem>>, vector<16xi32>,
    %sub3A_340 = arith.constant 0 : i32
    %sub3A_341 = vector.broadcast %sub3A_340 : i32 to vector<16xi32>
    %sub3A_342 = arith.subi %get3A_339, %sub3A_341 : vector<16xi32>
    %jit3A_343 = arith.constant 0 : i32
    %jit3A_344 = arith.constant 503 : i32
    %max3A_345 = vector.broadcast %jit3A_343 : i32 to vector<16xi32>
    %max3A_346 = arith.maxsi %max3A_345, %sub3A_342 : vector<16xi32>
    %min3A_347 = vector.broadcast %jit3A_344 : i32 to vector<16xi32>
    %min3A_348 = arith.minsi %min3A_347, %max3A_346 : vector<16xi32>
    %ge3A_349 = arith.constant 256 : i32
    %ge3A_350 = vector.broadcast %ge3A_349 : i32 to vector<16xi32>
    %ge3A_351 = arith.cmpi sge, %get3A_339, %ge3A_350 : vector<16xi32>
    %lt3A_352 = arith.constant 504 : i32
    %lt3A_353 = vector.broadcast %lt3A_352 : i32 to vector<16xi32>
    %lt3A_354 = arith.cmpi slt, %get3A_339, %lt3A_353 : vector<16xi32>
    %and3A_355 = arith.andi %ge3A_351, %lt3A_354 : vector<16xi1>
    %add3A_356 = arith.constant 112 : i32
    %add3A_357 = vector.broadcast %add3A_356 : i32 to vector<16xi32>
    %add3A_358 = arith.addi %add3A_357, %iota3A : vector<16xi32>
    tpu.vector_store_idx %arg5[%min3A_348, %add3A_358], %broadcast_in_dim3A_6 masked %and3A_355 : memref<504x128xf32, #tpu.memory_space<vmem>>[vector<16xi32>, vector<16xi32>], vector<16xf32>, vector<16xi1>
    %add3A_359 = arith.constant 0 : i32
    %add3A_360 = arith.addi %mul3A_2, %add3A_359 : i32
    %dma_start3A_361 = arith.constant 256 : i32
    %dma_start3A_362 = arith.constant 0 : i32
    %dma_start3A_363 = tpu.memref_slice %arg5[%dma_start3A_361, %dma_start3A_362] : memref<504x128xf32, #tpu.memory_space<vmem>> -> memref<248x128xf32, #tpu.memory_space<vmem>>
    %dma_start3A_364 = arith.constant 256 : i32
    %dma_start3A_365 = tpu.memref_slice %arg3[%dma_start3A_364, %add3A_360] : memref<1000x16384xf32, #tpu.memory_space<hbm>> -> memref<248x128xf32, #tpu.memory_space<hbm>>
    %dma_start3A_366 = arith.constant 256 : i32
    %dma_start3A_367 = tpu.memref_slice %arg3[%dma_start3A_366, %add3A_360] : memref<1000x16384xf32, #tpu.memory_space<hbm>> -> memref<248x128xf32, #tpu.memory_space<hbm>>
    %dma_start3A_368 = arith.constant 256 : i32
    %dma_start3A_369 = arith.constant 0 : i32
    %dma_start3A_370 = tpu.memref_slice %arg5[%dma_start3A_368, %dma_start3A_369] : memref<504x128xf32, #tpu.memory_space<vmem>> -> memref<248x128xf32, #tpu.memory_space<vmem>>
    tpu.enqueue_dma source(%dma_start3A_370 : memref<248x128xf32, #tpu.memory_space<vmem>>) target(%dma_start3A_367 : memref<248x128xf32, #tpu.memory_space<hbm>>) target_semaphore(%arg7 : memref<!tpu.dma_semaphore, #tpu.memory_space<semaphore_mem>>)
    %scan3A_371 = arith.constant 0 : i32
    %scan3A_372 = arith.constant 0 : i32
    %scan3A_373 = arith.constant 256 : i32
    %scan3A_374 = arith.addi %scan3A_372, %scan3A_373 : i32
    %scan3A_375 = arith.constant 1 : i32
    scf.for %scan3A_2931 = %scan3A_372 to %scan3A_374 step %scan3A_375  : i32 {
      %swap3A = arith.index_cast %scan3A_2931 : i32 to index
      %swap3A_2932 = arith.constant 0 : index
      %swap3A_2933 = tpu.vector_load %arg6[%swap3A, %swap3A_2932] {strides = array<i32>} : memref<496x128xf32, #tpu.memory_space<vmem>>, vector<16xf32>,
      tpu.vector_store %arg6[%swap3A, %swap3A_2932], %broadcast_in_dim3A_4 {strides = array<i32>} : memref<496x128xf32, #tpu.memory_space<vmem>>, vector<16xf32>,
      %swap3A_2934 = arith.index_cast %scan3A_2931 : i32 to index
      %swap3A_2935 = arith.constant 16 : index
      %swap3A_2936 = tpu.vector_load %arg6[%swap3A_2934, %swap3A_2935] {strides = array<i32>} : memref<496x128xf32, #tpu.memory_space<vmem>>, vector<16xf32>,
      tpu.vector_store %arg6[%swap3A_2934, %swap3A_2935], %broadcast_in_dim3A_4 {strides = array<i32>} : memref<496x128xf32, #tpu.memory_space<vmem>>, vector<16xf32>,
      %swap3A_2937 = arith.index_cast %scan3A_2931 : i32 to index
      %swap3A_2938 = arith.constant 32 : index
      %swap3A_2939 = tpu.vector_load %arg6[%swap3A_2937, %swap3A_2938] {strides = array<i32>} : memref<496x128xf32, #tpu.memory_space<vmem>>, vector<16xf32>,
      tpu.vector_store %arg6[%swap3A_2937, %swap3A_2938], %broadcast_in_dim3A_4 {strides = array<i32>} : memref<496x128xf32, #tpu.memory_space<vmem>>, vector<16xf32>,
      %swap3A_2940 = arith.index_cast %scan3A_2931 : i32 to index
      %swap3A_2941 = arith.constant 48 : index
      %swap3A_2942 = tpu.vector_load %arg6[%swap3A_2940, %swap3A_2941] {strides = array<i32>} : memref<496x128xf32, #tpu.memory_space<vmem>>, vector<16xf32>,
      tpu.vector_store %arg6[%swap3A_2940, %swap3A_2941], %broadcast_in_dim3A_4 {strides = array<i32>} : memref<496x128xf32, #tpu.memory_space<vmem>>, vector<16xf32>,
      %swap3A_2943 = arith.index_cast %scan3A_2931 : i32 to index
      %swap3A_2944 = arith.constant 64 : index
      %swap3A_2945 = tpu.vector_load %arg6[%swap3A_2943, %swap3A_2944] {strides = array<i32>} : memref<496x128xf32, #tpu.memory_space<vmem>>, vector<16xf32>,
      tpu.vector_store %arg6[%swap3A_2943, %swap3A_2944], %broadcast_in_dim3A_4 {strides = array<i32>} : memref<496x128xf32, #tpu.memory_space<vmem>>, vector<16xf32>,
      %swap3A_2946 = arith.index_cast %scan3A_2931 : i32 to index
      %swap3A_2947 = arith.constant 80 : index
      %swap3A_2948 = tpu.vector_load %arg6[%swap3A_2946, %swap3A_2947] {strides = array<i32>} : memref<496x128xf32, #tpu.memory_space<vmem>>, vector<16xf32>,
      tpu.vector_store %arg6[%swap3A_2946, %swap3A_2947], %broadcast_in_dim3A_4 {strides = array<i32>} : memref<496x128xf32, #tpu.memory_space<vmem>>, vector<16xf32>,
      %swap3A_2949 = arith.index_cast %scan3A_2931 : i32 to index
      %swap3A_2950 = arith.constant 96 : index
      %swap3A_2951 = tpu.vector_load %arg6[%swap3A_2949, %swap3A_2950] {strides = array<i32>} : memref<496x128xf32, #tpu.memory_space<vmem>>, vector<16xf32>,
      tpu.vector_store %arg6[%swap3A_2949, %swap3A_2950], %broadcast_in_dim3A_4 {strides = array<i32>} : memref<496x128xf32, #tpu.memory_space<vmem>>, vector<16xf32>,
      %swap3A_2952 = arith.index_cast %scan3A_2931 : i32 to index
      %swap3A_2953 = arith.constant 112 : index
      %swap3A_2954 = tpu.vector_load %arg6[%swap3A_2952, %swap3A_2953] {strides = array<i32>} : memref<496x128xf32, #tpu.memory_space<vmem>>, vector<16xf32>,
      tpu.vector_store %arg6[%swap3A_2952, %swap3A_2953], %broadcast_in_dim3A_4 {strides = array<i32>} : memref<496x128xf32, #tpu.memory_space<vmem>>, vector<16xf32>,
    }
    %scan3A_376 = arith.constant 256 : i32
    %get3A_377 = arith.constant 0 : index
    %get3A_378 = tpu.vector_load %arg4[%get3A_377] {strides = array<i32>} : memref<512xi32, #tpu.memory_space<vmem>>, vector<16xi32>,
    %sub3A_379 = arith.constant 504 : i32
    %sub3A_380 = vector.broadcast %sub3A_379 : i32 to vector<16xi32>
    %sub3A_381 = arith.subi %get3A_378, %sub3A_380 : vector<16xi32>
    %jit3A_382 = arith.constant 0 : i32
    %jit3A_383 = arith.constant 495 : i32
    %max3A_384 = vector.broadcast %jit3A_382 : i32 to vector<16xi32>
    %max3A_385 = arith.maxsi %max3A_384, %sub3A_381 : vector<16xi32>
    %min3A_386 = vector.broadcast %jit3A_383 : i32 to vector<16xi32>
    %min3A_387 = arith.minsi %min3A_386, %max3A_385 : vector<16xi32>
    %ge3A_388 = arith.constant 504 : i32
    %ge3A_389 = vector.broadcast %ge3A_388 : i32 to vector<16xi32>
    %ge3A_390 = arith.cmpi sge, %get3A_378, %ge3A_389 : vector<16xi32>
    %lt3A_391 = arith.constant 760 : i32
    %lt3A_392 = vector.broadcast %lt3A_391 : i32 to vector<16xi32>
    %lt3A_393 = arith.cmpi slt, %get3A_378, %lt3A_392 : vector<16xi32>
    %and3A_394 = arith.andi %ge3A_390, %lt3A_393 : vector<16xi1>
    %add3A_395 = arith.constant 0 : i32
    %add3A_396 = vector.broadcast %add3A_395 : i32 to vector<16xi32>
    %add3A_397 = arith.addi %add3A_396, %iota3A : vector<16xi32>
    tpu.vector_store_idx %arg6[%min3A_387, %add3A_397], %broadcast_in_dim3A_6 masked %and3A_394 : memref<496x128xf32, #tpu.memory_space<vmem>>[vector<16xi32>, vector<16xi32>], vector<16xf32>, vector<16xi1>
    %get3A_398 = arith.constant 16 : index
    %get3A_399 = tpu.vector_load %arg4[%get3A_398] {strides = array<i32>} : memref<512xi32, #tpu.memory_space<vmem>>, vector<16xi32>,
    %sub3A_400 = arith.constant 504 : i32
    %sub3A_401 = vector.broadcast %sub3A_400 : i32 to vector<16xi32>
    %sub3A_402 = arith.subi %get3A_399, %sub3A_401 : vector<16xi32>
    %jit3A_403 = arith.constant 0 : i32
    %jit3A_404 = arith.constant 495 : i32
    %max3A_405 = vector.broadcast %jit3A_403 : i32 to vector<16xi32>
    %max3A_406 = arith.maxsi %max3A_405, %sub3A_402 : vector<16xi32>
    %min3A_407 = vector.broadcast %jit3A_404 : i32 to vector<16xi32>
    %min3A_408 = arith.minsi %min3A_407, %max3A_406 : vector<16xi32>
    %ge3A_409 = arith.constant 504 : i32
    %ge3A_410 = vector.broadcast %ge3A_409 : i32 to vector<16xi32>
    %ge3A_411 = arith.cmpi sge, %get3A_399, %ge3A_410 : vector<16xi32>
    %lt3A_412 = arith.constant 760 : i32
    %lt3A_413 = vector.broadcast %lt3A_412 : i32 to vector<16xi32>
    %lt3A_414 = arith.cmpi slt, %get3A_399, %lt3A_413 : vector<16xi32>
    %and3A_415 = arith.andi %ge3A_411, %lt3A_414 : vector<16xi1>
    %add3A_416 = arith.constant 16 : i32
    %add3A_417 = vector.broadcast %add3A_416 : i32 to vector<16xi32>
    %add3A_418 = arith.addi %add3A_417, %iota3A : vector<16xi32>
    tpu.vector_store_idx %arg6[%min3A_408, %add3A_418], %broadcast_in_dim3A_6 masked %and3A_415 : memref<496x128xf32, #tpu.memory_space<vmem>>[vector<16xi32>, vector<16xi32>], vector<16xf32>, vector<16xi1>
    %get3A_419 = arith.constant 32 : index
    %get3A_420 = tpu.vector_load %arg4[%get3A_419] {strides = array<i32>} : memref<512xi32, #tpu.memory_space<vmem>>, vector<16xi32>,
    %sub3A_421 = arith.constant 504 : i32
    %sub3A_422 = vector.broadcast %sub3A_421 : i32 to vector<16xi32>
    %sub3A_423 = arith.subi %get3A_420, %sub3A_422 : vector<16xi32>
    %jit3A_424 = arith.constant 0 : i32
    %jit3A_425 = arith.constant 495 : i32
    %max3A_426 = vector.broadcast %jit3A_424 : i32 to vector<16xi32>
    %max3A_427 = arith.maxsi %max3A_426, %sub3A_423 : vector<16xi32>
    %min3A_428 = vector.broadcast %jit3A_425 : i32 to vector<16xi32>
    %min3A_429 = arith.minsi %min3A_428, %max3A_427 : vector<16xi32>
    %ge3A_430 = arith.constant 504 : i32
    %ge3A_431 = vector.broadcast %ge3A_430 : i32 to vector<16xi32>
    %ge3A_432 = arith.cmpi sge, %get3A_420, %ge3A_431 : vector<16xi32>
    %lt3A_433 = arith.constant 760 : i32
    %lt3A_434 = vector.broadcast %lt3A_433 : i32 to vector<16xi32>
    %lt3A_435 = arith.cmpi slt, %get3A_420, %lt3A_434 : vector<16xi32>
    %and3A_436 = arith.andi %ge3A_432, %lt3A_435 : vector<16xi1>
    %add3A_437 = arith.constant 32 : i32
    %add3A_438 = vector.broadcast %add3A_437 : i32 to vector<16xi32>
    %add3A_439 = arith.addi %add3A_438, %iota3A : vector<16xi32>
    tpu.vector_store_idx %arg6[%min3A_429, %add3A_439], %broadcast_in_dim3A_6 masked %and3A_436 : memref<496x128xf32, #tpu.memory_space<vmem>>[vector<16xi32>, vector<16xi32>], vector<16xf32>, vector<16xi1>
    %get3A_440 = arith.constant 48 : index
    %get3A_441 = tpu.vector_load %arg4[%get3A_440] {strides = array<i32>} : memref<512xi32, #tpu.memory_space<vmem>>, vector<16xi32>,
    %sub3A_442 = arith.constant 504 : i32
    %sub3A_443 = vector.broadcast %sub3A_442 : i32 to vector<16xi32>
    %sub3A_444 = arith.subi %get3A_441, %sub3A_443 : vector<16xi32>
    %jit3A_445 = arith.constant 0 : i32
    %jit3A_446 = arith.constant 495 : i32
    %max3A_447 = vector.broadcast %jit3A_445 : i32 to vector<16xi32>
    %max3A_448 = arith.maxsi %max3A_447, %sub3A_444 : vector<16xi32>
    %min3A_449 = vector.broadcast %jit3A_446 : i32 to vector<16xi32>
    %min3A_450 = arith.minsi %min3A_449, %max3A_448 : vector<16xi32>
    %ge3A_451 = arith.constant 504 : i32
    %ge3A_452 = vector.broadcast %ge3A_451 : i32 to vector<16xi32>
    %ge3A_453 = arith.cmpi sge, %get3A_441, %ge3A_452 : vector<16xi32>
    %lt3A_454 = arith.constant 760 : i32
    %lt3A_455 = vector.broadcast %lt3A_454 : i32 to vector<16xi32>
    %lt3A_456 = arith.cmpi slt, %get3A_441, %lt3A_455 : vector<16xi32>
    %and3A_457 = arith.andi %ge3A_453, %lt3A_456 : vector<16xi1>
    %add3A_458 = arith.constant 48 : i32
    %add3A_459 = vector.broadcast %add3A_458 : i32 to vector<16xi32>
    %add3A_460 = arith.addi %add3A_459, %iota3A : vector<16xi32>
    tpu.vector_store_idx %arg6[%min3A_450, %add3A_460], %broadcast_in_dim3A_6 masked %and3A_457 : memref<496x128xf32, #tpu.memory_space<vmem>>[vector<16xi32>, vector<16xi32>], vector<16xf32>, vector<16xi1>
    %get3A_461 = arith.constant 64 : index
    %get3A_462 = tpu.vector_load %arg4[%get3A_461] {strides = array<i32>} : memref<512xi32, #tpu.memory_space<vmem>>, vector<16xi32>,
    %sub3A_463 = arith.constant 504 : i32
    %sub3A_464 = vector.broadcast %sub3A_463 : i32 to vector<16xi32>
    %sub3A_465 = arith.subi %get3A_462, %sub3A_464 : vector<16xi32>
    %jit3A_466 = arith.constant 0 : i32
    %jit3A_467 = arith.constant 495 : i32
    %max3A_468 = vector.broadcast %jit3A_466 : i32 to vector<16xi32>
    %max3A_469 = arith.maxsi %max3A_468, %sub3A_465 : vector<16xi32>
    %min3A_470 = vector.broadcast %jit3A_467 : i32 to vector<16xi32>
    %min3A_471 = arith.minsi %min3A_470, %max3A_469 : vector<16xi32>
    %ge3A_472 = arith.constant 504 : i32
    %ge3A_473 = vector.broadcast %ge3A_472 : i32 to vector<16xi32>
    %ge3A_474 = arith.cmpi sge, %get3A_462, %ge3A_473 : vector<16xi32>
    %lt3A_475 = arith.constant 760 : i32
    %lt3A_476 = vector.broadcast %lt3A_475 : i32 to vector<16xi32>
    %lt3A_477 = arith.cmpi slt, %get3A_462, %lt3A_476 : vector<16xi32>
    %and3A_478 = arith.andi %ge3A_474, %lt3A_477 : vector<16xi1>
    %add3A_479 = arith.constant 64 : i32
    %add3A_480 = vector.broadcast %add3A_479 : i32 to vector<16xi32>
    %add3A_481 = arith.addi %add3A_480, %iota3A : vector<16xi32>
    tpu.vector_store_idx %arg6[%min3A_471, %add3A_481], %broadcast_in_dim3A_6 masked %and3A_478 : memref<496x128xf32, #tpu.memory_space<vmem>>[vector<16xi32>, vector<16xi32>], vector<16xf32>, vector<16xi1>
    %get3A_482 = arith.constant 80 : index
    %get3A_483 = tpu.vector_load %arg4[%get3A_482] {strides = array<i32>} : memref<512xi32, #tpu.memory_space<vmem>>, vector<16xi32>,
    %sub3A_484 = arith.constant 504 : i32
    %sub3A_485 = vector.broadcast %sub3A_484 : i32 to vector<16xi32>
    %sub3A_486 = arith.subi %get3A_483, %sub3A_485 : vector<16xi32>
    %jit3A_487 = arith.constant 0 : i32
    %jit3A_488 = arith.constant 495 : i32
    %max3A_489 = vector.broadcast %jit3A_487 : i32 to vector<16xi32>
    %max3A_490 = arith.maxsi %max3A_489, %sub3A_486 : vector<16xi32>
    %min3A_491 = vector.broadcast %jit3A_488 : i32 to vector<16xi32>
    %min3A_492 = arith.minsi %min3A_491, %max3A_490 : vector<16xi32>
    %ge3A_493 = arith.constant 504 : i32
    %ge3A_494 = vector.broadcast %ge3A_493 : i32 to vector<16xi32>
    %ge3A_495 = arith.cmpi sge, %get3A_483, %ge3A_494 : vector<16xi32>
    %lt3A_496 = arith.constant 760 : i32
    %lt3A_497 = vector.broadcast %lt3A_496 : i32 to vector<16xi32>
    %lt3A_498 = arith.cmpi slt, %get3A_483, %lt3A_497 : vector<16xi32>
    %and3A_499 = arith.andi %ge3A_495, %lt3A_498 : vector<16xi1>
    %add3A_500 = arith.constant 80 : i32
    %add3A_501 = vector.broadcast %add3A_500 : i32 to vector<16xi32>
    %add3A_502 = arith.addi %add3A_501, %iota3A : vector<16xi32>
    tpu.vector_store_idx %arg6[%min3A_492, %add3A_502], %broadcast_in_dim3A_6 masked %and3A_499 : memref<496x128xf32, #tpu.memory_space<vmem>>[vector<16xi32>, vector<16xi32>], vector<16xf32>, vector<16xi1>
    %get3A_503 = arith.constant 96 : index
    %get3A_504 = tpu.vector_load %arg4[%get3A_503] {strides = array<i32>} : memref<512xi32, #tpu.memory_space<vmem>>, vector<16xi32>,
    %sub3A_505 = arith.constant 504 : i32
    %sub3A_506 = vector.broadcast %sub3A_505 : i32 to vector<16xi32>
    %sub3A_507 = arith.subi %get3A_504, %sub3A_506 : vector<16xi32>
    %jit3A_508 = arith.constant 0 : i32
    %jit3A_509 = arith.constant 495 : i32
    %max3A_510 = vector.broadcast %jit3A_508 : i32 to vector<16xi32>
    %max3A_511 = arith.maxsi %max3A_510, %sub3A_507 : vector<16xi32>
    %min3A_512 = vector.broadcast %jit3A_509 : i32 to vector<16xi32>
    %min3A_513 = arith.minsi %min3A_512, %max3A_511 : vector<16xi32>
    %ge3A_514 = arith.constant 504 : i32
    %ge3A_515 = vector.broadcast %ge3A_514 : i32 to vector<16xi32>
    %ge3A_516 = arith.cmpi sge, %get3A_504, %ge3A_515 : vector<16xi32>
    %lt3A_517 = arith.constant 760 : i32
    %lt3A_518 = vector.broadcast %lt3A_517 : i32 to vector<16xi32>
    %lt3A_519 = arith.cmpi slt, %get3A_504, %lt3A_518 : vector<16xi32>
    %and3A_520 = arith.andi %ge3A_516, %lt3A_519 : vector<16xi1>
    %add3A_521 = arith.constant 96 : i32
    %add3A_522 = vector.broadcast %add3A_521 : i32 to vector<16xi32>
    %add3A_523 = arith.addi %add3A_522, %iota3A : vector<16xi32>
    tpu.vector_store_idx %arg6[%min3A_513, %add3A_523], %broadcast_in_dim3A_6 masked %and3A_520 : memref<496x128xf32, #tpu.memory_space<vmem>>[vector<16xi32>, vector<16xi32>], vector<16xf32>, vector<16xi1>
    %get3A_524 = arith.constant 112 : index
    %get3A_525 = tpu.vector_load %arg4[%get3A_524] {strides = array<i32>} : memref<512xi32, #tpu.memory_space<vmem>>, vector<16xi32>,
    %sub3A_526 = arith.constant 504 : i32
    %sub3A_527 = vector.broadcast %sub3A_526 : i32 to vector<16xi32>
    %sub3A_528 = arith.subi %get3A_525, %sub3A_527 : vector<16xi32>
    %jit3A_529 = arith.constant 0 : i32
    %jit3A_530 = arith.constant 495 : i32
    %max3A_531 = vector.broadcast %jit3A_529 : i32 to vector<16xi32>
    %max3A_532 = arith.maxsi %max3A_531, %sub3A_528 : vector<16xi32>
    %min3A_533 = vector.broadcast %jit3A_530 : i32 to vector<16xi32>
    %min3A_534 = arith.minsi %min3A_533, %max3A_532 : vector<16xi32>
    %ge3A_535 = arith.constant 504 : i32
    %ge3A_536 = vector.broadcast %ge3A_535 : i32 to vector<16xi32>
    %ge3A_537 = arith.cmpi sge, %get3A_525, %ge3A_536 : vector<16xi32>
    %lt3A_538 = arith.constant 760 : i32
    %lt3A_539 = vector.broadcast %lt3A_538 : i32 to vector<16xi32>
    %lt3A_540 = arith.cmpi slt, %get3A_525, %lt3A_539 : vector<16xi32>
    %and3A_541 = arith.andi %ge3A_537, %lt3A_540 : vector<16xi1>
    %add3A_542 = arith.constant 112 : i32
    %add3A_543 = vector.broadcast %add3A_542 : i32 to vector<16xi32>
    %add3A_544 = arith.addi %add3A_543, %iota3A : vector<16xi32>
    tpu.vector_store_idx %arg6[%min3A_534, %add3A_544], %broadcast_in_dim3A_6 masked %and3A_541 : memref<496x128xf32, #tpu.memory_space<vmem>>[vector<16xi32>, vector<16xi32>], vector<16xf32>, vector<16xi1>
    %add3A_545 = arith.constant 0 : i32
    %add3A_546 = arith.addi %mul3A_2, %add3A_545 : i32
    %dma_start3A_547 = arith.constant 0 : i32
    %dma_start3A_548 = arith.constant 0 : i32
    %dma_start3A_549 = tpu.memref_slice %arg6[%dma_start3A_547, %dma_start3A_548] : memref<496x128xf32, #tpu.memory_space<vmem>> -> memref<256x128xf32, #tpu.memory_space<vmem>>
    %dma_start3A_550 = arith.constant 504 : i32
    %dma_start3A_551 = tpu.memref_slice %arg3[%dma_start3A_550, %add3A_546] : memref<1000x16384xf32, #tpu.memory_space<hbm>> -> memref<256x128xf32, #tpu.memory_space<hbm>>
    %dma_start3A_552 = arith.constant 504 : i32
    %dma_start3A_553 = tpu.memref_slice %arg3[%dma_start3A_552, %add3A_546] : memref<1000x16384xf32, #tpu.memory_space<hbm>> -> memref<256x128xf32, #tpu.memory_space<hbm>>
    %dma_start3A_554 = arith.constant 0 : i32
    %dma_start3A_555 = arith.constant 0 : i32
    %dma_start3A_556 = tpu.memref_slice %arg6[%dma_start3A_554, %dma_start3A_555] : memref<496x128xf32, #tpu.memory_space<vmem>> -> memref<256x128xf32, #tpu.memory_space<vmem>>
    tpu.enqueue_dma source(%dma_start3A_556 : memref<256x128xf32, #tpu.memory_space<vmem>>) target(%dma_start3A_553 : memref<256x128xf32, #tpu.memory_space<hbm>>) target_semaphore(%arg8 : memref<!tpu.dma_semaphore, #tpu.memory_space<semaphore_mem>>)
    %scan3A_557 = arith.constant 0 : i32
    %scan3A_558 = arith.constant 256 : i32
    %scan3A_559 = arith.constant 240 : i32
    %scan3A_560 = arith.addi %scan3A_558, %scan3A_559 : i32
    %scan3A_561 = arith.constant 1 : i32
    scf.for %scan3A_2931 = %scan3A_558 to %scan3A_560 step %scan3A_561  : i32 {
      %swap3A = arith.index_cast %scan3A_2931 : i32 to index
      %swap3A_2932 = arith.constant 0 : index
      %swap3A_2933 = tpu.vector_load %arg6[%swap3A, %swap3A_2932] {strides = array<i32>} : memref<496x128xf32, #tpu.memory_space<vmem>>, vector<16xf32>,
      tpu.vector_store %arg6[%swap3A, %swap3A_2932], %broadcast_in_dim3A_4 {strides = array<i32>} : memref<496x128xf32, #tpu.memory_space<vmem>>, vector<16xf32>,
      %swap3A_2934 = arith.index_cast %scan3A_2931 : i32 to index
      %swap3A_2935 = arith.constant 16 : index
      %swap3A_2936 = tpu.vector_load %arg6[%swap3A_2934, %swap3A_2935] {strides = array<i32>} : memref<496x128xf32, #tpu.memory_space<vmem>>, vector<16xf32>,
      tpu.vector_store %arg6[%swap3A_2934, %swap3A_2935], %broadcast_in_dim3A_4 {strides = array<i32>} : memref<496x128xf32, #tpu.memory_space<vmem>>, vector<16xf32>,
      %swap3A_2937 = arith.index_cast %scan3A_2931 : i32 to index
      %swap3A_2938 = arith.constant 32 : index
      %swap3A_2939 = tpu.vector_load %arg6[%swap3A_2937, %swap3A_2938] {strides = array<i32>} : memref<496x128xf32, #tpu.memory_space<vmem>>, vector<16xf32>,
      tpu.vector_store %arg6[%swap3A_2937, %swap3A_2938], %broadcast_in_dim3A_4 {strides = array<i32>} : memref<496x128xf32, #tpu.memory_space<vmem>>, vector<16xf32>,
      %swap3A_2940 = arith.index_cast %scan3A_2931 : i32 to index
      %swap3A_2941 = arith.constant 48 : index
      %swap3A_2942 = tpu.vector_load %arg6[%swap3A_2940, %swap3A_2941] {strides = array<i32>} : memref<496x128xf32, #tpu.memory_space<vmem>>, vector<16xf32>,
      tpu.vector_store %arg6[%swap3A_2940, %swap3A_2941], %broadcast_in_dim3A_4 {strides = array<i32>} : memref<496x128xf32, #tpu.memory_space<vmem>>, vector<16xf32>,
      %swap3A_2943 = arith.index_cast %scan3A_2931 : i32 to index
      %swap3A_2944 = arith.constant 64 : index
      %swap3A_2945 = tpu.vector_load %arg6[%swap3A_2943, %swap3A_2944] {strides = array<i32>} : memref<496x128xf32, #tpu.memory_space<vmem>>, vector<16xf32>,
      tpu.vector_store %arg6[%swap3A_2943, %swap3A_2944], %broadcast_in_dim3A_4 {strides = array<i32>} : memref<496x128xf32, #tpu.memory_space<vmem>>, vector<16xf32>,
      %swap3A_2946 = arith.index_cast %scan3A_2931 : i32 to index
      %swap3A_2947 = arith.constant 80 : index
      %swap3A_2948 = tpu.vector_load %arg6[%swap3A_2946, %swap3A_2947] {strides = array<i32>} : memref<496x128xf32, #tpu.memory_space<vmem>>, vector<16xf32>,
      tpu.vector_store %arg6[%swap3A_2946, %swap3A_2947], %broadcast_in_dim3A_4 {strides = array<i32>} : memref<496x128xf32, #tpu.memory_space<vmem>>, vector<16xf32>,
      %swap3A_2949 = arith.index_cast %scan3A_2931 : i32 to index
      %swap3A_2950 = arith.constant 96 : index
      %swap3A_2951 = tpu.vector_load %arg6[%swap3A_2949, %swap3A_2950] {strides = array<i32>} : memref<496x128xf32, #tpu.memory_space<vmem>>, vector<16xf32>,
      tpu.vector_store %arg6[%swap3A_2949, %swap3A_2950], %broadcast_in_dim3A_4 {strides = array<i32>} : memref<496x128xf32, #tpu.memory_space<vmem>>, vector<16xf32>,
      %swap3A_2952 = arith.index_cast %scan3A_2931 : i32 to index
      %swap3A_2953 = arith.constant 112 : index
      %swap3A_2954 = tpu.vector_load %arg6[%swap3A_2952, %swap3A_2953] {strides = array<i32>} : memref<496x128xf32, #tpu.memory_space<vmem>>, vector<16xf32>,
      tpu.vector_store %arg6[%swap3A_2952, %swap3A_2953], %broadcast_in_dim3A_4 {strides = array<i32>} : memref<496x128xf32, #tpu.memory_space<vmem>>, vector<16xf32>,
    }
    %scan3A_562 = arith.constant 240 : i32
    %get3A_563 = arith.constant 0 : index
    %get3A_564 = tpu.vector_load %arg4[%get3A_563] {strides = array<i32>} : memref<512xi32, #tpu.memory_space<vmem>>, vector<16xi32>,
    %sub3A_565 = arith.constant 504 : i32
    %sub3A_566 = vector.broadcast %sub3A_565 : i32 to vector<16xi32>
    %sub3A_567 = arith.subi %get3A_564, %sub3A_566 : vector<16xi32>
    %jit3A_568 = arith.constant 0 : i32
    %jit3A_569 = arith.constant 495 : i32
    %max3A_570 = vector.broadcast %jit3A_568 : i32 to vector<16xi32>
    %max3A_571 = arith.maxsi %max3A_570, %sub3A_567 : vector<16xi32>
    %min3A_572 = vector.broadcast %jit3A_569 : i32 to vector<16xi32>
    %min3A_573 = arith.minsi %min3A_572, %max3A_571 : vector<16xi32>
    %ge3A_574 = arith.constant 760 : i32
    %ge3A_575 = vector.broadcast %ge3A_574 : i32 to vector<16xi32>
    %ge3A_576 = arith.cmpi sge, %get3A_564, %ge3A_575 : vector<16xi32>
    %lt3A_577 = arith.constant 1000 : i32
    %lt3A_578 = vector.broadcast %lt3A_577 : i32 to vector<16xi32>
    %lt3A_579 = arith.cmpi slt, %get3A_564, %lt3A_578 : vector<16xi32>
    %and3A_580 = arith.andi %ge3A_576, %lt3A_579 : vector<16xi1>
    %add3A_581 = arith.constant 0 : i32
    %add3A_582 = vector.broadcast %add3A_581 : i32 to vector<16xi32>
    %add3A_583 = arith.addi %add3A_582, %iota3A : vector<16xi32>
    tpu.vector_store_idx %arg6[%min3A_573, %add3A_583], %broadcast_in_dim3A_6 masked %and3A_580 : memref<496x128xf32, #tpu.memory_space<vmem>>[vector<16xi32>, vector<16xi32>], vector<16xf32>, vector<16xi1>
    %get3A_584 = arith.constant 16 : index
    %get3A_585 = tpu.vector_load %arg4[%get3A_584] {strides = array<i32>} : memref<512xi32, #tpu.memory_space<vmem>>, vector<16xi32>,
    %sub3A_586 = arith.constant 504 : i32
    %sub3A_587 = vector.broadcast %sub3A_586 : i32 to vector<16xi32>
    %sub3A_588 = arith.subi %get3A_585, %sub3A_587 : vector<16xi32>
    %jit3A_589 = arith.constant 0 : i32
    %jit3A_590 = arith.constant 495 : i32
    %max3A_591 = vector.broadcast %jit3A_589 : i32 to vector<16xi32>
    %max3A_592 = arith.maxsi %max3A_591, %sub3A_588 : vector<16xi32>
    %min3A_593 = vector.broadcast %jit3A_590 : i32 to vector<16xi32>
    %min3A_594 = arith.minsi %min3A_593, %max3A_592 : vector<16xi32>
    %ge3A_595 = arith.constant 760 : i32
    %ge3A_596 = vector.broadcast %ge3A_595 : i32 to vector<16xi32>
    %ge3A_597 = arith.cmpi sge, %get3A_585, %ge3A_596 : vector<16xi32>
    %lt3A_598 = arith.constant 1000 : i32
    %lt3A_599 = vector.broadcast %lt3A_598 : i32 to vector<16xi32>
    %lt3A_600 = arith.cmpi slt, %get3A_585, %lt3A_599 : vector<16xi32>
    %and3A_601 = arith.andi %ge3A_597, %lt3A_600 : vector<16xi1>
    %add3A_602 = arith.constant 16 : i32
    %add3A_603 = vector.broadcast %add3A_602 : i32 to vector<16xi32>
    %add3A_604 = arith.addi %add3A_603, %iota3A : vector<16xi32>
    tpu.vector_store_idx %arg6[%min3A_594, %add3A_604], %broadcast_in_dim3A_6 masked %and3A_601 : memref<496x128xf32, #tpu.memory_space<vmem>>[vector<16xi32>, vector<16xi32>], vector<16xf32>, vector<16xi1>
    %get3A_605 = arith.constant 32 : index
    %get3A_606 = tpu.vector_load %arg4[%get3A_605] {strides = array<i32>} : memref<512xi32, #tpu.memory_space<vmem>>, vector<16xi32>,
    %sub3A_607 = arith.constant 504 : i32
    %sub3A_608 = vector.broadcast %sub3A_607 : i32 to vector<16xi32>
    %sub3A_609 = arith.subi %get3A_606, %sub3A_608 : vector<16xi32>
    %jit3A_610 = arith.constant 0 : i32
    %jit3A_611 = arith.constant 495 : i32
    %max3A_612 = vector.broadcast %jit3A_610 : i32 to vector<16xi32>
    %max3A_613 = arith.maxsi %max3A_612, %sub3A_609 : vector<16xi32>
    %min3A_614 = vector.broadcast %jit3A_611 : i32 to vector<16xi32>
    %min3A_615 = arith.minsi %min3A_614, %max3A_613 : vector<16xi32>
    %ge3A_616 = arith.constant 760 : i32
    %ge3A_617 = vector.broadcast %ge3A_616 : i32 to vector<16xi32>
    %ge3A_618 = arith.cmpi sge, %get3A_606, %ge3A_617 : vector<16xi32>
    %lt3A_619 = arith.constant 1000 : i32
    %lt3A_620 = vector.broadcast %lt3A_619 : i32 to vector<16xi32>
    %lt3A_621 = arith.cmpi slt, %get3A_606, %lt3A_620 : vector<16xi32>
    %and3A_622 = arith.andi %ge3A_618, %lt3A_621 : vector<16xi1>
    %add3A_623 = arith.constant 32 : i32
    %add3A_624 = vector.broadcast %add3A_623 : i32 to vector<16xi32>
    %add3A_625 = arith.addi %add3A_624, %iota3A : vector<16xi32>
    tpu.vector_store_idx %arg6[%min3A_615, %add3A_625], %broadcast_in_dim3A_6 masked %and3A_622 : memref<496x128xf32, #tpu.memory_space<vmem>>[vector<16xi32>, vector<16xi32>], vector<16xf32>, vector<16xi1>
    %get3A_626 = arith.constant 48 : index
    %get3A_627 = tpu.vector_load %arg4[%get3A_626] {strides = array<i32>} : memref<512xi32, #tpu.memory_space<vmem>>, vector<16xi32>,
    %sub3A_628 = arith.constant 504 : i32
    %sub3A_629 = vector.broadcast %sub3A_628 : i32 to vector<16xi32>
    %sub3A_630 = arith.subi %get3A_627, %sub3A_629 : vector<16xi32>
    %jit3A_631 = arith.constant 0 : i32
    %jit3A_632 = arith.constant 495 : i32
    %max3A_633 = vector.broadcast %jit3A_631 : i32 to vector<16xi32>
    %max3A_634 = arith.maxsi %max3A_633, %sub3A_630 : vector<16xi32>
    %min3A_635 = vector.broadcast %jit3A_632 : i32 to vector<16xi32>
    %min3A_636 = arith.minsi %min3A_635, %max3A_634 : vector<16xi32>
    %ge3A_637 = arith.constant 760 : i32
    %ge3A_638 = vector.broadcast %ge3A_637 : i32 to vector<16xi32>
    %ge3A_639 = arith.cmpi sge, %get3A_627, %ge3A_638 : vector<16xi32>
    %lt3A_640 = arith.constant 1000 : i32
    %lt3A_641 = vector.broadcast %lt3A_640 : i32 to vector<16xi32>
    %lt3A_642 = arith.cmpi slt, %get3A_627, %lt3A_641 : vector<16xi32>
    %and3A_643 = arith.andi %ge3A_639, %lt3A_642 : vector<16xi1>
    %add3A_644 = arith.constant 48 : i32
    %add3A_645 = vector.broadcast %add3A_644 : i32 to vector<16xi32>
    %add3A_646 = arith.addi %add3A_645, %iota3A : vector<16xi32>
    tpu.vector_store_idx %arg6[%min3A_636, %add3A_646], %broadcast_in_dim3A_6 masked %and3A_643 : memref<496x128xf32, #tpu.memory_space<vmem>>[vector<16xi32>, vector<16xi32>], vector<16xf32>, vector<16xi1>
    %get3A_647 = arith.constant 64 : index
    %get3A_648 = tpu.vector_load %arg4[%get3A_647] {strides = array<i32>} : memref<512xi32, #tpu.memory_space<vmem>>, vector<16xi32>,
    %sub3A_649 = arith.constant 504 : i32
    %sub3A_650 = vector.broadcast %sub3A_649 : i32 to vector<16xi32>
    %sub3A_651 = arith.subi %get3A_648, %sub3A_650 : vector<16xi32>
    %jit3A_652 = arith.constant 0 : i32
    %jit3A_653 = arith.constant 495 : i32
    %max3A_654 = vector.broadcast %jit3A_652 : i32 to vector<16xi32>
    %max3A_655 = arith.maxsi %max3A_654, %sub3A_651 : vector<16xi32>
    %min3A_656 = vector.broadcast %jit3A_653 : i32 to vector<16xi32>
    %min3A_657 = arith.minsi %min3A_656, %max3A_655 : vector<16xi32>
    %ge3A_658 = arith.constant 760 : i32
    %ge3A_659 = vector.broadcast %ge3A_658 : i32 to vector<16xi32>
    %ge3A_660 = arith.cmpi sge, %get3A_648, %ge3A_659 : vector<16xi32>
    %lt3A_661 = arith.constant 1000 : i32
    %lt3A_662 = vector.broadcast %lt3A_661 : i32 to vector<16xi32>
    %lt3A_663 = arith.cmpi slt, %get3A_648, %lt3A_662 : vector<16xi32>
    %and3A_664 = arith.andi %ge3A_660, %lt3A_663 : vector<16xi1>
    %add3A_665 = arith.constant 64 : i32
    %add3A_666 = vector.broadcast %add3A_665 : i32 to vector<16xi32>
    %add3A_667 = arith.addi %add3A_666, %iota3A : vector<16xi32>
    tpu.vector_store_idx %arg6[%min3A_657, %add3A_667], %broadcast_in_dim3A_6 masked %and3A_664 : memref<496x128xf32, #tpu.memory_space<vmem>>[vector<16xi32>, vector<16xi32>], vector<16xf32>, vector<16xi1>
    %get3A_668 = arith.constant 80 : index
    %get3A_669 = tpu.vector_load %arg4[%get3A_668] {strides = array<i32>} : memref<512xi32, #tpu.memory_space<vmem>>, vector<16xi32>,
    %sub3A_670 = arith.constant 504 : i32
    %sub3A_671 = vector.broadcast %sub3A_670 : i32 to vector<16xi32>
    %sub3A_672 = arith.subi %get3A_669, %sub3A_671 : vector<16xi32>
    %jit3A_673 = arith.constant 0 : i32
    %jit3A_674 = arith.constant 495 : i32
    %max3A_675 = vector.broadcast %jit3A_673 : i32 to vector<16xi32>
    %max3A_676 = arith.maxsi %max3A_675, %sub3A_672 : vector<16xi32>
    %min3A_677 = vector.broadcast %jit3A_674 : i32 to vector<16xi32>
    %min3A_678 = arith.minsi %min3A_677, %max3A_676 : vector<16xi32>
    %ge3A_679 = arith.constant 760 : i32
    %ge3A_680 = vector.broadcast %ge3A_679 : i32 to vector<16xi32>
    %ge3A_681 = arith.cmpi sge, %get3A_669, %ge3A_680 : vector<16xi32>
    %lt3A_682 = arith.constant 1000 : i32
    %lt3A_683 = vector.broadcast %lt3A_682 : i32 to vector<16xi32>
    %lt3A_684 = arith.cmpi slt, %get3A_669, %lt3A_683 : vector<16xi32>
    %and3A_685 = arith.andi %ge3A_681, %lt3A_684 : vector<16xi1>
    %add3A_686 = arith.constant 80 : i32
    %add3A_687 = vector.broadcast %add3A_686 : i32 to vector<16xi32>
    %add3A_688 = arith.addi %add3A_687, %iota3A : vector<16xi32>
    tpu.vector_store_idx %arg6[%min3A_678, %add3A_688], %broadcast_in_dim3A_6 masked %and3A_685 : memref<496x128xf32, #tpu.memory_space<vmem>>[vector<16xi32>, vector<16xi32>], vector<16xf32>, vector<16xi1>
    %get3A_689 = arith.constant 96 : index
    %get3A_690 = tpu.vector_load %arg4[%get3A_689] {strides = array<i32>} : memref<512xi32, #tpu.memory_space<vmem>>, vector<16xi32>,
    %sub3A_691 = arith.constant 504 : i32
    %sub3A_692 = vector.broadcast %sub3A_691 : i32 to vector<16xi32>
    %sub3A_693 = arith.subi %get3A_690, %sub3A_692 : vector<16xi32>
    %jit3A_694 = arith.constant 0 : i32
    %jit3A_695 = arith.constant 495 : i32
    %max3A_696 = vector.broadcast %jit3A_694 : i32 to vector<16xi32>
    %max3A_697 = arith.maxsi %max3A_696, %sub3A_693 : vector<16xi32>
    %min3A_698 = vector.broadcast %jit3A_695 : i32 to vector<16xi32>
    %min3A_699 = arith.minsi %min3A_698, %max3A_697 : vector<16xi32>
    %ge3A_700 = arith.constant 760 : i32
    %ge3A_701 = vector.broadcast %ge3A_700 : i32 to vector<16xi32>
    %ge3A_702 = arith.cmpi sge, %get3A_690, %ge3A_701 : vector<16xi32>
    %lt3A_703 = arith.constant 1000 : i32
    %lt3A_704 = vector.broadcast %lt3A_703 : i32 to vector<16xi32>
    %lt3A_705 = arith.cmpi slt, %get3A_690, %lt3A_704 : vector<16xi32>
    %and3A_706 = arith.andi %ge3A_702, %lt3A_705 : vector<16xi1>
    %add3A_707 = arith.constant 96 : i32
    %add3A_708 = vector.broadcast %add3A_707 : i32 to vector<16xi32>
    %add3A_709 = arith.addi %add3A_708, %iota3A : vector<16xi32>
    tpu.vector_store_idx %arg6[%min3A_699, %add3A_709], %broadcast_in_dim3A_6 masked %and3A_706 : memref<496x128xf32, #tpu.memory_space<vmem>>[vector<16xi32>, vector<16xi32>], vector<16xf32>, vector<16xi1>
    %get3A_710 = arith.constant 112 : index
    %get3A_711 = tpu.vector_load %arg4[%get3A_710] {strides = array<i32>} : memref<512xi32, #tpu.memory_space<vmem>>, vector<16xi32>,
    %sub3A_712 = arith.constant 504 : i32
    %sub3A_713 = vector.broadcast %sub3A_712 : i32 to vector<16xi32>
    %sub3A_714 = arith.subi %get3A_711, %sub3A_713 : vector<16xi32>
    %jit3A_715 = arith.constant 0 : i32
    %jit3A_716 = arith.constant 495 : i32
    %max3A_717 = vector.broadcast %jit3A_715 : i32 to vector<16xi32>
    %max3A_718 = arith.maxsi %max3A_717, %sub3A_714 : vector<16xi32>
    %min3A_719 = vector.broadcast %jit3A_716 : i32 to vector<16xi32>
    %min3A_720 = arith.minsi %min3A_719, %max3A_718 : vector<16xi32>
    %ge3A_721 = arith.constant 760 : i32
    %ge3A_722 = vector.broadcast %ge3A_721 : i32 to vector<16xi32>
    %ge3A_723 = arith.cmpi sge, %get3A_711, %ge3A_722 : vector<16xi32>
    %lt3A_724 = arith.constant 1000 : i32
    %lt3A_725 = vector.broadcast %lt3A_724 : i32 to vector<16xi32>
    %lt3A_726 = arith.cmpi slt, %get3A_711, %lt3A_725 : vector<16xi32>
    %and3A_727 = arith.andi %ge3A_723, %lt3A_726 : vector<16xi1>
    %add3A_728 = arith.constant 112 : i32
    %add3A_729 = vector.broadcast %add3A_728 : i32 to vector<16xi32>
    %add3A_730 = arith.addi %add3A_729, %iota3A : vector<16xi32>
    tpu.vector_store_idx %arg6[%min3A_720, %add3A_730], %broadcast_in_dim3A_6 masked %and3A_727 : memref<496x128xf32, #tpu.memory_space<vmem>>[vector<16xi32>, vector<16xi32>], vector<16xf32>, vector<16xi1>
    %add3A_731 = arith.constant 0 : i32
    %add3A_732 = arith.addi %mul3A_2, %add3A_731 : i32
    %dma_start3A_733 = arith.constant 256 : i32
    %dma_start3A_734 = arith.constant 0 : i32
    %dma_start3A_735 = tpu.memref_slice %arg6[%dma_start3A_733, %dma_start3A_734] : memref<496x128xf32, #tpu.memory_space<vmem>> -> memref<240x128xf32, #tpu.memory_space<vmem>>
    %dma_start3A_736 = arith.constant 760 : i32
    %dma_start3A_737 = tpu.memref_slice %arg3[%dma_start3A_736, %add3A_732] : memref<1000x16384xf32, #tpu.memory_space<hbm>> -> memref<240x128xf32, #tpu.memory_space<hbm>>
    %dma_start3A_738 = arith.constant 760 : i32
    %dma_start3A_739 = tpu.memref_slice %arg3[%dma_start3A_738, %add3A_732] : memref<1000x16384xf32, #tpu.memory_space<hbm>> -> memref<240x128xf32, #tpu.memory_space<hbm>>
    %dma_start3A_740 = arith.constant 256 : i32
    %dma_start3A_741 = arith.constant 0 : i32
    %dma_start3A_742 = tpu.memref_slice %arg6[%dma_start3A_740, %dma_start3A_741] : memref<496x128xf32, #tpu.memory_space<vmem>> -> memref<240x128xf32, #tpu.memory_space<vmem>>
    tpu.enqueue_dma source(%dma_start3A_742 : memref<240x128xf32, #tpu.memory_space<vmem>>) target(%dma_start3A_739 : memref<240x128xf32, #tpu.memory_space<hbm>>) target_semaphore(%arg8 : memref<!tpu.dma_semaphore, #tpu.memory_space<semaphore_mem>>)
    %dma_wait3A_743 = arith.constant 0 : i32
    %dma_wait3A_744 = arith.constant 0 : i32
    %dma_wait3A_745 = tpu.memref_slice %arg5[%dma_wait3A_743, %dma_wait3A_744] : memref<504x128xf32, #tpu.memory_space<vmem>> -> memref<256x128xf32, #tpu.memory_space<vmem>>
    %dma_wait3A_746 = arith.constant 0 : i32
    %dma_wait3A_747 = tpu.memref_slice %arg3[%dma_wait3A_746, %add3A_174] : memref<1000x16384xf32, #tpu.memory_space<hbm>> -> memref<256x128xf32, #tpu.memory_space<hbm>>
    %dma_wait3A_748 = arith.constant 0 : i32
    %dma_wait3A_749 = tpu.memref_slice %arg3[%dma_wait3A_748, %add3A_174] : memref<1000x16384xf32, #tpu.memory_space<hbm>> -> memref<256x128xf32, #tpu.memory_space<hbm>>
    %dma_wait3A_750 = arith.constant 0 : i32
    %dma_wait3A_751 = arith.constant 0 : i32
    %dma_wait3A_752 = tpu.memref_slice %arg5[%dma_wait3A_750, %dma_wait3A_751] : memref<504x128xf32, #tpu.memory_space<vmem>> -> memref<256x128xf32, #tpu.memory_space<vmem>>
    tpu.wait_dma2 semaphore(%arg7 : memref<!tpu.dma_semaphore, #tpu.memory_space<semaphore_mem>>) src(%dma_wait3A_752 : memref<256x128xf32, #tpu.memory_space<vmem>>) dst(%dma_wait3A_749 : memref<256x128xf32, #tpu.memory_space<hbm>>)
    %dma_wait3A_753 = arith.constant 256 : i32
    %dma_wait3A_754 = arith.constant 0 : i32
    %dma_wait3A_755 = tpu.memref_slice %arg5[%dma_wait3A_753, %dma_wait3A_754] : memref<504x128xf32, #tpu.memory_space<vmem>> -> memref<248x128xf32, #tpu.memory_space<vmem>>
    %dma_wait3A_756 = arith.constant 256 : i32
    %dma_wait3A_757 = tpu.memref_slice %arg3[%dma_wait3A_756, %add3A_360] : memref<1000x16384xf32, #tpu.memory_space<hbm>> -> memref<248x128xf32, #tpu.memory_space<hbm>>
    %dma_wait3A_758 = arith.constant 256 : i32
    %dma_wait3A_759 = tpu.memref_slice %arg3[%dma_wait3A_758, %add3A_360] : memref<1000x16384xf32, #tpu.memory_space<hbm>> -> memref<248x128xf32, #tpu.memory_space<hbm>>
    %dma_wait3A_760 = arith.constant 256 : i32
    %dma_wait3A_761 = arith.constant 0 : i32
    %dma_wait3A_762 = tpu.memref_slice %arg5[%dma_wait3A_760, %dma_wait3A_761] : memref<504x128xf32, #tpu.memory_space<vmem>> -> memref<248x128xf32, #tpu.memory_space<vmem>>
    tpu.wait_dma2 semaphore(%arg7 : memref<!tpu.dma_semaphore, #tpu.memory_space<semaphore_mem>>) src(%dma_wait3A_762 : memref<248x128xf32, #tpu.memory_space<vmem>>) dst(%dma_wait3A_759 : memref<248x128xf32, #tpu.memory_space<hbm>>)
    %get3A_763 = arith.constant 0 : index
    %get3A_764 = tpu.vector_load %arg4[%get3A_763] {strides = array<i32>} : memref<512xi32, #tpu.memory_space<vmem>>, vector<16xi32>,
    %sub3A_765 = arith.constant 0 : i32
    %sub3A_766 = vector.broadcast %sub3A_765 : i32 to vector<16xi32>
    %sub3A_767 = arith.subi %get3A_764, %sub3A_766 : vector<16xi32>
    %jit3A_768 = arith.constant 0 : i32
    %jit3A_769 = arith.constant 503 : i32
    %max3A_770 = vector.broadcast %jit3A_768 : i32 to vector<16xi32>
    %max3A_771 = arith.maxsi %max3A_770, %sub3A_767 : vector<16xi32>
    %min3A_772 = vector.broadcast %jit3A_769 : i32 to vector<16xi32>
    %min3A_773 = arith.minsi %min3A_772, %max3A_771 : vector<16xi32>
    %ge3A_774 = arith.constant 0 : i32
    %ge3A_775 = vector.broadcast %ge3A_774 : i32 to vector<16xi32>
    %ge3A_776 = arith.cmpi sge, %get3A_764, %ge3A_775 : vector<16xi32>
    %lt3A_777 = arith.constant 504 : i32
    %lt3A_778 = vector.broadcast %lt3A_777 : i32 to vector<16xi32>
    %lt3A_779 = arith.cmpi slt, %get3A_764, %lt3A_778 : vector<16xi32>
    %and3A_780 = arith.andi %ge3A_776, %lt3A_779 : vector<16xi1>
    %add3A_781 = arith.constant 0 : i32
    %add3A_782 = vector.broadcast %add3A_781 : i32 to vector<16xi32>
    %add3A_783 = arith.addi %add3A_782, %iota3A : vector<16xi32>
    tpu.vector_store_idx %arg5[%min3A_773, %add3A_783], %broadcast_in_dim3A_4 masked %and3A_780 : memref<504x128xf32, #tpu.memory_space<vmem>>[vector<16xi32>, vector<16xi32>], vector<16xf32>, vector<16xi1>
    %get3A_784 = arith.constant 16 : index
    %get3A_785 = tpu.vector_load %arg4[%get3A_784] {strides = array<i32>} : memref<512xi32, #tpu.memory_space<vmem>>, vector<16xi32>,
    %sub3A_786 = arith.constant 0 : i32
    %sub3A_787 = vector.broadcast %sub3A_786 : i32 to vector<16xi32>
    %sub3A_788 = arith.subi %get3A_785, %sub3A_787 : vector<16xi32>
    %jit3A_789 = arith.constant 0 : i32
    %jit3A_790 = arith.constant 503 : i32
    %max3A_791 = vector.broadcast %jit3A_789 : i32 to vector<16xi32>
    %max3A_792 = arith.maxsi %max3A_791, %sub3A_788 : vector<16xi32>
    %min3A_793 = vector.broadcast %jit3A_790 : i32 to vector<16xi32>
    %min3A_794 = arith.minsi %min3A_793, %max3A_792 : vector<16xi32>
    %ge3A_795 = arith.constant 0 : i32
    %ge3A_796 = vector.broadcast %ge3A_795 : i32 to vector<16xi32>
    %ge3A_797 = arith.cmpi sge, %get3A_785, %ge3A_796 : vector<16xi32>
    %lt3A_798 = arith.constant 504 : i32
    %lt3A_799 = vector.broadcast %lt3A_798 : i32 to vector<16xi32>
    %lt3A_800 = arith.cmpi slt, %get3A_785, %lt3A_799 : vector<16xi32>
    %and3A_801 = arith.andi %ge3A_797, %lt3A_800 : vector<16xi1>
    %add3A_802 = arith.constant 16 : i32
    %add3A_803 = vector.broadcast %add3A_802 : i32 to vector<16xi32>
    %add3A_804 = arith.addi %add3A_803, %iota3A : vector<16xi32>
    tpu.vector_store_idx %arg5[%min3A_794, %add3A_804], %broadcast_in_dim3A_4 masked %and3A_801 : memref<504x128xf32, #tpu.memory_space<vmem>>[vector<16xi32>, vector<16xi32>], vector<16xf32>, vector<16xi1>
    %get3A_805 = arith.constant 32 : index
    %get3A_806 = tpu.vector_load %arg4[%get3A_805] {strides = array<i32>} : memref<512xi32, #tpu.memory_space<vmem>>, vector<16xi32>,
    %sub3A_807 = arith.constant 0 : i32
    %sub3A_808 = vector.broadcast %sub3A_807 : i32 to vector<16xi32>
    %sub3A_809 = arith.subi %get3A_806, %sub3A_808 : vector<16xi32>
    %jit3A_810 = arith.constant 0 : i32
    %jit3A_811 = arith.constant 503 : i32
    %max3A_812 = vector.broadcast %jit3A_810 : i32 to vector<16xi32>
    %max3A_813 = arith.maxsi %max3A_812, %sub3A_809 : vector<16xi32>
    %min3A_814 = vector.broadcast %jit3A_811 : i32 to vector<16xi32>
    %min3A_815 = arith.minsi %min3A_814, %max3A_813 : vector<16xi32>
    %ge3A_816 = arith.constant 0 : i32
    %ge3A_817 = vector.broadcast %ge3A_816 : i32 to vector<16xi32>
    %ge3A_818 = arith.cmpi sge, %get3A_806, %ge3A_817 : vector<16xi32>
    %lt3A_819 = arith.constant 504 : i32
    %lt3A_820 = vector.broadcast %lt3A_819 : i32 to vector<16xi32>
    %lt3A_821 = arith.cmpi slt, %get3A_806, %lt3A_820 : vector<16xi32>
    %and3A_822 = arith.andi %ge3A_818, %lt3A_821 : vector<16xi1>
    %add3A_823 = arith.constant 32 : i32
    %add3A_824 = vector.broadcast %add3A_823 : i32 to vector<16xi32>
    %add3A_825 = arith.addi %add3A_824, %iota3A : vector<16xi32>
    tpu.vector_store_idx %arg5[%min3A_815, %add3A_825], %broadcast_in_dim3A_4 masked %and3A_822 : memref<504x128xf32, #tpu.memory_space<vmem>>[vector<16xi32>, vector<16xi32>], vector<16xf32>, vector<16xi1>
    %get3A_826 = arith.constant 48 : index
    %get3A_827 = tpu.vector_load %arg4[%get3A_826] {strides = array<i32>} : memref<512xi32, #tpu.memory_space<vmem>>, vector<16xi32>,
    %sub3A_828 = arith.constant 0 : i32
    %sub3A_829 = vector.broadcast %sub3A_828 : i32 to vector<16xi32>
    %sub3A_830 = arith.subi %get3A_827, %sub3A_829 : vector<16xi32>
    %jit3A_831 = arith.constant 0 : i32
    %jit3A_832 = arith.constant 503 : i32
    %max3A_833 = vector.broadcast %jit3A_831 : i32 to vector<16xi32>
    %max3A_834 = arith.maxsi %max3A_833, %sub3A_830 : vector<16xi32>
    %min3A_835 = vector.broadcast %jit3A_832 : i32 to vector<16xi32>
    %min3A_836 = arith.minsi %min3A_835, %max3A_834 : vector<16xi32>
    %ge3A_837 = arith.constant 0 : i32
    %ge3A_838 = vector.broadcast %ge3A_837 : i32 to vector<16xi32>
    %ge3A_839 = arith.cmpi sge, %get3A_827, %ge3A_838 : vector<16xi32>
    %lt3A_840 = arith.constant 504 : i32
    %lt3A_841 = vector.broadcast %lt3A_840 : i32 to vector<16xi32>
    %lt3A_842 = arith.cmpi slt, %get3A_827, %lt3A_841 : vector<16xi32>
    %and3A_843 = arith.andi %ge3A_839, %lt3A_842 : vector<16xi1>
    %add3A_844 = arith.constant 48 : i32
    %add3A_845 = vector.broadcast %add3A_844 : i32 to vector<16xi32>
    %add3A_846 = arith.addi %add3A_845, %iota3A : vector<16xi32>
    tpu.vector_store_idx %arg5[%min3A_836, %add3A_846], %broadcast_in_dim3A_4 masked %and3A_843 : memref<504x128xf32, #tpu.memory_space<vmem>>[vector<16xi32>, vector<16xi32>], vector<16xf32>, vector<16xi1>
    %get3A_847 = arith.constant 64 : index
    %get3A_848 = tpu.vector_load %arg4[%get3A_847] {strides = array<i32>} : memref<512xi32, #tpu.memory_space<vmem>>, vector<16xi32>,
    %sub3A_849 = arith.constant 0 : i32
    %sub3A_850 = vector.broadcast %sub3A_849 : i32 to vector<16xi32>
    %sub3A_851 = arith.subi %get3A_848, %sub3A_850 : vector<16xi32>
    %jit3A_852 = arith.constant 0 : i32
    %jit3A_853 = arith.constant 503 : i32
    %max3A_854 = vector.broadcast %jit3A_852 : i32 to vector<16xi32>
    %max3A_855 = arith.maxsi %max3A_854, %sub3A_851 : vector<16xi32>
    %min3A_856 = vector.broadcast %jit3A_853 : i32 to vector<16xi32>
    %min3A_857 = arith.minsi %min3A_856, %max3A_855 : vector<16xi32>
    %ge3A_858 = arith.constant 0 : i32
    %ge3A_859 = vector.broadcast %ge3A_858 : i32 to vector<16xi32>
    %ge3A_860 = arith.cmpi sge, %get3A_848, %ge3A_859 : vector<16xi32>
    %lt3A_861 = arith.constant 504 : i32
    %lt3A_862 = vector.broadcast %lt3A_861 : i32 to vector<16xi32>
    %lt3A_863 = arith.cmpi slt, %get3A_848, %lt3A_862 : vector<16xi32>
    %and3A_864 = arith.andi %ge3A_860, %lt3A_863 : vector<16xi1>
    %add3A_865 = arith.constant 64 : i32
    %add3A_866 = vector.broadcast %add3A_865 : i32 to vector<16xi32>
    %add3A_867 = arith.addi %add3A_866, %iota3A : vector<16xi32>
    tpu.vector_store_idx %arg5[%min3A_857, %add3A_867], %broadcast_in_dim3A_4 masked %and3A_864 : memref<504x128xf32, #tpu.memory_space<vmem>>[vector<16xi32>, vector<16xi32>], vector<16xf32>, vector<16xi1>
    %get3A_868 = arith.constant 80 : index
    %get3A_869 = tpu.vector_load %arg4[%get3A_868] {strides = array<i32>} : memref<512xi32, #tpu.memory_space<vmem>>, vector<16xi32>,
    %sub3A_870 = arith.constant 0 : i32
    %sub3A_871 = vector.broadcast %sub3A_870 : i32 to vector<16xi32>
    %sub3A_872 = arith.subi %get3A_869, %sub3A_871 : vector<16xi32>
    %jit3A_873 = arith.constant 0 : i32
    %jit3A_874 = arith.constant 503 : i32
    %max3A_875 = vector.broadcast %jit3A_873 : i32 to vector<16xi32>
    %max3A_876 = arith.maxsi %max3A_875, %sub3A_872 : vector<16xi32>
    %min3A_877 = vector.broadcast %jit3A_874 : i32 to vector<16xi32>
    %min3A_878 = arith.minsi %min3A_877, %max3A_876 : vector<16xi32>
    %ge3A_879 = arith.constant 0 : i32
    %ge3A_880 = vector.broadcast %ge3A_879 : i32 to vector<16xi32>
    %ge3A_881 = arith.cmpi sge, %get3A_869, %ge3A_880 : vector<16xi32>
    %lt3A_882 = arith.constant 504 : i32
    %lt3A_883 = vector.broadcast %lt3A_882 : i32 to vector<16xi32>
    %lt3A_884 = arith.cmpi slt, %get3A_869, %lt3A_883 : vector<16xi32>
    %and3A_885 = arith.andi %ge3A_881, %lt3A_884 : vector<16xi1>
    %add3A_886 = arith.constant 80 : i32
    %add3A_887 = vector.broadcast %add3A_886 : i32 to vector<16xi32>
    %add3A_888 = arith.addi %add3A_887, %iota3A : vector<16xi32>
    tpu.vector_store_idx %arg5[%min3A_878, %add3A_888], %broadcast_in_dim3A_4 masked %and3A_885 : memref<504x128xf32, #tpu.memory_space<vmem>>[vector<16xi32>, vector<16xi32>], vector<16xf32>, vector<16xi1>
    %get3A_889 = arith.constant 96 : index
    %get3A_890 = tpu.vector_load %arg4[%get3A_889] {strides = array<i32>} : memref<512xi32, #tpu.memory_space<vmem>>, vector<16xi32>,
    %sub3A_891 = arith.constant 0 : i32
    %sub3A_892 = vector.broadcast %sub3A_891 : i32 to vector<16xi32>
    %sub3A_893 = arith.subi %get3A_890, %sub3A_892 : vector<16xi32>
    %jit3A_894 = arith.constant 0 : i32
    %jit3A_895 = arith.constant 503 : i32
    %max3A_896 = vector.broadcast %jit3A_894 : i32 to vector<16xi32>
    %max3A_897 = arith.maxsi %max3A_896, %sub3A_893 : vector<16xi32>
    %min3A_898 = vector.broadcast %jit3A_895 : i32 to vector<16xi32>
    %min3A_899 = arith.minsi %min3A_898, %max3A_897 : vector<16xi32>
    %ge3A_900 = arith.constant 0 : i32
    %ge3A_901 = vector.broadcast %ge3A_900 : i32 to vector<16xi32>
    %ge3A_902 = arith.cmpi sge, %get3A_890, %ge3A_901 : vector<16xi32>
    %lt3A_903 = arith.constant 504 : i32
    %lt3A_904 = vector.broadcast %lt3A_903 : i32 to vector<16xi32>
    %lt3A_905 = arith.cmpi slt, %get3A_890, %lt3A_904 : vector<16xi32>
    %and3A_906 = arith.andi %ge3A_902, %lt3A_905 : vector<16xi1>
    %add3A_907 = arith.constant 96 : i32
    %add3A_908 = vector.broadcast %add3A_907 : i32 to vector<16xi32>
    %add3A_909 = arith.addi %add3A_908, %iota3A : vector<16xi32>
    tpu.vector_store_idx %arg5[%min3A_899, %add3A_909], %broadcast_in_dim3A_4 masked %and3A_906 : memref<504x128xf32, #tpu.memory_space<vmem>>[vector<16xi32>, vector<16xi32>], vector<16xf32>, vector<16xi1>
    %get3A_910 = arith.constant 112 : index
    %get3A_911 = tpu.vector_load %arg4[%get3A_910] {strides = array<i32>} : memref<512xi32, #tpu.memory_space<vmem>>, vector<16xi32>,
    %sub3A_912 = arith.constant 0 : i32
    %sub3A_913 = vector.broadcast %sub3A_912 : i32 to vector<16xi32>
    %sub3A_914 = arith.subi %get3A_911, %sub3A_913 : vector<16xi32>
    %jit3A_915 = arith.constant 0 : i32
    %jit3A_916 = arith.constant 503 : i32
    %max3A_917 = vector.broadcast %jit3A_915 : i32 to vector<16xi32>
    %max3A_918 = arith.maxsi %max3A_917, %sub3A_914 : vector<16xi32>
    %min3A_919 = vector.broadcast %jit3A_916 : i32 to vector<16xi32>
    %min3A_920 = arith.minsi %min3A_919, %max3A_918 : vector<16xi32>
    %ge3A_921 = arith.constant 0 : i32
    %ge3A_922 = vector.broadcast %ge3A_921 : i32 to vector<16xi32>
    %ge3A_923 = arith.cmpi sge, %get3A_911, %ge3A_922 : vector<16xi32>
    %lt3A_924 = arith.constant 504 : i32
    %lt3A_925 = vector.broadcast %lt3A_924 : i32 to vector<16xi32>
    %lt3A_926 = arith.cmpi slt, %get3A_911, %lt3A_925 : vector<16xi32>
    %and3A_927 = arith.andi %ge3A_923, %lt3A_926 : vector<16xi1>
    %add3A_928 = arith.constant 112 : i32
    %add3A_929 = vector.broadcast %add3A_928 : i32 to vector<16xi32>
    %add3A_930 = arith.addi %add3A_929, %iota3A : vector<16xi32>
    tpu.vector_store_idx %arg5[%min3A_920, %add3A_930], %broadcast_in_dim3A_4 masked %and3A_927 : memref<504x128xf32, #tpu.memory_space<vmem>>[vector<16xi32>, vector<16xi32>], vector<16xf32>, vector<16xi1>
    %get3A_931 = arith.constant 128 : index
    %get3A_932 = tpu.vector_load %arg4[%get3A_931] {strides = array<i32>} : memref<512xi32, #tpu.memory_space<vmem>>, vector<16xi32>,
    %sub3A_933 = arith.constant 0 : i32
    %sub3A_934 = vector.broadcast %sub3A_933 : i32 to vector<16xi32>
    %sub3A_935 = arith.subi %get3A_932, %sub3A_934 : vector<16xi32>
    %jit3A_936 = arith.constant 0 : i32
    %jit3A_937 = arith.constant 503 : i32
    %max3A_938 = vector.broadcast %jit3A_936 : i32 to vector<16xi32>
    %max3A_939 = arith.maxsi %max3A_938, %sub3A_935 : vector<16xi32>
    %min3A_940 = vector.broadcast %jit3A_937 : i32 to vector<16xi32>
    %min3A_941 = arith.minsi %min3A_940, %max3A_939 : vector<16xi32>
    %ge3A_942 = arith.constant 0 : i32
    %ge3A_943 = vector.broadcast %ge3A_942 : i32 to vector<16xi32>
    %ge3A_944 = arith.cmpi sge, %get3A_932, %ge3A_943 : vector<16xi32>
    %lt3A_945 = arith.constant 504 : i32
    %lt3A_946 = vector.broadcast %lt3A_945 : i32 to vector<16xi32>
    %lt3A_947 = arith.cmpi slt, %get3A_932, %lt3A_946 : vector<16xi32>
    %and3A_948 = arith.andi %ge3A_944, %lt3A_947 : vector<16xi1>
    %add3A_949 = arith.constant 0 : i32
    %add3A_950 = vector.broadcast %add3A_949 : i32 to vector<16xi32>
    %add3A_951 = arith.addi %add3A_950, %iota3A : vector<16xi32>
    tpu.vector_store_idx %arg5[%min3A_941, %add3A_951], %broadcast_in_dim3A_6 masked %and3A_948 : memref<504x128xf32, #tpu.memory_space<vmem>>[vector<16xi32>, vector<16xi32>], vector<16xf32>, vector<16xi1>
    %get3A_952 = arith.constant 144 : index
    %get3A_953 = tpu.vector_load %arg4[%get3A_952] {strides = array<i32>} : memref<512xi32, #tpu.memory_space<vmem>>, vector<16xi32>,
    %sub3A_954 = arith.constant 0 : i32
    %sub3A_955 = vector.broadcast %sub3A_954 : i32 to vector<16xi32>
    %sub3A_956 = arith.subi %get3A_953, %sub3A_955 : vector<16xi32>
    %jit3A_957 = arith.constant 0 : i32
    %jit3A_958 = arith.constant 503 : i32
    %max3A_959 = vector.broadcast %jit3A_957 : i32 to vector<16xi32>
    %max3A_960 = arith.maxsi %max3A_959, %sub3A_956 : vector<16xi32>
    %min3A_961 = vector.broadcast %jit3A_958 : i32 to vector<16xi32>
    %min3A_962 = arith.minsi %min3A_961, %max3A_960 : vector<16xi32>
    %ge3A_963 = arith.constant 0 : i32
    %ge3A_964 = vector.broadcast %ge3A_963 : i32 to vector<16xi32>
    %ge3A_965 = arith.cmpi sge, %get3A_953, %ge3A_964 : vector<16xi32>
    %lt3A_966 = arith.constant 504 : i32
    %lt3A_967 = vector.broadcast %lt3A_966 : i32 to vector<16xi32>
    %lt3A_968 = arith.cmpi slt, %get3A_953, %lt3A_967 : vector<16xi32>
    %and3A_969 = arith.andi %ge3A_965, %lt3A_968 : vector<16xi1>
    %add3A_970 = arith.constant 16 : i32
    %add3A_971 = vector.broadcast %add3A_970 : i32 to vector<16xi32>
    %add3A_972 = arith.addi %add3A_971, %iota3A : vector<16xi32>
    tpu.vector_store_idx %arg5[%min3A_962, %add3A_972], %broadcast_in_dim3A_6 masked %and3A_969 : memref<504x128xf32, #tpu.memory_space<vmem>>[vector<16xi32>, vector<16xi32>], vector<16xf32>, vector<16xi1>
    %get3A_973 = arith.constant 160 : index
    %get3A_974 = tpu.vector_load %arg4[%get3A_973] {strides = array<i32>} : memref<512xi32, #tpu.memory_space<vmem>>, vector<16xi32>,
    %sub3A_975 = arith.constant 0 : i32
    %sub3A_976 = vector.broadcast %sub3A_975 : i32 to vector<16xi32>
    %sub3A_977 = arith.subi %get3A_974, %sub3A_976 : vector<16xi32>
    %jit3A_978 = arith.constant 0 : i32
    %jit3A_979 = arith.constant 503 : i32
    %max3A_980 = vector.broadcast %jit3A_978 : i32 to vector<16xi32>
    %max3A_981 = arith.maxsi %max3A_980, %sub3A_977 : vector<16xi32>
    %min3A_982 = vector.broadcast %jit3A_979 : i32 to vector<16xi32>
    %min3A_983 = arith.minsi %min3A_982, %max3A_981 : vector<16xi32>
    %ge3A_984 = arith.constant 0 : i32
    %ge3A_985 = vector.broadcast %ge3A_984 : i32 to vector<16xi32>
    %ge3A_986 = arith.cmpi sge, %get3A_974, %ge3A_985 : vector<16xi32>
    %lt3A_987 = arith.constant 504 : i32
    %lt3A_988 = vector.broadcast %lt3A_987 : i32 to vector<16xi32>
    %lt3A_989 = arith.cmpi slt, %get3A_974, %lt3A_988 : vector<16xi32>
    %and3A_990 = arith.andi %ge3A_986, %lt3A_989 : vector<16xi1>
    %add3A_991 = arith.constant 32 : i32
    %add3A_992 = vector.broadcast %add3A_991 : i32 to vector<16xi32>
    %add3A_993 = arith.addi %add3A_992, %iota3A : vector<16xi32>
    tpu.vector_store_idx %arg5[%min3A_983, %add3A_993], %broadcast_in_dim3A_6 masked %and3A_990 : memref<504x128xf32, #tpu.memory_space<vmem>>[vector<16xi32>, vector<16xi32>], vector<16xf32>, vector<16xi1>
    %get3A_994 = arith.constant 176 : index
    %get3A_995 = tpu.vector_load %arg4[%get3A_994] {strides = array<i32>} : memref<512xi32, #tpu.memory_space<vmem>>, vector<16xi32>,
    %sub3A_996 = arith.constant 0 : i32
    %sub3A_997 = vector.broadcast %sub3A_996 : i32 to vector<16xi32>
    %sub3A_998 = arith.subi %get3A_995, %sub3A_997 : vector<16xi32>
    %jit3A_999 = arith.constant 0 : i32
    %jit3A_1000 = arith.constant 503 : i32
    %max3A_1001 = vector.broadcast %jit3A_999 : i32 to vector<16xi32>
    %max3A_1002 = arith.maxsi %max3A_1001, %sub3A_998 : vector<16xi32>
    %min3A_1003 = vector.broadcast %jit3A_1000 : i32 to vector<16xi32>
    %min3A_1004 = arith.minsi %min3A_1003, %max3A_1002 : vector<16xi32>
    %ge3A_1005 = arith.constant 0 : i32
    %ge3A_1006 = vector.broadcast %ge3A_1005 : i32 to vector<16xi32>
    %ge3A_1007 = arith.cmpi sge, %get3A_995, %ge3A_1006 : vector<16xi32>
    %lt3A_1008 = arith.constant 504 : i32
    %lt3A_1009 = vector.broadcast %lt3A_1008 : i32 to vector<16xi32>
    %lt3A_1010 = arith.cmpi slt, %get3A_995, %lt3A_1009 : vector<16xi32>
    %and3A_1011 = arith.andi %ge3A_1007, %lt3A_1010 : vector<16xi1>
    %add3A_1012 = arith.constant 48 : i32
    %add3A_1013 = vector.broadcast %add3A_1012 : i32 to vector<16xi32>
    %add3A_1014 = arith.addi %add3A_1013, %iota3A : vector<16xi32>
    tpu.vector_store_idx %arg5[%min3A_1004, %add3A_1014], %broadcast_in_dim3A_6 masked %and3A_1011 : memref<504x128xf32, #tpu.memory_space<vmem>>[vector<16xi32>, vector<16xi32>], vector<16xf32>, vector<16xi1>
    %get3A_1015 = arith.constant 192 : index
    %get3A_1016 = tpu.vector_load %arg4[%get3A_1015] {strides = array<i32>} : memref<512xi32, #tpu.memory_space<vmem>>, vector<16xi32>,
    %sub3A_1017 = arith.constant 0 : i32
    %sub3A_1018 = vector.broadcast %sub3A_1017 : i32 to vector<16xi32>
    %sub3A_1019 = arith.subi %get3A_1016, %sub3A_1018 : vector<16xi32>
    %jit3A_1020 = arith.constant 0 : i32
    %jit3A_1021 = arith.constant 503 : i32
    %max3A_1022 = vector.broadcast %jit3A_1020 : i32 to vector<16xi32>
    %max3A_1023 = arith.maxsi %max3A_1022, %sub3A_1019 : vector<16xi32>
    %min3A_1024 = vector.broadcast %jit3A_1021 : i32 to vector<16xi32>
    %min3A_1025 = arith.minsi %min3A_1024, %max3A_1023 : vector<16xi32>
    %ge3A_1026 = arith.constant 0 : i32
    %ge3A_1027 = vector.broadcast %ge3A_1026 : i32 to vector<16xi32>
    %ge3A_1028 = arith.cmpi sge, %get3A_1016, %ge3A_1027 : vector<16xi32>
    %lt3A_1029 = arith.constant 504 : i32
    %lt3A_1030 = vector.broadcast %lt3A_1029 : i32 to vector<16xi32>
    %lt3A_1031 = arith.cmpi slt, %get3A_1016, %lt3A_1030 : vector<16xi32>
    %and3A_1032 = arith.andi %ge3A_1028, %lt3A_1031 : vector<16xi1>
    %add3A_1033 = arith.constant 64 : i32
    %add3A_1034 = vector.broadcast %add3A_1033 : i32 to vector<16xi32>
    %add3A_1035 = arith.addi %add3A_1034, %iota3A : vector<16xi32>
    tpu.vector_store_idx %arg5[%min3A_1025, %add3A_1035], %broadcast_in_dim3A_6 masked %and3A_1032 : memref<504x128xf32, #tpu.memory_space<vmem>>[vector<16xi32>, vector<16xi32>], vector<16xf32>, vector<16xi1>
    %get3A_1036 = arith.constant 208 : index
    %get3A_1037 = tpu.vector_load %arg4[%get3A_1036] {strides = array<i32>} : memref<512xi32, #tpu.memory_space<vmem>>, vector<16xi32>,
    %sub3A_1038 = arith.constant 0 : i32
    %sub3A_1039 = vector.broadcast %sub3A_1038 : i32 to vector<16xi32>
    %sub3A_1040 = arith.subi %get3A_1037, %sub3A_1039 : vector<16xi32>
    %jit3A_1041 = arith.constant 0 : i32
    %jit3A_1042 = arith.constant 503 : i32
    %max3A_1043 = vector.broadcast %jit3A_1041 : i32 to vector<16xi32>
    %max3A_1044 = arith.maxsi %max3A_1043, %sub3A_1040 : vector<16xi32>
    %min3A_1045 = vector.broadcast %jit3A_1042 : i32 to vector<16xi32>
    %min3A_1046 = arith.minsi %min3A_1045, %max3A_1044 : vector<16xi32>
    %ge3A_1047 = arith.constant 0 : i32
    %ge3A_1048 = vector.broadcast %ge3A_1047 : i32 to vector<16xi32>
    %ge3A_1049 = arith.cmpi sge, %get3A_1037, %ge3A_1048 : vector<16xi32>
    %lt3A_1050 = arith.constant 504 : i32
    %lt3A_1051 = vector.broadcast %lt3A_1050 : i32 to vector<16xi32>
    %lt3A_1052 = arith.cmpi slt, %get3A_1037, %lt3A_1051 : vector<16xi32>
    %and3A_1053 = arith.andi %ge3A_1049, %lt3A_1052 : vector<16xi1>
    %add3A_1054 = arith.constant 80 : i32
    %add3A_1055 = vector.broadcast %add3A_1054 : i32 to vector<16xi32>
    %add3A_1056 = arith.addi %add3A_1055, %iota3A : vector<16xi32>
    tpu.vector_store_idx %arg5[%min3A_1046, %add3A_1056], %broadcast_in_dim3A_6 masked %and3A_1053 : memref<504x128xf32, #tpu.memory_space<vmem>>[vector<16xi32>, vector<16xi32>], vector<16xf32>, vector<16xi1>
    %get3A_1057 = arith.constant 224 : index
    %get3A_1058 = tpu.vector_load %arg4[%get3A_1057] {strides = array<i32>} : memref<512xi32, #tpu.memory_space<vmem>>, vector<16xi32>,
    %sub3A_1059 = arith.constant 0 : i32
    %sub3A_1060 = vector.broadcast %sub3A_1059 : i32 to vector<16xi32>
    %sub3A_1061 = arith.subi %get3A_1058, %sub3A_1060 : vector<16xi32>
    %jit3A_1062 = arith.constant 0 : i32
    %jit3A_1063 = arith.constant 503 : i32
    %max3A_1064 = vector.broadcast %jit3A_1062 : i32 to vector<16xi32>
    %max3A_1065 = arith.maxsi %max3A_1064, %sub3A_1061 : vector<16xi32>
    %min3A_1066 = vector.broadcast %jit3A_1063 : i32 to vector<16xi32>
    %min3A_1067 = arith.minsi %min3A_1066, %max3A_1065 : vector<16xi32>
    %ge3A_1068 = arith.constant 0 : i32
    %ge3A_1069 = vector.broadcast %ge3A_1068 : i32 to vector<16xi32>
    %ge3A_1070 = arith.cmpi sge, %get3A_1058, %ge3A_1069 : vector<16xi32>
    %lt3A_1071 = arith.constant 504 : i32
    %lt3A_1072 = vector.broadcast %lt3A_1071 : i32 to vector<16xi32>
    %lt3A_1073 = arith.cmpi slt, %get3A_1058, %lt3A_1072 : vector<16xi32>
    %and3A_1074 = arith.andi %ge3A_1070, %lt3A_1073 : vector<16xi1>
    %add3A_1075 = arith.constant 96 : i32
    %add3A_1076 = vector.broadcast %add3A_1075 : i32 to vector<16xi32>
    %add3A_1077 = arith.addi %add3A_1076, %iota3A : vector<16xi32>
    tpu.vector_store_idx %arg5[%min3A_1067, %add3A_1077], %broadcast_in_dim3A_6 masked %and3A_1074 : memref<504x128xf32, #tpu.memory_space<vmem>>[vector<16xi32>, vector<16xi32>], vector<16xf32>, vector<16xi1>
    %get3A_1078 = arith.constant 240 : index
    %get3A_1079 = tpu.vector_load %arg4[%get3A_1078] {strides = array<i32>} : memref<512xi32, #tpu.memory_space<vmem>>, vector<16xi32>,
    %sub3A_1080 = arith.constant 0 : i32
    %sub3A_1081 = vector.broadcast %sub3A_1080 : i32 to vector<16xi32>
    %sub3A_1082 = arith.subi %get3A_1079, %sub3A_1081 : vector<16xi32>
    %jit3A_1083 = arith.constant 0 : i32
    %jit3A_1084 = arith.constant 503 : i32
    %max3A_1085 = vector.broadcast %jit3A_1083 : i32 to vector<16xi32>
    %max3A_1086 = arith.maxsi %max3A_1085, %sub3A_1082 : vector<16xi32>
    %min3A_1087 = vector.broadcast %jit3A_1084 : i32 to vector<16xi32>
    %min3A_1088 = arith.minsi %min3A_1087, %max3A_1086 : vector<16xi32>
    %ge3A_1089 = arith.constant 0 : i32
    %ge3A_1090 = vector.broadcast %ge3A_1089 : i32 to vector<16xi32>
    %ge3A_1091 = arith.cmpi sge, %get3A_1079, %ge3A_1090 : vector<16xi32>
    %lt3A_1092 = arith.constant 504 : i32
    %lt3A_1093 = vector.broadcast %lt3A_1092 : i32 to vector<16xi32>
    %lt3A_1094 = arith.cmpi slt, %get3A_1079, %lt3A_1093 : vector<16xi32>
    %and3A_1095 = arith.andi %ge3A_1091, %lt3A_1094 : vector<16xi1>
    %add3A_1096 = arith.constant 112 : i32
    %add3A_1097 = vector.broadcast %add3A_1096 : i32 to vector<16xi32>
    %add3A_1098 = arith.addi %add3A_1097, %iota3A : vector<16xi32>
    tpu.vector_store_idx %arg5[%min3A_1088, %add3A_1098], %broadcast_in_dim3A_6 masked %and3A_1095 : memref<504x128xf32, #tpu.memory_space<vmem>>[vector<16xi32>, vector<16xi32>], vector<16xf32>, vector<16xi1>
    %add3A_1099 = arith.constant 128 : i32
    %add3A_1100 = arith.addi %mul3A_2, %add3A_1099 : i32
    %dma_start3A_1101 = arith.constant 0 : i32
    %dma_start3A_1102 = arith.constant 0 : i32
    %dma_start3A_1103 = tpu.memref_slice %arg5[%dma_start3A_1101, %dma_start3A_1102] : memref<504x128xf32, #tpu.memory_space<vmem>> -> memref<504x128xf32, #tpu.memory_space<vmem>>
    %dma_start3A_1104 = arith.constant 0 : i32
    %dma_start3A_1105 = tpu.memref_slice %arg3[%dma_start3A_1104, %add3A_1100] : memref<1000x16384xf32, #tpu.memory_space<hbm>> -> memref<504x128xf32, #tpu.memory_space<hbm>>
    %dma_start3A_1106 = arith.constant 0 : i32
    %dma_start3A_1107 = tpu.memref_slice %arg3[%dma_start3A_1106, %add3A_1100] : memref<1000x16384xf32, #tpu.memory_space<hbm>> -> memref<504x128xf32, #tpu.memory_space<hbm>>
    %dma_start3A_1108 = arith.constant 0 : i32
    %dma_start3A_1109 = arith.constant 0 : i32
    %dma_start3A_1110 = tpu.memref_slice %arg5[%dma_start3A_1108, %dma_start3A_1109] : memref<504x128xf32, #tpu.memory_space<vmem>> -> memref<504x128xf32, #tpu.memory_space<vmem>>
    tpu.enqueue_dma source(%dma_start3A_1110 : memref<504x128xf32, #tpu.memory_space<vmem>>) target(%dma_start3A_1107 : memref<504x128xf32, #tpu.memory_space<hbm>>) target_semaphore(%arg7 : memref<!tpu.dma_semaphore, #tpu.memory_space<semaphore_mem>>)
    %dma_wait3A_1111 = arith.constant 0 : i32
    %dma_wait3A_1112 = arith.constant 0 : i32
    %dma_wait3A_1113 = tpu.memref_slice %arg6[%dma_wait3A_1111, %dma_wait3A_1112] : memref<496x128xf32, #tpu.memory_space<vmem>> -> memref<256x128xf32, #tpu.memory_space<vmem>>
    %dma_wait3A_1114 = arith.constant 504 : i32
    %dma_wait3A_1115 = tpu.memref_slice %arg3[%dma_wait3A_1114, %add3A_546] : memref<1000x16384xf32, #tpu.memory_space<hbm>> -> memref<256x128xf32, #tpu.memory_space<hbm>>
    %dma_wait3A_1116 = arith.constant 504 : i32
    %dma_wait3A_1117 = tpu.memref_slice %arg3[%dma_wait3A_1116, %add3A_546] : memref<1000x16384xf32, #tpu.memory_space<hbm>> -> memref<256x128xf32, #tpu.memory_space<hbm>>
    %dma_wait3A_1118 = arith.constant 0 : i32
    %dma_wait3A_1119 = arith.constant 0 : i32
    %dma_wait3A_1120 = tpu.memref_slice %arg6[%dma_wait3A_1118, %dma_wait3A_1119] : memref<496x128xf32, #tpu.memory_space<vmem>> -> memref<256x128xf32, #tpu.memory_space<vmem>>
    tpu.wait_dma2 semaphore(%arg8 : memref<!tpu.dma_semaphore, #tpu.memory_space<semaphore_mem>>) src(%dma_wait3A_1120 : memref<256x128xf32, #tpu.memory_space<vmem>>) dst(%dma_wait3A_1117 : memref<256x128xf32, #tpu.memory_space<hbm>>)
    %dma_wait3A_1121 = arith.constant 256 : i32
    %dma_wait3A_1122 = arith.constant 0 : i32
    %dma_wait3A_1123 = tpu.memref_slice %arg6[%dma_wait3A_1121, %dma_wait3A_1122] : memref<496x128xf32, #tpu.memory_space<vmem>> -> memref<240x128xf32, #tpu.memory_space<vmem>>
    %dma_wait3A_1124 = arith.constant 760 : i32
    %dma_wait3A_1125 = tpu.memref_slice %arg3[%dma_wait3A_1124, %add3A_732] : memref<1000x16384xf32, #tpu.memory_space<hbm>> -> memref<240x128xf32, #tpu.memory_space<hbm>>
    %dma_wait3A_1126 = arith.constant 760 : i32
    %dma_wait3A_1127 = tpu.memref_slice %arg3[%dma_wait3A_1126, %add3A_732] : memref<1000x16384xf32, #tpu.memory_space<hbm>> -> memref<240x128xf32, #tpu.memory_space<hbm>>
    %dma_wait3A_1128 = arith.constant 256 : i32
    %dma_wait3A_1129 = arith.constant 0 : i32
    %dma_wait3A_1130 = tpu.memref_slice %arg6[%dma_wait3A_1128, %dma_wait3A_1129] : memref<496x128xf32, #tpu.memory_space<vmem>> -> memref<240x128xf32, #tpu.memory_space<vmem>>
    tpu.wait_dma2 semaphore(%arg8 : memref<!tpu.dma_semaphore, #tpu.memory_space<semaphore_mem>>) src(%dma_wait3A_1130 : memref<240x128xf32, #tpu.memory_space<vmem>>) dst(%dma_wait3A_1127 : memref<240x128xf32, #tpu.memory_space<hbm>>)
    %get3A_1131 = arith.constant 0 : index
    %get3A_1132 = tpu.vector_load %arg4[%get3A_1131] {strides = array<i32>} : memref<512xi32, #tpu.memory_space<vmem>>, vector<16xi32>,
    %sub3A_1133 = arith.constant 504 : i32
    %sub3A_1134 = vector.broadcast %sub3A_1133 : i32 to vector<16xi32>
    %sub3A_1135 = arith.subi %get3A_1132, %sub3A_1134 : vector<16xi32>
    %jit3A_1136 = arith.constant 0 : i32
    %jit3A_1137 = arith.constant 495 : i32
    %max3A_1138 = vector.broadcast %jit3A_1136 : i32 to vector<16xi32>
    %max3A_1139 = arith.maxsi %max3A_1138, %sub3A_1135 : vector<16xi32>
    %min3A_1140 = vector.broadcast %jit3A_1137 : i32 to vector<16xi32>
    %min3A_1141 = arith.minsi %min3A_1140, %max3A_1139 : vector<16xi32>
    %ge3A_1142 = arith.constant 504 : i32
    %ge3A_1143 = vector.broadcast %ge3A_1142 : i32 to vector<16xi32>
    %ge3A_1144 = arith.cmpi sge, %get3A_1132, %ge3A_1143 : vector<16xi32>
    %lt3A_1145 = arith.constant 1000 : i32
    %lt3A_1146 = vector.broadcast %lt3A_1145 : i32 to vector<16xi32>
    %lt3A_1147 = arith.cmpi slt, %get3A_1132, %lt3A_1146 : vector<16xi32>
    %and3A_1148 = arith.andi %ge3A_1144, %lt3A_1147 : vector<16xi1>
    %add3A_1149 = arith.constant 0 : i32
    %add3A_1150 = vector.broadcast %add3A_1149 : i32 to vector<16xi32>
    %add3A_1151 = arith.addi %add3A_1150, %iota3A : vector<16xi32>
    tpu.vector_store_idx %arg6[%min3A_1141, %add3A_1151], %broadcast_in_dim3A_4 masked %and3A_1148 : memref<496x128xf32, #tpu.memory_space<vmem>>[vector<16xi32>, vector<16xi32>], vector<16xf32>, vector<16xi1>
    %get3A_1152 = arith.constant 16 : index
    %get3A_1153 = tpu.vector_load %arg4[%get3A_1152] {strides = array<i32>} : memref<512xi32, #tpu.memory_space<vmem>>, vector<16xi32>,
    %sub3A_1154 = arith.constant 504 : i32
    %sub3A_1155 = vector.broadcast %sub3A_1154 : i32 to vector<16xi32>
    %sub3A_1156 = arith.subi %get3A_1153, %sub3A_1155 : vector<16xi32>
    %jit3A_1157 = arith.constant 0 : i32
    %jit3A_1158 = arith.constant 495 : i32
    %max3A_1159 = vector.broadcast %jit3A_1157 : i32 to vector<16xi32>
    %max3A_1160 = arith.maxsi %max3A_1159, %sub3A_1156 : vector<16xi32>
    %min3A_1161 = vector.broadcast %jit3A_1158 : i32 to vector<16xi32>
    %min3A_1162 = arith.minsi %min3A_1161, %max3A_1160 : vector<16xi32>
    %ge3A_1163 = arith.constant 504 : i32
    %ge3A_1164 = vector.broadcast %ge3A_1163 : i32 to vector<16xi32>
    %ge3A_1165 = arith.cmpi sge, %get3A_1153, %ge3A_1164 : vector<16xi32>
    %lt3A_1166 = arith.constant 1000 : i32
    %lt3A_1167 = vector.broadcast %lt3A_1166 : i32 to vector<16xi32>
    %lt3A_1168 = arith.cmpi slt, %get3A_1153, %lt3A_1167 : vector<16xi32>
    %and3A_1169 = arith.andi %ge3A_1165, %lt3A_1168 : vector<16xi1>
    %add3A_1170 = arith.constant 16 : i32
    %add3A_1171 = vector.broadcast %add3A_1170 : i32 to vector<16xi32>
    %add3A_1172 = arith.addi %add3A_1171, %iota3A : vector<16xi32>
    tpu.vector_store_idx %arg6[%min3A_1162, %add3A_1172], %broadcast_in_dim3A_4 masked %and3A_1169 : memref<496x128xf32, #tpu.memory_space<vmem>>[vector<16xi32>, vector<16xi32>], vector<16xf32>, vector<16xi1>
    %get3A_1173 = arith.constant 32 : index
    %get3A_1174 = tpu.vector_load %arg4[%get3A_1173] {strides = array<i32>} : memref<512xi32, #tpu.memory_space<vmem>>, vector<16xi32>,
    %sub3A_1175 = arith.constant 504 : i32
    %sub3A_1176 = vector.broadcast %sub3A_1175 : i32 to vector<16xi32>
    %sub3A_1177 = arith.subi %get3A_1174, %sub3A_1176 : vector<16xi32>
    %jit3A_1178 = arith.constant 0 : i32
    %jit3A_1179 = arith.constant 495 : i32
    %max3A_1180 = vector.broadcast %jit3A_1178 : i32 to vector<16xi32>
    %max3A_1181 = arith.maxsi %max3A_1180, %sub3A_1177 : vector<16xi32>
    %min3A_1182 = vector.broadcast %jit3A_1179 : i32 to vector<16xi32>
    %min3A_1183 = arith.minsi %min3A_1182, %max3A_1181 : vector<16xi32>
    %ge3A_1184 = arith.constant 504 : i32
    %ge3A_1185 = vector.broadcast %ge3A_1184 : i32 to vector<16xi32>
    %ge3A_1186 = arith.cmpi sge, %get3A_1174, %ge3A_1185 : vector<16xi32>
    %lt3A_1187 = arith.constant 1000 : i32
    %lt3A_1188 = vector.broadcast %lt3A_1187 : i32 to vector<16xi32>
    %lt3A_1189 = arith.cmpi slt, %get3A_1174, %lt3A_1188 : vector<16xi32>
    %and3A_1190 = arith.andi %ge3A_1186, %lt3A_1189 : vector<16xi1>
    %add3A_1191 = arith.constant 32 : i32
    %add3A_1192 = vector.broadcast %add3A_1191 : i32 to vector<16xi32>
    %add3A_1193 = arith.addi %add3A_1192, %iota3A : vector<16xi32>
    tpu.vector_store_idx %arg6[%min3A_1183, %add3A_1193], %broadcast_in_dim3A_4 masked %and3A_1190 : memref<496x128xf32, #tpu.memory_space<vmem>>[vector<16xi32>, vector<16xi32>], vector<16xf32>, vector<16xi1>
    %get3A_1194 = arith.constant 48 : index
    %get3A_1195 = tpu.vector_load %arg4[%get3A_1194] {strides = array<i32>} : memref<512xi32, #tpu.memory_space<vmem>>, vector<16xi32>,
    %sub3A_1196 = arith.constant 504 : i32
    %sub3A_1197 = vector.broadcast %sub3A_1196 : i32 to vector<16xi32>
    %sub3A_1198 = arith.subi %get3A_1195, %sub3A_1197 : vector<16xi32>
    %jit3A_1199 = arith.constant 0 : i32
    %jit3A_1200 = arith.constant 495 : i32
    %max3A_1201 = vector.broadcast %jit3A_1199 : i32 to vector<16xi32>
    %max3A_1202 = arith.maxsi %max3A_1201, %sub3A_1198 : vector<16xi32>
    %min3A_1203 = vector.broadcast %jit3A_1200 : i32 to vector<16xi32>
    %min3A_1204 = arith.minsi %min3A_1203, %max3A_1202 : vector<16xi32>
    %ge3A_1205 = arith.constant 504 : i32
    %ge3A_1206 = vector.broadcast %ge3A_1205 : i32 to vector<16xi32>
    %ge3A_1207 = arith.cmpi sge, %get3A_1195, %ge3A_1206 : vector<16xi32>
    %lt3A_1208 = arith.constant 1000 : i32
    %lt3A_1209 = vector.broadcast %lt3A_1208 : i32 to vector<16xi32>
    %lt3A_1210 = arith.cmpi slt, %get3A_1195, %lt3A_1209 : vector<16xi32>
    %and3A_1211 = arith.andi %ge3A_1207, %lt3A_1210 : vector<16xi1>
    %add3A_1212 = arith.constant 48 : i32
    %add3A_1213 = vector.broadcast %add3A_1212 : i32 to vector<16xi32>
    %add3A_1214 = arith.addi %add3A_1213, %iota3A : vector<16xi32>
    tpu.vector_store_idx %arg6[%min3A_1204, %add3A_1214], %broadcast_in_dim3A_4 masked %and3A_1211 : memref<496x128xf32, #tpu.memory_space<vmem>>[vector<16xi32>, vector<16xi32>], vector<16xf32>, vector<16xi1>
    %get3A_1215 = arith.constant 64 : index
    %get3A_1216 = tpu.vector_load %arg4[%get3A_1215] {strides = array<i32>} : memref<512xi32, #tpu.memory_space<vmem>>, vector<16xi32>,
    %sub3A_1217 = arith.constant 504 : i32
    %sub3A_1218 = vector.broadcast %sub3A_1217 : i32 to vector<16xi32>
    %sub3A_1219 = arith.subi %get3A_1216, %sub3A_1218 : vector<16xi32>
    %jit3A_1220 = arith.constant 0 : i32
    %jit3A_1221 = arith.constant 495 : i32
    %max3A_1222 = vector.broadcast %jit3A_1220 : i32 to vector<16xi32>
    %max3A_1223 = arith.maxsi %max3A_1222, %sub3A_1219 : vector<16xi32>
    %min3A_1224 = vector.broadcast %jit3A_1221 : i32 to vector<16xi32>
    %min3A_1225 = arith.minsi %min3A_1224, %max3A_1223 : vector<16xi32>
    %ge3A_1226 = arith.constant 504 : i32
    %ge3A_1227 = vector.broadcast %ge3A_1226 : i32 to vector<16xi32>
    %ge3A_1228 = arith.cmpi sge, %get3A_1216, %ge3A_1227 : vector<16xi32>
    %lt3A_1229 = arith.constant 1000 : i32
    %lt3A_1230 = vector.broadcast %lt3A_1229 : i32 to vector<16xi32>
    %lt3A_1231 = arith.cmpi slt, %get3A_1216, %lt3A_1230 : vector<16xi32>
    %and3A_1232 = arith.andi %ge3A_1228, %lt3A_1231 : vector<16xi1>
    %add3A_1233 = arith.constant 64 : i32
    %add3A_1234 = vector.broadcast %add3A_1233 : i32 to vector<16xi32>
    %add3A_1235 = arith.addi %add3A_1234, %iota3A : vector<16xi32>
    tpu.vector_store_idx %arg6[%min3A_1225, %add3A_1235], %broadcast_in_dim3A_4 masked %and3A_1232 : memref<496x128xf32, #tpu.memory_space<vmem>>[vector<16xi32>, vector<16xi32>], vector<16xf32>, vector<16xi1>
    %get3A_1236 = arith.constant 80 : index
    %get3A_1237 = tpu.vector_load %arg4[%get3A_1236] {strides = array<i32>} : memref<512xi32, #tpu.memory_space<vmem>>, vector<16xi32>,
    %sub3A_1238 = arith.constant 504 : i32
    %sub3A_1239 = vector.broadcast %sub3A_1238 : i32 to vector<16xi32>
    %sub3A_1240 = arith.subi %get3A_1237, %sub3A_1239 : vector<16xi32>
    %jit3A_1241 = arith.constant 0 : i32
    %jit3A_1242 = arith.constant 495 : i32
    %max3A_1243 = vector.broadcast %jit3A_1241 : i32 to vector<16xi32>
    %max3A_1244 = arith.maxsi %max3A_1243, %sub3A_1240 : vector<16xi32>
    %min3A_1245 = vector.broadcast %jit3A_1242 : i32 to vector<16xi32>
    %min3A_1246 = arith.minsi %min3A_1245, %max3A_1244 : vector<16xi32>
    %ge3A_1247 = arith.constant 504 : i32
    %ge3A_1248 = vector.broadcast %ge3A_1247 : i32 to vector<16xi32>
    %ge3A_1249 = arith.cmpi sge, %get3A_1237, %ge3A_1248 : vector<16xi32>
    %lt3A_1250 = arith.constant 1000 : i32
    %lt3A_1251 = vector.broadcast %lt3A_1250 : i32 to vector<16xi32>
    %lt3A_1252 = arith.cmpi slt, %get3A_1237, %lt3A_1251 : vector<16xi32>
    %and3A_1253 = arith.andi %ge3A_1249, %lt3A_1252 : vector<16xi1>
    %add3A_1254 = arith.constant 80 : i32
    %add3A_1255 = vector.broadcast %add3A_1254 : i32 to vector<16xi32>
    %add3A_1256 = arith.addi %add3A_1255, %iota3A : vector<16xi32>
    tpu.vector_store_idx %arg6[%min3A_1246, %add3A_1256], %broadcast_in_dim3A_4 masked %and3A_1253 : memref<496x128xf32, #tpu.memory_space<vmem>>[vector<16xi32>, vector<16xi32>], vector<16xf32>, vector<16xi1>
    %get3A_1257 = arith.constant 96 : index
    %get3A_1258 = tpu.vector_load %arg4[%get3A_1257] {strides = array<i32>} : memref<512xi32, #tpu.memory_space<vmem>>, vector<16xi32>,
    %sub3A_1259 = arith.constant 504 : i32
    %sub3A_1260 = vector.broadcast %sub3A_1259 : i32 to vector<16xi32>
    %sub3A_1261 = arith.subi %get3A_1258, %sub3A_1260 : vector<16xi32>
    %jit3A_1262 = arith.constant 0 : i32
    %jit3A_1263 = arith.constant 495 : i32
    %max3A_1264 = vector.broadcast %jit3A_1262 : i32 to vector<16xi32>
    %max3A_1265 = arith.maxsi %max3A_1264, %sub3A_1261 : vector<16xi32>
    %min3A_1266 = vector.broadcast %jit3A_1263 : i32 to vector<16xi32>
    %min3A_1267 = arith.minsi %min3A_1266, %max3A_1265 : vector<16xi32>
    %ge3A_1268 = arith.constant 504 : i32
    %ge3A_1269 = vector.broadcast %ge3A_1268 : i32 to vector<16xi32>
    %ge3A_1270 = arith.cmpi sge, %get3A_1258, %ge3A_1269 : vector<16xi32>
    %lt3A_1271 = arith.constant 1000 : i32
    %lt3A_1272 = vector.broadcast %lt3A_1271 : i32 to vector<16xi32>
    %lt3A_1273 = arith.cmpi slt, %get3A_1258, %lt3A_1272 : vector<16xi32>
    %and3A_1274 = arith.andi %ge3A_1270, %lt3A_1273 : vector<16xi1>
    %add3A_1275 = arith.constant 96 : i32
    %add3A_1276 = vector.broadcast %add3A_1275 : i32 to vector<16xi32>
    %add3A_1277 = arith.addi %add3A_1276, %iota3A : vector<16xi32>
    tpu.vector_store_idx %arg6[%min3A_1267, %add3A_1277], %broadcast_in_dim3A_4 masked %and3A_1274 : memref<496x128xf32, #tpu.memory_space<vmem>>[vector<16xi32>, vector<16xi32>], vector<16xf32>, vector<16xi1>
    %get3A_1278 = arith.constant 112 : index
    %get3A_1279 = tpu.vector_load %arg4[%get3A_1278] {strides = array<i32>} : memref<512xi32, #tpu.memory_space<vmem>>, vector<16xi32>,
    %sub3A_1280 = arith.constant 504 : i32
    %sub3A_1281 = vector.broadcast %sub3A_1280 : i32 to vector<16xi32>
    %sub3A_1282 = arith.subi %get3A_1279, %sub3A_1281 : vector<16xi32>
    %jit3A_1283 = arith.constant 0 : i32
    %jit3A_1284 = arith.constant 495 : i32
    %max3A_1285 = vector.broadcast %jit3A_1283 : i32 to vector<16xi32>
    %max3A_1286 = arith.maxsi %max3A_1285, %sub3A_1282 : vector<16xi32>
    %min3A_1287 = vector.broadcast %jit3A_1284 : i32 to vector<16xi32>
    %min3A_1288 = arith.minsi %min3A_1287, %max3A_1286 : vector<16xi32>
    %ge3A_1289 = arith.constant 504 : i32
    %ge3A_1290 = vector.broadcast %ge3A_1289 : i32 to vector<16xi32>
    %ge3A_1291 = arith.cmpi sge, %get3A_1279, %ge3A_1290 : vector<16xi32>
    %lt3A_1292 = arith.constant 1000 : i32
    %lt3A_1293 = vector.broadcast %lt3A_1292 : i32 to vector<16xi32>
    %lt3A_1294 = arith.cmpi slt, %get3A_1279, %lt3A_1293 : vector<16xi32>
    %and3A_1295 = arith.andi %ge3A_1291, %lt3A_1294 : vector<16xi1>
    %add3A_1296 = arith.constant 112 : i32
    %add3A_1297 = vector.broadcast %add3A_1296 : i32 to vector<16xi32>
    %add3A_1298 = arith.addi %add3A_1297, %iota3A : vector<16xi32>
    tpu.vector_store_idx %arg6[%min3A_1288, %add3A_1298], %broadcast_in_dim3A_4 masked %and3A_1295 : memref<496x128xf32, #tpu.memory_space<vmem>>[vector<16xi32>, vector<16xi32>], vector<16xf32>, vector<16xi1>
    %get3A_1299 = arith.constant 128 : index
    %get3A_1300 = tpu.vector_load %arg4[%get3A_1299] {strides = array<i32>} : memref<512xi32, #tpu.memory_space<vmem>>, vector<16xi32>,
    %sub3A_1301 = arith.constant 504 : i32
    %sub3A_1302 = vector.broadcast %sub3A_1301 : i32 to vector<16xi32>
    %sub3A_1303 = arith.subi %get3A_1300, %sub3A_1302 : vector<16xi32>
    %jit3A_1304 = arith.constant 0 : i32
    %jit3A_1305 = arith.constant 495 : i32
    %max3A_1306 = vector.broadcast %jit3A_1304 : i32 to vector<16xi32>
    %max3A_1307 = arith.maxsi %max3A_1306, %sub3A_1303 : vector<16xi32>
    %min3A_1308 = vector.broadcast %jit3A_1305 : i32 to vector<16xi32>
    %min3A_1309 = arith.minsi %min3A_1308, %max3A_1307 : vector<16xi32>
    %ge3A_1310 = arith.constant 504 : i32
    %ge3A_1311 = vector.broadcast %ge3A_1310 : i32 to vector<16xi32>
    %ge3A_1312 = arith.cmpi sge, %get3A_1300, %ge3A_1311 : vector<16xi32>
    %lt3A_1313 = arith.constant 1000 : i32
    %lt3A_1314 = vector.broadcast %lt3A_1313 : i32 to vector<16xi32>
    %lt3A_1315 = arith.cmpi slt, %get3A_1300, %lt3A_1314 : vector<16xi32>
    %and3A_1316 = arith.andi %ge3A_1312, %lt3A_1315 : vector<16xi1>
    %add3A_1317 = arith.constant 0 : i32
    %add3A_1318 = vector.broadcast %add3A_1317 : i32 to vector<16xi32>
    %add3A_1319 = arith.addi %add3A_1318, %iota3A : vector<16xi32>
    tpu.vector_store_idx %arg6[%min3A_1309, %add3A_1319], %broadcast_in_dim3A_6 masked %and3A_1316 : memref<496x128xf32, #tpu.memory_space<vmem>>[vector<16xi32>, vector<16xi32>], vector<16xf32>, vector<16xi1>
    %get3A_1320 = arith.constant 144 : index
    %get3A_1321 = tpu.vector_load %arg4[%get3A_1320] {strides = array<i32>} : memref<512xi32, #tpu.memory_space<vmem>>, vector<16xi32>,
    %sub3A_1322 = arith.constant 504 : i32
    %sub3A_1323 = vector.broadcast %sub3A_1322 : i32 to vector<16xi32>
    %sub3A_1324 = arith.subi %get3A_1321, %sub3A_1323 : vector<16xi32>
    %jit3A_1325 = arith.constant 0 : i32
    %jit3A_1326 = arith.constant 495 : i32
    %max3A_1327 = vector.broadcast %jit3A_1325 : i32 to vector<16xi32>
    %max3A_1328 = arith.maxsi %max3A_1327, %sub3A_1324 : vector<16xi32>
    %min3A_1329 = vector.broadcast %jit3A_1326 : i32 to vector<16xi32>
    %min3A_1330 = arith.minsi %min3A_1329, %max3A_1328 : vector<16xi32>
    %ge3A_1331 = arith.constant 504 : i32
    %ge3A_1332 = vector.broadcast %ge3A_1331 : i32 to vector<16xi32>
    %ge3A_1333 = arith.cmpi sge, %get3A_1321, %ge3A_1332 : vector<16xi32>
    %lt3A_1334 = arith.constant 1000 : i32
    %lt3A_1335 = vector.broadcast %lt3A_1334 : i32 to vector<16xi32>
    %lt3A_1336 = arith.cmpi slt, %get3A_1321, %lt3A_1335 : vector<16xi32>
    %and3A_1337 = arith.andi %ge3A_1333, %lt3A_1336 : vector<16xi1>
    %add3A_1338 = arith.constant 16 : i32
    %add3A_1339 = vector.broadcast %add3A_1338 : i32 to vector<16xi32>
    %add3A_1340 = arith.addi %add3A_1339, %iota3A : vector<16xi32>
    tpu.vector_store_idx %arg6[%min3A_1330, %add3A_1340], %broadcast_in_dim3A_6 masked %and3A_1337 : memref<496x128xf32, #tpu.memory_space<vmem>>[vector<16xi32>, vector<16xi32>], vector<16xf32>, vector<16xi1>
    %get3A_1341 = arith.constant 160 : index
    %get3A_1342 = tpu.vector_load %arg4[%get3A_1341] {strides = array<i32>} : memref<512xi32, #tpu.memory_space<vmem>>, vector<16xi32>,
    %sub3A_1343 = arith.constant 504 : i32
    %sub3A_1344 = vector.broadcast %sub3A_1343 : i32 to vector<16xi32>
    %sub3A_1345 = arith.subi %get3A_1342, %sub3A_1344 : vector<16xi32>
    %jit3A_1346 = arith.constant 0 : i32
    %jit3A_1347 = arith.constant 495 : i32
    %max3A_1348 = vector.broadcast %jit3A_1346 : i32 to vector<16xi32>
    %max3A_1349 = arith.maxsi %max3A_1348, %sub3A_1345 : vector<16xi32>
    %min3A_1350 = vector.broadcast %jit3A_1347 : i32 to vector<16xi32>
    %min3A_1351 = arith.minsi %min3A_1350, %max3A_1349 : vector<16xi32>
    %ge3A_1352 = arith.constant 504 : i32
    %ge3A_1353 = vector.broadcast %ge3A_1352 : i32 to vector<16xi32>
    %ge3A_1354 = arith.cmpi sge, %get3A_1342, %ge3A_1353 : vector<16xi32>
    %lt3A_1355 = arith.constant 1000 : i32
    %lt3A_1356 = vector.broadcast %lt3A_1355 : i32 to vector<16xi32>
    %lt3A_1357 = arith.cmpi slt, %get3A_1342, %lt3A_1356 : vector<16xi32>
    %and3A_1358 = arith.andi %ge3A_1354, %lt3A_1357 : vector<16xi1>
    %add3A_1359 = arith.constant 32 : i32
    %add3A_1360 = vector.broadcast %add3A_1359 : i32 to vector<16xi32>
    %add3A_1361 = arith.addi %add3A_1360, %iota3A : vector<16xi32>
    tpu.vector_store_idx %arg6[%min3A_1351, %add3A_1361], %broadcast_in_dim3A_6 masked %and3A_1358 : memref<496x128xf32, #tpu.memory_space<vmem>>[vector<16xi32>, vector<16xi32>], vector<16xf32>, vector<16xi1>
    %get3A_1362 = arith.constant 176 : index
    %get3A_1363 = tpu.vector_load %arg4[%get3A_1362] {strides = array<i32>} : memref<512xi32, #tpu.memory_space<vmem>>, vector<16xi32>,
    %sub3A_1364 = arith.constant 504 : i32
    %sub3A_1365 = vector.broadcast %sub3A_1364 : i32 to vector<16xi32>
    %sub3A_1366 = arith.subi %get3A_1363, %sub3A_1365 : vector<16xi32>
    %jit3A_1367 = arith.constant 0 : i32
    %jit3A_1368 = arith.constant 495 : i32
    %max3A_1369 = vector.broadcast %jit3A_1367 : i32 to vector<16xi32>
    %max3A_1370 = arith.maxsi %max3A_1369, %sub3A_1366 : vector<16xi32>
    %min3A_1371 = vector.broadcast %jit3A_1368 : i32 to vector<16xi32>
    %min3A_1372 = arith.minsi %min3A_1371, %max3A_1370 : vector<16xi32>
    %ge3A_1373 = arith.constant 504 : i32
    %ge3A_1374 = vector.broadcast %ge3A_1373 : i32 to vector<16xi32>
    %ge3A_1375 = arith.cmpi sge, %get3A_1363, %ge3A_1374 : vector<16xi32>
    %lt3A_1376 = arith.constant 1000 : i32
    %lt3A_1377 = vector.broadcast %lt3A_1376 : i32 to vector<16xi32>
    %lt3A_1378 = arith.cmpi slt, %get3A_1363, %lt3A_1377 : vector<16xi32>
    %and3A_1379 = arith.andi %ge3A_1375, %lt3A_1378 : vector<16xi1>
    %add3A_1380 = arith.constant 48 : i32
    %add3A_1381 = vector.broadcast %add3A_1380 : i32 to vector<16xi32>
    %add3A_1382 = arith.addi %add3A_1381, %iota3A : vector<16xi32>
    tpu.vector_store_idx %arg6[%min3A_1372, %add3A_1382], %broadcast_in_dim3A_6 masked %and3A_1379 : memref<496x128xf32, #tpu.memory_space<vmem>>[vector<16xi32>, vector<16xi32>], vector<16xf32>, vector<16xi1>
    %get3A_1383 = arith.constant 192 : index
    %get3A_1384 = tpu.vector_load %arg4[%get3A_1383] {strides = array<i32>} : memref<512xi32, #tpu.memory_space<vmem>>, vector<16xi32>,
    %sub3A_1385 = arith.constant 504 : i32
    %sub3A_1386 = vector.broadcast %sub3A_1385 : i32 to vector<16xi32>
    %sub3A_1387 = arith.subi %get3A_1384, %sub3A_1386 : vector<16xi32>
    %jit3A_1388 = arith.constant 0 : i32
    %jit3A_1389 = arith.constant 495 : i32
    %max3A_1390 = vector.broadcast %jit3A_1388 : i32 to vector<16xi32>
    %max3A_1391 = arith.maxsi %max3A_1390, %sub3A_1387 : vector<16xi32>
    %min3A_1392 = vector.broadcast %jit3A_1389 : i32 to vector<16xi32>
    %min3A_1393 = arith.minsi %min3A_1392, %max3A_1391 : vector<16xi32>
    %ge3A_1394 = arith.constant 504 : i32
    %ge3A_1395 = vector.broadcast %ge3A_1394 : i32 to vector<16xi32>
    %ge3A_1396 = arith.cmpi sge, %get3A_1384, %ge3A_1395 : vector<16xi32>
    %lt3A_1397 = arith.constant 1000 : i32
    %lt3A_1398 = vector.broadcast %lt3A_1397 : i32 to vector<16xi32>
    %lt3A_1399 = arith.cmpi slt, %get3A_1384, %lt3A_1398 : vector<16xi32>
    %and3A_1400 = arith.andi %ge3A_1396, %lt3A_1399 : vector<16xi1>
    %add3A_1401 = arith.constant 64 : i32
    %add3A_1402 = vector.broadcast %add3A_1401 : i32 to vector<16xi32>
    %add3A_1403 = arith.addi %add3A_1402, %iota3A : vector<16xi32>
    tpu.vector_store_idx %arg6[%min3A_1393, %add3A_1403], %broadcast_in_dim3A_6 masked %and3A_1400 : memref<496x128xf32, #tpu.memory_space<vmem>>[vector<16xi32>, vector<16xi32>], vector<16xf32>, vector<16xi1>
    %get3A_1404 = arith.constant 208 : index
    %get3A_1405 = tpu.vector_load %arg4[%get3A_1404] {strides = array<i32>} : memref<512xi32, #tpu.memory_space<vmem>>, vector<16xi32>,
    %sub3A_1406 = arith.constant 504 : i32
    %sub3A_1407 = vector.broadcast %sub3A_1406 : i32 to vector<16xi32>
    %sub3A_1408 = arith.subi %get3A_1405, %sub3A_1407 : vector<16xi32>
    %jit3A_1409 = arith.constant 0 : i32
    %jit3A_1410 = arith.constant 495 : i32
    %max3A_1411 = vector.broadcast %jit3A_1409 : i32 to vector<16xi32>
    %max3A_1412 = arith.maxsi %max3A_1411, %sub3A_1408 : vector<16xi32>
    %min3A_1413 = vector.broadcast %jit3A_1410 : i32 to vector<16xi32>
    %min3A_1414 = arith.minsi %min3A_1413, %max3A_1412 : vector<16xi32>
    %ge3A_1415 = arith.constant 504 : i32
    %ge3A_1416 = vector.broadcast %ge3A_1415 : i32 to vector<16xi32>
    %ge3A_1417 = arith.cmpi sge, %get3A_1405, %ge3A_1416 : vector<16xi32>
    %lt3A_1418 = arith.constant 1000 : i32
    %lt3A_1419 = vector.broadcast %lt3A_1418 : i32 to vector<16xi32>
    %lt3A_1420 = arith.cmpi slt, %get3A_1405, %lt3A_1419 : vector<16xi32>
    %and3A_1421 = arith.andi %ge3A_1417, %lt3A_1420 : vector<16xi1>
    %add3A_1422 = arith.constant 80 : i32
    %add3A_1423 = vector.broadcast %add3A_1422 : i32 to vector<16xi32>
    %add3A_1424 = arith.addi %add3A_1423, %iota3A : vector<16xi32>
    tpu.vector_store_idx %arg6[%min3A_1414, %add3A_1424], %broadcast_in_dim3A_6 masked %and3A_1421 : memref<496x128xf32, #tpu.memory_space<vmem>>[vector<16xi32>, vector<16xi32>], vector<16xf32>, vector<16xi1>
    %get3A_1425 = arith.constant 224 : index
    %get3A_1426 = tpu.vector_load %arg4[%get3A_1425] {strides = array<i32>} : memref<512xi32, #tpu.memory_space<vmem>>, vector<16xi32>,
    %sub3A_1427 = arith.constant 504 : i32
    %sub3A_1428 = vector.broadcast %sub3A_1427 : i32 to vector<16xi32>
    %sub3A_1429 = arith.subi %get3A_1426, %sub3A_1428 : vector<16xi32>
    %jit3A_1430 = arith.constant 0 : i32
    %jit3A_1431 = arith.constant 495 : i32
    %max3A_1432 = vector.broadcast %jit3A_1430 : i32 to vector<16xi32>
    %max3A_1433 = arith.maxsi %max3A_1432, %sub3A_1429 : vector<16xi32>
    %min3A_1434 = vector.broadcast %jit3A_1431 : i32 to vector<16xi32>
    %min3A_1435 = arith.minsi %min3A_1434, %max3A_1433 : vector<16xi32>
    %ge3A_1436 = arith.constant 504 : i32
    %ge3A_1437 = vector.broadcast %ge3A_1436 : i32 to vector<16xi32>
    %ge3A_1438 = arith.cmpi sge, %get3A_1426, %ge3A_1437 : vector<16xi32>
    %lt3A_1439 = arith.constant 1000 : i32
    %lt3A_1440 = vector.broadcast %lt3A_1439 : i32 to vector<16xi32>
    %lt3A_1441 = arith.cmpi slt, %get3A_1426, %lt3A_1440 : vector<16xi32>
    %and3A_1442 = arith.andi %ge3A_1438, %lt3A_1441 : vector<16xi1>
    %add3A_1443 = arith.constant 96 : i32
    %add3A_1444 = vector.broadcast %add3A_1443 : i32 to vector<16xi32>
    %add3A_1445 = arith.addi %add3A_1444, %iota3A : vector<16xi32>
    tpu.vector_store_idx %arg6[%min3A_1435, %add3A_1445], %broadcast_in_dim3A_6 masked %and3A_1442 : memref<496x128xf32, #tpu.memory_space<vmem>>[vector<16xi32>, vector<16xi32>], vector<16xf32>, vector<16xi1>
    %get3A_1446 = arith.constant 240 : index
    %get3A_1447 = tpu.vector_load %arg4[%get3A_1446] {strides = array<i32>} : memref<512xi32, #tpu.memory_space<vmem>>, vector<16xi32>,
    %sub3A_1448 = arith.constant 504 : i32
    %sub3A_1449 = vector.broadcast %sub3A_1448 : i32 to vector<16xi32>
    %sub3A_1450 = arith.subi %get3A_1447, %sub3A_1449 : vector<16xi32>
    %jit3A_1451 = arith.constant 0 : i32
    %jit3A_1452 = arith.constant 495 : i32
    %max3A_1453 = vector.broadcast %jit3A_1451 : i32 to vector<16xi32>
    %max3A_1454 = arith.maxsi %max3A_1453, %sub3A_1450 : vector<16xi32>
    %min3A_1455 = vector.broadcast %jit3A_1452 : i32 to vector<16xi32>
    %min3A_1456 = arith.minsi %min3A_1455, %max3A_1454 : vector<16xi32>
    %ge3A_1457 = arith.constant 504 : i32
    %ge3A_1458 = vector.broadcast %ge3A_1457 : i32 to vector<16xi32>
    %ge3A_1459 = arith.cmpi sge, %get3A_1447, %ge3A_1458 : vector<16xi32>
    %lt3A_1460 = arith.constant 1000 : i32
    %lt3A_1461 = vector.broadcast %lt3A_1460 : i32 to vector<16xi32>
    %lt3A_1462 = arith.cmpi slt, %get3A_1447, %lt3A_1461 : vector<16xi32>
    %and3A_1463 = arith.andi %ge3A_1459, %lt3A_1462 : vector<16xi1>
    %add3A_1464 = arith.constant 112 : i32
    %add3A_1465 = vector.broadcast %add3A_1464 : i32 to vector<16xi32>
    %add3A_1466 = arith.addi %add3A_1465, %iota3A : vector<16xi32>
    tpu.vector_store_idx %arg6[%min3A_1456, %add3A_1466], %broadcast_in_dim3A_6 masked %and3A_1463 : memref<496x128xf32, #tpu.memory_space<vmem>>[vector<16xi32>, vector<16xi32>], vector<16xf32>, vector<16xi1>
    %add3A_1467 = arith.constant 128 : i32
    %add3A_1468 = arith.addi %mul3A_2, %add3A_1467 : i32
    %dma_start3A_1469 = arith.constant 0 : i32
    %dma_start3A_1470 = arith.constant 0 : i32
    %dma_start3A_1471 = tpu.memref_slice %arg6[%dma_start3A_1469, %dma_start3A_1470] : memref<496x128xf32, #tpu.memory_space<vmem>> -> memref<496x128xf32, #tpu.memory_space<vmem>>
    %dma_start3A_1472 = arith.constant 504 : i32
    %dma_start3A_1473 = tpu.memref_slice %arg3[%dma_start3A_1472, %add3A_1468] : memref<1000x16384xf32, #tpu.memory_space<hbm>> -> memref<496x128xf32, #tpu.memory_space<hbm>>
    %dma_start3A_1474 = arith.constant 504 : i32
    %dma_start3A_1475 = tpu.memref_slice %arg3[%dma_start3A_1474, %add3A_1468] : memref<1000x16384xf32, #tpu.memory_space<hbm>> -> memref<496x128xf32, #tpu.memory_space<hbm>>
    %dma_start3A_1476 = arith.constant 0 : i32
    %dma_start3A_1477 = arith.constant 0 : i32
    %dma_start3A_1478 = tpu.memref_slice %arg6[%dma_start3A_1476, %dma_start3A_1477] : memref<496x128xf32, #tpu.memory_space<vmem>> -> memref<496x128xf32, #tpu.memory_space<vmem>>
    tpu.enqueue_dma source(%dma_start3A_1478 : memref<496x128xf32, #tpu.memory_space<vmem>>) target(%dma_start3A_1475 : memref<496x128xf32, #tpu.memory_space<hbm>>) target_semaphore(%arg8 : memref<!tpu.dma_semaphore, #tpu.memory_space<semaphore_mem>>)
    %dma_wait3A_1479 = arith.constant 0 : i32
    %dma_wait3A_1480 = arith.constant 0 : i32
    %dma_wait3A_1481 = tpu.memref_slice %arg5[%dma_wait3A_1479, %dma_wait3A_1480] : memref<504x128xf32, #tpu.memory_space<vmem>> -> memref<504x128xf32, #tpu.memory_space<vmem>>
    %dma_wait3A_1482 = arith.constant 0 : i32
    %dma_wait3A_1483 = tpu.memref_slice %arg3[%dma_wait3A_1482, %add3A_1100] : memref<1000x16384xf32, #tpu.memory_space<hbm>> -> memref<504x128xf32, #tpu.memory_space<hbm>>
    %dma_wait3A_1484 = arith.constant 0 : i32
    %dma_wait3A_1485 = tpu.memref_slice %arg3[%dma_wait3A_1484, %add3A_1100] : memref<1000x16384xf32, #tpu.memory_space<hbm>> -> memref<504x128xf32, #tpu.memory_space<hbm>>
    %dma_wait3A_1486 = arith.constant 0 : i32
    %dma_wait3A_1487 = arith.constant 0 : i32
    %dma_wait3A_1488 = tpu.memref_slice %arg5[%dma_wait3A_1486, %dma_wait3A_1487] : memref<504x128xf32, #tpu.memory_space<vmem>> -> memref<504x128xf32, #tpu.memory_space<vmem>>
    tpu.wait_dma2 semaphore(%arg7 : memref<!tpu.dma_semaphore, #tpu.memory_space<semaphore_mem>>) src(%dma_wait3A_1488 : memref<504x128xf32, #tpu.memory_space<vmem>>) dst(%dma_wait3A_1485 : memref<504x128xf32, #tpu.memory_space<hbm>>)
    %get3A_1489 = arith.constant 128 : index
    %get3A_1490 = tpu.vector_load %arg4[%get3A_1489] {strides = array<i32>} : memref<512xi32, #tpu.memory_space<vmem>>, vector<16xi32>,
    %sub3A_1491 = arith.constant 0 : i32
    %sub3A_1492 = vector.broadcast %sub3A_1491 : i32 to vector<16xi32>
    %sub3A_1493 = arith.subi %get3A_1490, %sub3A_1492 : vector<16xi32>
    %jit3A_1494 = arith.constant 0 : i32
    %jit3A_1495 = arith.constant 503 : i32
    %max3A_1496 = vector.broadcast %jit3A_1494 : i32 to vector<16xi32>
    %max3A_1497 = arith.maxsi %max3A_1496, %sub3A_1493 : vector<16xi32>
    %min3A_1498 = vector.broadcast %jit3A_1495 : i32 to vector<16xi32>
    %min3A_1499 = arith.minsi %min3A_1498, %max3A_1497 : vector<16xi32>
    %ge3A_1500 = arith.constant 0 : i32
    %ge3A_1501 = vector.broadcast %ge3A_1500 : i32 to vector<16xi32>
    %ge3A_1502 = arith.cmpi sge, %get3A_1490, %ge3A_1501 : vector<16xi32>
    %lt3A_1503 = arith.constant 504 : i32
    %lt3A_1504 = vector.broadcast %lt3A_1503 : i32 to vector<16xi32>
    %lt3A_1505 = arith.cmpi slt, %get3A_1490, %lt3A_1504 : vector<16xi32>
    %and3A_1506 = arith.andi %ge3A_1502, %lt3A_1505 : vector<16xi1>
    %add3A_1507 = arith.constant 0 : i32
    %add3A_1508 = vector.broadcast %add3A_1507 : i32 to vector<16xi32>
    %add3A_1509 = arith.addi %add3A_1508, %iota3A : vector<16xi32>
    tpu.vector_store_idx %arg5[%min3A_1499, %add3A_1509], %broadcast_in_dim3A_4 masked %and3A_1506 : memref<504x128xf32, #tpu.memory_space<vmem>>[vector<16xi32>, vector<16xi32>], vector<16xf32>, vector<16xi1>
    %get3A_1510 = arith.constant 144 : index
    %get3A_1511 = tpu.vector_load %arg4[%get3A_1510] {strides = array<i32>} : memref<512xi32, #tpu.memory_space<vmem>>, vector<16xi32>,
    %sub3A_1512 = arith.constant 0 : i32
    %sub3A_1513 = vector.broadcast %sub3A_1512 : i32 to vector<16xi32>
    %sub3A_1514 = arith.subi %get3A_1511, %sub3A_1513 : vector<16xi32>
    %jit3A_1515 = arith.constant 0 : i32
    %jit3A_1516 = arith.constant 503 : i32
    %max3A_1517 = vector.broadcast %jit3A_1515 : i32 to vector<16xi32>
    %max3A_1518 = arith.maxsi %max3A_1517, %sub3A_1514 : vector<16xi32>
    %min3A_1519 = vector.broadcast %jit3A_1516 : i32 to vector<16xi32>
    %min3A_1520 = arith.minsi %min3A_1519, %max3A_1518 : vector<16xi32>
    %ge3A_1521 = arith.constant 0 : i32
    %ge3A_1522 = vector.broadcast %ge3A_1521 : i32 to vector<16xi32>
    %ge3A_1523 = arith.cmpi sge, %get3A_1511, %ge3A_1522 : vector<16xi32>
    %lt3A_1524 = arith.constant 504 : i32
    %lt3A_1525 = vector.broadcast %lt3A_1524 : i32 to vector<16xi32>
    %lt3A_1526 = arith.cmpi slt, %get3A_1511, %lt3A_1525 : vector<16xi32>
    %and3A_1527 = arith.andi %ge3A_1523, %lt3A_1526 : vector<16xi1>
    %add3A_1528 = arith.constant 16 : i32
    %add3A_1529 = vector.broadcast %add3A_1528 : i32 to vector<16xi32>
    %add3A_1530 = arith.addi %add3A_1529, %iota3A : vector<16xi32>
    tpu.vector_store_idx %arg5[%min3A_1520, %add3A_1530], %broadcast_in_dim3A_4 masked %and3A_1527 : memref<504x128xf32, #tpu.memory_space<vmem>>[vector<16xi32>, vector<16xi32>], vector<16xf32>, vector<16xi1>
    %get3A_1531 = arith.constant 160 : index
    %get3A_1532 = tpu.vector_load %arg4[%get3A_1531] {strides = array<i32>} : memref<512xi32, #tpu.memory_space<vmem>>, vector<16xi32>,
    %sub3A_1533 = arith.constant 0 : i32
    %sub3A_1534 = vector.broadcast %sub3A_1533 : i32 to vector<16xi32>
    %sub3A_1535 = arith.subi %get3A_1532, %sub3A_1534 : vector<16xi32>
    %jit3A_1536 = arith.constant 0 : i32
    %jit3A_1537 = arith.constant 503 : i32
    %max3A_1538 = vector.broadcast %jit3A_1536 : i32 to vector<16xi32>
    %max3A_1539 = arith.maxsi %max3A_1538, %sub3A_1535 : vector<16xi32>
    %min3A_1540 = vector.broadcast %jit3A_1537 : i32 to vector<16xi32>
    %min3A_1541 = arith.minsi %min3A_1540, %max3A_1539 : vector<16xi32>
    %ge3A_1542 = arith.constant 0 : i32
    %ge3A_1543 = vector.broadcast %ge3A_1542 : i32 to vector<16xi32>
    %ge3A_1544 = arith.cmpi sge, %get3A_1532, %ge3A_1543 : vector<16xi32>
    %lt3A_1545 = arith.constant 504 : i32
    %lt3A_1546 = vector.broadcast %lt3A_1545 : i32 to vector<16xi32>
    %lt3A_1547 = arith.cmpi slt, %get3A_1532, %lt3A_1546 : vector<16xi32>
    %and3A_1548 = arith.andi %ge3A_1544, %lt3A_1547 : vector<16xi1>
    %add3A_1549 = arith.constant 32 : i32
    %add3A_1550 = vector.broadcast %add3A_1549 : i32 to vector<16xi32>
    %add3A_1551 = arith.addi %add3A_1550, %iota3A : vector<16xi32>
    tpu.vector_store_idx %arg5[%min3A_1541, %add3A_1551], %broadcast_in_dim3A_4 masked %and3A_1548 : memref<504x128xf32, #tpu.memory_space<vmem>>[vector<16xi32>, vector<16xi32>], vector<16xf32>, vector<16xi1>
    %get3A_1552 = arith.constant 176 : index
    %get3A_1553 = tpu.vector_load %arg4[%get3A_1552] {strides = array<i32>} : memref<512xi32, #tpu.memory_space<vmem>>, vector<16xi32>,
    %sub3A_1554 = arith.constant 0 : i32
    %sub3A_1555 = vector.broadcast %sub3A_1554 : i32 to vector<16xi32>
    %sub3A_1556 = arith.subi %get3A_1553, %sub3A_1555 : vector<16xi32>
    %jit3A_1557 = arith.constant 0 : i32
    %jit3A_1558 = arith.constant 503 : i32
    %max3A_1559 = vector.broadcast %jit3A_1557 : i32 to vector<16xi32>
    %max3A_1560 = arith.maxsi %max3A_1559, %sub3A_1556 : vector<16xi32>
    %min3A_1561 = vector.broadcast %jit3A_1558 : i32 to vector<16xi32>
    %min3A_1562 = arith.minsi %min3A_1561, %max3A_1560 : vector<16xi32>
    %ge3A_1563 = arith.constant 0 : i32
    %ge3A_1564 = vector.broadcast %ge3A_1563 : i32 to vector<16xi32>
    %ge3A_1565 = arith.cmpi sge, %get3A_1553, %ge3A_1564 : vector<16xi32>
    %lt3A_1566 = arith.constant 504 : i32
    %lt3A_1567 = vector.broadcast %lt3A_1566 : i32 to vector<16xi32>
    %lt3A_1568 = arith.cmpi slt, %get3A_1553, %lt3A_1567 : vector<16xi32>
    %and3A_1569 = arith.andi %ge3A_1565, %lt3A_1568 : vector<16xi1>
    %add3A_1570 = arith.constant 48 : i32
    %add3A_1571 = vector.broadcast %add3A_1570 : i32 to vector<16xi32>
    %add3A_1572 = arith.addi %add3A_1571, %iota3A : vector<16xi32>
    tpu.vector_store_idx %arg5[%min3A_1562, %add3A_1572], %broadcast_in_dim3A_4 masked %and3A_1569 : memref<504x128xf32, #tpu.memory_space<vmem>>[vector<16xi32>, vector<16xi32>], vector<16xf32>, vector<16xi1>
    %get3A_1573 = arith.constant 192 : index
    %get3A_1574 = tpu.vector_load %arg4[%get3A_1573] {strides = array<i32>} : memref<512xi32, #tpu.memory_space<vmem>>, vector<16xi32>,
    %sub3A_1575 = arith.constant 0 : i32
    %sub3A_1576 = vector.broadcast %sub3A_1575 : i32 to vector<16xi32>
    %sub3A_1577 = arith.subi %get3A_1574, %sub3A_1576 : vector<16xi32>
    %jit3A_1578 = arith.constant 0 : i32
    %jit3A_1579 = arith.constant 503 : i32
    %max3A_1580 = vector.broadcast %jit3A_1578 : i32 to vector<16xi32>
    %max3A_1581 = arith.maxsi %max3A_1580, %sub3A_1577 : vector<16xi32>
    %min3A_1582 = vector.broadcast %jit3A_1579 : i32 to vector<16xi32>
    %min3A_1583 = arith.minsi %min3A_1582, %max3A_1581 : vector<16xi32>
    %ge3A_1584 = arith.constant 0 : i32
    %ge3A_1585 = vector.broadcast %ge3A_1584 : i32 to vector<16xi32>
    %ge3A_1586 = arith.cmpi sge, %get3A_1574, %ge3A_1585 : vector<16xi32>
    %lt3A_1587 = arith.constant 504 : i32
    %lt3A_1588 = vector.broadcast %lt3A_1587 : i32 to vector<16xi32>
    %lt3A_1589 = arith.cmpi slt, %get3A_1574, %lt3A_1588 : vector<16xi32>
    %and3A_1590 = arith.andi %ge3A_1586, %lt3A_1589 : vector<16xi1>
    %add3A_1591 = arith.constant 64 : i32
    %add3A_1592 = vector.broadcast %add3A_1591 : i32 to vector<16xi32>
    %add3A_1593 = arith.addi %add3A_1592, %iota3A : vector<16xi32>
    tpu.vector_store_idx %arg5[%min3A_1583, %add3A_1593], %broadcast_in_dim3A_4 masked %and3A_1590 : memref<504x128xf32, #tpu.memory_space<vmem>>[vector<16xi32>, vector<16xi32>], vector<16xf32>, vector<16xi1>
    %get3A_1594 = arith.constant 208 : index
    %get3A_1595 = tpu.vector_load %arg4[%get3A_1594] {strides = array<i32>} : memref<512xi32, #tpu.memory_space<vmem>>, vector<16xi32>,
    %sub3A_1596 = arith.constant 0 : i32
    %sub3A_1597 = vector.broadcast %sub3A_1596 : i32 to vector<16xi32>
    %sub3A_1598 = arith.subi %get3A_1595, %sub3A_1597 : vector<16xi32>
    %jit3A_1599 = arith.constant 0 : i32
    %jit3A_1600 = arith.constant 503 : i32
    %max3A_1601 = vector.broadcast %jit3A_1599 : i32 to vector<16xi32>
    %max3A_1602 = arith.maxsi %max3A_1601, %sub3A_1598 : vector<16xi32>
    %min3A_1603 = vector.broadcast %jit3A_1600 : i32 to vector<16xi32>
    %min3A_1604 = arith.minsi %min3A_1603, %max3A_1602 : vector<16xi32>
    %ge3A_1605 = arith.constant 0 : i32
    %ge3A_1606 = vector.broadcast %ge3A_1605 : i32 to vector<16xi32>
    %ge3A_1607 = arith.cmpi sge, %get3A_1595, %ge3A_1606 : vector<16xi32>
    %lt3A_1608 = arith.constant 504 : i32
    %lt3A_1609 = vector.broadcast %lt3A_1608 : i32 to vector<16xi32>
    %lt3A_1610 = arith.cmpi slt, %get3A_1595, %lt3A_1609 : vector<16xi32>
    %and3A_1611 = arith.andi %ge3A_1607, %lt3A_1610 : vector<16xi1>
    %add3A_1612 = arith.constant 80 : i32
    %add3A_1613 = vector.broadcast %add3A_1612 : i32 to vector<16xi32>
    %add3A_1614 = arith.addi %add3A_1613, %iota3A : vector<16xi32>
    tpu.vector_store_idx %arg5[%min3A_1604, %add3A_1614], %broadcast_in_dim3A_4 masked %and3A_1611 : memref<504x128xf32, #tpu.memory_space<vmem>>[vector<16xi32>, vector<16xi32>], vector<16xf32>, vector<16xi1>
    %get3A_1615 = arith.constant 224 : index
    %get3A_1616 = tpu.vector_load %arg4[%get3A_1615] {strides = array<i32>} : memref<512xi32, #tpu.memory_space<vmem>>, vector<16xi32>,
    %sub3A_1617 = arith.constant 0 : i32
    %sub3A_1618 = vector.broadcast %sub3A_1617 : i32 to vector<16xi32>
    %sub3A_1619 = arith.subi %get3A_1616, %sub3A_1618 : vector<16xi32>
    %jit3A_1620 = arith.constant 0 : i32
    %jit3A_1621 = arith.constant 503 : i32
    %max3A_1622 = vector.broadcast %jit3A_1620 : i32 to vector<16xi32>
    %max3A_1623 = arith.maxsi %max3A_1622, %sub3A_1619 : vector<16xi32>
    %min3A_1624 = vector.broadcast %jit3A_1621 : i32 to vector<16xi32>
    %min3A_1625 = arith.minsi %min3A_1624, %max3A_1623 : vector<16xi32>
    %ge3A_1626 = arith.constant 0 : i32
    %ge3A_1627 = vector.broadcast %ge3A_1626 : i32 to vector<16xi32>
    %ge3A_1628 = arith.cmpi sge, %get3A_1616, %ge3A_1627 : vector<16xi32>
    %lt3A_1629 = arith.constant 504 : i32
    %lt3A_1630 = vector.broadcast %lt3A_1629 : i32 to vector<16xi32>
    %lt3A_1631 = arith.cmpi slt, %get3A_1616, %lt3A_1630 : vector<16xi32>
    %and3A_1632 = arith.andi %ge3A_1628, %lt3A_1631 : vector<16xi1>
    %add3A_1633 = arith.constant 96 : i32
    %add3A_1634 = vector.broadcast %add3A_1633 : i32 to vector<16xi32>
    %add3A_1635 = arith.addi %add3A_1634, %iota3A : vector<16xi32>
    tpu.vector_store_idx %arg5[%min3A_1625, %add3A_1635], %broadcast_in_dim3A_4 masked %and3A_1632 : memref<504x128xf32, #tpu.memory_space<vmem>>[vector<16xi32>, vector<16xi32>], vector<16xf32>, vector<16xi1>
    %get3A_1636 = arith.constant 240 : index
    %get3A_1637 = tpu.vector_load %arg4[%get3A_1636] {strides = array<i32>} : memref<512xi32, #tpu.memory_space<vmem>>, vector<16xi32>,
    %sub3A_1638 = arith.constant 0 : i32
    %sub3A_1639 = vector.broadcast %sub3A_1638 : i32 to vector<16xi32>
    %sub3A_1640 = arith.subi %get3A_1637, %sub3A_1639 : vector<16xi32>
    %jit3A_1641 = arith.constant 0 : i32
    %jit3A_1642 = arith.constant 503 : i32
    %max3A_1643 = vector.broadcast %jit3A_1641 : i32 to vector<16xi32>
    %max3A_1644 = arith.maxsi %max3A_1643, %sub3A_1640 : vector<16xi32>
    %min3A_1645 = vector.broadcast %jit3A_1642 : i32 to vector<16xi32>
    %min3A_1646 = arith.minsi %min3A_1645, %max3A_1644 : vector<16xi32>
    %ge3A_1647 = arith.constant 0 : i32
    %ge3A_1648 = vector.broadcast %ge3A_1647 : i32 to vector<16xi32>
    %ge3A_1649 = arith.cmpi sge, %get3A_1637, %ge3A_1648 : vector<16xi32>
    %lt3A_1650 = arith.constant 504 : i32
    %lt3A_1651 = vector.broadcast %lt3A_1650 : i32 to vector<16xi32>
    %lt3A_1652 = arith.cmpi slt, %get3A_1637, %lt3A_1651 : vector<16xi32>
    %and3A_1653 = arith.andi %ge3A_1649, %lt3A_1652 : vector<16xi1>
    %add3A_1654 = arith.constant 112 : i32
    %add3A_1655 = vector.broadcast %add3A_1654 : i32 to vector<16xi32>
    %add3A_1656 = arith.addi %add3A_1655, %iota3A : vector<16xi32>
    tpu.vector_store_idx %arg5[%min3A_1646, %add3A_1656], %broadcast_in_dim3A_4 masked %and3A_1653 : memref<504x128xf32, #tpu.memory_space<vmem>>[vector<16xi32>, vector<16xi32>], vector<16xf32>, vector<16xi1>
    %get3A_1657 = arith.constant 256 : index
    %get3A_1658 = tpu.vector_load %arg4[%get3A_1657] {strides = array<i32>} : memref<512xi32, #tpu.memory_space<vmem>>, vector<16xi32>,
    %sub3A_1659 = arith.constant 0 : i32
    %sub3A_1660 = vector.broadcast %sub3A_1659 : i32 to vector<16xi32>
    %sub3A_1661 = arith.subi %get3A_1658, %sub3A_1660 : vector<16xi32>
    %jit3A_1662 = arith.constant 0 : i32
    %jit3A_1663 = arith.constant 503 : i32
    %max3A_1664 = vector.broadcast %jit3A_1662 : i32 to vector<16xi32>
    %max3A_1665 = arith.maxsi %max3A_1664, %sub3A_1661 : vector<16xi32>
    %min3A_1666 = vector.broadcast %jit3A_1663 : i32 to vector<16xi32>
    %min3A_1667 = arith.minsi %min3A_1666, %max3A_1665 : vector<16xi32>
    %ge3A_1668 = arith.constant 0 : i32
    %ge3A_1669 = vector.broadcast %ge3A_1668 : i32 to vector<16xi32>
    %ge3A_1670 = arith.cmpi sge, %get3A_1658, %ge3A_1669 : vector<16xi32>
    %lt3A_1671 = arith.constant 504 : i32
    %lt3A_1672 = vector.broadcast %lt3A_1671 : i32 to vector<16xi32>
    %lt3A_1673 = arith.cmpi slt, %get3A_1658, %lt3A_1672 : vector<16xi32>
    %and3A_1674 = arith.andi %ge3A_1670, %lt3A_1673 : vector<16xi1>
    %add3A_1675 = arith.constant 0 : i32
    %add3A_1676 = vector.broadcast %add3A_1675 : i32 to vector<16xi32>
    %add3A_1677 = arith.addi %add3A_1676, %iota3A : vector<16xi32>
    tpu.vector_store_idx %arg5[%min3A_1667, %add3A_1677], %broadcast_in_dim3A_6 masked %and3A_1674 : memref<504x128xf32, #tpu.memory_space<vmem>>[vector<16xi32>, vector<16xi32>], vector<16xf32>, vector<16xi1>
    %get3A_1678 = arith.constant 272 : index
    %get3A_1679 = tpu.vector_load %arg4[%get3A_1678] {strides = array<i32>} : memref<512xi32, #tpu.memory_space<vmem>>, vector<16xi32>,
    %sub3A_1680 = arith.constant 0 : i32
    %sub3A_1681 = vector.broadcast %sub3A_1680 : i32 to vector<16xi32>
    %sub3A_1682 = arith.subi %get3A_1679, %sub3A_1681 : vector<16xi32>
    %jit3A_1683 = arith.constant 0 : i32
    %jit3A_1684 = arith.constant 503 : i32
    %max3A_1685 = vector.broadcast %jit3A_1683 : i32 to vector<16xi32>
    %max3A_1686 = arith.maxsi %max3A_1685, %sub3A_1682 : vector<16xi32>
    %min3A_1687 = vector.broadcast %jit3A_1684 : i32 to vector<16xi32>
    %min3A_1688 = arith.minsi %min3A_1687, %max3A_1686 : vector<16xi32>
    %ge3A_1689 = arith.constant 0 : i32
    %ge3A_1690 = vector.broadcast %ge3A_1689 : i32 to vector<16xi32>
    %ge3A_1691 = arith.cmpi sge, %get3A_1679, %ge3A_1690 : vector<16xi32>
    %lt3A_1692 = arith.constant 504 : i32
    %lt3A_1693 = vector.broadcast %lt3A_1692 : i32 to vector<16xi32>
    %lt3A_1694 = arith.cmpi slt, %get3A_1679, %lt3A_1693 : vector<16xi32>
    %and3A_1695 = arith.andi %ge3A_1691, %lt3A_1694 : vector<16xi1>
    %add3A_1696 = arith.constant 16 : i32
    %add3A_1697 = vector.broadcast %add3A_1696 : i32 to vector<16xi32>
    %add3A_1698 = arith.addi %add3A_1697, %iota3A : vector<16xi32>
    tpu.vector_store_idx %arg5[%min3A_1688, %add3A_1698], %broadcast_in_dim3A_6 masked %and3A_1695 : memref<504x128xf32, #tpu.memory_space<vmem>>[vector<16xi32>, vector<16xi32>], vector<16xf32>, vector<16xi1>
    %get3A_1699 = arith.constant 288 : index
    %get3A_1700 = tpu.vector_load %arg4[%get3A_1699] {strides = array<i32>} : memref<512xi32, #tpu.memory_space<vmem>>, vector<16xi32>,
    %sub3A_1701 = arith.constant 0 : i32
    %sub3A_1702 = vector.broadcast %sub3A_1701 : i32 to vector<16xi32>
    %sub3A_1703 = arith.subi %get3A_1700, %sub3A_1702 : vector<16xi32>
    %jit3A_1704 = arith.constant 0 : i32
    %jit3A_1705 = arith.constant 503 : i32
    %max3A_1706 = vector.broadcast %jit3A_1704 : i32 to vector<16xi32>
    %max3A_1707 = arith.maxsi %max3A_1706, %sub3A_1703 : vector<16xi32>
    %min3A_1708 = vector.broadcast %jit3A_1705 : i32 to vector<16xi32>
    %min3A_1709 = arith.minsi %min3A_1708, %max3A_1707 : vector<16xi32>
    %ge3A_1710 = arith.constant 0 : i32
    %ge3A_1711 = vector.broadcast %ge3A_1710 : i32 to vector<16xi32>
    %ge3A_1712 = arith.cmpi sge, %get3A_1700, %ge3A_1711 : vector<16xi32>
    %lt3A_1713 = arith.constant 504 : i32
    %lt3A_1714 = vector.broadcast %lt3A_1713 : i32 to vector<16xi32>
    %lt3A_1715 = arith.cmpi slt, %get3A_1700, %lt3A_1714 : vector<16xi32>
    %and3A_1716 = arith.andi %ge3A_1712, %lt3A_1715 : vector<16xi1>
    %add3A_1717 = arith.constant 32 : i32
    %add3A_1718 = vector.broadcast %add3A_1717 : i32 to vector<16xi32>
    %add3A_1719 = arith.addi %add3A_1718, %iota3A : vector<16xi32>
    tpu.vector_store_idx %arg5[%min3A_1709, %add3A_1719], %broadcast_in_dim3A_6 masked %and3A_1716 : memref<504x128xf32, #tpu.memory_space<vmem>>[vector<16xi32>, vector<16xi32>], vector<16xf32>, vector<16xi1>
    %get3A_1720 = arith.constant 304 : index
    %get3A_1721 = tpu.vector_load %arg4[%get3A_1720] {strides = array<i32>} : memref<512xi32, #tpu.memory_space<vmem>>, vector<16xi32>,
    %sub3A_1722 = arith.constant 0 : i32
    %sub3A_1723 = vector.broadcast %sub3A_1722 : i32 to vector<16xi32>
    %sub3A_1724 = arith.subi %get3A_1721, %sub3A_1723 : vector<16xi32>
    %jit3A_1725 = arith.constant 0 : i32
    %jit3A_1726 = arith.constant 503 : i32
    %max3A_1727 = vector.broadcast %jit3A_1725 : i32 to vector<16xi32>
    %max3A_1728 = arith.maxsi %max3A_1727, %sub3A_1724 : vector<16xi32>
    %min3A_1729 = vector.broadcast %jit3A_1726 : i32 to vector<16xi32>
    %min3A_1730 = arith.minsi %min3A_1729, %max3A_1728 : vector<16xi32>
    %ge3A_1731 = arith.constant 0 : i32
    %ge3A_1732 = vector.broadcast %ge3A_1731 : i32 to vector<16xi32>
    %ge3A_1733 = arith.cmpi sge, %get3A_1721, %ge3A_1732 : vector<16xi32>
    %lt3A_1734 = arith.constant 504 : i32
    %lt3A_1735 = vector.broadcast %lt3A_1734 : i32 to vector<16xi32>
    %lt3A_1736 = arith.cmpi slt, %get3A_1721, %lt3A_1735 : vector<16xi32>
    %and3A_1737 = arith.andi %ge3A_1733, %lt3A_1736 : vector<16xi1>
    %add3A_1738 = arith.constant 48 : i32
    %add3A_1739 = vector.broadcast %add3A_1738 : i32 to vector<16xi32>
    %add3A_1740 = arith.addi %add3A_1739, %iota3A : vector<16xi32>
    tpu.vector_store_idx %arg5[%min3A_1730, %add3A_1740], %broadcast_in_dim3A_6 masked %and3A_1737 : memref<504x128xf32, #tpu.memory_space<vmem>>[vector<16xi32>, vector<16xi32>], vector<16xf32>, vector<16xi1>
    %get3A_1741 = arith.constant 320 : index
    %get3A_1742 = tpu.vector_load %arg4[%get3A_1741] {strides = array<i32>} : memref<512xi32, #tpu.memory_space<vmem>>, vector<16xi32>,
    %sub3A_1743 = arith.constant 0 : i32
    %sub3A_1744 = vector.broadcast %sub3A_1743 : i32 to vector<16xi32>
    %sub3A_1745 = arith.subi %get3A_1742, %sub3A_1744 : vector<16xi32>
    %jit3A_1746 = arith.constant 0 : i32
    %jit3A_1747 = arith.constant 503 : i32
    %max3A_1748 = vector.broadcast %jit3A_1746 : i32 to vector<16xi32>
    %max3A_1749 = arith.maxsi %max3A_1748, %sub3A_1745 : vector<16xi32>
    %min3A_1750 = vector.broadcast %jit3A_1747 : i32 to vector<16xi32>
    %min3A_1751 = arith.minsi %min3A_1750, %max3A_1749 : vector<16xi32>
    %ge3A_1752 = arith.constant 0 : i32
    %ge3A_1753 = vector.broadcast %ge3A_1752 : i32 to vector<16xi32>
    %ge3A_1754 = arith.cmpi sge, %get3A_1742, %ge3A_1753 : vector<16xi32>
    %lt3A_1755 = arith.constant 504 : i32
    %lt3A_1756 = vector.broadcast %lt3A_1755 : i32 to vector<16xi32>
    %lt3A_1757 = arith.cmpi slt, %get3A_1742, %lt3A_1756 : vector<16xi32>
    %and3A_1758 = arith.andi %ge3A_1754, %lt3A_1757 : vector<16xi1>
    %add3A_1759 = arith.constant 64 : i32
    %add3A_1760 = vector.broadcast %add3A_1759 : i32 to vector<16xi32>
    %add3A_1761 = arith.addi %add3A_1760, %iota3A : vector<16xi32>
    tpu.vector_store_idx %arg5[%min3A_1751, %add3A_1761], %broadcast_in_dim3A_6 masked %and3A_1758 : memref<504x128xf32, #tpu.memory_space<vmem>>[vector<16xi32>, vector<16xi32>], vector<16xf32>, vector<16xi1>
    %get3A_1762 = arith.constant 336 : index
    %get3A_1763 = tpu.vector_load %arg4[%get3A_1762] {strides = array<i32>} : memref<512xi32, #tpu.memory_space<vmem>>, vector<16xi32>,
    %sub3A_1764 = arith.constant 0 : i32
    %sub3A_1765 = vector.broadcast %sub3A_1764 : i32 to vector<16xi32>
    %sub3A_1766 = arith.subi %get3A_1763, %sub3A_1765 : vector<16xi32>
    %jit3A_1767 = arith.constant 0 : i32
    %jit3A_1768 = arith.constant 503 : i32
    %max3A_1769 = vector.broadcast %jit3A_1767 : i32 to vector<16xi32>
    %max3A_1770 = arith.maxsi %max3A_1769, %sub3A_1766 : vector<16xi32>
    %min3A_1771 = vector.broadcast %jit3A_1768 : i32 to vector<16xi32>
    %min3A_1772 = arith.minsi %min3A_1771, %max3A_1770 : vector<16xi32>
    %ge3A_1773 = arith.constant 0 : i32
    %ge3A_1774 = vector.broadcast %ge3A_1773 : i32 to vector<16xi32>
    %ge3A_1775 = arith.cmpi sge, %get3A_1763, %ge3A_1774 : vector<16xi32>
    %lt3A_1776 = arith.constant 504 : i32
    %lt3A_1777 = vector.broadcast %lt3A_1776 : i32 to vector<16xi32>
    %lt3A_1778 = arith.cmpi slt, %get3A_1763, %lt3A_1777 : vector<16xi32>
    %and3A_1779 = arith.andi %ge3A_1775, %lt3A_1778 : vector<16xi1>
    %add3A_1780 = arith.constant 80 : i32
    %add3A_1781 = vector.broadcast %add3A_1780 : i32 to vector<16xi32>
    %add3A_1782 = arith.addi %add3A_1781, %iota3A : vector<16xi32>
    tpu.vector_store_idx %arg5[%min3A_1772, %add3A_1782], %broadcast_in_dim3A_6 masked %and3A_1779 : memref<504x128xf32, #tpu.memory_space<vmem>>[vector<16xi32>, vector<16xi32>], vector<16xf32>, vector<16xi1>
    %get3A_1783 = arith.constant 352 : index
    %get3A_1784 = tpu.vector_load %arg4[%get3A_1783] {strides = array<i32>} : memref<512xi32, #tpu.memory_space<vmem>>, vector<16xi32>,
    %sub3A_1785 = arith.constant 0 : i32
    %sub3A_1786 = vector.broadcast %sub3A_1785 : i32 to vector<16xi32>
    %sub3A_1787 = arith.subi %get3A_1784, %sub3A_1786 : vector<16xi32>
    %jit3A_1788 = arith.constant 0 : i32
    %jit3A_1789 = arith.constant 503 : i32
    %max3A_1790 = vector.broadcast %jit3A_1788 : i32 to vector<16xi32>
    %max3A_1791 = arith.maxsi %max3A_1790, %sub3A_1787 : vector<16xi32>
    %min3A_1792 = vector.broadcast %jit3A_1789 : i32 to vector<16xi32>
    %min3A_1793 = arith.minsi %min3A_1792, %max3A_1791 : vector<16xi32>
    %ge3A_1794 = arith.constant 0 : i32
    %ge3A_1795 = vector.broadcast %ge3A_1794 : i32 to vector<16xi32>
    %ge3A_1796 = arith.cmpi sge, %get3A_1784, %ge3A_1795 : vector<16xi32>
    %lt3A_1797 = arith.constant 504 : i32
    %lt3A_1798 = vector.broadcast %lt3A_1797 : i32 to vector<16xi32>
    %lt3A_1799 = arith.cmpi slt, %get3A_1784, %lt3A_1798 : vector<16xi32>
    %and3A_1800 = arith.andi %ge3A_1796, %lt3A_1799 : vector<16xi1>
    %add3A_1801 = arith.constant 96 : i32
    %add3A_1802 = vector.broadcast %add3A_1801 : i32 to vector<16xi32>
    %add3A_1803 = arith.addi %add3A_1802, %iota3A : vector<16xi32>
    tpu.vector_store_idx %arg5[%min3A_1793, %add3A_1803], %broadcast_in_dim3A_6 masked %and3A_1800 : memref<504x128xf32, #tpu.memory_space<vmem>>[vector<16xi32>, vector<16xi32>], vector<16xf32>, vector<16xi1>
    %get3A_1804 = arith.constant 368 : index
    %get3A_1805 = tpu.vector_load %arg4[%get3A_1804] {strides = array<i32>} : memref<512xi32, #tpu.memory_space<vmem>>, vector<16xi32>,
    %sub3A_1806 = arith.constant 0 : i32
    %sub3A_1807 = vector.broadcast %sub3A_1806 : i32 to vector<16xi32>
    %sub3A_1808 = arith.subi %get3A_1805, %sub3A_1807 : vector<16xi32>
    %jit3A_1809 = arith.constant 0 : i32
    %jit3A_1810 = arith.constant 503 : i32
    %max3A_1811 = vector.broadcast %jit3A_1809 : i32 to vector<16xi32>
    %max3A_1812 = arith.maxsi %max3A_1811, %sub3A_1808 : vector<16xi32>
    %min3A_1813 = vector.broadcast %jit3A_1810 : i32 to vector<16xi32>
    %min3A_1814 = arith.minsi %min3A_1813, %max3A_1812 : vector<16xi32>
    %ge3A_1815 = arith.constant 0 : i32
    %ge3A_1816 = vector.broadcast %ge3A_1815 : i32 to vector<16xi32>
    %ge3A_1817 = arith.cmpi sge, %get3A_1805, %ge3A_1816 : vector<16xi32>
    %lt3A_1818 = arith.constant 504 : i32
    %lt3A_1819 = vector.broadcast %lt3A_1818 : i32 to vector<16xi32>
    %lt3A_1820 = arith.cmpi slt, %get3A_1805, %lt3A_1819 : vector<16xi32>
    %and3A_1821 = arith.andi %ge3A_1817, %lt3A_1820 : vector<16xi1>
    %add3A_1822 = arith.constant 112 : i32
    %add3A_1823 = vector.broadcast %add3A_1822 : i32 to vector<16xi32>
    %add3A_1824 = arith.addi %add3A_1823, %iota3A : vector<16xi32>
    tpu.vector_store_idx %arg5[%min3A_1814, %add3A_1824], %broadcast_in_dim3A_6 masked %and3A_1821 : memref<504x128xf32, #tpu.memory_space<vmem>>[vector<16xi32>, vector<16xi32>], vector<16xf32>, vector<16xi1>
    %add3A_1825 = arith.constant 256 : i32
    %add3A_1826 = arith.addi %mul3A_2, %add3A_1825 : i32
    %dma_start3A_1827 = arith.constant 0 : i32
    %dma_start3A_1828 = arith.constant 0 : i32
    %dma_start3A_1829 = tpu.memref_slice %arg5[%dma_start3A_1827, %dma_start3A_1828] : memref<504x128xf32, #tpu.memory_space<vmem>> -> memref<504x128xf32, #tpu.memory_space<vmem>>
    %dma_start3A_1830 = arith.constant 0 : i32
    %dma_start3A_1831 = tpu.memref_slice %arg3[%dma_start3A_1830, %add3A_1826] : memref<1000x16384xf32, #tpu.memory_space<hbm>> -> memref<504x128xf32, #tpu.memory_space<hbm>>
    %dma_start3A_1832 = arith.constant 0 : i32
    %dma_start3A_1833 = tpu.memref_slice %arg3[%dma_start3A_1832, %add3A_1826] : memref<1000x16384xf32, #tpu.memory_space<hbm>> -> memref<504x128xf32, #tpu.memory_space<hbm>>
    %dma_start3A_1834 = arith.constant 0 : i32
    %dma_start3A_1835 = arith.constant 0 : i32
    %dma_start3A_1836 = tpu.memref_slice %arg5[%dma_start3A_1834, %dma_start3A_1835] : memref<504x128xf32, #tpu.memory_space<vmem>> -> memref<504x128xf32, #tpu.memory_space<vmem>>
    tpu.enqueue_dma source(%dma_start3A_1836 : memref<504x128xf32, #tpu.memory_space<vmem>>) target(%dma_start3A_1833 : memref<504x128xf32, #tpu.memory_space<hbm>>) target_semaphore(%arg7 : memref<!tpu.dma_semaphore, #tpu.memory_space<semaphore_mem>>)
    %dma_wait3A_1837 = arith.constant 0 : i32
    %dma_wait3A_1838 = arith.constant 0 : i32
    %dma_wait3A_1839 = tpu.memref_slice %arg6[%dma_wait3A_1837, %dma_wait3A_1838] : memref<496x128xf32, #tpu.memory_space<vmem>> -> memref<496x128xf32, #tpu.memory_space<vmem>>
    %dma_wait3A_1840 = arith.constant 504 : i32
    %dma_wait3A_1841 = tpu.memref_slice %arg3[%dma_wait3A_1840, %add3A_1468] : memref<1000x16384xf32, #tpu.memory_space<hbm>> -> memref<496x128xf32, #tpu.memory_space<hbm>>
    %dma_wait3A_1842 = arith.constant 504 : i32
    %dma_wait3A_1843 = tpu.memref_slice %arg3[%dma_wait3A_1842, %add3A_1468] : memref<1000x16384xf32, #tpu.memory_space<hbm>> -> memref<496x128xf32, #tpu.memory_space<hbm>>
    %dma_wait3A_1844 = arith.constant 0 : i32
    %dma_wait3A_1845 = arith.constant 0 : i32
    %dma_wait3A_1846 = tpu.memref_slice %arg6[%dma_wait3A_1844, %dma_wait3A_1845] : memref<496x128xf32, #tpu.memory_space<vmem>> -> memref<496x128xf32, #tpu.memory_space<vmem>>
    tpu.wait_dma2 semaphore(%arg8 : memref<!tpu.dma_semaphore, #tpu.memory_space<semaphore_mem>>) src(%dma_wait3A_1846 : memref<496x128xf32, #tpu.memory_space<vmem>>) dst(%dma_wait3A_1843 : memref<496x128xf32, #tpu.memory_space<hbm>>)
    %get3A_1847 = arith.constant 128 : index
    %get3A_1848 = tpu.vector_load %arg4[%get3A_1847] {strides = array<i32>} : memref<512xi32, #tpu.memory_space<vmem>>, vector<16xi32>,
    %sub3A_1849 = arith.constant 504 : i32
    %sub3A_1850 = vector.broadcast %sub3A_1849 : i32 to vector<16xi32>
    %sub3A_1851 = arith.subi %get3A_1848, %sub3A_1850 : vector<16xi32>
    %jit3A_1852 = arith.constant 0 : i32
    %jit3A_1853 = arith.constant 495 : i32
    %max3A_1854 = vector.broadcast %jit3A_1852 : i32 to vector<16xi32>
    %max3A_1855 = arith.maxsi %max3A_1854, %sub3A_1851 : vector<16xi32>
    %min3A_1856 = vector.broadcast %jit3A_1853 : i32 to vector<16xi32>
    %min3A_1857 = arith.minsi %min3A_1856, %max3A_1855 : vector<16xi32>
    %ge3A_1858 = arith.constant 504 : i32
    %ge3A_1859 = vector.broadcast %ge3A_1858 : i32 to vector<16xi32>
    %ge3A_1860 = arith.cmpi sge, %get3A_1848, %ge3A_1859 : vector<16xi32>
    %lt3A_1861 = arith.constant 1000 : i32
    %lt3A_1862 = vector.broadcast %lt3A_1861 : i32 to vector<16xi32>
    %lt3A_1863 = arith.cmpi slt, %get3A_1848, %lt3A_1862 : vector<16xi32>
    %and3A_1864 = arith.andi %ge3A_1860, %lt3A_1863 : vector<16xi1>
    %add3A_1865 = arith.constant 0 : i32
    %add3A_1866 = vector.broadcast %add3A_1865 : i32 to vector<16xi32>
    %add3A_1867 = arith.addi %add3A_1866, %iota3A : vector<16xi32>
    tpu.vector_store_idx %arg6[%min3A_1857, %add3A_1867], %broadcast_in_dim3A_4 masked %and3A_1864 : memref<496x128xf32, #tpu.memory_space<vmem>>[vector<16xi32>, vector<16xi32>], vector<16xf32>, vector<16xi1>
    %get3A_1868 = arith.constant 144 : index
    %get3A_1869 = tpu.vector_load %arg4[%get3A_1868] {strides = array<i32>} : memref<512xi32, #tpu.memory_space<vmem>>, vector<16xi32>,
    %sub3A_1870 = arith.constant 504 : i32
    %sub3A_1871 = vector.broadcast %sub3A_1870 : i32 to vector<16xi32>
    %sub3A_1872 = arith.subi %get3A_1869, %sub3A_1871 : vector<16xi32>
    %jit3A_1873 = arith.constant 0 : i32
    %jit3A_1874 = arith.constant 495 : i32
    %max3A_1875 = vector.broadcast %jit3A_1873 : i32 to vector<16xi32>
    %max3A_1876 = arith.maxsi %max3A_1875, %sub3A_1872 : vector<16xi32>
    %min3A_1877 = vector.broadcast %jit3A_1874 : i32 to vector<16xi32>
    %min3A_1878 = arith.minsi %min3A_1877, %max3A_1876 : vector<16xi32>
    %ge3A_1879 = arith.constant 504 : i32
    %ge3A_1880 = vector.broadcast %ge3A_1879 : i32 to vector<16xi32>
    %ge3A_1881 = arith.cmpi sge, %get3A_1869, %ge3A_1880 : vector<16xi32>
    %lt3A_1882 = arith.constant 1000 : i32
    %lt3A_1883 = vector.broadcast %lt3A_1882 : i32 to vector<16xi32>
    %lt3A_1884 = arith.cmpi slt, %get3A_1869, %lt3A_1883 : vector<16xi32>
    %and3A_1885 = arith.andi %ge3A_1881, %lt3A_1884 : vector<16xi1>
    %add3A_1886 = arith.constant 16 : i32
    %add3A_1887 = vector.broadcast %add3A_1886 : i32 to vector<16xi32>
    %add3A_1888 = arith.addi %add3A_1887, %iota3A : vector<16xi32>
    tpu.vector_store_idx %arg6[%min3A_1878, %add3A_1888], %broadcast_in_dim3A_4 masked %and3A_1885 : memref<496x128xf32, #tpu.memory_space<vmem>>[vector<16xi32>, vector<16xi32>], vector<16xf32>, vector<16xi1>
    %get3A_1889 = arith.constant 160 : index
    %get3A_1890 = tpu.vector_load %arg4[%get3A_1889] {strides = array<i32>} : memref<512xi32, #tpu.memory_space<vmem>>, vector<16xi32>,
    %sub3A_1891 = arith.constant 504 : i32
    %sub3A_1892 = vector.broadcast %sub3A_1891 : i32 to vector<16xi32>
    %sub3A_1893 = arith.subi %get3A_1890, %sub3A_1892 : vector<16xi32>
    %jit3A_1894 = arith.constant 0 : i32
    %jit3A_1895 = arith.constant 495 : i32
    %max3A_1896 = vector.broadcast %jit3A_1894 : i32 to vector<16xi32>
    %max3A_1897 = arith.maxsi %max3A_1896, %sub3A_1893 : vector<16xi32>
    %min3A_1898 = vector.broadcast %jit3A_1895 : i32 to vector<16xi32>
    %min3A_1899 = arith.minsi %min3A_1898, %max3A_1897 : vector<16xi32>
    %ge3A_1900 = arith.constant 504 : i32
    %ge3A_1901 = vector.broadcast %ge3A_1900 : i32 to vector<16xi32>
    %ge3A_1902 = arith.cmpi sge, %get3A_1890, %ge3A_1901 : vector<16xi32>
    %lt3A_1903 = arith.constant 1000 : i32
    %lt3A_1904 = vector.broadcast %lt3A_1903 : i32 to vector<16xi32>
    %lt3A_1905 = arith.cmpi slt, %get3A_1890, %lt3A_1904 : vector<16xi32>
    %and3A_1906 = arith.andi %ge3A_1902, %lt3A_1905 : vector<16xi1>
    %add3A_1907 = arith.constant 32 : i32
    %add3A_1908 = vector.broadcast %add3A_1907 : i32 to vector<16xi32>
    %add3A_1909 = arith.addi %add3A_1908, %iota3A : vector<16xi32>
    tpu.vector_store_idx %arg6[%min3A_1899, %add3A_1909], %broadcast_in_dim3A_4 masked %and3A_1906 : memref<496x128xf32, #tpu.memory_space<vmem>>[vector<16xi32>, vector<16xi32>], vector<16xf32>, vector<16xi1>
    %get3A_1910 = arith.constant 176 : index
    %get3A_1911 = tpu.vector_load %arg4[%get3A_1910] {strides = array<i32>} : memref<512xi32, #tpu.memory_space<vmem>>, vector<16xi32>,
    %sub3A_1912 = arith.constant 504 : i32
    %sub3A_1913 = vector.broadcast %sub3A_1912 : i32 to vector<16xi32>
    %sub3A_1914 = arith.subi %get3A_1911, %sub3A_1913 : vector<16xi32>
    %jit3A_1915 = arith.constant 0 : i32
    %jit3A_1916 = arith.constant 495 : i32
    %max3A_1917 = vector.broadcast %jit3A_1915 : i32 to vector<16xi32>
    %max3A_1918 = arith.maxsi %max3A_1917, %sub3A_1914 : vector<16xi32>
    %min3A_1919 = vector.broadcast %jit3A_1916 : i32 to vector<16xi32>
    %min3A_1920 = arith.minsi %min3A_1919, %max3A_1918 : vector<16xi32>
    %ge3A_1921 = arith.constant 504 : i32
    %ge3A_1922 = vector.broadcast %ge3A_1921 : i32 to vector<16xi32>
    %ge3A_1923 = arith.cmpi sge, %get3A_1911, %ge3A_1922 : vector<16xi32>
    %lt3A_1924 = arith.constant 1000 : i32
    %lt3A_1925 = vector.broadcast %lt3A_1924 : i32 to vector<16xi32>
    %lt3A_1926 = arith.cmpi slt, %get3A_1911, %lt3A_1925 : vector<16xi32>
    %and3A_1927 = arith.andi %ge3A_1923, %lt3A_1926 : vector<16xi1>
    %add3A_1928 = arith.constant 48 : i32
    %add3A_1929 = vector.broadcast %add3A_1928 : i32 to vector<16xi32>
    %add3A_1930 = arith.addi %add3A_1929, %iota3A : vector<16xi32>
    tpu.vector_store_idx %arg6[%min3A_1920, %add3A_1930], %broadcast_in_dim3A_4 masked %and3A_1927 : memref<496x128xf32, #tpu.memory_space<vmem>>[vector<16xi32>, vector<16xi32>], vector<16xf32>, vector<16xi1>
    %get3A_1931 = arith.constant 192 : index
    %get3A_1932 = tpu.vector_load %arg4[%get3A_1931] {strides = array<i32>} : memref<512xi32, #tpu.memory_space<vmem>>, vector<16xi32>,
    %sub3A_1933 = arith.constant 504 : i32
    %sub3A_1934 = vector.broadcast %sub3A_1933 : i32 to vector<16xi32>
    %sub3A_1935 = arith.subi %get3A_1932, %sub3A_1934 : vector<16xi32>
    %jit3A_1936 = arith.constant 0 : i32
    %jit3A_1937 = arith.constant 495 : i32
    %max3A_1938 = vector.broadcast %jit3A_1936 : i32 to vector<16xi32>
    %max3A_1939 = arith.maxsi %max3A_1938, %sub3A_1935 : vector<16xi32>
    %min3A_1940 = vector.broadcast %jit3A_1937 : i32 to vector<16xi32>
    %min3A_1941 = arith.minsi %min3A_1940, %max3A_1939 : vector<16xi32>
    %ge3A_1942 = arith.constant 504 : i32
    %ge3A_1943 = vector.broadcast %ge3A_1942 : i32 to vector<16xi32>
    %ge3A_1944 = arith.cmpi sge, %get3A_1932, %ge3A_1943 : vector<16xi32>
    %lt3A_1945 = arith.constant 1000 : i32
    %lt3A_1946 = vector.broadcast %lt3A_1945 : i32 to vector<16xi32>
    %lt3A_1947 = arith.cmpi slt, %get3A_1932, %lt3A_1946 : vector<16xi32>
    %and3A_1948 = arith.andi %ge3A_1944, %lt3A_1947 : vector<16xi1>
    %add3A_1949 = arith.constant 64 : i32
    %add3A_1950 = vector.broadcast %add3A_1949 : i32 to vector<16xi32>
    %add3A_1951 = arith.addi %add3A_1950, %iota3A : vector<16xi32>
    tpu.vector_store_idx %arg6[%min3A_1941, %add3A_1951], %broadcast_in_dim3A_4 masked %and3A_1948 : memref<496x128xf32, #tpu.memory_space<vmem>>[vector<16xi32>, vector<16xi32>], vector<16xf32>, vector<16xi1>
    %get3A_1952 = arith.constant 208 : index
    %get3A_1953 = tpu.vector_load %arg4[%get3A_1952] {strides = array<i32>} : memref<512xi32, #tpu.memory_space<vmem>>, vector<16xi32>,
    %sub3A_1954 = arith.constant 504 : i32
    %sub3A_1955 = vector.broadcast %sub3A_1954 : i32 to vector<16xi32>
    %sub3A_1956 = arith.subi %get3A_1953, %sub3A_1955 : vector<16xi32>
    %jit3A_1957 = arith.constant 0 : i32
    %jit3A_1958 = arith.constant 495 : i32
    %max3A_1959 = vector.broadcast %jit3A_1957 : i32 to vector<16xi32>
    %max3A_1960 = arith.maxsi %max3A_1959, %sub3A_1956 : vector<16xi32>
    %min3A_1961 = vector.broadcast %jit3A_1958 : i32 to vector<16xi32>
    %min3A_1962 = arith.minsi %min3A_1961, %max3A_1960 : vector<16xi32>
    %ge3A_1963 = arith.constant 504 : i32
    %ge3A_1964 = vector.broadcast %ge3A_1963 : i32 to vector<16xi32>
    %ge3A_1965 = arith.cmpi sge, %get3A_1953, %ge3A_1964 : vector<16xi32>
    %lt3A_1966 = arith.constant 1000 : i32
    %lt3A_1967 = vector.broadcast %lt3A_1966 : i32 to vector<16xi32>
    %lt3A_1968 = arith.cmpi slt, %get3A_1953, %lt3A_1967 : vector<16xi32>
    %and3A_1969 = arith.andi %ge3A_1965, %lt3A_1968 : vector<16xi1>
    %add3A_1970 = arith.constant 80 : i32
    %add3A_1971 = vector.broadcast %add3A_1970 : i32 to vector<16xi32>
    %add3A_1972 = arith.addi %add3A_1971, %iota3A : vector<16xi32>
    tpu.vector_store_idx %arg6[%min3A_1962, %add3A_1972], %broadcast_in_dim3A_4 masked %and3A_1969 : memref<496x128xf32, #tpu.memory_space<vmem>>[vector<16xi32>, vector<16xi32>], vector<16xf32>, vector<16xi1>
    %get3A_1973 = arith.constant 224 : index
    %get3A_1974 = tpu.vector_load %arg4[%get3A_1973] {strides = array<i32>} : memref<512xi32, #tpu.memory_space<vmem>>, vector<16xi32>,
    %sub3A_1975 = arith.constant 504 : i32
    %sub3A_1976 = vector.broadcast %sub3A_1975 : i32 to vector<16xi32>
    %sub3A_1977 = arith.subi %get3A_1974, %sub3A_1976 : vector<16xi32>
    %jit3A_1978 = arith.constant 0 : i32
    %jit3A_1979 = arith.constant 495 : i32
    %max3A_1980 = vector.broadcast %jit3A_1978 : i32 to vector<16xi32>
    %max3A_1981 = arith.maxsi %max3A_1980, %sub3A_1977 : vector<16xi32>
    %min3A_1982 = vector.broadcast %jit3A_1979 : i32 to vector<16xi32>
    %min3A_1983 = arith.minsi %min3A_1982, %max3A_1981 : vector<16xi32>
    %ge3A_1984 = arith.constant 504 : i32
    %ge3A_1985 = vector.broadcast %ge3A_1984 : i32 to vector<16xi32>
    %ge3A_1986 = arith.cmpi sge, %get3A_1974, %ge3A_1985 : vector<16xi32>
    %lt3A_1987 = arith.constant 1000 : i32
    %lt3A_1988 = vector.broadcast %lt3A_1987 : i32 to vector<16xi32>
    %lt3A_1989 = arith.cmpi slt, %get3A_1974, %lt3A_1988 : vector<16xi32>
    %and3A_1990 = arith.andi %ge3A_1986, %lt3A_1989 : vector<16xi1>
    %add3A_1991 = arith.constant 96 : i32
    %add3A_1992 = vector.broadcast %add3A_1991 : i32 to vector<16xi32>
    %add3A_1993 = arith.addi %add3A_1992, %iota3A : vector<16xi32>
    tpu.vector_store_idx %arg6[%min3A_1983, %add3A_1993], %broadcast_in_dim3A_4 masked %and3A_1990 : memref<496x128xf32, #tpu.memory_space<vmem>>[vector<16xi32>, vector<16xi32>], vector<16xf32>, vector<16xi1>
    %get3A_1994 = arith.constant 240 : index
    %get3A_1995 = tpu.vector_load %arg4[%get3A_1994] {strides = array<i32>} : memref<512xi32, #tpu.memory_space<vmem>>, vector<16xi32>,
    %sub3A_1996 = arith.constant 504 : i32
    %sub3A_1997 = vector.broadcast %sub3A_1996 : i32 to vector<16xi32>
    %sub3A_1998 = arith.subi %get3A_1995, %sub3A_1997 : vector<16xi32>
    %jit3A_1999 = arith.constant 0 : i32
    %jit3A_2000 = arith.constant 495 : i32
    %max3A_2001 = vector.broadcast %jit3A_1999 : i32 to vector<16xi32>
    %max3A_2002 = arith.maxsi %max3A_2001, %sub3A_1998 : vector<16xi32>
    %min3A_2003 = vector.broadcast %jit3A_2000 : i32 to vector<16xi32>
    %min3A_2004 = arith.minsi %min3A_2003, %max3A_2002 : vector<16xi32>
    %ge3A_2005 = arith.constant 504 : i32
    %ge3A_2006 = vector.broadcast %ge3A_2005 : i32 to vector<16xi32>
    %ge3A_2007 = arith.cmpi sge, %get3A_1995, %ge3A_2006 : vector<16xi32>
    %lt3A_2008 = arith.constant 1000 : i32
    %lt3A_2009 = vector.broadcast %lt3A_2008 : i32 to vector<16xi32>
    %lt3A_2010 = arith.cmpi slt, %get3A_1995, %lt3A_2009 : vector<16xi32>
    %and3A_2011 = arith.andi %ge3A_2007, %lt3A_2010 : vector<16xi1>
    %add3A_2012 = arith.constant 112 : i32
    %add3A_2013 = vector.broadcast %add3A_2012 : i32 to vector<16xi32>
    %add3A_2014 = arith.addi %add3A_2013, %iota3A : vector<16xi32>
    tpu.vector_store_idx %arg6[%min3A_2004, %add3A_2014], %broadcast_in_dim3A_4 masked %and3A_2011 : memref<496x128xf32, #tpu.memory_space<vmem>>[vector<16xi32>, vector<16xi32>], vector<16xf32>, vector<16xi1>
    %get3A_2015 = arith.constant 256 : index
    %get3A_2016 = tpu.vector_load %arg4[%get3A_2015] {strides = array<i32>} : memref<512xi32, #tpu.memory_space<vmem>>, vector<16xi32>,
    %sub3A_2017 = arith.constant 504 : i32
    %sub3A_2018 = vector.broadcast %sub3A_2017 : i32 to vector<16xi32>
    %sub3A_2019 = arith.subi %get3A_2016, %sub3A_2018 : vector<16xi32>
    %jit3A_2020 = arith.constant 0 : i32
    %jit3A_2021 = arith.constant 495 : i32
    %max3A_2022 = vector.broadcast %jit3A_2020 : i32 to vector<16xi32>
    %max3A_2023 = arith.maxsi %max3A_2022, %sub3A_2019 : vector<16xi32>
    %min3A_2024 = vector.broadcast %jit3A_2021 : i32 to vector<16xi32>
    %min3A_2025 = arith.minsi %min3A_2024, %max3A_2023 : vector<16xi32>
    %ge3A_2026 = arith.constant 504 : i32
    %ge3A_2027 = vector.broadcast %ge3A_2026 : i32 to vector<16xi32>
    %ge3A_2028 = arith.cmpi sge, %get3A_2016, %ge3A_2027 : vector<16xi32>
    %lt3A_2029 = arith.constant 1000 : i32
    %lt3A_2030 = vector.broadcast %lt3A_2029 : i32 to vector<16xi32>
    %lt3A_2031 = arith.cmpi slt, %get3A_2016, %lt3A_2030 : vector<16xi32>
    %and3A_2032 = arith.andi %ge3A_2028, %lt3A_2031 : vector<16xi1>
    %add3A_2033 = arith.constant 0 : i32
    %add3A_2034 = vector.broadcast %add3A_2033 : i32 to vector<16xi32>
    %add3A_2035 = arith.addi %add3A_2034, %iota3A : vector<16xi32>
    tpu.vector_store_idx %arg6[%min3A_2025, %add3A_2035], %broadcast_in_dim3A_6 masked %and3A_2032 : memref<496x128xf32, #tpu.memory_space<vmem>>[vector<16xi32>, vector<16xi32>], vector<16xf32>, vector<16xi1>
    %get3A_2036 = arith.constant 272 : index
    %get3A_2037 = tpu.vector_load %arg4[%get3A_2036] {strides = array<i32>} : memref<512xi32, #tpu.memory_space<vmem>>, vector<16xi32>,
    %sub3A_2038 = arith.constant 504 : i32
    %sub3A_2039 = vector.broadcast %sub3A_2038 : i32 to vector<16xi32>
    %sub3A_2040 = arith.subi %get3A_2037, %sub3A_2039 : vector<16xi32>
    %jit3A_2041 = arith.constant 0 : i32
    %jit3A_2042 = arith.constant 495 : i32
    %max3A_2043 = vector.broadcast %jit3A_2041 : i32 to vector<16xi32>
    %max3A_2044 = arith.maxsi %max3A_2043, %sub3A_2040 : vector<16xi32>
    %min3A_2045 = vector.broadcast %jit3A_2042 : i32 to vector<16xi32>
    %min3A_2046 = arith.minsi %min3A_2045, %max3A_2044 : vector<16xi32>
    %ge3A_2047 = arith.constant 504 : i32
    %ge3A_2048 = vector.broadcast %ge3A_2047 : i32 to vector<16xi32>
    %ge3A_2049 = arith.cmpi sge, %get3A_2037, %ge3A_2048 : vector<16xi32>
    %lt3A_2050 = arith.constant 1000 : i32
    %lt3A_2051 = vector.broadcast %lt3A_2050 : i32 to vector<16xi32>
    %lt3A_2052 = arith.cmpi slt, %get3A_2037, %lt3A_2051 : vector<16xi32>
    %and3A_2053 = arith.andi %ge3A_2049, %lt3A_2052 : vector<16xi1>
    %add3A_2054 = arith.constant 16 : i32
    %add3A_2055 = vector.broadcast %add3A_2054 : i32 to vector<16xi32>
    %add3A_2056 = arith.addi %add3A_2055, %iota3A : vector<16xi32>
    tpu.vector_store_idx %arg6[%min3A_2046, %add3A_2056], %broadcast_in_dim3A_6 masked %and3A_2053 : memref<496x128xf32, #tpu.memory_space<vmem>>[vector<16xi32>, vector<16xi32>], vector<16xf32>, vector<16xi1>
    %get3A_2057 = arith.constant 288 : index
    %get3A_2058 = tpu.vector_load %arg4[%get3A_2057] {strides = array<i32>} : memref<512xi32, #tpu.memory_space<vmem>>, vector<16xi32>,
    %sub3A_2059 = arith.constant 504 : i32
    %sub3A_2060 = vector.broadcast %sub3A_2059 : i32 to vector<16xi32>
    %sub3A_2061 = arith.subi %get3A_2058, %sub3A_2060 : vector<16xi32>
    %jit3A_2062 = arith.constant 0 : i32
    %jit3A_2063 = arith.constant 495 : i32
    %max3A_2064 = vector.broadcast %jit3A_2062 : i32 to vector<16xi32>
    %max3A_2065 = arith.maxsi %max3A_2064, %sub3A_2061 : vector<16xi32>
    %min3A_2066 = vector.broadcast %jit3A_2063 : i32 to vector<16xi32>
    %min3A_2067 = arith.minsi %min3A_2066, %max3A_2065 : vector<16xi32>
    %ge3A_2068 = arith.constant 504 : i32
    %ge3A_2069 = vector.broadcast %ge3A_2068 : i32 to vector<16xi32>
    %ge3A_2070 = arith.cmpi sge, %get3A_2058, %ge3A_2069 : vector<16xi32>
    %lt3A_2071 = arith.constant 1000 : i32
    %lt3A_2072 = vector.broadcast %lt3A_2071 : i32 to vector<16xi32>
    %lt3A_2073 = arith.cmpi slt, %get3A_2058, %lt3A_2072 : vector<16xi32>
    %and3A_2074 = arith.andi %ge3A_2070, %lt3A_2073 : vector<16xi1>
    %add3A_2075 = arith.constant 32 : i32
    %add3A_2076 = vector.broadcast %add3A_2075 : i32 to vector<16xi32>
    %add3A_2077 = arith.addi %add3A_2076, %iota3A : vector<16xi32>
    tpu.vector_store_idx %arg6[%min3A_2067, %add3A_2077], %broadcast_in_dim3A_6 masked %and3A_2074 : memref<496x128xf32, #tpu.memory_space<vmem>>[vector<16xi32>, vector<16xi32>], vector<16xf32>, vector<16xi1>
    %get3A_2078 = arith.constant 304 : index
    %get3A_2079 = tpu.vector_load %arg4[%get3A_2078] {strides = array<i32>} : memref<512xi32, #tpu.memory_space<vmem>>, vector<16xi32>,
    %sub3A_2080 = arith.constant 504 : i32
    %sub3A_2081 = vector.broadcast %sub3A_2080 : i32 to vector<16xi32>
    %sub3A_2082 = arith.subi %get3A_2079, %sub3A_2081 : vector<16xi32>
    %jit3A_2083 = arith.constant 0 : i32
    %jit3A_2084 = arith.constant 495 : i32
    %max3A_2085 = vector.broadcast %jit3A_2083 : i32 to vector<16xi32>
    %max3A_2086 = arith.maxsi %max3A_2085, %sub3A_2082 : vector<16xi32>
    %min3A_2087 = vector.broadcast %jit3A_2084 : i32 to vector<16xi32>
    %min3A_2088 = arith.minsi %min3A_2087, %max3A_2086 : vector<16xi32>
    %ge3A_2089 = arith.constant 504 : i32
    %ge3A_2090 = vector.broadcast %ge3A_2089 : i32 to vector<16xi32>
    %ge3A_2091 = arith.cmpi sge, %get3A_2079, %ge3A_2090 : vector<16xi32>
    %lt3A_2092 = arith.constant 1000 : i32
    %lt3A_2093 = vector.broadcast %lt3A_2092 : i32 to vector<16xi32>
    %lt3A_2094 = arith.cmpi slt, %get3A_2079, %lt3A_2093 : vector<16xi32>
    %and3A_2095 = arith.andi %ge3A_2091, %lt3A_2094 : vector<16xi1>
    %add3A_2096 = arith.constant 48 : i32
    %add3A_2097 = vector.broadcast %add3A_2096 : i32 to vector<16xi32>
    %add3A_2098 = arith.addi %add3A_2097, %iota3A : vector<16xi32>
    tpu.vector_store_idx %arg6[%min3A_2088, %add3A_2098], %broadcast_in_dim3A_6 masked %and3A_2095 : memref<496x128xf32, #tpu.memory_space<vmem>>[vector<16xi32>, vector<16xi32>], vector<16xf32>, vector<16xi1>
    %get3A_2099 = arith.constant 320 : index
    %get3A_2100 = tpu.vector_load %arg4[%get3A_2099] {strides = array<i32>} : memref<512xi32, #tpu.memory_space<vmem>>, vector<16xi32>,
    %sub3A_2101 = arith.constant 504 : i32
    %sub3A_2102 = vector.broadcast %sub3A_2101 : i32 to vector<16xi32>
    %sub3A_2103 = arith.subi %get3A_2100, %sub3A_2102 : vector<16xi32>
    %jit3A_2104 = arith.constant 0 : i32
    %jit3A_2105 = arith.constant 495 : i32
    %max3A_2106 = vector.broadcast %jit3A_2104 : i32 to vector<16xi32>
    %max3A_2107 = arith.maxsi %max3A_2106, %sub3A_2103 : vector<16xi32>
    %min3A_2108 = vector.broadcast %jit3A_2105 : i32 to vector<16xi32>
    %min3A_2109 = arith.minsi %min3A_2108, %max3A_2107 : vector<16xi32>
    %ge3A_2110 = arith.constant 504 : i32
    %ge3A_2111 = vector.broadcast %ge3A_2110 : i32 to vector<16xi32>
    %ge3A_2112 = arith.cmpi sge, %get3A_2100, %ge3A_2111 : vector<16xi32>
    %lt3A_2113 = arith.constant 1000 : i32
    %lt3A_2114 = vector.broadcast %lt3A_2113 : i32 to vector<16xi32>
    %lt3A_2115 = arith.cmpi slt, %get3A_2100, %lt3A_2114 : vector<16xi32>
    %and3A_2116 = arith.andi %ge3A_2112, %lt3A_2115 : vector<16xi1>
    %add3A_2117 = arith.constant 64 : i32
    %add3A_2118 = vector.broadcast %add3A_2117 : i32 to vector<16xi32>
    %add3A_2119 = arith.addi %add3A_2118, %iota3A : vector<16xi32>
    tpu.vector_store_idx %arg6[%min3A_2109, %add3A_2119], %broadcast_in_dim3A_6 masked %and3A_2116 : memref<496x128xf32, #tpu.memory_space<vmem>>[vector<16xi32>, vector<16xi32>], vector<16xf32>, vector<16xi1>
    %get3A_2120 = arith.constant 336 : index
    %get3A_2121 = tpu.vector_load %arg4[%get3A_2120] {strides = array<i32>} : memref<512xi32, #tpu.memory_space<vmem>>, vector<16xi32>,
    %sub3A_2122 = arith.constant 504 : i32
    %sub3A_2123 = vector.broadcast %sub3A_2122 : i32 to vector<16xi32>
    %sub3A_2124 = arith.subi %get3A_2121, %sub3A_2123 : vector<16xi32>
    %jit3A_2125 = arith.constant 0 : i32
    %jit3A_2126 = arith.constant 495 : i32
    %max3A_2127 = vector.broadcast %jit3A_2125 : i32 to vector<16xi32>
    %max3A_2128 = arith.maxsi %max3A_2127, %sub3A_2124 : vector<16xi32>
    %min3A_2129 = vector.broadcast %jit3A_2126 : i32 to vector<16xi32>
    %min3A_2130 = arith.minsi %min3A_2129, %max3A_2128 : vector<16xi32>
    %ge3A_2131 = arith.constant 504 : i32
    %ge3A_2132 = vector.broadcast %ge3A_2131 : i32 to vector<16xi32>
    %ge3A_2133 = arith.cmpi sge, %get3A_2121, %ge3A_2132 : vector<16xi32>
    %lt3A_2134 = arith.constant 1000 : i32
    %lt3A_2135 = vector.broadcast %lt3A_2134 : i32 to vector<16xi32>
    %lt3A_2136 = arith.cmpi slt, %get3A_2121, %lt3A_2135 : vector<16xi32>
    %and3A_2137 = arith.andi %ge3A_2133, %lt3A_2136 : vector<16xi1>
    %add3A_2138 = arith.constant 80 : i32
    %add3A_2139 = vector.broadcast %add3A_2138 : i32 to vector<16xi32>
    %add3A_2140 = arith.addi %add3A_2139, %iota3A : vector<16xi32>
    tpu.vector_store_idx %arg6[%min3A_2130, %add3A_2140], %broadcast_in_dim3A_6 masked %and3A_2137 : memref<496x128xf32, #tpu.memory_space<vmem>>[vector<16xi32>, vector<16xi32>], vector<16xf32>, vector<16xi1>
    %get3A_2141 = arith.constant 352 : index
    %get3A_2142 = tpu.vector_load %arg4[%get3A_2141] {strides = array<i32>} : memref<512xi32, #tpu.memory_space<vmem>>, vector<16xi32>,
    %sub3A_2143 = arith.constant 504 : i32
    %sub3A_2144 = vector.broadcast %sub3A_2143 : i32 to vector<16xi32>
    %sub3A_2145 = arith.subi %get3A_2142, %sub3A_2144 : vector<16xi32>
    %jit3A_2146 = arith.constant 0 : i32
    %jit3A_2147 = arith.constant 495 : i32
    %max3A_2148 = vector.broadcast %jit3A_2146 : i32 to vector<16xi32>
    %max3A_2149 = arith.maxsi %max3A_2148, %sub3A_2145 : vector<16xi32>
    %min3A_2150 = vector.broadcast %jit3A_2147 : i32 to vector<16xi32>
    %min3A_2151 = arith.minsi %min3A_2150, %max3A_2149 : vector<16xi32>
    %ge3A_2152 = arith.constant 504 : i32
    %ge3A_2153 = vector.broadcast %ge3A_2152 : i32 to vector<16xi32>
    %ge3A_2154 = arith.cmpi sge, %get3A_2142, %ge3A_2153 : vector<16xi32>
    %lt3A_2155 = arith.constant 1000 : i32
    %lt3A_2156 = vector.broadcast %lt3A_2155 : i32 to vector<16xi32>
    %lt3A_2157 = arith.cmpi slt, %get3A_2142, %lt3A_2156 : vector<16xi32>
    %and3A_2158 = arith.andi %ge3A_2154, %lt3A_2157 : vector<16xi1>
    %add3A_2159 = arith.constant 96 : i32
    %add3A_2160 = vector.broadcast %add3A_2159 : i32 to vector<16xi32>
    %add3A_2161 = arith.addi %add3A_2160, %iota3A : vector<16xi32>
    tpu.vector_store_idx %arg6[%min3A_2151, %add3A_2161], %broadcast_in_dim3A_6 masked %and3A_2158 : memref<496x128xf32, #tpu.memory_space<vmem>>[vector<16xi32>, vector<16xi32>], vector<16xf32>, vector<16xi1>
    %get3A_2162 = arith.constant 368 : index
    %get3A_2163 = tpu.vector_load %arg4[%get3A_2162] {strides = array<i32>} : memref<512xi32, #tpu.memory_space<vmem>>, vector<16xi32>,
    %sub3A_2164 = arith.constant 504 : i32
    %sub3A_2165 = vector.broadcast %sub3A_2164 : i32 to vector<16xi32>
    %sub3A_2166 = arith.subi %get3A_2163, %sub3A_2165 : vector<16xi32>
    %jit3A_2167 = arith.constant 0 : i32
    %jit3A_2168 = arith.constant 495 : i32
    %max3A_2169 = vector.broadcast %jit3A_2167 : i32 to vector<16xi32>
    %max3A_2170 = arith.maxsi %max3A_2169, %sub3A_2166 : vector<16xi32>
    %min3A_2171 = vector.broadcast %jit3A_2168 : i32 to vector<16xi32>
    %min3A_2172 = arith.minsi %min3A_2171, %max3A_2170 : vector<16xi32>
    %ge3A_2173 = arith.constant 504 : i32
    %ge3A_2174 = vector.broadcast %ge3A_2173 : i32 to vector<16xi32>
    %ge3A_2175 = arith.cmpi sge, %get3A_2163, %ge3A_2174 : vector<16xi32>
    %lt3A_2176 = arith.constant 1000 : i32
    %lt3A_2177 = vector.broadcast %lt3A_2176 : i32 to vector<16xi32>
    %lt3A_2178 = arith.cmpi slt, %get3A_2163, %lt3A_2177 : vector<16xi32>
    %and3A_2179 = arith.andi %ge3A_2175, %lt3A_2178 : vector<16xi1>
    %add3A_2180 = arith.constant 112 : i32
    %add3A_2181 = vector.broadcast %add3A_2180 : i32 to vector<16xi32>
    %add3A_2182 = arith.addi %add3A_2181, %iota3A : vector<16xi32>
    tpu.vector_store_idx %arg6[%min3A_2172, %add3A_2182], %broadcast_in_dim3A_6 masked %and3A_2179 : memref<496x128xf32, #tpu.memory_space<vmem>>[vector<16xi32>, vector<16xi32>], vector<16xf32>, vector<16xi1>
    %add3A_2183 = arith.constant 256 : i32
    %add3A_2184 = arith.addi %mul3A_2, %add3A_2183 : i32
    %dma_start3A_2185 = arith.constant 0 : i32
    %dma_start3A_2186 = arith.constant 0 : i32
    %dma_start3A_2187 = tpu.memref_slice %arg6[%dma_start3A_2185, %dma_start3A_2186] : memref<496x128xf32, #tpu.memory_space<vmem>> -> memref<496x128xf32, #tpu.memory_space<vmem>>
    %dma_start3A_2188 = arith.constant 504 : i32
    %dma_start3A_2189 = tpu.memref_slice %arg3[%dma_start3A_2188, %add3A_2184] : memref<1000x16384xf32, #tpu.memory_space<hbm>> -> memref<496x128xf32, #tpu.memory_space<hbm>>
    %dma_start3A_2190 = arith.constant 504 : i32
    %dma_start3A_2191 = tpu.memref_slice %arg3[%dma_start3A_2190, %add3A_2184] : memref<1000x16384xf32, #tpu.memory_space<hbm>> -> memref<496x128xf32, #tpu.memory_space<hbm>>
    %dma_start3A_2192 = arith.constant 0 : i32
    %dma_start3A_2193 = arith.constant 0 : i32
    %dma_start3A_2194 = tpu.memref_slice %arg6[%dma_start3A_2192, %dma_start3A_2193] : memref<496x128xf32, #tpu.memory_space<vmem>> -> memref<496x128xf32, #tpu.memory_space<vmem>>
    tpu.enqueue_dma source(%dma_start3A_2194 : memref<496x128xf32, #tpu.memory_space<vmem>>) target(%dma_start3A_2191 : memref<496x128xf32, #tpu.memory_space<hbm>>) target_semaphore(%arg8 : memref<!tpu.dma_semaphore, #tpu.memory_space<semaphore_mem>>)
    %dma_wait3A_2195 = arith.constant 0 : i32
    %dma_wait3A_2196 = arith.constant 0 : i32
    %dma_wait3A_2197 = tpu.memref_slice %arg5[%dma_wait3A_2195, %dma_wait3A_2196] : memref<504x128xf32, #tpu.memory_space<vmem>> -> memref<504x128xf32, #tpu.memory_space<vmem>>
    %dma_wait3A_2198 = arith.constant 0 : i32
    %dma_wait3A_2199 = tpu.memref_slice %arg3[%dma_wait3A_2198, %add3A_1826] : memref<1000x16384xf32, #tpu.memory_space<hbm>> -> memref<504x128xf32, #tpu.memory_space<hbm>>
    %dma_wait3A_2200 = arith.constant 0 : i32
    %dma_wait3A_2201 = tpu.memref_slice %arg3[%dma_wait3A_2200, %add3A_1826] : memref<1000x16384xf32, #tpu.memory_space<hbm>> -> memref<504x128xf32, #tpu.memory_space<hbm>>
    %dma_wait3A_2202 = arith.constant 0 : i32
    %dma_wait3A_2203 = arith.constant 0 : i32
    %dma_wait3A_2204 = tpu.memref_slice %arg5[%dma_wait3A_2202, %dma_wait3A_2203] : memref<504x128xf32, #tpu.memory_space<vmem>> -> memref<504x128xf32, #tpu.memory_space<vmem>>
    tpu.wait_dma2 semaphore(%arg7 : memref<!tpu.dma_semaphore, #tpu.memory_space<semaphore_mem>>) src(%dma_wait3A_2204 : memref<504x128xf32, #tpu.memory_space<vmem>>) dst(%dma_wait3A_2201 : memref<504x128xf32, #tpu.memory_space<hbm>>)
    %get3A_2205 = arith.constant 256 : index
    %get3A_2206 = tpu.vector_load %arg4[%get3A_2205] {strides = array<i32>} : memref<512xi32, #tpu.memory_space<vmem>>, vector<16xi32>,
    %sub3A_2207 = arith.constant 0 : i32
    %sub3A_2208 = vector.broadcast %sub3A_2207 : i32 to vector<16xi32>
    %sub3A_2209 = arith.subi %get3A_2206, %sub3A_2208 : vector<16xi32>
    %jit3A_2210 = arith.constant 0 : i32
    %jit3A_2211 = arith.constant 503 : i32
    %max3A_2212 = vector.broadcast %jit3A_2210 : i32 to vector<16xi32>
    %max3A_2213 = arith.maxsi %max3A_2212, %sub3A_2209 : vector<16xi32>
    %min3A_2214 = vector.broadcast %jit3A_2211 : i32 to vector<16xi32>
    %min3A_2215 = arith.minsi %min3A_2214, %max3A_2213 : vector<16xi32>
    %ge3A_2216 = arith.constant 0 : i32
    %ge3A_2217 = vector.broadcast %ge3A_2216 : i32 to vector<16xi32>
    %ge3A_2218 = arith.cmpi sge, %get3A_2206, %ge3A_2217 : vector<16xi32>
    %lt3A_2219 = arith.constant 504 : i32
    %lt3A_2220 = vector.broadcast %lt3A_2219 : i32 to vector<16xi32>
    %lt3A_2221 = arith.cmpi slt, %get3A_2206, %lt3A_2220 : vector<16xi32>
    %and3A_2222 = arith.andi %ge3A_2218, %lt3A_2221 : vector<16xi1>
    %add3A_2223 = arith.constant 0 : i32
    %add3A_2224 = vector.broadcast %add3A_2223 : i32 to vector<16xi32>
    %add3A_2225 = arith.addi %add3A_2224, %iota3A : vector<16xi32>
    tpu.vector_store_idx %arg5[%min3A_2215, %add3A_2225], %broadcast_in_dim3A_4 masked %and3A_2222 : memref<504x128xf32, #tpu.memory_space<vmem>>[vector<16xi32>, vector<16xi32>], vector<16xf32>, vector<16xi1>
    %get3A_2226 = arith.constant 272 : index
    %get3A_2227 = tpu.vector_load %arg4[%get3A_2226] {strides = array<i32>} : memref<512xi32, #tpu.memory_space<vmem>>, vector<16xi32>,
    %sub3A_2228 = arith.constant 0 : i32
    %sub3A_2229 = vector.broadcast %sub3A_2228 : i32 to vector<16xi32>
    %sub3A_2230 = arith.subi %get3A_2227, %sub3A_2229 : vector<16xi32>
    %jit3A_2231 = arith.constant 0 : i32
    %jit3A_2232 = arith.constant 503 : i32
    %max3A_2233 = vector.broadcast %jit3A_2231 : i32 to vector<16xi32>
    %max3A_2234 = arith.maxsi %max3A_2233, %sub3A_2230 : vector<16xi32>
    %min3A_2235 = vector.broadcast %jit3A_2232 : i32 to vector<16xi32>
    %min3A_2236 = arith.minsi %min3A_2235, %max3A_2234 : vector<16xi32>
    %ge3A_2237 = arith.constant 0 : i32
    %ge3A_2238 = vector.broadcast %ge3A_2237 : i32 to vector<16xi32>
    %ge3A_2239 = arith.cmpi sge, %get3A_2227, %ge3A_2238 : vector<16xi32>
    %lt3A_2240 = arith.constant 504 : i32
    %lt3A_2241 = vector.broadcast %lt3A_2240 : i32 to vector<16xi32>
    %lt3A_2242 = arith.cmpi slt, %get3A_2227, %lt3A_2241 : vector<16xi32>
    %and3A_2243 = arith.andi %ge3A_2239, %lt3A_2242 : vector<16xi1>
    %add3A_2244 = arith.constant 16 : i32
    %add3A_2245 = vector.broadcast %add3A_2244 : i32 to vector<16xi32>
    %add3A_2246 = arith.addi %add3A_2245, %iota3A : vector<16xi32>
    tpu.vector_store_idx %arg5[%min3A_2236, %add3A_2246], %broadcast_in_dim3A_4 masked %and3A_2243 : memref<504x128xf32, #tpu.memory_space<vmem>>[vector<16xi32>, vector<16xi32>], vector<16xf32>, vector<16xi1>
    %get3A_2247 = arith.constant 288 : index
    %get3A_2248 = tpu.vector_load %arg4[%get3A_2247] {strides = array<i32>} : memref<512xi32, #tpu.memory_space<vmem>>, vector<16xi32>,
    %sub3A_2249 = arith.constant 0 : i32
    %sub3A_2250 = vector.broadcast %sub3A_2249 : i32 to vector<16xi32>
    %sub3A_2251 = arith.subi %get3A_2248, %sub3A_2250 : vector<16xi32>
    %jit3A_2252 = arith.constant 0 : i32
    %jit3A_2253 = arith.constant 503 : i32
    %max3A_2254 = vector.broadcast %jit3A_2252 : i32 to vector<16xi32>
    %max3A_2255 = arith.maxsi %max3A_2254, %sub3A_2251 : vector<16xi32>
    %min3A_2256 = vector.broadcast %jit3A_2253 : i32 to vector<16xi32>
    %min3A_2257 = arith.minsi %min3A_2256, %max3A_2255 : vector<16xi32>
    %ge3A_2258 = arith.constant 0 : i32
    %ge3A_2259 = vector.broadcast %ge3A_2258 : i32 to vector<16xi32>
    %ge3A_2260 = arith.cmpi sge, %get3A_2248, %ge3A_2259 : vector<16xi32>
    %lt3A_2261 = arith.constant 504 : i32
    %lt3A_2262 = vector.broadcast %lt3A_2261 : i32 to vector<16xi32>
    %lt3A_2263 = arith.cmpi slt, %get3A_2248, %lt3A_2262 : vector<16xi32>
    %and3A_2264 = arith.andi %ge3A_2260, %lt3A_2263 : vector<16xi1>
    %add3A_2265 = arith.constant 32 : i32
    %add3A_2266 = vector.broadcast %add3A_2265 : i32 to vector<16xi32>
    %add3A_2267 = arith.addi %add3A_2266, %iota3A : vector<16xi32>
    tpu.vector_store_idx %arg5[%min3A_2257, %add3A_2267], %broadcast_in_dim3A_4 masked %and3A_2264 : memref<504x128xf32, #tpu.memory_space<vmem>>[vector<16xi32>, vector<16xi32>], vector<16xf32>, vector<16xi1>
    %get3A_2268 = arith.constant 304 : index
    %get3A_2269 = tpu.vector_load %arg4[%get3A_2268] {strides = array<i32>} : memref<512xi32, #tpu.memory_space<vmem>>, vector<16xi32>,
    %sub3A_2270 = arith.constant 0 : i32
    %sub3A_2271 = vector.broadcast %sub3A_2270 : i32 to vector<16xi32>
    %sub3A_2272 = arith.subi %get3A_2269, %sub3A_2271 : vector<16xi32>
    %jit3A_2273 = arith.constant 0 : i32
    %jit3A_2274 = arith.constant 503 : i32
    %max3A_2275 = vector.broadcast %jit3A_2273 : i32 to vector<16xi32>
    %max3A_2276 = arith.maxsi %max3A_2275, %sub3A_2272 : vector<16xi32>
    %min3A_2277 = vector.broadcast %jit3A_2274 : i32 to vector<16xi32>
    %min3A_2278 = arith.minsi %min3A_2277, %max3A_2276 : vector<16xi32>
    %ge3A_2279 = arith.constant 0 : i32
    %ge3A_2280 = vector.broadcast %ge3A_2279 : i32 to vector<16xi32>
    %ge3A_2281 = arith.cmpi sge, %get3A_2269, %ge3A_2280 : vector<16xi32>
    %lt3A_2282 = arith.constant 504 : i32
    %lt3A_2283 = vector.broadcast %lt3A_2282 : i32 to vector<16xi32>
    %lt3A_2284 = arith.cmpi slt, %get3A_2269, %lt3A_2283 : vector<16xi32>
    %and3A_2285 = arith.andi %ge3A_2281, %lt3A_2284 : vector<16xi1>
    %add3A_2286 = arith.constant 48 : i32
    %add3A_2287 = vector.broadcast %add3A_2286 : i32 to vector<16xi32>
    %add3A_2288 = arith.addi %add3A_2287, %iota3A : vector<16xi32>
    tpu.vector_store_idx %arg5[%min3A_2278, %add3A_2288], %broadcast_in_dim3A_4 masked %and3A_2285 : memref<504x128xf32, #tpu.memory_space<vmem>>[vector<16xi32>, vector<16xi32>], vector<16xf32>, vector<16xi1>
    %get3A_2289 = arith.constant 320 : index
    %get3A_2290 = tpu.vector_load %arg4[%get3A_2289] {strides = array<i32>} : memref<512xi32, #tpu.memory_space<vmem>>, vector<16xi32>,
    %sub3A_2291 = arith.constant 0 : i32
    %sub3A_2292 = vector.broadcast %sub3A_2291 : i32 to vector<16xi32>
    %sub3A_2293 = arith.subi %get3A_2290, %sub3A_2292 : vector<16xi32>
    %jit3A_2294 = arith.constant 0 : i32
    %jit3A_2295 = arith.constant 503 : i32
    %max3A_2296 = vector.broadcast %jit3A_2294 : i32 to vector<16xi32>
    %max3A_2297 = arith.maxsi %max3A_2296, %sub3A_2293 : vector<16xi32>
    %min3A_2298 = vector.broadcast %jit3A_2295 : i32 to vector<16xi32>
    %min3A_2299 = arith.minsi %min3A_2298, %max3A_2297 : vector<16xi32>
    %ge3A_2300 = arith.constant 0 : i32
    %ge3A_2301 = vector.broadcast %ge3A_2300 : i32 to vector<16xi32>
    %ge3A_2302 = arith.cmpi sge, %get3A_2290, %ge3A_2301 : vector<16xi32>
    %lt3A_2303 = arith.constant 504 : i32
    %lt3A_2304 = vector.broadcast %lt3A_2303 : i32 to vector<16xi32>
    %lt3A_2305 = arith.cmpi slt, %get3A_2290, %lt3A_2304 : vector<16xi32>
    %and3A_2306 = arith.andi %ge3A_2302, %lt3A_2305 : vector<16xi1>
    %add3A_2307 = arith.constant 64 : i32
    %add3A_2308 = vector.broadcast %add3A_2307 : i32 to vector<16xi32>
    %add3A_2309 = arith.addi %add3A_2308, %iota3A : vector<16xi32>
    tpu.vector_store_idx %arg5[%min3A_2299, %add3A_2309], %broadcast_in_dim3A_4 masked %and3A_2306 : memref<504x128xf32, #tpu.memory_space<vmem>>[vector<16xi32>, vector<16xi32>], vector<16xf32>, vector<16xi1>
    %get3A_2310 = arith.constant 336 : index
    %get3A_2311 = tpu.vector_load %arg4[%get3A_2310] {strides = array<i32>} : memref<512xi32, #tpu.memory_space<vmem>>, vector<16xi32>,
    %sub3A_2312 = arith.constant 0 : i32
    %sub3A_2313 = vector.broadcast %sub3A_2312 : i32 to vector<16xi32>
    %sub3A_2314 = arith.subi %get3A_2311, %sub3A_2313 : vector<16xi32>
    %jit3A_2315 = arith.constant 0 : i32
    %jit3A_2316 = arith.constant 503 : i32
    %max3A_2317 = vector.broadcast %jit3A_2315 : i32 to vector<16xi32>
    %max3A_2318 = arith.maxsi %max3A_2317, %sub3A_2314 : vector<16xi32>
    %min3A_2319 = vector.broadcast %jit3A_2316 : i32 to vector<16xi32>
    %min3A_2320 = arith.minsi %min3A_2319, %max3A_2318 : vector<16xi32>
    %ge3A_2321 = arith.constant 0 : i32
    %ge3A_2322 = vector.broadcast %ge3A_2321 : i32 to vector<16xi32>
    %ge3A_2323 = arith.cmpi sge, %get3A_2311, %ge3A_2322 : vector<16xi32>
    %lt3A_2324 = arith.constant 504 : i32
    %lt3A_2325 = vector.broadcast %lt3A_2324 : i32 to vector<16xi32>
    %lt3A_2326 = arith.cmpi slt, %get3A_2311, %lt3A_2325 : vector<16xi32>
    %and3A_2327 = arith.andi %ge3A_2323, %lt3A_2326 : vector<16xi1>
    %add3A_2328 = arith.constant 80 : i32
    %add3A_2329 = vector.broadcast %add3A_2328 : i32 to vector<16xi32>
    %add3A_2330 = arith.addi %add3A_2329, %iota3A : vector<16xi32>
    tpu.vector_store_idx %arg5[%min3A_2320, %add3A_2330], %broadcast_in_dim3A_4 masked %and3A_2327 : memref<504x128xf32, #tpu.memory_space<vmem>>[vector<16xi32>, vector<16xi32>], vector<16xf32>, vector<16xi1>
    %get3A_2331 = arith.constant 352 : index
    %get3A_2332 = tpu.vector_load %arg4[%get3A_2331] {strides = array<i32>} : memref<512xi32, #tpu.memory_space<vmem>>, vector<16xi32>,
    %sub3A_2333 = arith.constant 0 : i32
    %sub3A_2334 = vector.broadcast %sub3A_2333 : i32 to vector<16xi32>
    %sub3A_2335 = arith.subi %get3A_2332, %sub3A_2334 : vector<16xi32>
    %jit3A_2336 = arith.constant 0 : i32
    %jit3A_2337 = arith.constant 503 : i32
    %max3A_2338 = vector.broadcast %jit3A_2336 : i32 to vector<16xi32>
    %max3A_2339 = arith.maxsi %max3A_2338, %sub3A_2335 : vector<16xi32>
    %min3A_2340 = vector.broadcast %jit3A_2337 : i32 to vector<16xi32>
    %min3A_2341 = arith.minsi %min3A_2340, %max3A_2339 : vector<16xi32>
    %ge3A_2342 = arith.constant 0 : i32
    %ge3A_2343 = vector.broadcast %ge3A_2342 : i32 to vector<16xi32>
    %ge3A_2344 = arith.cmpi sge, %get3A_2332, %ge3A_2343 : vector<16xi32>
    %lt3A_2345 = arith.constant 504 : i32
    %lt3A_2346 = vector.broadcast %lt3A_2345 : i32 to vector<16xi32>
    %lt3A_2347 = arith.cmpi slt, %get3A_2332, %lt3A_2346 : vector<16xi32>
    %and3A_2348 = arith.andi %ge3A_2344, %lt3A_2347 : vector<16xi1>
    %add3A_2349 = arith.constant 96 : i32
    %add3A_2350 = vector.broadcast %add3A_2349 : i32 to vector<16xi32>
    %add3A_2351 = arith.addi %add3A_2350, %iota3A : vector<16xi32>
    tpu.vector_store_idx %arg5[%min3A_2341, %add3A_2351], %broadcast_in_dim3A_4 masked %and3A_2348 : memref<504x128xf32, #tpu.memory_space<vmem>>[vector<16xi32>, vector<16xi32>], vector<16xf32>, vector<16xi1>
    %get3A_2352 = arith.constant 368 : index
    %get3A_2353 = tpu.vector_load %arg4[%get3A_2352] {strides = array<i32>} : memref<512xi32, #tpu.memory_space<vmem>>, vector<16xi32>,
    %sub3A_2354 = arith.constant 0 : i32
    %sub3A_2355 = vector.broadcast %sub3A_2354 : i32 to vector<16xi32>
    %sub3A_2356 = arith.subi %get3A_2353, %sub3A_2355 : vector<16xi32>
    %jit3A_2357 = arith.constant 0 : i32
    %jit3A_2358 = arith.constant 503 : i32
    %max3A_2359 = vector.broadcast %jit3A_2357 : i32 to vector<16xi32>
    %max3A_2360 = arith.maxsi %max3A_2359, %sub3A_2356 : vector<16xi32>
    %min3A_2361 = vector.broadcast %jit3A_2358 : i32 to vector<16xi32>
    %min3A_2362 = arith.minsi %min3A_2361, %max3A_2360 : vector<16xi32>
    %ge3A_2363 = arith.constant 0 : i32
    %ge3A_2364 = vector.broadcast %ge3A_2363 : i32 to vector<16xi32>
    %ge3A_2365 = arith.cmpi sge, %get3A_2353, %ge3A_2364 : vector<16xi32>
    %lt3A_2366 = arith.constant 504 : i32
    %lt3A_2367 = vector.broadcast %lt3A_2366 : i32 to vector<16xi32>
    %lt3A_2368 = arith.cmpi slt, %get3A_2353, %lt3A_2367 : vector<16xi32>
    %and3A_2369 = arith.andi %ge3A_2365, %lt3A_2368 : vector<16xi1>
    %add3A_2370 = arith.constant 112 : i32
    %add3A_2371 = vector.broadcast %add3A_2370 : i32 to vector<16xi32>
    %add3A_2372 = arith.addi %add3A_2371, %iota3A : vector<16xi32>
    tpu.vector_store_idx %arg5[%min3A_2362, %add3A_2372], %broadcast_in_dim3A_4 masked %and3A_2369 : memref<504x128xf32, #tpu.memory_space<vmem>>[vector<16xi32>, vector<16xi32>], vector<16xf32>, vector<16xi1>
    %get3A_2373 = arith.constant 384 : index
    %get3A_2374 = tpu.vector_load %arg4[%get3A_2373] {strides = array<i32>} : memref<512xi32, #tpu.memory_space<vmem>>, vector<16xi32>,
    %sub3A_2375 = arith.constant 0 : i32
    %sub3A_2376 = vector.broadcast %sub3A_2375 : i32 to vector<16xi32>
    %sub3A_2377 = arith.subi %get3A_2374, %sub3A_2376 : vector<16xi32>
    %jit3A_2378 = arith.constant 0 : i32
    %jit3A_2379 = arith.constant 503 : i32
    %max3A_2380 = vector.broadcast %jit3A_2378 : i32 to vector<16xi32>
    %max3A_2381 = arith.maxsi %max3A_2380, %sub3A_2377 : vector<16xi32>
    %min3A_2382 = vector.broadcast %jit3A_2379 : i32 to vector<16xi32>
    %min3A_2383 = arith.minsi %min3A_2382, %max3A_2381 : vector<16xi32>
    %ge3A_2384 = arith.constant 0 : i32
    %ge3A_2385 = vector.broadcast %ge3A_2384 : i32 to vector<16xi32>
    %ge3A_2386 = arith.cmpi sge, %get3A_2374, %ge3A_2385 : vector<16xi32>
    %lt3A_2387 = arith.constant 504 : i32
    %lt3A_2388 = vector.broadcast %lt3A_2387 : i32 to vector<16xi32>
    %lt3A_2389 = arith.cmpi slt, %get3A_2374, %lt3A_2388 : vector<16xi32>
    %and3A_2390 = arith.andi %ge3A_2386, %lt3A_2389 : vector<16xi1>
    %add3A_2391 = arith.constant 0 : i32
    %add3A_2392 = vector.broadcast %add3A_2391 : i32 to vector<16xi32>
    %add3A_2393 = arith.addi %add3A_2392, %iota3A : vector<16xi32>
    tpu.vector_store_idx %arg5[%min3A_2383, %add3A_2393], %broadcast_in_dim3A_6 masked %and3A_2390 : memref<504x128xf32, #tpu.memory_space<vmem>>[vector<16xi32>, vector<16xi32>], vector<16xf32>, vector<16xi1>
    %get3A_2394 = arith.constant 400 : index
    %get3A_2395 = tpu.vector_load %arg4[%get3A_2394] {strides = array<i32>} : memref<512xi32, #tpu.memory_space<vmem>>, vector<16xi32>,
    %sub3A_2396 = arith.constant 0 : i32
    %sub3A_2397 = vector.broadcast %sub3A_2396 : i32 to vector<16xi32>
    %sub3A_2398 = arith.subi %get3A_2395, %sub3A_2397 : vector<16xi32>
    %jit3A_2399 = arith.constant 0 : i32
    %jit3A_2400 = arith.constant 503 : i32
    %max3A_2401 = vector.broadcast %jit3A_2399 : i32 to vector<16xi32>
    %max3A_2402 = arith.maxsi %max3A_2401, %sub3A_2398 : vector<16xi32>
    %min3A_2403 = vector.broadcast %jit3A_2400 : i32 to vector<16xi32>
    %min3A_2404 = arith.minsi %min3A_2403, %max3A_2402 : vector<16xi32>
    %ge3A_2405 = arith.constant 0 : i32
    %ge3A_2406 = vector.broadcast %ge3A_2405 : i32 to vector<16xi32>
    %ge3A_2407 = arith.cmpi sge, %get3A_2395, %ge3A_2406 : vector<16xi32>
    %lt3A_2408 = arith.constant 504 : i32
    %lt3A_2409 = vector.broadcast %lt3A_2408 : i32 to vector<16xi32>
    %lt3A_2410 = arith.cmpi slt, %get3A_2395, %lt3A_2409 : vector<16xi32>
    %and3A_2411 = arith.andi %ge3A_2407, %lt3A_2410 : vector<16xi1>
    %add3A_2412 = arith.constant 16 : i32
    %add3A_2413 = vector.broadcast %add3A_2412 : i32 to vector<16xi32>
    %add3A_2414 = arith.addi %add3A_2413, %iota3A : vector<16xi32>
    tpu.vector_store_idx %arg5[%min3A_2404, %add3A_2414], %broadcast_in_dim3A_6 masked %and3A_2411 : memref<504x128xf32, #tpu.memory_space<vmem>>[vector<16xi32>, vector<16xi32>], vector<16xf32>, vector<16xi1>
    %get3A_2415 = arith.constant 416 : index
    %get3A_2416 = tpu.vector_load %arg4[%get3A_2415] {strides = array<i32>} : memref<512xi32, #tpu.memory_space<vmem>>, vector<16xi32>,
    %sub3A_2417 = arith.constant 0 : i32
    %sub3A_2418 = vector.broadcast %sub3A_2417 : i32 to vector<16xi32>
    %sub3A_2419 = arith.subi %get3A_2416, %sub3A_2418 : vector<16xi32>
    %jit3A_2420 = arith.constant 0 : i32
    %jit3A_2421 = arith.constant 503 : i32
    %max3A_2422 = vector.broadcast %jit3A_2420 : i32 to vector<16xi32>
    %max3A_2423 = arith.maxsi %max3A_2422, %sub3A_2419 : vector<16xi32>
    %min3A_2424 = vector.broadcast %jit3A_2421 : i32 to vector<16xi32>
    %min3A_2425 = arith.minsi %min3A_2424, %max3A_2423 : vector<16xi32>
    %ge3A_2426 = arith.constant 0 : i32
    %ge3A_2427 = vector.broadcast %ge3A_2426 : i32 to vector<16xi32>
    %ge3A_2428 = arith.cmpi sge, %get3A_2416, %ge3A_2427 : vector<16xi32>
    %lt3A_2429 = arith.constant 504 : i32
    %lt3A_2430 = vector.broadcast %lt3A_2429 : i32 to vector<16xi32>
    %lt3A_2431 = arith.cmpi slt, %get3A_2416, %lt3A_2430 : vector<16xi32>
    %and3A_2432 = arith.andi %ge3A_2428, %lt3A_2431 : vector<16xi1>
    %add3A_2433 = arith.constant 32 : i32
    %add3A_2434 = vector.broadcast %add3A_2433 : i32 to vector<16xi32>
    %add3A_2435 = arith.addi %add3A_2434, %iota3A : vector<16xi32>
    tpu.vector_store_idx %arg5[%min3A_2425, %add3A_2435], %broadcast_in_dim3A_6 masked %and3A_2432 : memref<504x128xf32, #tpu.memory_space<vmem>>[vector<16xi32>, vector<16xi32>], vector<16xf32>, vector<16xi1>
    %get3A_2436 = arith.constant 432 : index
    %get3A_2437 = tpu.vector_load %arg4[%get3A_2436] {strides = array<i32>} : memref<512xi32, #tpu.memory_space<vmem>>, vector<16xi32>,
    %sub3A_2438 = arith.constant 0 : i32
    %sub3A_2439 = vector.broadcast %sub3A_2438 : i32 to vector<16xi32>
    %sub3A_2440 = arith.subi %get3A_2437, %sub3A_2439 : vector<16xi32>
    %jit3A_2441 = arith.constant 0 : i32
    %jit3A_2442 = arith.constant 503 : i32
    %max3A_2443 = vector.broadcast %jit3A_2441 : i32 to vector<16xi32>
    %max3A_2444 = arith.maxsi %max3A_2443, %sub3A_2440 : vector<16xi32>
    %min3A_2445 = vector.broadcast %jit3A_2442 : i32 to vector<16xi32>
    %min3A_2446 = arith.minsi %min3A_2445, %max3A_2444 : vector<16xi32>
    %ge3A_2447 = arith.constant 0 : i32
    %ge3A_2448 = vector.broadcast %ge3A_2447 : i32 to vector<16xi32>
    %ge3A_2449 = arith.cmpi sge, %get3A_2437, %ge3A_2448 : vector<16xi32>
    %lt3A_2450 = arith.constant 504 : i32
    %lt3A_2451 = vector.broadcast %lt3A_2450 : i32 to vector<16xi32>
    %lt3A_2452 = arith.cmpi slt, %get3A_2437, %lt3A_2451 : vector<16xi32>
    %and3A_2453 = arith.andi %ge3A_2449, %lt3A_2452 : vector<16xi1>
    %add3A_2454 = arith.constant 48 : i32
    %add3A_2455 = vector.broadcast %add3A_2454 : i32 to vector<16xi32>
    %add3A_2456 = arith.addi %add3A_2455, %iota3A : vector<16xi32>
    tpu.vector_store_idx %arg5[%min3A_2446, %add3A_2456], %broadcast_in_dim3A_6 masked %and3A_2453 : memref<504x128xf32, #tpu.memory_space<vmem>>[vector<16xi32>, vector<16xi32>], vector<16xf32>, vector<16xi1>
    %get3A_2457 = arith.constant 448 : index
    %get3A_2458 = tpu.vector_load %arg4[%get3A_2457] {strides = array<i32>} : memref<512xi32, #tpu.memory_space<vmem>>, vector<16xi32>,
    %sub3A_2459 = arith.constant 0 : i32
    %sub3A_2460 = vector.broadcast %sub3A_2459 : i32 to vector<16xi32>
    %sub3A_2461 = arith.subi %get3A_2458, %sub3A_2460 : vector<16xi32>
    %jit3A_2462 = arith.constant 0 : i32
    %jit3A_2463 = arith.constant 503 : i32
    %max3A_2464 = vector.broadcast %jit3A_2462 : i32 to vector<16xi32>
    %max3A_2465 = arith.maxsi %max3A_2464, %sub3A_2461 : vector<16xi32>
    %min3A_2466 = vector.broadcast %jit3A_2463 : i32 to vector<16xi32>
    %min3A_2467 = arith.minsi %min3A_2466, %max3A_2465 : vector<16xi32>
    %ge3A_2468 = arith.constant 0 : i32
    %ge3A_2469 = vector.broadcast %ge3A_2468 : i32 to vector<16xi32>
    %ge3A_2470 = arith.cmpi sge, %get3A_2458, %ge3A_2469 : vector<16xi32>
    %lt3A_2471 = arith.constant 504 : i32
    %lt3A_2472 = vector.broadcast %lt3A_2471 : i32 to vector<16xi32>
    %lt3A_2473 = arith.cmpi slt, %get3A_2458, %lt3A_2472 : vector<16xi32>
    %and3A_2474 = arith.andi %ge3A_2470, %lt3A_2473 : vector<16xi1>
    %add3A_2475 = arith.constant 64 : i32
    %add3A_2476 = vector.broadcast %add3A_2475 : i32 to vector<16xi32>
    %add3A_2477 = arith.addi %add3A_2476, %iota3A : vector<16xi32>
    tpu.vector_store_idx %arg5[%min3A_2467, %add3A_2477], %broadcast_in_dim3A_6 masked %and3A_2474 : memref<504x128xf32, #tpu.memory_space<vmem>>[vector<16xi32>, vector<16xi32>], vector<16xf32>, vector<16xi1>
    %get3A_2478 = arith.constant 464 : index
    %get3A_2479 = tpu.vector_load %arg4[%get3A_2478] {strides = array<i32>} : memref<512xi32, #tpu.memory_space<vmem>>, vector<16xi32>,
    %sub3A_2480 = arith.constant 0 : i32
    %sub3A_2481 = vector.broadcast %sub3A_2480 : i32 to vector<16xi32>
    %sub3A_2482 = arith.subi %get3A_2479, %sub3A_2481 : vector<16xi32>
    %jit3A_2483 = arith.constant 0 : i32
    %jit3A_2484 = arith.constant 503 : i32
    %max3A_2485 = vector.broadcast %jit3A_2483 : i32 to vector<16xi32>
    %max3A_2486 = arith.maxsi %max3A_2485, %sub3A_2482 : vector<16xi32>
    %min3A_2487 = vector.broadcast %jit3A_2484 : i32 to vector<16xi32>
    %min3A_2488 = arith.minsi %min3A_2487, %max3A_2486 : vector<16xi32>
    %ge3A_2489 = arith.constant 0 : i32
    %ge3A_2490 = vector.broadcast %ge3A_2489 : i32 to vector<16xi32>
    %ge3A_2491 = arith.cmpi sge, %get3A_2479, %ge3A_2490 : vector<16xi32>
    %lt3A_2492 = arith.constant 504 : i32
    %lt3A_2493 = vector.broadcast %lt3A_2492 : i32 to vector<16xi32>
    %lt3A_2494 = arith.cmpi slt, %get3A_2479, %lt3A_2493 : vector<16xi32>
    %and3A_2495 = arith.andi %ge3A_2491, %lt3A_2494 : vector<16xi1>
    %add3A_2496 = arith.constant 80 : i32
    %add3A_2497 = vector.broadcast %add3A_2496 : i32 to vector<16xi32>
    %add3A_2498 = arith.addi %add3A_2497, %iota3A : vector<16xi32>
    tpu.vector_store_idx %arg5[%min3A_2488, %add3A_2498], %broadcast_in_dim3A_6 masked %and3A_2495 : memref<504x128xf32, #tpu.memory_space<vmem>>[vector<16xi32>, vector<16xi32>], vector<16xf32>, vector<16xi1>
    %get3A_2499 = arith.constant 480 : index
    %get3A_2500 = tpu.vector_load %arg4[%get3A_2499] {strides = array<i32>} : memref<512xi32, #tpu.memory_space<vmem>>, vector<16xi32>,
    %sub3A_2501 = arith.constant 0 : i32
    %sub3A_2502 = vector.broadcast %sub3A_2501 : i32 to vector<16xi32>
    %sub3A_2503 = arith.subi %get3A_2500, %sub3A_2502 : vector<16xi32>
    %jit3A_2504 = arith.constant 0 : i32
    %jit3A_2505 = arith.constant 503 : i32
    %max3A_2506 = vector.broadcast %jit3A_2504 : i32 to vector<16xi32>
    %max3A_2507 = arith.maxsi %max3A_2506, %sub3A_2503 : vector<16xi32>
    %min3A_2508 = vector.broadcast %jit3A_2505 : i32 to vector<16xi32>
    %min3A_2509 = arith.minsi %min3A_2508, %max3A_2507 : vector<16xi32>
    %ge3A_2510 = arith.constant 0 : i32
    %ge3A_2511 = vector.broadcast %ge3A_2510 : i32 to vector<16xi32>
    %ge3A_2512 = arith.cmpi sge, %get3A_2500, %ge3A_2511 : vector<16xi32>
    %lt3A_2513 = arith.constant 504 : i32
    %lt3A_2514 = vector.broadcast %lt3A_2513 : i32 to vector<16xi32>
    %lt3A_2515 = arith.cmpi slt, %get3A_2500, %lt3A_2514 : vector<16xi32>
    %and3A_2516 = arith.andi %ge3A_2512, %lt3A_2515 : vector<16xi1>
    %add3A_2517 = arith.constant 96 : i32
    %add3A_2518 = vector.broadcast %add3A_2517 : i32 to vector<16xi32>
    %add3A_2519 = arith.addi %add3A_2518, %iota3A : vector<16xi32>
    tpu.vector_store_idx %arg5[%min3A_2509, %add3A_2519], %broadcast_in_dim3A_6 masked %and3A_2516 : memref<504x128xf32, #tpu.memory_space<vmem>>[vector<16xi32>, vector<16xi32>], vector<16xf32>, vector<16xi1>
    %get3A_2520 = arith.constant 496 : index
    %get3A_2521 = tpu.vector_load %arg4[%get3A_2520] {strides = array<i32>} : memref<512xi32, #tpu.memory_space<vmem>>, vector<16xi32>,
    %sub3A_2522 = arith.constant 0 : i32
    %sub3A_2523 = vector.broadcast %sub3A_2522 : i32 to vector<16xi32>
    %sub3A_2524 = arith.subi %get3A_2521, %sub3A_2523 : vector<16xi32>
    %jit3A_2525 = arith.constant 0 : i32
    %jit3A_2526 = arith.constant 503 : i32
    %max3A_2527 = vector.broadcast %jit3A_2525 : i32 to vector<16xi32>
    %max3A_2528 = arith.maxsi %max3A_2527, %sub3A_2524 : vector<16xi32>
    %min3A_2529 = vector.broadcast %jit3A_2526 : i32 to vector<16xi32>
    %min3A_2530 = arith.minsi %min3A_2529, %max3A_2528 : vector<16xi32>
    %ge3A_2531 = arith.constant 0 : i32
    %ge3A_2532 = vector.broadcast %ge3A_2531 : i32 to vector<16xi32>
    %ge3A_2533 = arith.cmpi sge, %get3A_2521, %ge3A_2532 : vector<16xi32>
    %lt3A_2534 = arith.constant 504 : i32
    %lt3A_2535 = vector.broadcast %lt3A_2534 : i32 to vector<16xi32>
    %lt3A_2536 = arith.cmpi slt, %get3A_2521, %lt3A_2535 : vector<16xi32>
    %and3A_2537 = arith.andi %ge3A_2533, %lt3A_2536 : vector<16xi1>
    %add3A_2538 = arith.constant 112 : i32
    %add3A_2539 = vector.broadcast %add3A_2538 : i32 to vector<16xi32>
    %add3A_2540 = arith.addi %add3A_2539, %iota3A : vector<16xi32>
    tpu.vector_store_idx %arg5[%min3A_2530, %add3A_2540], %broadcast_in_dim3A_6 masked %and3A_2537 : memref<504x128xf32, #tpu.memory_space<vmem>>[vector<16xi32>, vector<16xi32>], vector<16xf32>, vector<16xi1>
    %add3A_2541 = arith.constant 384 : i32
    %add3A_2542 = arith.addi %mul3A_2, %add3A_2541 : i32
    %dma_start3A_2543 = arith.constant 0 : i32
    %dma_start3A_2544 = arith.constant 0 : i32
    %dma_start3A_2545 = tpu.memref_slice %arg5[%dma_start3A_2543, %dma_start3A_2544] : memref<504x128xf32, #tpu.memory_space<vmem>> -> memref<504x128xf32, #tpu.memory_space<vmem>>
    %dma_start3A_2546 = arith.constant 0 : i32
    %dma_start3A_2547 = tpu.memref_slice %arg3[%dma_start3A_2546, %add3A_2542] : memref<1000x16384xf32, #tpu.memory_space<hbm>> -> memref<504x128xf32, #tpu.memory_space<hbm>>
    %dma_start3A_2548 = arith.constant 0 : i32
    %dma_start3A_2549 = tpu.memref_slice %arg3[%dma_start3A_2548, %add3A_2542] : memref<1000x16384xf32, #tpu.memory_space<hbm>> -> memref<504x128xf32, #tpu.memory_space<hbm>>
    %dma_start3A_2550 = arith.constant 0 : i32
    %dma_start3A_2551 = arith.constant 0 : i32
    %dma_start3A_2552 = tpu.memref_slice %arg5[%dma_start3A_2550, %dma_start3A_2551] : memref<504x128xf32, #tpu.memory_space<vmem>> -> memref<504x128xf32, #tpu.memory_space<vmem>>
    tpu.enqueue_dma source(%dma_start3A_2552 : memref<504x128xf32, #tpu.memory_space<vmem>>) target(%dma_start3A_2549 : memref<504x128xf32, #tpu.memory_space<hbm>>) target_semaphore(%arg7 : memref<!tpu.dma_semaphore, #tpu.memory_space<semaphore_mem>>)
    %dma_wait3A_2553 = arith.constant 0 : i32
    %dma_wait3A_2554 = arith.constant 0 : i32
    %dma_wait3A_2555 = tpu.memref_slice %arg6[%dma_wait3A_2553, %dma_wait3A_2554] : memref<496x128xf32, #tpu.memory_space<vmem>> -> memref<496x128xf32, #tpu.memory_space<vmem>>
    %dma_wait3A_2556 = arith.constant 504 : i32
    %dma_wait3A_2557 = tpu.memref_slice %arg3[%dma_wait3A_2556, %add3A_2184] : memref<1000x16384xf32, #tpu.memory_space<hbm>> -> memref<496x128xf32, #tpu.memory_space<hbm>>
    %dma_wait3A_2558 = arith.constant 504 : i32
    %dma_wait3A_2559 = tpu.memref_slice %arg3[%dma_wait3A_2558, %add3A_2184] : memref<1000x16384xf32, #tpu.memory_space<hbm>> -> memref<496x128xf32, #tpu.memory_space<hbm>>
    %dma_wait3A_2560 = arith.constant 0 : i32
    %dma_wait3A_2561 = arith.constant 0 : i32
    %dma_wait3A_2562 = tpu.memref_slice %arg6[%dma_wait3A_2560, %dma_wait3A_2561] : memref<496x128xf32, #tpu.memory_space<vmem>> -> memref<496x128xf32, #tpu.memory_space<vmem>>
    tpu.wait_dma2 semaphore(%arg8 : memref<!tpu.dma_semaphore, #tpu.memory_space<semaphore_mem>>) src(%dma_wait3A_2562 : memref<496x128xf32, #tpu.memory_space<vmem>>) dst(%dma_wait3A_2559 : memref<496x128xf32, #tpu.memory_space<hbm>>)
    %get3A_2563 = arith.constant 256 : index
    %get3A_2564 = tpu.vector_load %arg4[%get3A_2563] {strides = array<i32>} : memref<512xi32, #tpu.memory_space<vmem>>, vector<16xi32>,
    %sub3A_2565 = arith.constant 504 : i32
    %sub3A_2566 = vector.broadcast %sub3A_2565 : i32 to vector<16xi32>
    %sub3A_2567 = arith.subi %get3A_2564, %sub3A_2566 : vector<16xi32>
    %jit3A_2568 = arith.constant 0 : i32
    %jit3A_2569 = arith.constant 495 : i32
    %max3A_2570 = vector.broadcast %jit3A_2568 : i32 to vector<16xi32>
    %max3A_2571 = arith.maxsi %max3A_2570, %sub3A_2567 : vector<16xi32>
    %min3A_2572 = vector.broadcast %jit3A_2569 : i32 to vector<16xi32>
    %min3A_2573 = arith.minsi %min3A_2572, %max3A_2571 : vector<16xi32>
    %ge3A_2574 = arith.constant 504 : i32
    %ge3A_2575 = vector.broadcast %ge3A_2574 : i32 to vector<16xi32>
    %ge3A_2576 = arith.cmpi sge, %get3A_2564, %ge3A_2575 : vector<16xi32>
    %lt3A_2577 = arith.constant 1000 : i32
    %lt3A_2578 = vector.broadcast %lt3A_2577 : i32 to vector<16xi32>
    %lt3A_2579 = arith.cmpi slt, %get3A_2564, %lt3A_2578 : vector<16xi32>
    %and3A_2580 = arith.andi %ge3A_2576, %lt3A_2579 : vector<16xi1>
    %add3A_2581 = arith.constant 0 : i32
    %add3A_2582 = vector.broadcast %add3A_2581 : i32 to vector<16xi32>
    %add3A_2583 = arith.addi %add3A_2582, %iota3A : vector<16xi32>
    tpu.vector_store_idx %arg6[%min3A_2573, %add3A_2583], %broadcast_in_dim3A_4 masked %and3A_2580 : memref<496x128xf32, #tpu.memory_space<vmem>>[vector<16xi32>, vector<16xi32>], vector<16xf32>, vector<16xi1>
    %get3A_2584 = arith.constant 272 : index
    %get3A_2585 = tpu.vector_load %arg4[%get3A_2584] {strides = array<i32>} : memref<512xi32, #tpu.memory_space<vmem>>, vector<16xi32>,
    %sub3A_2586 = arith.constant 504 : i32
    %sub3A_2587 = vector.broadcast %sub3A_2586 : i32 to vector<16xi32>
    %sub3A_2588 = arith.subi %get3A_2585, %sub3A_2587 : vector<16xi32>
    %jit3A_2589 = arith.constant 0 : i32
    %jit3A_2590 = arith.constant 495 : i32
    %max3A_2591 = vector.broadcast %jit3A_2589 : i32 to vector<16xi32>
    %max3A_2592 = arith.maxsi %max3A_2591, %sub3A_2588 : vector<16xi32>
    %min3A_2593 = vector.broadcast %jit3A_2590 : i32 to vector<16xi32>
    %min3A_2594 = arith.minsi %min3A_2593, %max3A_2592 : vector<16xi32>
    %ge3A_2595 = arith.constant 504 : i32
    %ge3A_2596 = vector.broadcast %ge3A_2595 : i32 to vector<16xi32>
    %ge3A_2597 = arith.cmpi sge, %get3A_2585, %ge3A_2596 : vector<16xi32>
    %lt3A_2598 = arith.constant 1000 : i32
    %lt3A_2599 = vector.broadcast %lt3A_2598 : i32 to vector<16xi32>
    %lt3A_2600 = arith.cmpi slt, %get3A_2585, %lt3A_2599 : vector<16xi32>
    %and3A_2601 = arith.andi %ge3A_2597, %lt3A_2600 : vector<16xi1>
    %add3A_2602 = arith.constant 16 : i32
    %add3A_2603 = vector.broadcast %add3A_2602 : i32 to vector<16xi32>
    %add3A_2604 = arith.addi %add3A_2603, %iota3A : vector<16xi32>
    tpu.vector_store_idx %arg6[%min3A_2594, %add3A_2604], %broadcast_in_dim3A_4 masked %and3A_2601 : memref<496x128xf32, #tpu.memory_space<vmem>>[vector<16xi32>, vector<16xi32>], vector<16xf32>, vector<16xi1>
    %get3A_2605 = arith.constant 288 : index
    %get3A_2606 = tpu.vector_load %arg4[%get3A_2605] {strides = array<i32>} : memref<512xi32, #tpu.memory_space<vmem>>, vector<16xi32>,
    %sub3A_2607 = arith.constant 504 : i32
    %sub3A_2608 = vector.broadcast %sub3A_2607 : i32 to vector<16xi32>
    %sub3A_2609 = arith.subi %get3A_2606, %sub3A_2608 : vector<16xi32>
    %jit3A_2610 = arith.constant 0 : i32
    %jit3A_2611 = arith.constant 495 : i32
    %max3A_2612 = vector.broadcast %jit3A_2610 : i32 to vector<16xi32>
    %max3A_2613 = arith.maxsi %max3A_2612, %sub3A_2609 : vector<16xi32>
    %min3A_2614 = vector.broadcast %jit3A_2611 : i32 to vector<16xi32>
    %min3A_2615 = arith.minsi %min3A_2614, %max3A_2613 : vector<16xi32>
    %ge3A_2616 = arith.constant 504 : i32
    %ge3A_2617 = vector.broadcast %ge3A_2616 : i32 to vector<16xi32>
    %ge3A_2618 = arith.cmpi sge, %get3A_2606, %ge3A_2617 : vector<16xi32>
    %lt3A_2619 = arith.constant 1000 : i32
    %lt3A_2620 = vector.broadcast %lt3A_2619 : i32 to vector<16xi32>
    %lt3A_2621 = arith.cmpi slt, %get3A_2606, %lt3A_2620 : vector<16xi32>
    %and3A_2622 = arith.andi %ge3A_2618, %lt3A_2621 : vector<16xi1>
    %add3A_2623 = arith.constant 32 : i32
    %add3A_2624 = vector.broadcast %add3A_2623 : i32 to vector<16xi32>
    %add3A_2625 = arith.addi %add3A_2624, %iota3A : vector<16xi32>
    tpu.vector_store_idx %arg6[%min3A_2615, %add3A_2625], %broadcast_in_dim3A_4 masked %and3A_2622 : memref<496x128xf32, #tpu.memory_space<vmem>>[vector<16xi32>, vector<16xi32>], vector<16xf32>, vector<16xi1>
    %get3A_2626 = arith.constant 304 : index
    %get3A_2627 = tpu.vector_load %arg4[%get3A_2626] {strides = array<i32>} : memref<512xi32, #tpu.memory_space<vmem>>, vector<16xi32>,
    %sub3A_2628 = arith.constant 504 : i32
    %sub3A_2629 = vector.broadcast %sub3A_2628 : i32 to vector<16xi32>
    %sub3A_2630 = arith.subi %get3A_2627, %sub3A_2629 : vector<16xi32>
    %jit3A_2631 = arith.constant 0 : i32
    %jit3A_2632 = arith.constant 495 : i32
    %max3A_2633 = vector.broadcast %jit3A_2631 : i32 to vector<16xi32>
    %max3A_2634 = arith.maxsi %max3A_2633, %sub3A_2630 : vector<16xi32>
    %min3A_2635 = vector.broadcast %jit3A_2632 : i32 to vector<16xi32>
    %min3A_2636 = arith.minsi %min3A_2635, %max3A_2634 : vector<16xi32>
    %ge3A_2637 = arith.constant 504 : i32
    %ge3A_2638 = vector.broadcast %ge3A_2637 : i32 to vector<16xi32>
    %ge3A_2639 = arith.cmpi sge, %get3A_2627, %ge3A_2638 : vector<16xi32>
    %lt3A_2640 = arith.constant 1000 : i32
    %lt3A_2641 = vector.broadcast %lt3A_2640 : i32 to vector<16xi32>
    %lt3A_2642 = arith.cmpi slt, %get3A_2627, %lt3A_2641 : vector<16xi32>
    %and3A_2643 = arith.andi %ge3A_2639, %lt3A_2642 : vector<16xi1>
    %add3A_2644 = arith.constant 48 : i32
    %add3A_2645 = vector.broadcast %add3A_2644 : i32 to vector<16xi32>
    %add3A_2646 = arith.addi %add3A_2645, %iota3A : vector<16xi32>
    tpu.vector_store_idx %arg6[%min3A_2636, %add3A_2646], %broadcast_in_dim3A_4 masked %and3A_2643 : memref<496x128xf32, #tpu.memory_space<vmem>>[vector<16xi32>, vector<16xi32>], vector<16xf32>, vector<16xi1>
    %get3A_2647 = arith.constant 320 : index
    %get3A_2648 = tpu.vector_load %arg4[%get3A_2647] {strides = array<i32>} : memref<512xi32, #tpu.memory_space<vmem>>, vector<16xi32>,
    %sub3A_2649 = arith.constant 504 : i32
    %sub3A_2650 = vector.broadcast %sub3A_2649 : i32 to vector<16xi32>
    %sub3A_2651 = arith.subi %get3A_2648, %sub3A_2650 : vector<16xi32>
    %jit3A_2652 = arith.constant 0 : i32
    %jit3A_2653 = arith.constant 495 : i32
    %max3A_2654 = vector.broadcast %jit3A_2652 : i32 to vector<16xi32>
    %max3A_2655 = arith.maxsi %max3A_2654, %sub3A_2651 : vector<16xi32>
    %min3A_2656 = vector.broadcast %jit3A_2653 : i32 to vector<16xi32>
    %min3A_2657 = arith.minsi %min3A_2656, %max3A_2655 : vector<16xi32>
    %ge3A_2658 = arith.constant 504 : i32
    %ge3A_2659 = vector.broadcast %ge3A_2658 : i32 to vector<16xi32>
    %ge3A_2660 = arith.cmpi sge, %get3A_2648, %ge3A_2659 : vector<16xi32>
    %lt3A_2661 = arith.constant 1000 : i32
    %lt3A_2662 = vector.broadcast %lt3A_2661 : i32 to vector<16xi32>
    %lt3A_2663 = arith.cmpi slt, %get3A_2648, %lt3A_2662 : vector<16xi32>
    %and3A_2664 = arith.andi %ge3A_2660, %lt3A_2663 : vector<16xi1>
    %add3A_2665 = arith.constant 64 : i32
    %add3A_2666 = vector.broadcast %add3A_2665 : i32 to vector<16xi32>
    %add3A_2667 = arith.addi %add3A_2666, %iota3A : vector<16xi32>
    tpu.vector_store_idx %arg6[%min3A_2657, %add3A_2667], %broadcast_in_dim3A_4 masked %and3A_2664 : memref<496x128xf32, #tpu.memory_space<vmem>>[vector<16xi32>, vector<16xi32>], vector<16xf32>, vector<16xi1>
    %get3A_2668 = arith.constant 336 : index
    %get3A_2669 = tpu.vector_load %arg4[%get3A_2668] {strides = array<i32>} : memref<512xi32, #tpu.memory_space<vmem>>, vector<16xi32>,
    %sub3A_2670 = arith.constant 504 : i32
    %sub3A_2671 = vector.broadcast %sub3A_2670 : i32 to vector<16xi32>
    %sub3A_2672 = arith.subi %get3A_2669, %sub3A_2671 : vector<16xi32>
    %jit3A_2673 = arith.constant 0 : i32
    %jit3A_2674 = arith.constant 495 : i32
    %max3A_2675 = vector.broadcast %jit3A_2673 : i32 to vector<16xi32>
    %max3A_2676 = arith.maxsi %max3A_2675, %sub3A_2672 : vector<16xi32>
    %min3A_2677 = vector.broadcast %jit3A_2674 : i32 to vector<16xi32>
    %min3A_2678 = arith.minsi %min3A_2677, %max3A_2676 : vector<16xi32>
    %ge3A_2679 = arith.constant 504 : i32
    %ge3A_2680 = vector.broadcast %ge3A_2679 : i32 to vector<16xi32>
    %ge3A_2681 = arith.cmpi sge, %get3A_2669, %ge3A_2680 : vector<16xi32>
    %lt3A_2682 = arith.constant 1000 : i32
    %lt3A_2683 = vector.broadcast %lt3A_2682 : i32 to vector<16xi32>
    %lt3A_2684 = arith.cmpi slt, %get3A_2669, %lt3A_2683 : vector<16xi32>
    %and3A_2685 = arith.andi %ge3A_2681, %lt3A_2684 : vector<16xi1>
    %add3A_2686 = arith.constant 80 : i32
    %add3A_2687 = vector.broadcast %add3A_2686 : i32 to vector<16xi32>
    %add3A_2688 = arith.addi %add3A_2687, %iota3A : vector<16xi32>
    tpu.vector_store_idx %arg6[%min3A_2678, %add3A_2688], %broadcast_in_dim3A_4 masked %and3A_2685 : memref<496x128xf32, #tpu.memory_space<vmem>>[vector<16xi32>, vector<16xi32>], vector<16xf32>, vector<16xi1>
    %get3A_2689 = arith.constant 352 : index
    %get3A_2690 = tpu.vector_load %arg4[%get3A_2689] {strides = array<i32>} : memref<512xi32, #tpu.memory_space<vmem>>, vector<16xi32>,
    %sub3A_2691 = arith.constant 504 : i32
    %sub3A_2692 = vector.broadcast %sub3A_2691 : i32 to vector<16xi32>
    %sub3A_2693 = arith.subi %get3A_2690, %sub3A_2692 : vector<16xi32>
    %jit3A_2694 = arith.constant 0 : i32
    %jit3A_2695 = arith.constant 495 : i32
    %max3A_2696 = vector.broadcast %jit3A_2694 : i32 to vector<16xi32>
    %max3A_2697 = arith.maxsi %max3A_2696, %sub3A_2693 : vector<16xi32>
    %min3A_2698 = vector.broadcast %jit3A_2695 : i32 to vector<16xi32>
    %min3A_2699 = arith.minsi %min3A_2698, %max3A_2697 : vector<16xi32>
    %ge3A_2700 = arith.constant 504 : i32
    %ge3A_2701 = vector.broadcast %ge3A_2700 : i32 to vector<16xi32>
    %ge3A_2702 = arith.cmpi sge, %get3A_2690, %ge3A_2701 : vector<16xi32>
    %lt3A_2703 = arith.constant 1000 : i32
    %lt3A_2704 = vector.broadcast %lt3A_2703 : i32 to vector<16xi32>
    %lt3A_2705 = arith.cmpi slt, %get3A_2690, %lt3A_2704 : vector<16xi32>
    %and3A_2706 = arith.andi %ge3A_2702, %lt3A_2705 : vector<16xi1>
    %add3A_2707 = arith.constant 96 : i32
    %add3A_2708 = vector.broadcast %add3A_2707 : i32 to vector<16xi32>
    %add3A_2709 = arith.addi %add3A_2708, %iota3A : vector<16xi32>
    tpu.vector_store_idx %arg6[%min3A_2699, %add3A_2709], %broadcast_in_dim3A_4 masked %and3A_2706 : memref<496x128xf32, #tpu.memory_space<vmem>>[vector<16xi32>, vector<16xi32>], vector<16xf32>, vector<16xi1>
    %get3A_2710 = arith.constant 368 : index
    %get3A_2711 = tpu.vector_load %arg4[%get3A_2710] {strides = array<i32>} : memref<512xi32, #tpu.memory_space<vmem>>, vector<16xi32>,
    %sub3A_2712 = arith.constant 504 : i32
    %sub3A_2713 = vector.broadcast %sub3A_2712 : i32 to vector<16xi32>
    %sub3A_2714 = arith.subi %get3A_2711, %sub3A_2713 : vector<16xi32>
    %jit3A_2715 = arith.constant 0 : i32
    %jit3A_2716 = arith.constant 495 : i32
    %max3A_2717 = vector.broadcast %jit3A_2715 : i32 to vector<16xi32>
    %max3A_2718 = arith.maxsi %max3A_2717, %sub3A_2714 : vector<16xi32>
    %min3A_2719 = vector.broadcast %jit3A_2716 : i32 to vector<16xi32>
    %min3A_2720 = arith.minsi %min3A_2719, %max3A_2718 : vector<16xi32>
    %ge3A_2721 = arith.constant 504 : i32
    %ge3A_2722 = vector.broadcast %ge3A_2721 : i32 to vector<16xi32>
    %ge3A_2723 = arith.cmpi sge, %get3A_2711, %ge3A_2722 : vector<16xi32>
    %lt3A_2724 = arith.constant 1000 : i32
    %lt3A_2725 = vector.broadcast %lt3A_2724 : i32 to vector<16xi32>
    %lt3A_2726 = arith.cmpi slt, %get3A_2711, %lt3A_2725 : vector<16xi32>
    %and3A_2727 = arith.andi %ge3A_2723, %lt3A_2726 : vector<16xi1>
    %add3A_2728 = arith.constant 112 : i32
    %add3A_2729 = vector.broadcast %add3A_2728 : i32 to vector<16xi32>
    %add3A_2730 = arith.addi %add3A_2729, %iota3A : vector<16xi32>
    tpu.vector_store_idx %arg6[%min3A_2720, %add3A_2730], %broadcast_in_dim3A_4 masked %and3A_2727 : memref<496x128xf32, #tpu.memory_space<vmem>>[vector<16xi32>, vector<16xi32>], vector<16xf32>, vector<16xi1>
    %get3A_2731 = arith.constant 384 : index
    %get3A_2732 = tpu.vector_load %arg4[%get3A_2731] {strides = array<i32>} : memref<512xi32, #tpu.memory_space<vmem>>, vector<16xi32>,
    %sub3A_2733 = arith.constant 504 : i32
    %sub3A_2734 = vector.broadcast %sub3A_2733 : i32 to vector<16xi32>
    %sub3A_2735 = arith.subi %get3A_2732, %sub3A_2734 : vector<16xi32>
    %jit3A_2736 = arith.constant 0 : i32
    %jit3A_2737 = arith.constant 495 : i32
    %max3A_2738 = vector.broadcast %jit3A_2736 : i32 to vector<16xi32>
    %max3A_2739 = arith.maxsi %max3A_2738, %sub3A_2735 : vector<16xi32>
    %min3A_2740 = vector.broadcast %jit3A_2737 : i32 to vector<16xi32>
    %min3A_2741 = arith.minsi %min3A_2740, %max3A_2739 : vector<16xi32>
    %ge3A_2742 = arith.constant 504 : i32
    %ge3A_2743 = vector.broadcast %ge3A_2742 : i32 to vector<16xi32>
    %ge3A_2744 = arith.cmpi sge, %get3A_2732, %ge3A_2743 : vector<16xi32>
    %lt3A_2745 = arith.constant 1000 : i32
    %lt3A_2746 = vector.broadcast %lt3A_2745 : i32 to vector<16xi32>
    %lt3A_2747 = arith.cmpi slt, %get3A_2732, %lt3A_2746 : vector<16xi32>
    %and3A_2748 = arith.andi %ge3A_2744, %lt3A_2747 : vector<16xi1>
    %add3A_2749 = arith.constant 0 : i32
    %add3A_2750 = vector.broadcast %add3A_2749 : i32 to vector<16xi32>
    %add3A_2751 = arith.addi %add3A_2750, %iota3A : vector<16xi32>
    tpu.vector_store_idx %arg6[%min3A_2741, %add3A_2751], %broadcast_in_dim3A_6 masked %and3A_2748 : memref<496x128xf32, #tpu.memory_space<vmem>>[vector<16xi32>, vector<16xi32>], vector<16xf32>, vector<16xi1>
    %get3A_2752 = arith.constant 400 : index
    %get3A_2753 = tpu.vector_load %arg4[%get3A_2752] {strides = array<i32>} : memref<512xi32, #tpu.memory_space<vmem>>, vector<16xi32>,
    %sub3A_2754 = arith.constant 504 : i32
    %sub3A_2755 = vector.broadcast %sub3A_2754 : i32 to vector<16xi32>
    %sub3A_2756 = arith.subi %get3A_2753, %sub3A_2755 : vector<16xi32>
    %jit3A_2757 = arith.constant 0 : i32
    %jit3A_2758 = arith.constant 495 : i32
    %max3A_2759 = vector.broadcast %jit3A_2757 : i32 to vector<16xi32>
    %max3A_2760 = arith.maxsi %max3A_2759, %sub3A_2756 : vector<16xi32>
    %min3A_2761 = vector.broadcast %jit3A_2758 : i32 to vector<16xi32>
    %min3A_2762 = arith.minsi %min3A_2761, %max3A_2760 : vector<16xi32>
    %ge3A_2763 = arith.constant 504 : i32
    %ge3A_2764 = vector.broadcast %ge3A_2763 : i32 to vector<16xi32>
    %ge3A_2765 = arith.cmpi sge, %get3A_2753, %ge3A_2764 : vector<16xi32>
    %lt3A_2766 = arith.constant 1000 : i32
    %lt3A_2767 = vector.broadcast %lt3A_2766 : i32 to vector<16xi32>
    %lt3A_2768 = arith.cmpi slt, %get3A_2753, %lt3A_2767 : vector<16xi32>
    %and3A_2769 = arith.andi %ge3A_2765, %lt3A_2768 : vector<16xi1>
    %add3A_2770 = arith.constant 16 : i32
    %add3A_2771 = vector.broadcast %add3A_2770 : i32 to vector<16xi32>
    %add3A_2772 = arith.addi %add3A_2771, %iota3A : vector<16xi32>
    tpu.vector_store_idx %arg6[%min3A_2762, %add3A_2772], %broadcast_in_dim3A_6 masked %and3A_2769 : memref<496x128xf32, #tpu.memory_space<vmem>>[vector<16xi32>, vector<16xi32>], vector<16xf32>, vector<16xi1>
    %get3A_2773 = arith.constant 416 : index
    %get3A_2774 = tpu.vector_load %arg4[%get3A_2773] {strides = array<i32>} : memref<512xi32, #tpu.memory_space<vmem>>, vector<16xi32>,
    %sub3A_2775 = arith.constant 504 : i32
    %sub3A_2776 = vector.broadcast %sub3A_2775 : i32 to vector<16xi32>
    %sub3A_2777 = arith.subi %get3A_2774, %sub3A_2776 : vector<16xi32>
    %jit3A_2778 = arith.constant 0 : i32
    %jit3A_2779 = arith.constant 495 : i32
    %max3A_2780 = vector.broadcast %jit3A_2778 : i32 to vector<16xi32>
    %max3A_2781 = arith.maxsi %max3A_2780, %sub3A_2777 : vector<16xi32>
    %min3A_2782 = vector.broadcast %jit3A_2779 : i32 to vector<16xi32>
    %min3A_2783 = arith.minsi %min3A_2782, %max3A_2781 : vector<16xi32>
    %ge3A_2784 = arith.constant 504 : i32
    %ge3A_2785 = vector.broadcast %ge3A_2784 : i32 to vector<16xi32>
    %ge3A_2786 = arith.cmpi sge, %get3A_2774, %ge3A_2785 : vector<16xi32>
    %lt3A_2787 = arith.constant 1000 : i32
    %lt3A_2788 = vector.broadcast %lt3A_2787 : i32 to vector<16xi32>
    %lt3A_2789 = arith.cmpi slt, %get3A_2774, %lt3A_2788 : vector<16xi32>
    %and3A_2790 = arith.andi %ge3A_2786, %lt3A_2789 : vector<16xi1>
    %add3A_2791 = arith.constant 32 : i32
    %add3A_2792 = vector.broadcast %add3A_2791 : i32 to vector<16xi32>
    %add3A_2793 = arith.addi %add3A_2792, %iota3A : vector<16xi32>
    tpu.vector_store_idx %arg6[%min3A_2783, %add3A_2793], %broadcast_in_dim3A_6 masked %and3A_2790 : memref<496x128xf32, #tpu.memory_space<vmem>>[vector<16xi32>, vector<16xi32>], vector<16xf32>, vector<16xi1>
    %get3A_2794 = arith.constant 432 : index
    %get3A_2795 = tpu.vector_load %arg4[%get3A_2794] {strides = array<i32>} : memref<512xi32, #tpu.memory_space<vmem>>, vector<16xi32>,
    %sub3A_2796 = arith.constant 504 : i32
    %sub3A_2797 = vector.broadcast %sub3A_2796 : i32 to vector<16xi32>
    %sub3A_2798 = arith.subi %get3A_2795, %sub3A_2797 : vector<16xi32>
    %jit3A_2799 = arith.constant 0 : i32
    %jit3A_2800 = arith.constant 495 : i32
    %max3A_2801 = vector.broadcast %jit3A_2799 : i32 to vector<16xi32>
    %max3A_2802 = arith.maxsi %max3A_2801, %sub3A_2798 : vector<16xi32>
    %min3A_2803 = vector.broadcast %jit3A_2800 : i32 to vector<16xi32>
    %min3A_2804 = arith.minsi %min3A_2803, %max3A_2802 : vector<16xi32>
    %ge3A_2805 = arith.constant 504 : i32
    %ge3A_2806 = vector.broadcast %ge3A_2805 : i32 to vector<16xi32>
    %ge3A_2807 = arith.cmpi sge, %get3A_2795, %ge3A_2806 : vector<16xi32>
    %lt3A_2808 = arith.constant 1000 : i32
    %lt3A_2809 = vector.broadcast %lt3A_2808 : i32 to vector<16xi32>
    %lt3A_2810 = arith.cmpi slt, %get3A_2795, %lt3A_2809 : vector<16xi32>
    %and3A_2811 = arith.andi %ge3A_2807, %lt3A_2810 : vector<16xi1>
    %add3A_2812 = arith.constant 48 : i32
    %add3A_2813 = vector.broadcast %add3A_2812 : i32 to vector<16xi32>
    %add3A_2814 = arith.addi %add3A_2813, %iota3A : vector<16xi32>
    tpu.vector_store_idx %arg6[%min3A_2804, %add3A_2814], %broadcast_in_dim3A_6 masked %and3A_2811 : memref<496x128xf32, #tpu.memory_space<vmem>>[vector<16xi32>, vector<16xi32>], vector<16xf32>, vector<16xi1>
    %get3A_2815 = arith.constant 448 : index
    %get3A_2816 = tpu.vector_load %arg4[%get3A_2815] {strides = array<i32>} : memref<512xi32, #tpu.memory_space<vmem>>, vector<16xi32>,
    %sub3A_2817 = arith.constant 504 : i32
    %sub3A_2818 = vector.broadcast %sub3A_2817 : i32 to vector<16xi32>
    %sub3A_2819 = arith.subi %get3A_2816, %sub3A_2818 : vector<16xi32>
    %jit3A_2820 = arith.constant 0 : i32
    %jit3A_2821 = arith.constant 495 : i32
    %max3A_2822 = vector.broadcast %jit3A_2820 : i32 to vector<16xi32>
    %max3A_2823 = arith.maxsi %max3A_2822, %sub3A_2819 : vector<16xi32>
    %min3A_2824 = vector.broadcast %jit3A_2821 : i32 to vector<16xi32>
    %min3A_2825 = arith.minsi %min3A_2824, %max3A_2823 : vector<16xi32>
    %ge3A_2826 = arith.constant 504 : i32
    %ge3A_2827 = vector.broadcast %ge3A_2826 : i32 to vector<16xi32>
    %ge3A_2828 = arith.cmpi sge, %get3A_2816, %ge3A_2827 : vector<16xi32>
    %lt3A_2829 = arith.constant 1000 : i32
    %lt3A_2830 = vector.broadcast %lt3A_2829 : i32 to vector<16xi32>
    %lt3A_2831 = arith.cmpi slt, %get3A_2816, %lt3A_2830 : vector<16xi32>
    %and3A_2832 = arith.andi %ge3A_2828, %lt3A_2831 : vector<16xi1>
    %add3A_2833 = arith.constant 64 : i32
    %add3A_2834 = vector.broadcast %add3A_2833 : i32 to vector<16xi32>
    %add3A_2835 = arith.addi %add3A_2834, %iota3A : vector<16xi32>
    tpu.vector_store_idx %arg6[%min3A_2825, %add3A_2835], %broadcast_in_dim3A_6 masked %and3A_2832 : memref<496x128xf32, #tpu.memory_space<vmem>>[vector<16xi32>, vector<16xi32>], vector<16xf32>, vector<16xi1>
    %get3A_2836 = arith.constant 464 : index
    %get3A_2837 = tpu.vector_load %arg4[%get3A_2836] {strides = array<i32>} : memref<512xi32, #tpu.memory_space<vmem>>, vector<16xi32>,
    %sub3A_2838 = arith.constant 504 : i32
    %sub3A_2839 = vector.broadcast %sub3A_2838 : i32 to vector<16xi32>
    %sub3A_2840 = arith.subi %get3A_2837, %sub3A_2839 : vector<16xi32>
    %jit3A_2841 = arith.constant 0 : i32
    %jit3A_2842 = arith.constant 495 : i32
    %max3A_2843 = vector.broadcast %jit3A_2841 : i32 to vector<16xi32>
    %max3A_2844 = arith.maxsi %max3A_2843, %sub3A_2840 : vector<16xi32>
    %min3A_2845 = vector.broadcast %jit3A_2842 : i32 to vector<16xi32>
    %min3A_2846 = arith.minsi %min3A_2845, %max3A_2844 : vector<16xi32>
    %ge3A_2847 = arith.constant 504 : i32
    %ge3A_2848 = vector.broadcast %ge3A_2847 : i32 to vector<16xi32>
    %ge3A_2849 = arith.cmpi sge, %get3A_2837, %ge3A_2848 : vector<16xi32>
    %lt3A_2850 = arith.constant 1000 : i32
    %lt3A_2851 = vector.broadcast %lt3A_2850 : i32 to vector<16xi32>
    %lt3A_2852 = arith.cmpi slt, %get3A_2837, %lt3A_2851 : vector<16xi32>
    %and3A_2853 = arith.andi %ge3A_2849, %lt3A_2852 : vector<16xi1>
    %add3A_2854 = arith.constant 80 : i32
    %add3A_2855 = vector.broadcast %add3A_2854 : i32 to vector<16xi32>
    %add3A_2856 = arith.addi %add3A_2855, %iota3A : vector<16xi32>
    tpu.vector_store_idx %arg6[%min3A_2846, %add3A_2856], %broadcast_in_dim3A_6 masked %and3A_2853 : memref<496x128xf32, #tpu.memory_space<vmem>>[vector<16xi32>, vector<16xi32>], vector<16xf32>, vector<16xi1>
    %get3A_2857 = arith.constant 480 : index
    %get3A_2858 = tpu.vector_load %arg4[%get3A_2857] {strides = array<i32>} : memref<512xi32, #tpu.memory_space<vmem>>, vector<16xi32>,
    %sub3A_2859 = arith.constant 504 : i32
    %sub3A_2860 = vector.broadcast %sub3A_2859 : i32 to vector<16xi32>
    %sub3A_2861 = arith.subi %get3A_2858, %sub3A_2860 : vector<16xi32>
    %jit3A_2862 = arith.constant 0 : i32
    %jit3A_2863 = arith.constant 495 : i32
    %max3A_2864 = vector.broadcast %jit3A_2862 : i32 to vector<16xi32>
    %max3A_2865 = arith.maxsi %max3A_2864, %sub3A_2861 : vector<16xi32>
    %min3A_2866 = vector.broadcast %jit3A_2863 : i32 to vector<16xi32>
    %min3A_2867 = arith.minsi %min3A_2866, %max3A_2865 : vector<16xi32>
    %ge3A_2868 = arith.constant 504 : i32
    %ge3A_2869 = vector.broadcast %ge3A_2868 : i32 to vector<16xi32>
    %ge3A_2870 = arith.cmpi sge, %get3A_2858, %ge3A_2869 : vector<16xi32>
    %lt3A_2871 = arith.constant 1000 : i32
    %lt3A_2872 = vector.broadcast %lt3A_2871 : i32 to vector<16xi32>
    %lt3A_2873 = arith.cmpi slt, %get3A_2858, %lt3A_2872 : vector<16xi32>
    %and3A_2874 = arith.andi %ge3A_2870, %lt3A_2873 : vector<16xi1>
    %add3A_2875 = arith.constant 96 : i32
    %add3A_2876 = vector.broadcast %add3A_2875 : i32 to vector<16xi32>
    %add3A_2877 = arith.addi %add3A_2876, %iota3A : vector<16xi32>
    tpu.vector_store_idx %arg6[%min3A_2867, %add3A_2877], %broadcast_in_dim3A_6 masked %and3A_2874 : memref<496x128xf32, #tpu.memory_space<vmem>>[vector<16xi32>, vector<16xi32>], vector<16xf32>, vector<16xi1>
    %get3A_2878 = arith.constant 496 : index
    %get3A_2879 = tpu.vector_load %arg4[%get3A_2878] {strides = array<i32>} : memref<512xi32, #tpu.memory_space<vmem>>, vector<16xi32>,
    %sub3A_2880 = arith.constant 504 : i32
    %sub3A_2881 = vector.broadcast %sub3A_2880 : i32 to vector<16xi32>
    %sub3A_2882 = arith.subi %get3A_2879, %sub3A_2881 : vector<16xi32>
    %jit3A_2883 = arith.constant 0 : i32
    %jit3A_2884 = arith.constant 495 : i32
    %max3A_2885 = vector.broadcast %jit3A_2883 : i32 to vector<16xi32>
    %max3A_2886 = arith.maxsi %max3A_2885, %sub3A_2882 : vector<16xi32>
    %min3A_2887 = vector.broadcast %jit3A_2884 : i32 to vector<16xi32>
    %min3A_2888 = arith.minsi %min3A_2887, %max3A_2886 : vector<16xi32>
    %ge3A_2889 = arith.constant 504 : i32
    %ge3A_2890 = vector.broadcast %ge3A_2889 : i32 to vector<16xi32>
    %ge3A_2891 = arith.cmpi sge, %get3A_2879, %ge3A_2890 : vector<16xi32>
    %lt3A_2892 = arith.constant 1000 : i32
    %lt3A_2893 = vector.broadcast %lt3A_2892 : i32 to vector<16xi32>
    %lt3A_2894 = arith.cmpi slt, %get3A_2879, %lt3A_2893 : vector<16xi32>
    %and3A_2895 = arith.andi %ge3A_2891, %lt3A_2894 : vector<16xi1>
    %add3A_2896 = arith.constant 112 : i32
    %add3A_2897 = vector.broadcast %add3A_2896 : i32 to vector<16xi32>
    %add3A_2898 = arith.addi %add3A_2897, %iota3A : vector<16xi32>
    tpu.vector_store_idx %arg6[%min3A_2888, %add3A_2898], %broadcast_in_dim3A_6 masked %and3A_2895 : memref<496x128xf32, #tpu.memory_space<vmem>>[vector<16xi32>, vector<16xi32>], vector<16xf32>, vector<16xi1>
    %add3A_2899 = arith.constant 384 : i32
    %add3A_2900 = arith.addi %mul3A_2, %add3A_2899 : i32
    %dma_start3A_2901 = arith.constant 0 : i32
    %dma_start3A_2902 = arith.constant 0 : i32
    %dma_start3A_2903 = tpu.memref_slice %arg6[%dma_start3A_2901, %dma_start3A_2902] : memref<496x128xf32, #tpu.memory_space<vmem>> -> memref<496x128xf32, #tpu.memory_space<vmem>>
    %dma_start3A_2904 = arith.constant 504 : i32
    %dma_start3A_2905 = tpu.memref_slice %arg3[%dma_start3A_2904, %add3A_2900] : memref<1000x16384xf32, #tpu.memory_space<hbm>> -> memref<496x128xf32, #tpu.memory_space<hbm>>
    %dma_start3A_2906 = arith.constant 504 : i32
    %dma_start3A_2907 = tpu.memref_slice %arg3[%dma_start3A_2906, %add3A_2900] : memref<1000x16384xf32, #tpu.memory_space<hbm>> -> memref<496x128xf32, #tpu.memory_space<hbm>>
    %dma_start3A_2908 = arith.constant 0 : i32
    %dma_start3A_2909 = arith.constant 0 : i32
    %dma_start3A_2910 = tpu.memref_slice %arg6[%dma_start3A_2908, %dma_start3A_2909] : memref<496x128xf32, #tpu.memory_space<vmem>> -> memref<496x128xf32, #tpu.memory_space<vmem>>
    tpu.enqueue_dma source(%dma_start3A_2910 : memref<496x128xf32, #tpu.memory_space<vmem>>) target(%dma_start3A_2907 : memref<496x128xf32, #tpu.memory_space<hbm>>) target_semaphore(%arg8 : memref<!tpu.dma_semaphore, #tpu.memory_space<semaphore_mem>>)
    %dma_wait3A_2911 = arith.constant 0 : i32
    %dma_wait3A_2912 = arith.constant 0 : i32
    %dma_wait3A_2913 = tpu.memref_slice %arg5[%dma_wait3A_2911, %dma_wait3A_2912] : memref<504x128xf32, #tpu.memory_space<vmem>> -> memref<504x128xf32, #tpu.memory_space<vmem>>
    %dma_wait3A_2914 = arith.constant 0 : i32
    %dma_wait3A_2915 = tpu.memref_slice %arg3[%dma_wait3A_2914, %add3A_2542] : memref<1000x16384xf32, #tpu.memory_space<hbm>> -> memref<504x128xf32, #tpu.memory_space<hbm>>
    %dma_wait3A_2916 = arith.constant 0 : i32
    %dma_wait3A_2917 = tpu.memref_slice %arg3[%dma_wait3A_2916, %add3A_2542] : memref<1000x16384xf32, #tpu.memory_space<hbm>> -> memref<504x128xf32, #tpu.memory_space<hbm>>
    %dma_wait3A_2918 = arith.constant 0 : i32
    %dma_wait3A_2919 = arith.constant 0 : i32
    %dma_wait3A_2920 = tpu.memref_slice %arg5[%dma_wait3A_2918, %dma_wait3A_2919] : memref<504x128xf32, #tpu.memory_space<vmem>> -> memref<504x128xf32, #tpu.memory_space<vmem>>
    tpu.wait_dma2 semaphore(%arg7 : memref<!tpu.dma_semaphore, #tpu.memory_space<semaphore_mem>>) src(%dma_wait3A_2920 : memref<504x128xf32, #tpu.memory_space<vmem>>) dst(%dma_wait3A_2917 : memref<504x128xf32, #tpu.memory_space<hbm>>)
    %dma_wait3A_2921 = arith.constant 0 : i32
    %dma_wait3A_2922 = arith.constant 0 : i32
    %dma_wait3A_2923 = tpu.memref_slice %arg6[%dma_wait3A_2921, %dma_wait3A_2922] : memref<496x128xf32, #tpu.memory_space<vmem>> -> memref<496x128xf32, #tpu.memory_space<vmem>>
    %dma_wait3A_2924 = arith.constant 504 : i32
    %dma_wait3A_2925 = tpu.memref_slice %arg3[%dma_wait3A_2924, %add3A_2900] : memref<1000x16384xf32, #tpu.memory_space<hbm>> -> memref<496x128xf32, #tpu.memory_space<hbm>>
    %dma_wait3A_2926 = arith.constant 504 : i32
    %dma_wait3A_2927 = tpu.memref_slice %arg3[%dma_wait3A_2926, %add3A_2900] : memref<1000x16384xf32, #tpu.memory_space<hbm>> -> memref<496x128xf32, #tpu.memory_space<hbm>>
    %dma_wait3A_2928 = arith.constant 0 : i32
    %dma_wait3A_2929 = arith.constant 0 : i32
    %dma_wait3A_2930 = tpu.memref_slice %arg6[%dma_wait3A_2928, %dma_wait3A_2929] : memref<496x128xf32, #tpu.memory_space<vmem>> -> memref<496x128xf32, #tpu.memory_space<vmem>>
    tpu.wait_dma2 semaphore(%arg8 : memref<!tpu.dma_semaphore, #tpu.memory_space<semaphore_mem>>) src(%dma_wait3A_2930 : memref<496x128xf32, #tpu.memory_space<vmem>>) dst(%dma_wait3A_2927 : memref<496x128xf32, #tpu.memory_space<hbm>>)
    return
  }
}

</mosaic_0001>

<sc_bundles>
// kernel: kernel.3.cloned.1.call-start
scs
__scs_entry_jumppad:
0x0: {  	(pc) =	sbr.rel $0x88, $3  }
0x1: {  	(tag) =	ssettag $0x0;
	lr =	simm.s32 $0x1  }
0x2: {  	[smem:$0x3FA0] =	sst lr;
	_ =	strace $0xD0000000  }
0x3: {  	_ = 	snop  }
0x4: {  	_ = 	snop  }
0x5: {  	_ = 	snop  }
0x6: {  	_ = 	snop  }
0x7: {  	_ = 	snop  }
__scs_overlays_trampoline_lowered:
0x8: {  	[smem:$0x3FAF] =	sst s0  }
0x9: {  	[smem:$0x3FB0] =	sst s1  }
0xa: {  	[smem:$0x3FB1] =	sst s2  }
0xb: {  	[smem:$0x3FB2] =	sst s3  }
0xc: {  	[smem:$0x3FB3] =	sst s4  }
0xd: {  	[smem:$0x3FB4] =	sst s5  }
0xe: {  	[smem:$0x3FB5] =	sst s6  }
0xf: {  	[smem:$0x3FB6] =	sst s7  }
0x10: {  	[smem:$0x3FB7] =	sst s8  }
0x11: {  	[smem:$0x3FB8] =	sst s9;
	s0 =	simm.s32 @!p0 $0x0  }
0x12: {  	s1 =	sld [smem:$0x3F9E];
	s0 =	simm.s32 @p0 $0x1  }
0x13: {  	[smem:$0x3FB9] =	sst s0;
	s0 =	simm.s32 @!p1 $0x0  }
0x14: {  	s2 =	sld [smem:$0x3F9D];
	s0 =	simm.s32 @p1 $0x1  }
0x15: {  	[smem:$0x3FBA] =	sst s0;
	s0 =	simm.s32 @!p2 $0x0  }
0x16: {  	s3 =	sld [smem:$0x3FDB];
	s0 =	simm.s32 @p2 $0x1  }
0x17: {  	s4 =	simm.s32 $0x1BF5;
	[smem:$0x3FBC] =	sst s0  }
0x18: {  	s0 =	sld [smem:$0x3F9F];
	_ =	swait.ge [sflag:s4], $0x0  }
0x19: {  	s7 =	sld [smem:$0x3FA0]  }
0x1a: {  	s8 =	sadd.s32 $0xFFFFE003, lr  }
0x1b: {  	s9 =	sadd.s32 $0xFFFFFEF7, lr;
	s5 =	simm.s32 $0xFFFFFFFF;
	p2 =	slt.u32 s8, $0xFFFFF086  }
0x1c: {  	p1 =	slt.u32 s9, $0xF7A;
	s5 =	simm.s32 @!p2 $0x0  }
0x1d: {  	s5 =	simm.s32 @p1 $0x1;
	p0 =	seq.s32 s7, s2  }
0x1e: {  	s7 =	smul.u32 @!p0 $0xF7A, s2;
	p2 =	seq.s32 @!p0 s5, $0x0  }
0x1f: {  	s9 =	smul.u32 $0xF7A, s1;
	s8 =	simm.s32 @!p0 $0x1BF5;
	p2 =	por !p2, p0  }
0x20: {  	[sflag:s8] =	ssyncset.s32 @!p0 $0xFFFFF086;
	s6 =	sadd.s32 @!p0 s3, s7;
	s7 =	simm.s32 @!p0 $0x108  }
0x21: {  	s3 =	sadd.s32 s3, s9;
	s6 =	sadd.s32 @!p0 $0x88, s6;
	s7 =	simm.s32 @p2 $0x1082  }
0x22: {  	[simem:s7], [sflag:s8] =	dma.local @!p0 [hbm:s6], $0xF7A  }
0x23: {  	s9 =	sor.u32 $0xD0000000, s2;
	s6 =	simm.s32 $0x108;
	_ =	swait.ge @!p0 [sflag:s8], $0x0  }
0x24: {  	s3 =	sadd.s32 $0x88, s3;
	s6 =	simm.s32 @!p1 $0x1082;
	[sflag:s4] =	ssyncset.s32 $0xFFFFF086  }
0x25: {  	[simem:s6], [sflag:s4] =	dma.local [hbm:s3], $0xF7A  }
0x26: {  	[smem:$0x3FA0] =	sst s1;
	(tag) =	ssettag s2;
	_ =	strace s9  }
0x27: {  	s1 =	sld [smem:$0x3FB0]  }
0x28: {  	s2 =	sld [smem:$0x3FB1]  }
0x29: {  	s4 =	sld [smem:$0x3FB3]  }
0x2a: {  	p0 =	seq.s32 s5, $0x0;
	s5 =	sld [smem:$0x3FB4]  }
0x2b: {  	s6 =	sld [smem:$0x3FB5]  }
0x2c: {  	s7 =	sld [smem:$0x3FB6]  }
0x2d: {  	s3 =	simm.s32 $0x108;
	s8 =	sld [smem:$0x3FB7]  }
0x2e: {  	s3 =	simm.s32 @!p0 $0x1082;
	s9 =	sld [smem:$0x3FB8]  }
0x2f: {  	lr =	sadd.s32 s0, s3;
	s0 =	sld [smem:$0x3FAF]  }
0x30: {  	s3 =	sld [smem:$0x3FB2]  }
0x31: {  	[smem:$0x3FBB] =	sst s10  }
0x32: {  	s10 =	sld [smem:$0x3FB9];
	_ =	sdelay $0x3  }
0x33: {  	p0 =	seq.s32 s10, $0x1;
	s10 =	sld [smem:$0x3FBB];
	_ =	sdelay $0x3  }
0x34: {  	[smem:$0x3FBB] =	sst s10  }
0x35: {  	s10 =	sld [smem:$0x3FBA];
	_ =	sdelay $0x3  }
0x36: {  	p1 =	seq.s32 s10, $0x1;
	s10 =	sld [smem:$0x3FBB];
	_ =	sdelay $0x3  }
0x37: {  	[smem:$0x3FBB] =	sst s10  }
0x38: {  	s10 =	sld [smem:$0x3FBC]  }
0x39: {  	_ = 	snop;
	(pc) =	sbr.ind lr, $3  }
0x3a: {  	_ = 	snop  }
0x3b: {  	_ = 	snop  }
0x3c: {  	p2 =	seq.s32 s10, $0x1;
	s10 =	sld [smem:$0x3FBB]  }
0x3d: {  	_ =	shalt  }
0x3e: {  	_ =	shalt  }
0x3f: {  	_ =	shalt  }
0x40: {  	_ =	shalt  }
0x41: {  	_ =	shalt  }
0x42: {  	_ =	shalt  }
0x43: {  	_ =	shalt  }
0x44: {  	_ =	shalt  }
0x45: {  	_ =	shalt  }
0x46: {  	_ =	shalt  }
0x47: {  	_ =	shalt  }
0x48: {  	_ =	shalt  }
0x49: {  	_ =	shalt  }
0x4a: {  	_ =	shalt  }
0x4b: {  	_ =	shalt  }
0x4c: {  	_ =	shalt  }
0x4d: {  	_ =	shalt  }
0x4e: {  	_ =	shalt  }
0x4f: {  	_ =	shalt  }
0x50: {  	_ =	shalt  }
0x51: {  	_ =	shalt  }
0x52: {  	_ =	shalt  }
0x53: {  	_ =	shalt  }
0x54: {  	_ =	shalt  }
0x55: {  	_ =	shalt  }
0x56: {  	_ =	shalt  }
0x57: {  	_ =	shalt  }
0x58: {  	_ =	shalt  }
0x59: {  	_ =	shalt  }
0x5a: {  	_ =	shalt  }
0x5b: {  	_ =	shalt  }
0x5c: {  	_ =	shalt  }
0x5d: {  	_ =	shalt  }
0x5e: {  	_ =	shalt  }
0x5f: {  	_ =	shalt  }
0x60: {  	_ =	shalt  }
0x61: {  	_ =	shalt  }
0x62: {  	_ =	shalt  }
0x63: {  	_ =	shalt  }
0x64: {  	_ =	shalt  }
0x65: {  	_ =	shalt  }
0x66: {  	_ =	shalt  }
0x67: {  	_ =	shalt  }
0x68: {  	_ =	shalt  }
0x69: {  	_ =	shalt  }
0x6a: {  	_ =	shalt  }
0x6b: {  	_ =	shalt  }
0x6c: {  	_ =	shalt  }
0x6d: {  	_ =	shalt  }
0x6e: {  	_ =	shalt  }
0x6f: {  	_ =	shalt  }
0x70: {  	_ =	shalt  }
0x71: {  	_ =	shalt  }
0x72: {  	_ =	shalt  }
0x73: {  	_ =	shalt  }
0x74: {  	_ =	shalt  }
0x75: {  	_ =	shalt  }
0x76: {  	_ =	shalt  }
0x77: {  	_ =	shalt  }
0x78: {  	_ =	shalt  }
0x79: {  	_ =	shalt  }
0x7a: {  	_ =	shalt  }
0x7b: {  	_ =	shalt  }
0x7c: {  	_ =	shalt  }
0x7d: {  	_ =	shalt  }
0x7e: {  	_ =	shalt  }
0x7f: {  	_ =	shalt  }
0x80: {  	_ =	shalt  }
0x81: {  	_ =	shalt  }
0x82: {  	_ =	shalt  }
0x83: {  	_ =	shalt  }
0x84: {  	_ =	shalt  }
0x85: {  	_ =	shalt  }
0x86: {  	_ =	shalt  }
0x87: {  	_ =	shalt  }
.Lfunc_end0:
.L_simem_size_0:
called_computation_lowered:
.L_overlay_start_0:
0x88: {  	s2 =	sld [smem:$0x3FD9]  }
0x89: {  	s3 =	sld [smem:$0x3FFE];
	_ =	sdelay $0x1  }
0x8a: {  	s1 =	srdreg.scid  }
0x8b: {  	s0 =	sand.u32 $0x1, s1  }
0x8c: {  	s18 =	sshll.u32 s0, $0xA;
	s2 =	sadd.s32 s3, s2  }
0x8d: {  	s2 =	sadd.s32 s2, s18  }
0x8e: {  	[smem:$0x3FC7] =	sst s2  }
0x8f: {  	_ = 	snop  }
0x90: {  	s2 =	sld [smem:$0x3FC9]  }
0x91: {  	s19 =	sld [smem:$0x3FD0];
	(tm) =	ssettm $0x1  }
0x92: {  	s4 =	sld [smem:$0x3FFB];
	_ =	sdelay $0x3  }
0x93: {  	_ =	strace s4  }
0x94: {  	s4 =	sld [smem:$0x3FFC];
	_ =	sdelay $0x3  }
0x95: {  	_ =	strace s4  }
0x96: {  	s4 =	sld [smem:$0x3FFD];
	_ =	sdelay $0x3  }
0x97: {  	_ =	strace s4  }
0x98: {  	_ =	strace $0x8FFFFFFF  }
0x99: {  	s20 =	sld [smem:$0x3FDB];
	_ =	sdelay $0x1  }
0x9a: {  	s5 =	simm.s32 $_scs_section_size  }
0x9b: {  	s6 =	simm.s32 $_size__tile_overlayer_lowered;
	s7 =	simm.s32 $_tile_overlayer_lowered  }
0x9c: {  	s23 =	simm.s32 $0x1BFF;
	s22 =	sshll.u32 s7, $0x1;
	s4 =	sadd.s32 s5, s20  }
0x9d: {  	s8 =	simm.s32 $0x0;
	s21 =	sshll.u32 s6, $0x1;
	s6 =	sadd.s32 s22, s4  }
0x9e: {  	[timem:s8], [sflag:s23] =	dma.local [hbm:s6], s21  }
0x9f: {  	_ =	swait.ge [sflag:s23], s21  }
0xa0: {  	s5 =	ssub.s32 $0x0, s21;
	[sflag:s23] =	ssyncset.done $0x0  }
0xa1: {  	[sflag:s23] =	ssyncadd.s32 s5;
	_ =	sdelay $0x1  }
0xa2: {  	s24 =	simm.s32 $0x1B8B  }
0xa3: {  	_ =	swait.ge [sflag:s24], $0x1  }
0xa4: {  	[sflag:s24] =	ssyncset.done $0x0  }
0xa5: {  	s25 =	simm.s32 $0x1B8E;
	[sflag:s24] =	ssyncadd.s32 $0xFFFFFFFF  }
0xa6: {  	s26 =	simm.s32 $execute0_lowered;
	[smem:$0x3FD2] =	sst s25  }
0xa7: {  	s5 =	sshll.u32 s26, $0x1;
	_ =	strace $0x80000046;
	[dreg:$0x1] =	wrdreg $0xFFFFFFFF  }
0xa8: {  	s28 =	simm.s32 $_size_execute0_lowered;
	s4 =	sadd.s32 s4, s5;
	[dreg:$0x0] =	wrdreg $0x0  }
0xa9: {  	s5 =	sshll.u32 s28, $0x1;
	[dreg:$0x2] =	wrdreg s4  }
0xaa: {  	[dreg:$0x3] =	wrdreg s5  }
0xab: {  	[dreg:$0x4] =	wrdreg $0xC0  }
0xac: {  	_ =	task [dreg:s8], $0x5FFFF  }
0xad: {  	[dreg:$0x1] =	wrdreg $0xFFFFFFFF  }
0xae: {  	[dreg:$0x0] =	wrdreg $0x60  }
0xaf: {  	[dreg:$0x2] =	wrdreg s2  }
0xb0: {  	[dreg:$0x3] =	wrdreg s19  }
0xb1: {  	[dreg:$0x4] =	wrdreg $0x9  }
0xb2: {  	_ =	task.clear_ibuf [dreg:s8], $0x5FFFF;
	_ =	strace $0x90000046  }
0xb3: {  	s29 =	simm.s32 $0x9;
	_ =	strace $0x80000048  }
0xb4: {  	_ =	swait.ge [sflag:s29], $0x1  }
0xb5: {  	[sflag:s29] =	ssyncadd.s32 $0xFFFFFFFF  }
0xb6: {  	_ =	strace $0x90000048  }
0xb7: {  	_ =	sfence  }
0xb8: {  	s30 =	sld [smem:$0x0];
	_ =	sdelay $0x2  }
0xb9: {  	s31 =	sshll.u32 s1, $0xD;
	s1 =	sshrl.u32 s1, $0x2  }
0xba: {  	s3 =	sand.u32 $0x4000, s31;
	s1 =	sadd.s32 s1, s30  }
0xbb: {  	s0 =	sor.u32 s3, s0;
	s1 =	sshll.u32 s1, $0x11  }
0xbc: {  	s0 =	sor.u32 s1, s0  }
0xbd: {  	s0 =	sadd.s32 $0x8F2B, s0  }
0xbe: {  	[sflag:s0] =	ssyncadd.remote.s32 $0x1  }
0xbf: {  	_ =	sfence.sel $0xFFFF  }
0xc0: {  	[dreg:$0x0] =	wrdreg $0xFFFFFFFF;
	(pc) =	sbr.abs _section_cstart, $3  }
0xc1: {  	[dreg:$0x1] =	wrdreg $0xFFFFFFFF  }
0xc2: {  	_ =	task.clear_ibuf [dreg:s8], $0x2FFFF;
	_ =	strace $0x9FFFFFFF  }
0xc3: {  	(tm) =	ssettm $0x7FFFFFFF  }
tec
execute0_lowered:
.L_overlay_start_1:
0x0: {  	(tag) =	ssettag $0x1  }
0x1: {  	s4 =	rddreg [dreg:$0x0]  }
0x2: {  	s3 =	rddreg [dreg:$0x1]  }
0x3: {  	s0 =	rddreg [dreg:$0x2];
	s5 =	srdreg.scid  }
0x4: {  	s2 =	simm.s32 $0x0;
	s1 =	stileid.u32;
	s15 =	simm.s32 $0x1  }
0x5: {  	s16 =	simm.s32 $0x200;
	s17 =	simm.s32 $0x400;
	s18 =	simm.s32 $0x20000  }
0x6: {  	s19 =	simm.s32 $0x8200;
	s20 =	simm.s32 $0xFE00;
	s21 =	simm.s32 $0x17E00  }
0x7: {  	s22 =	simm.s32 $0x2;
	s23 =	simm.s32 $0x0;
	s5 =	sand.u32 $0x1, s5  }
0x8: {  	[smem:$0x7FF] =	sst s2;
	s6 =	sshll.u32 s1, $0xA;
	s7 =	sshll.u32 s5, $0x9  }
0x9: {  	_ =	strace $0x80000047;
	s5 =	ssub.s32 $0x2, s5;
	s6 =	sor.u32 s7, s6  }
0xa: {  	s31 =	sshrl.u32 s5, $0x1;
	s8 =	sshrl.u32 s6, $0x3;
	s3 =	sadd.s32 s3, s6  }
0xb: {  	v0 =	vlaneseq.u32;
	s14 =	ssub.s32 s5, s31;
	s4 =	sadd.s32 s4, s8;
	s5 =	sadd.s32 $0x80000, s3  }
0xc: {  	v1 =	vimm.f32 $0.0e+00;
	v2 =	vimm.f32 $1.000000000e+00;
	v3 =	vor.u32 $0x10, v0;
	s6 =	sadd.s32 $0xFC000, s3;
	s7 =	sadd.s32 $0x17C000, s3;
	s8 =	sadd.s32 $0x80, s3  }
0xd: {  	v4 =	vor.u32 $0x20, v0;
	v5 =	vor.u32 $0x30, v0;
	v6 =	vor.u32 $0x40, v0;
	s9 =	sadd.s32 $0xFC080, s3;
	s10 =	sadd.s32 $0x100, s3;
	s11 =	sadd.s32 $0xFC100, s3  }
0xe: {  	v7 =	vor.u32 $0x50, v0;
	v8 =	vor.u32 $0x60, v0;
	v9 =	vor.u32 $0x70, v0;
	s12 =	sadd.s32 $0x180, s3;
	s13 =	sadd.s32 $0xFC180, s3;
	s14 =	smax.u32 s14, $0x1  }
.LBB2_1:
0xf: {  	[tilespmem:s2], [sflag:$0x1] =	stream.linear.gather [hbm4b:s4+s2], $0x200, $0x38;
	[tilespmem:$0x1F600] =	vst v63  }
0x10: {  	s24 =	simm.s32 $0x0;
	s25 =	simm.s32 $0x200  }
.LBB2_2:
0x11: {  	p0 =	sne.s32 s25, $0x1FE00;
	[tilespmem:s24+$0x270] =	vst v1  }
0x12: {  	[tilespmem:s24+$0x200] =	vst v1  }
0x13: {  	[tilespmem:s24+$0x210] =	vst v1  }
.Ltmp0:
0x14: {  	[tilespmem:s24+$0x220] =	vst v1;
	(pc) =	sbr.rel @p0 .LBB2_2-.Ltmp0, $4  }
0x15: {  	[tilespmem:s24+$0x230] =	vst v1  }
0x16: {  	[tilespmem:s24+$0x240] =	vst v1  }
0x17: {  	[tilespmem:s24+$0x250] =	vst v1  }
0x18: {  	[tilespmem:s24+$0x260] =	vst v1;
	s24 =	sshra.s32 s25, $0x2;
	s25 =	sadd.s32 $0x200, s25  }
0x19: {  	[tilespmem:s24+$0x270] =	vst v1  }
0x1a: {  	[tilespmem:s24+$0x200] =	vst v1  }
0x1b: {  	[tilespmem:s24+$0x210] =	vst v1  }
0x1c: {  	[tilespmem:s24+$0x220] =	vst v1  }
0x1d: {  	[tilespmem:s24+$0x230] =	vst v1  }
0x1e: {  	[tilespmem:s24+$0x240] =	vst v1  }
0x1f: {  	[tilespmem:s24+$0x250] =	vst v1  }
0x20: {  	[tilespmem:s24+$0x260] =	vst v1  }
0x21: {  	_ =	swait.ge [sflag:s15], $0x200  }
0x22: {  	[sflag:s15] =	ssyncset.done $0x0  }
0x23: {  	[sflag:s15] =	ssyncadd.s32 $0xFFFFFE00  }
0x24: {  	v10 =	vld [tilespmem:$0x0];
	_ =	sdelay $0x4  }
0x25: {  	vm0 =	vgt.s32 v10, $0x0  }
0x26: {  	v11 =	vnsel vm0, $0x0, v10  }
0x27: {  	v11 =	vmin.u32 v11, $0x1F7  }
0x28: {  	vm13 =	vlt.u32 v10, $0x100;
	v10 =	vshll.u32 v11, $0x7  }
0x29: {  	v10 =	vor.u32 v0, v10;
	_ =	sdelay $0x4  }
0x2a: {  	[tilespmem:v10+s16+$0x0] =	vst.idx.msk vm13, v2  }
0x2b: {  	v10 =	vld [tilespmem:$0x10];
	_ =	sdelay $0x4  }
0x2c: {  	vm14 =	vgt.s32 v10, $0x0  }
0x2d: {  	v11 =	vnsel vm14, $0x0, v10  }
0x2e: {  	v11 =	vmin.u32 v11, $0x1F7  }
0x2f: {  	vm15 =	vlt.u32 v10, $0x100;
	v10 =	vshll.u32 v11, $0x7  }
0x30: {  	v10 =	vor.u32 v3, v10;
	_ =	sdelay $0x4  }
0x31: {  	[tilespmem:v10+s16+$0x0] =	vst.idx.msk vm15, v2  }
0x32: {  	v10 =	vld [tilespmem:$0x20];
	_ =	sdelay $0x4  }
0x33: {  	vm4 =	vgt.s32 v10, $0x0  }
0x34: {  	v11 =	vnsel vm4, $0x0, v10  }
0x35: {  	v11 =	vmin.u32 v11, $0x1F7  }
0x36: {  	vm5 =	vlt.u32 v10, $0x100;
	v10 =	vshll.u32 v11, $0x7  }
0x37: {  	v10 =	vor.u32 v4, v10;
	_ =	sdelay $0x4  }
0x38: {  	[tilespmem:v10+s16+$0x0] =	vst.idx.msk vm5, v2  }
0x39: {  	v10 =	vld [tilespmem:$0x30];
	_ =	sdelay $0x4  }
0x3a: {  	vm6 =	vgt.s32 v10, $0x0  }
0x3b: {  	v11 =	vnsel vm6, $0x0, v10  }
0x3c: {  	v11 =	vmin.u32 v11, $0x1F7  }
0x3d: {  	vm7 =	vlt.u32 v10, $0x100;
	v10 =	vshll.u32 v11, $0x7  }
0x3e: {  	v10 =	vor.u32 v5, v10;
	_ =	sdelay $0x4  }
0x3f: {  	[tilespmem:v10+s16+$0x0] =	vst.idx.msk vm7, v2  }
0x40: {  	v10 =	vld [tilespmem:$0x40];
	_ =	sdelay $0x4  }
0x41: {  	vm8 =	vgt.s32 v10, $0x0  }
0x42: {  	v11 =	vnsel vm8, $0x0, v10  }
0x43: {  	v11 =	vmin.u32 v11, $0x1F7  }
0x44: {  	vm9 =	vlt.u32 v10, $0x100;
	v10 =	vshll.u32 v11, $0x7  }
0x45: {  	v10 =	vor.u32 v6, v10;
	_ =	sdelay $0x4  }
0x46: {  	[tilespmem:v10+s16+$0x0] =	vst.idx.msk vm9, v2  }
0x47: {  	v10 =	vld [tilespmem:$0x50];
	_ =	sdelay $0x4  }
0x48: {  	vm10 =	vgt.s32 v10, $0x0  }
0x49: {  	v11 =	vnsel vm10, $0x0, v10  }
0x4a: {  	v11 =	vmin.u32 v11, $0x1F7  }
0x4b: {  	vm11 =	vlt.u32 v10, $0x100;
	v10 =	vshll.u32 v11, $0x7  }
0x4c: {  	v10 =	vor.u32 v7, v10;
	_ =	sdelay $0x4  }
0x4d: {  	[tilespmem:v10+s16+$0x0] =	vst.idx.msk vm11, v2  }
0x4e: {  	v10 =	vld [tilespmem:$0x60];
	_ =	sdelay $0x4  }
0x4f: {  	vm12 =	vgt.s32 v10, $0x0  }
0x50: {  	v11 =	vnsel vm12, $0x0, v10  }
0x51: {  	v11 =	vmin.u32 v11, $0x1F7  }
0x52: {  	vm13 =	vlt.u32 v10, $0x100;
	v10 =	vshll.u32 v11, $0x7  }
0x53: {  	v10 =	vor.u32 v8, v10;
	_ =	sdelay $0x4  }
0x54: {  	[tilespmem:v10+s16+$0x0] =	vst.idx.msk vm13, v2  }
0x55: {  	v10 =	vld [tilespmem:$0x70];
	_ =	sdelay $0x4  }
0x56: {  	vm14 =	vgt.s32 v10, $0x0  }
0x57: {  	v11 =	vnsel vm14, $0x0, v10  }
0x58: {  	v11 =	vmin.u32 v11, $0x1F7  }
0x59: {  	vm15 =	vlt.u32 v10, $0x100;
	v10 =	vshll.u32 v11, $0x7  }
0x5a: {  	v10 =	vor.u32 v9, v10;
	_ =	sdelay $0x4  }
0x5b: {  	s24 =	simm.s32 $0x0;
	s25 =	simm.s32 $0x200;
	[tilespmem:v10+s16+$0x0] =	vst.idx.msk vm15, v2  }
0x5c: {  	[hbm4b:s3+s17] =	stream.strided.scatter [tilespmem:s16], [sflag:$0x1], $0x8000, s18, s17, $0x38;
	[tilespmem:$0x1F600] =	vst v63  }
.LBB2_4:
0x5d: {  	p0 =	sne.s32 s25, $0x1EE00;
	[tilespmem:s24+$0x8270] =	vst v1  }
0x5e: {  	[tilespmem:s24+$0x8200] =	vst v1  }
0x5f: {  	[tilespmem:s24+$0x8210] =	vst v1  }
.Ltmp1:
0x60: {  	[tilespmem:s24+$0x8220] =	vst v1;
	(pc) =	sbr.rel @p0 .LBB2_4-.Ltmp1, $4  }
0x61: {  	[tilespmem:s24+$0x8230] =	vst v1  }
0x62: {  	[tilespmem:s24+$0x8240] =	vst v1  }
0x63: {  	[tilespmem:s24+$0x8250] =	vst v1  }
0x64: {  	[tilespmem:s24+$0x8260] =	vst v1;
	s24 =	sshra.s32 s25, $0x2;
	s25 =	sadd.s32 $0x200, s25  }
0x65: {  	[tilespmem:s24+$0x8270] =	vst v1  }
0x66: {  	[tilespmem:s24+$0x8200] =	vst v1  }
0x67: {  	[tilespmem:s24+$0x8210] =	vst v1  }
0x68: {  	[tilespmem:s24+$0x8220] =	vst v1  }
0x69: {  	[tilespmem:s24+$0x8230] =	vst v1  }
0x6a: {  	[tilespmem:s24+$0x8240] =	vst v1  }
0x6b: {  	[tilespmem:s24+$0x8250] =	vst v1  }
0x6c: {  	[tilespmem:s24+$0x8260] =	vst v1  }
0x6d: {  	v10 =	vld [tilespmem:$0x0];
	_ =	sdelay $0x4  }
0x6e: {  	vm0 =	vgt.s32 v10, $0x0  }
0x6f: {  	v11 =	vnsel vm0, $0x0, v10  }
0x70: {  	v10 =	vadd.s32 $0xFFFFFF00, v10;
	v11 =	vmin.u32 v11, $0x1F7  }
0x71: {  	vm13 =	vlt.u32 v10, $0xF8;
	v10 =	vshll.u32 v11, $0x7  }
0x72: {  	v10 =	vor.u32 v0, v10;
	_ =	sdelay $0x4  }
0x73: {  	[tilespmem:v10+s16+$0x0] =	vst.idx.msk vm13, v2  }
0x74: {  	v10 =	vld [tilespmem:$0x10];
	_ =	sdelay $0x4  }
0x75: {  	vm14 =	vgt.s32 v10, $0x0  }
0x76: {  	v11 =	vnsel vm14, $0x0, v10  }
0x77: {  	v10 =	vadd.s32 $0xFFFFFF00, v10;
	v11 =	vmin.u32 v11, $0x1F7  }
0x78: {  	vm15 =	vlt.u32 v10, $0xF8;
	v10 =	vshll.u32 v11, $0x7  }
0x79: {  	v10 =	vor.u32 v3, v10;
	_ =	sdelay $0x4  }
0x7a: {  	[tilespmem:v10+s16+$0x0] =	vst.idx.msk vm15, v2  }
0x7b: {  	v10 =	vld [tilespmem:$0x20];
	_ =	sdelay $0x4  }
0x7c: {  	vm4 =	vgt.s32 v10, $0x0  }
0x7d: {  	v11 =	vnsel vm4, $0x0, v10  }
0x7e: {  	v10 =	vadd.s32 $0xFFFFFF00, v10;
	v11 =	vmin.u32 v11, $0x1F7  }
0x7f: {  	vm5 =	vlt.u32 v10, $0xF8;
	v10 =	vshll.u32 v11, $0x7  }
0x80: {  	v10 =	vor.u32 v4, v10;
	_ =	sdelay $0x4  }
0x81: {  	[tilespmem:v10+s16+$0x0] =	vst.idx.msk vm5, v2  }
0x82: {  	v10 =	vld [tilespmem:$0x30];
	_ =	sdelay $0x4  }
0x83: {  	vm6 =	vgt.s32 v10, $0x0  }
0x84: {  	v11 =	vnsel vm6, $0x0, v10  }
0x85: {  	v10 =	vadd.s32 $0xFFFFFF00, v10;
	v11 =	vmin.u32 v11, $0x1F7  }
0x86: {  	vm7 =	vlt.u32 v10, $0xF8;
	v10 =	vshll.u32 v11, $0x7  }
0x87: {  	v10 =	vor.u32 v5, v10;
	_ =	sdelay $0x4  }
0x88: {  	[tilespmem:v10+s16+$0x0] =	vst.idx.msk vm7, v2  }
0x89: {  	v10 =	vld [tilespmem:$0x40];
	_ =	sdelay $0x4  }
0x8a: {  	vm8 =	vgt.s32 v10, $0x0  }
0x8b: {  	v11 =	vnsel vm8, $0x0, v10  }
0x8c: {  	v10 =	vadd.s32 $0xFFFFFF00, v10;
	v11 =	vmin.u32 v11, $0x1F7  }
0x8d: {  	vm9 =	vlt.u32 v10, $0xF8;
	v10 =	vshll.u32 v11, $0x7  }
0x8e: {  	v10 =	vor.u32 v6, v10;
	_ =	sdelay $0x4  }
0x8f: {  	[tilespmem:v10+s16+$0x0] =	vst.idx.msk vm9, v2  }
0x90: {  	v10 =	vld [tilespmem:$0x50];
	_ =	sdelay $0x4  }
0x91: {  	vm10 =	vgt.s32 v10, $0x0  }
0x92: {  	v11 =	vnsel vm10, $0x0, v10  }
0x93: {  	v10 =	vadd.s32 $0xFFFFFF00, v10;
	v11 =	vmin.u32 v11, $0x1F7  }
0x94: {  	vm11 =	vlt.u32 v10, $0xF8;
	v10 =	vshll.u32 v11, $0x7  }
0x95: {  	v10 =	vor.u32 v7, v10;
	_ =	sdelay $0x4  }
0x96: {  	[tilespmem:v10+s16+$0x0] =	vst.idx.msk vm11, v2  }
0x97: {  	v10 =	vld [tilespmem:$0x60];
	_ =	sdelay $0x4  }
0x98: {  	vm12 =	vgt.s32 v10, $0x0  }
0x99: {  	v11 =	vnsel vm12, $0x0, v10  }
0x9a: {  	v10 =	vadd.s32 $0xFFFFFF00, v10;
	v11 =	vmin.u32 v11, $0x1F7  }
0x9b: {  	vm13 =	vlt.u32 v10, $0xF8;
	v10 =	vshll.u32 v11, $0x7  }
0x9c: {  	v10 =	vor.u32 v8, v10;
	_ =	sdelay $0x4  }
0x9d: {  	[tilespmem:v10+s16+$0x0] =	vst.idx.msk vm13, v2  }
0x9e: {  	v10 =	vld [tilespmem:$0x70];
	_ =	sdelay $0x4  }
0x9f: {  	vm14 =	vgt.s32 v10, $0x0  }
0xa0: {  	v11 =	vnsel vm14, $0x0, v10  }
0xa1: {  	v10 =	vadd.s32 $0xFFFFFF00, v10;
	v11 =	vmin.u32 v11, $0x1F7  }
0xa2: {  	vm15 =	vlt.u32 v10, $0xF8;
	v10 =	vshll.u32 v11, $0x7  }
0xa3: {  	v10 =	vor.u32 v9, v10;
	_ =	sdelay $0x4  }
0xa4: {  	s24 =	simm.s32 $0x0;
	s25 =	simm.s32 $0x200;
	[tilespmem:v10+s16+$0x0] =	vst.idx.msk vm15, v2  }
0xa5: {  	[hbm4b:s5+s17] =	stream.strided.scatter [tilespmem:s19], [sflag:$0x1], $0x7C00, s18, s17, $0x38;
	[tilespmem:$0x1F600] =	vst v63  }
.LBB2_6:
0xa6: {  	p0 =	sne.s32 s25, $0x1FE00;
	[tilespmem:s24+$0xFE70] =	vst v1  }
0xa7: {  	[tilespmem:s24+$0xFE00] =	vst v1  }
0xa8: {  	[tilespmem:s24+$0xFE10] =	vst v1  }
.Ltmp2:
0xa9: {  	[tilespmem:s24+$0xFE20] =	vst v1;
	(pc) =	sbr.rel @p0 .LBB2_6-.Ltmp2, $4  }
0xaa: {  	[tilespmem:s24+$0xFE30] =	vst v1  }
0xab: {  	[tilespmem:s24+$0xFE40] =	vst v1  }
0xac: {  	[tilespmem:s24+$0xFE50] =	vst v1  }
0xad: {  	[tilespmem:s24+$0xFE60] =	vst v1;
	s24 =	sshra.s32 s25, $0x2;
	s25 =	sadd.s32 $0x200, s25  }
0xae: {  	[tilespmem:s24+$0xFE70] =	vst v1  }
0xaf: {  	[tilespmem:s24+$0xFE00] =	vst v1  }
0xb0: {  	[tilespmem:s24+$0xFE10] =	vst v1  }
0xb1: {  	[tilespmem:s24+$0xFE20] =	vst v1  }
0xb2: {  	[tilespmem:s24+$0xFE30] =	vst v1  }
0xb3: {  	[tilespmem:s24+$0xFE40] =	vst v1  }
0xb4: {  	[tilespmem:s24+$0xFE50] =	vst v1  }
0xb5: {  	[tilespmem:s24+$0xFE60] =	vst v1  }
0xb6: {  	v10 =	vld [tilespmem:$0x0];
	_ =	sdelay $0x4  }
0xb7: {  	v10 =	vadd.s32 $0xFFFFFE08, v10  }
0xb8: {  	vm0 =	vgt.s32 v10, $0x0  }
0xb9: {  	v11 =	vnsel vm0, $0x0, v10  }
0xba: {  	v11 =	vmin.u32 v11, $0x1EF  }
0xbb: {  	vm13 =	vlt.u32 v10, $0x100;
	v10 =	vshll.u32 v11, $0x7  }
0xbc: {  	v10 =	vor.u32 v0, v10;
	_ =	sdelay $0x4  }
0xbd: {  	[tilespmem:v10+s20+$0x0] =	vst.idx.msk vm13, v2  }
0xbe: {  	v10 =	vld [tilespmem:$0x10];
	_ =	sdelay $0x4  }
0xbf: {  	v10 =	vadd.s32 $0xFFFFFE08, v10  }
0xc0: {  	vm14 =	vgt.s32 v10, $0x0  }
0xc1: {  	v11 =	vnsel vm14, $0x0, v10  }
0xc2: {  	v11 =	vmin.u32 v11, $0x1EF  }
0xc3: {  	vm15 =	vlt.u32 v10, $0x100;
	v10 =	vshll.u32 v11, $0x7  }
0xc4: {  	v10 =	vor.u32 v3, v10;
	_ =	sdelay $0x4  }
0xc5: {  	[tilespmem:v10+s20+$0x0] =	vst.idx.msk vm15, v2  }
0xc6: {  	v10 =	vld [tilespmem:$0x20];
	_ =	sdelay $0x4  }
0xc7: {  	v10 =	vadd.s32 $0xFFFFFE08, v10  }
0xc8: {  	vm4 =	vgt.s32 v10, $0x0  }
0xc9: {  	v11 =	vnsel vm4, $0x0, v10  }
0xca: {  	v11 =	vmin.u32 v11, $0x1EF  }
0xcb: {  	vm5 =	vlt.u32 v10, $0x100;
	v10 =	vshll.u32 v11, $0x7  }
0xcc: {  	v10 =	vor.u32 v4, v10;
	_ =	sdelay $0x4  }
0xcd: {  	[tilespmem:v10+s20+$0x0] =	vst.idx.msk vm5, v2  }
0xce: {  	v10 =	vld [tilespmem:$0x30];
	_ =	sdelay $0x4  }
0xcf: {  	v10 =	vadd.s32 $0xFFFFFE08, v10  }
0xd0: {  	vm6 =	vgt.s32 v10, $0x0  }
0xd1: {  	v11 =	vnsel vm6, $0x0, v10  }
0xd2: {  	v11 =	vmin.u32 v11, $0x1EF  }
0xd3: {  	vm7 =	vlt.u32 v10, $0x100;
	v10 =	vshll.u32 v11, $0x7  }
0xd4: {  	v10 =	vor.u32 v5, v10;
	_ =	sdelay $0x4  }
0xd5: {  	[tilespmem:v10+s20+$0x0] =	vst.idx.msk vm7, v2  }
0xd6: {  	v10 =	vld [tilespmem:$0x40];
	_ =	sdelay $0x4  }
0xd7: {  	v10 =	vadd.s32 $0xFFFFFE08, v10  }
0xd8: {  	vm8 =	vgt.s32 v10, $0x0  }
0xd9: {  	v11 =	vnsel vm8, $0x0, v10  }
0xda: {  	v11 =	vmin.u32 v11, $0x1EF  }
0xdb: {  	vm9 =	vlt.u32 v10, $0x100;
	v10 =	vshll.u32 v11, $0x7  }
0xdc: {  	v10 =	vor.u32 v6, v10;
	_ =	sdelay $0x4  }
0xdd: {  	[tilespmem:v10+s20+$0x0] =	vst.idx.msk vm9, v2  }
0xde: {  	v10 =	vld [tilespmem:$0x50];
	_ =	sdelay $0x4  }
0xdf: {  	v10 =	vadd.s32 $0xFFFFFE08, v10  }
0xe0: {  	vm10 =	vgt.s32 v10, $0x0  }
0xe1: {  	v11 =	vnsel vm10, $0x0, v10  }
0xe2: {  	v11 =	vmin.u32 v11, $0x1EF  }
0xe3: {  	vm11 =	vlt.u32 v10, $0x100;
	v10 =	vshll.u32 v11, $0x7  }
0xe4: {  	v10 =	vor.u32 v7, v10;
	_ =	sdelay $0x4  }
0xe5: {  	[tilespmem:v10+s20+$0x0] =	vst.idx.msk vm11, v2  }
0xe6: {  	v10 =	vld [tilespmem:$0x60];
	_ =	sdelay $0x4  }
0xe7: {  	v10 =	vadd.s32 $0xFFFFFE08, v10  }
0xe8: {  	vm12 =	vgt.s32 v10, $0x0  }
0xe9: {  	v11 =	vnsel vm12, $0x0, v10  }
0xea: {  	v11 =	vmin.u32 v11, $0x1EF  }
0xeb: {  	vm13 =	vlt.u32 v10, $0x100;
	v10 =	vshll.u32 v11, $0x7  }
0xec: {  	v10 =	vor.u32 v8, v10;
	_ =	sdelay $0x4  }
0xed: {  	[tilespmem:v10+s20+$0x0] =	vst.idx.msk vm13, v2  }
0xee: {  	v10 =	vld [tilespmem:$0x70];
	_ =	sdelay $0x4  }
0xef: {  	v10 =	vadd.s32 $0xFFFFFE08, v10  }
0xf0: {  	vm14 =	vgt.s32 v10, $0x0  }
0xf1: {  	v11 =	vnsel vm14, $0x0, v10  }
0xf2: {  	v11 =	vmin.u32 v11, $0x1EF  }
0xf3: {  	vm15 =	vlt.u32 v10, $0x100;
	v10 =	vshll.u32 v11, $0x7  }
0xf4: {  	v10 =	vor.u32 v9, v10;
	_ =	sdelay $0x4  }
0xf5: {  	s24 =	simm.s32 $0x0;
	s25 =	simm.s32 $0x200;
	[tilespmem:v10+s20+$0x0] =	vst.idx.msk vm15, v2  }
0xf6: {  	[hbm4b:s6+s17] =	stream.strided.scatter [tilespmem:s20], [sflag:$0x2], $0x8000, s18, s17, $0x38;
	[tilespmem:$0x1F600] =	vst v63  }
.LBB2_8:
0xf7: {  	p0 =	sne.s32 s25, $0x1DE00;
	[tilespmem:s24+$0x17E70] =	vst v1  }
0xf8: {  	[tilespmem:s24+$0x17E00] =	vst v1  }
0xf9: {  	[tilespmem:s24+$0x17E10] =	vst v1  }
.Ltmp3:
0xfa: {  	[tilespmem:s24+$0x17E20] =	vst v1;
	(pc) =	sbr.rel @p0 .LBB2_8-.Ltmp3, $4  }
0xfb: {  	[tilespmem:s24+$0x17E30] =	vst v1  }
0xfc: {  	[tilespmem:s24+$0x17E40] =	vst v1  }
0xfd: {  	[tilespmem:s24+$0x17E50] =	vst v1  }
0xfe: {  	[tilespmem:s24+$0x17E60] =	vst v1;
	s24 =	sshra.s32 s25, $0x2;
	s25 =	sadd.s32 $0x200, s25  }
0xff: {  	[tilespmem:s24+$0x17E70] =	vst v1  }
0x100: {  	[tilespmem:s24+$0x17E00] =	vst v1  }
0x101: {  	[tilespmem:s24+$0x17E10] =	vst v1  }
0x102: {  	[tilespmem:s24+$0x17E20] =	vst v1  }
0x103: {  	[tilespmem:s24+$0x17E30] =	vst v1  }
0x104: {  	[tilespmem:s24+$0x17E40] =	vst v1  }
0x105: {  	[tilespmem:s24+$0x17E50] =	vst v1  }
0x106: {  	[tilespmem:s24+$0x17E60] =	vst v1  }
0x107: {  	v10 =	vld [tilespmem:$0x0];
	_ =	sdelay $0x4  }
0x108: {  	v11 =	vadd.s32 $0xFFFFFE08, v10  }
0x109: {  	vm0 =	vgt.s32 v11, $0x0  }
0x10a: {  	v11 =	vnsel vm0, $0x0, v11  }
0x10b: {  	v10 =	vadd.s32 $0xFFFFFD08, v10;
	v11 =	vmin.u32 v11, $0x1EF  }
0x10c: {  	vm13 =	vlt.u32 v10, $0xF0;
	v10 =	vshll.u32 v11, $0x7  }
0x10d: {  	v10 =	vor.u32 v0, v10;
	_ =	sdelay $0x4  }
0x10e: {  	[tilespmem:v10+s20+$0x0] =	vst.idx.msk vm13, v2  }
0x10f: {  	v10 =	vld [tilespmem:$0x10];
	_ =	sdelay $0x4  }
0x110: {  	v11 =	vadd.s32 $0xFFFFFE08, v10  }
0x111: {  	vm14 =	vgt.s32 v11, $0x0  }
0x112: {  	v11 =	vnsel vm14, $0x0, v11  }
0x113: {  	v10 =	vadd.s32 $0xFFFFFD08, v10;
	v11 =	vmin.u32 v11, $0x1EF  }
0x114: {  	vm15 =	vlt.u32 v10, $0xF0;
	v10 =	vshll.u32 v11, $0x7  }
0x115: {  	v10 =	vor.u32 v3, v10;
	_ =	sdelay $0x4  }
0x116: {  	[tilespmem:v10+s20+$0x0] =	vst.idx.msk vm15, v2  }
0x117: {  	v10 =	vld [tilespmem:$0x20];
	_ =	sdelay $0x4  }
0x118: {  	v11 =	vadd.s32 $0xFFFFFE08, v10  }
0x119: {  	vm4 =	vgt.s32 v11, $0x0  }
0x11a: {  	v11 =	vnsel vm4, $0x0, v11  }
0x11b: {  	v10 =	vadd.s32 $0xFFFFFD08, v10;
	v11 =	vmin.u32 v11, $0x1EF  }
0x11c: {  	vm5 =	vlt.u32 v10, $0xF0;
	v10 =	vshll.u32 v11, $0x7  }
0x11d: {  	v10 =	vor.u32 v4, v10;
	_ =	sdelay $0x4  }
0x11e: {  	[tilespmem:v10+s20+$0x0] =	vst.idx.msk vm5, v2  }
0x11f: {  	v10 =	vld [tilespmem:$0x30];
	_ =	sdelay $0x4  }
0x120: {  	v11 =	vadd.s32 $0xFFFFFE08, v10  }
0x121: {  	vm6 =	vgt.s32 v11, $0x0  }
0x122: {  	v11 =	vnsel vm6, $0x0, v11  }
0x123: {  	v10 =	vadd.s32 $0xFFFFFD08, v10;
	v11 =	vmin.u32 v11, $0x1EF  }
0x124: {  	vm7 =	vlt.u32 v10, $0xF0;
	v10 =	vshll.u32 v11, $0x7  }
0x125: {  	v10 =	vor.u32 v5, v10;
	_ =	sdelay $0x4  }
0x126: {  	[tilespmem:v10+s20+$0x0] =	vst.idx.msk vm7, v2  }
0x127: {  	v10 =	vld [tilespmem:$0x40];
	_ =	sdelay $0x4  }
0x128: {  	v11 =	vadd.s32 $0xFFFFFE08, v10  }
0x129: {  	vm8 =	vgt.s32 v11, $0x0  }
0x12a: {  	v11 =	vnsel vm8, $0x0, v11  }
0x12b: {  	v10 =	vadd.s32 $0xFFFFFD08, v10;
	v11 =	vmin.u32 v11, $0x1EF  }
0x12c: {  	vm9 =	vlt.u32 v10, $0xF0;
	v10 =	vshll.u32 v11, $0x7  }
0x12d: {  	v10 =	vor.u32 v6, v10;
	_ =	sdelay $0x4  }
0x12e: {  	[tilespmem:v10+s20+$0x0] =	vst.idx.msk vm9, v2  }
0x12f: {  	v10 =	vld [tilespmem:$0x50];
	_ =	sdelay $0x4  }
0x130: {  	v11 =	vadd.s32 $0xFFFFFE08, v10  }
0x131: {  	vm10 =	vgt.s32 v11, $0x0  }
0x132: {  	v11 =	vnsel vm10, $0x0, v11  }
0x133: {  	v10 =	vadd.s32 $0xFFFFFD08, v10;
	v11 =	vmin.u32 v11, $0x1EF  }
0x134: {  	vm11 =	vlt.u32 v10, $0xF0;
	v10 =	vshll.u32 v11, $0x7  }
0x135: {  	v10 =	vor.u32 v7, v10;
	_ =	sdelay $0x4  }
0x136: {  	[tilespmem:v10+s20+$0x0] =	vst.idx.msk vm11, v2  }
0x137: {  	v10 =	vld [tilespmem:$0x60];
	_ =	sdelay $0x4  }
0x138: {  	v11 =	vadd.s32 $0xFFFFFE08, v10  }
0x139: {  	vm12 =	vgt.s32 v11, $0x0  }
0x13a: {  	v11 =	vnsel vm12, $0x0, v11  }
0x13b: {  	v10 =	vadd.s32 $0xFFFFFD08, v10;
	v11 =	vmin.u32 v11, $0x1EF  }
0x13c: {  	vm13 =	vlt.u32 v10, $0xF0;
	v10 =	vshll.u32 v11, $0x7  }
0x13d: {  	v10 =	vor.u32 v8, v10;
	_ =	sdelay $0x4  }
0x13e: {  	[tilespmem:v10+s20+$0x0] =	vst.idx.msk vm13, v2  }
0x13f: {  	v10 =	vld [tilespmem:$0x70];
	_ =	sdelay $0x4  }
0x140: {  	v11 =	vadd.s32 $0xFFFFFE08, v10  }
0x141: {  	vm14 =	vgt.s32 v11, $0x0  }
0x142: {  	v11 =	vnsel vm14, $0x0, v11  }
0x143: {  	v10 =	vadd.s32 $0xFFFFFD08, v10;
	v11 =	vmin.u32 v11, $0x1EF  }
0x144: {  	vm15 =	vlt.u32 v10, $0xF0;
	v10 =	vshll.u32 v11, $0x7  }
0x145: {  	v10 =	vor.u32 v9, v10;
	_ =	sdelay $0x4  }
0x146: {  	[tilespmem:v10+s20+$0x0] =	vst.idx.msk vm15, v2  }
0x147: {  	[hbm4b:s7+s17] =	stream.strided.scatter [tilespmem:s21], [sflag:$0x2], $0x7800, s18, s17, $0x38;
	[tilespmem:$0x1F600] =	vst v63  }
0x148: {  	_ =	swait.ge [sflag:s15], $0x8000  }
0x149: {  	[sflag:s15] =	ssyncset.done $0x0  }
0x14a: {  	[sflag:s15] =	ssyncadd.s32 $0xFFFF8000  }
0x14b: {  	_ =	swait.ge [sflag:s15], $0x7C00  }
0x14c: {  	[sflag:s15] =	ssyncset.done $0x0  }
0x14d: {  	[sflag:s15] =	ssyncadd.s32 $0xFFFF8400  }
0x14e: {  	v10 =	vld [tilespmem:$0x0];
	_ =	sdelay $0x4  }
0x14f: {  	vm4 =	vgt.s32 v10, $0x0  }
0x150: {  	v11 =	vnsel vm4, $0x0, v10  }
0x151: {  	v11 =	vmin.u32 v11, $0x1F7  }
0x152: {  	vm5 =	vlt.u32 v10, $0x1F8;
	v10 =	vshll.u32 v11, $0x7  }
0x153: {  	v10 =	vor.u32 v0, v10;
	_ =	sdelay $0x4  }
0x154: {  	[tilespmem:v10+s16+$0x0] =	vst.idx.msk vm5, v1  }
0x155: {  	v10 =	vld [tilespmem:$0x10];
	_ =	sdelay $0x4  }
0x156: {  	vm6 =	vgt.s32 v10, $0x0  }
0x157: {  	v11 =	vnsel vm6, $0x0, v10  }
0x158: {  	v11 =	vmin.u32 v11, $0x1F7  }
0x159: {  	vm7 =	vlt.u32 v10, $0x1F8;
	v10 =	vshll.u32 v11, $0x7  }
0x15a: {  	v10 =	vor.u32 v3, v10;
	_ =	sdelay $0x4  }
0x15b: {  	[tilespmem:v10+s16+$0x0] =	vst.idx.msk vm7, v1  }
0x15c: {  	v10 =	vld [tilespmem:$0x20];
	_ =	sdelay $0x4  }
0x15d: {  	vm8 =	vgt.s32 v10, $0x0  }
0x15e: {  	v11 =	vnsel vm8, $0x0, v10  }
0x15f: {  	v11 =	vmin.u32 v11, $0x1F7  }
0x160: {  	vm9 =	vlt.u32 v10, $0x1F8;
	v10 =	vshll.u32 v11, $0x7  }
0x161: {  	v10 =	vor.u32 v4, v10;
	_ =	sdelay $0x4  }
0x162: {  	[tilespmem:v10+s16+$0x0] =	vst.idx.msk vm9, v1  }
0x163: {  	v10 =	vld [tilespmem:$0x30];
	_ =	sdelay $0x4  }
0x164: {  	vm10 =	vgt.s32 v10, $0x0  }
0x165: {  	v11 =	vnsel vm10, $0x0, v10  }
0x166: {  	v11 =	vmin.u32 v11, $0x1F7  }
0x167: {  	vm11 =	vlt.u32 v10, $0x1F8;
	v10 =	vshll.u32 v11, $0x7  }
0x168: {  	v10 =	vor.u32 v5, v10;
	_ =	sdelay $0x4  }
0x169: {  	[tilespmem:v10+s16+$0x0] =	vst.idx.msk vm11, v1  }
0x16a: {  	v10 =	vld [tilespmem:$0x40];
	_ =	sdelay $0x4  }
0x16b: {  	vm12 =	vgt.s32 v10, $0x0  }
0x16c: {  	v11 =	vnsel vm12, $0x0, v10  }
0x16d: {  	v11 =	vmin.u32 v11, $0x1F7  }
0x16e: {  	vm13 =	vlt.u32 v10, $0x1F8;
	v10 =	vshll.u32 v11, $0x7  }
0x16f: {  	v10 =	vor.u32 v6, v10;
	_ =	sdelay $0x4  }
0x170: {  	[tilespmem:v10+s16+$0x0] =	vst.idx.msk vm13, v1  }
0x171: {  	v10 =	vld [tilespmem:$0x50];
	_ =	sdelay $0x4  }
0x172: {  	vm14 =	vgt.s32 v10, $0x0  }
0x173: {  	v11 =	vnsel vm14, $0x0, v10  }
0x174: {  	v11 =	vmin.u32 v11, $0x1F7  }
0x175: {  	vm15 =	vlt.u32 v10, $0x1F8;
	v10 =	vshll.u32 v11, $0x7  }
0x176: {  	v10 =	vor.u32 v7, v10;
	_ =	sdelay $0x4  }
0x177: {  	[tilespmem:v10+s16+$0x0] =	vst.idx.msk vm15, v1  }
0x178: {  	v10 =	vld [tilespmem:$0x60];
	_ =	sdelay $0x4  }
0x179: {  	vm4 =	vgt.s32 v10, $0x0  }
0x17a: {  	v11 =	vnsel vm4, $0x0, v10  }
0x17b: {  	v11 =	vmin.u32 v11, $0x1F7  }
0x17c: {  	vm5 =	vlt.u32 v10, $0x1F8;
	v10 =	vshll.u32 v11, $0x7  }
0x17d: {  	v10 =	vor.u32 v8, v10;
	_ =	sdelay $0x4  }
0x17e: {  	[tilespmem:v10+s16+$0x0] =	vst.idx.msk vm5, v1  }
0x17f: {  	v10 =	vld [tilespmem:$0x70];
	_ =	sdelay $0x4  }
0x180: {  	vm6 =	vgt.s32 v10, $0x0  }
0x181: {  	v11 =	vnsel vm6, $0x0, v10  }
0x182: {  	v11 =	vmin.u32 v11, $0x1F7  }
0x183: {  	vm7 =	vlt.u32 v10, $0x1F8;
	v10 =	vshll.u32 v11, $0x7  }
0x184: {  	v10 =	vor.u32 v9, v10;
	_ =	sdelay $0x4  }
0x185: {  	[tilespmem:v10+s16+$0x0] =	vst.idx.msk vm7, v1  }
0x186: {  	v10 =	vld [tilespmem:$0x80];
	_ =	sdelay $0x4  }
0x187: {  	vm8 =	vgt.s32 v10, $0x0  }
0x188: {  	v11 =	vnsel vm8, $0x0, v10  }
0x189: {  	v11 =	vmin.u32 v11, $0x1F7  }
0x18a: {  	vm9 =	vlt.u32 v10, $0x1F8;
	v10 =	vshll.u32 v11, $0x7  }
0x18b: {  	v10 =	vor.u32 v0, v10;
	_ =	sdelay $0x4  }
0x18c: {  	[tilespmem:v10+s16+$0x0] =	vst.idx.msk vm9, v2  }
0x18d: {  	v10 =	vld [tilespmem:$0x90];
	_ =	sdelay $0x4  }
0x18e: {  	vm10 =	vgt.s32 v10, $0x0  }
0x18f: {  	v11 =	vnsel vm10, $0x0, v10  }
0x190: {  	v11 =	vmin.u32 v11, $0x1F7  }
0x191: {  	vm11 =	vlt.u32 v10, $0x1F8;
	v10 =	vshll.u32 v11, $0x7  }
0x192: {  	v10 =	vor.u32 v3, v10;
	_ =	sdelay $0x4  }
0x193: {  	[tilespmem:v10+s16+$0x0] =	vst.idx.msk vm11, v2  }
0x194: {  	v10 =	vld [tilespmem:$0xA0];
	_ =	sdelay $0x4  }
0x195: {  	vm12 =	vgt.s32 v10, $0x0  }
0x196: {  	v11 =	vnsel vm12, $0x0, v10  }
0x197: {  	v11 =	vmin.u32 v11, $0x1F7  }
0x198: {  	vm13 =	vlt.u32 v10, $0x1F8;
	v10 =	vshll.u32 v11, $0x7  }
0x199: {  	v10 =	vor.u32 v4, v10;
	_ =	sdelay $0x4  }
0x19a: {  	[tilespmem:v10+s16+$0x0] =	vst.idx.msk vm13, v2  }
0x19b: {  	v10 =	vld [tilespmem:$0xB0];
	_ =	sdelay $0x4  }
0x19c: {  	vm14 =	vgt.s32 v10, $0x0  }
0x19d: {  	v11 =	vnsel vm14, $0x0, v10  }
0x19e: {  	v11 =	vmin.u32 v11, $0x1F7  }
0x19f: {  	vm15 =	vlt.u32 v10, $0x1F8;
	v10 =	vshll.u32 v11, $0x7  }
0x1a0: {  	v10 =	vor.u32 v5, v10;
	_ =	sdelay $0x4  }
0x1a1: {  	[tilespmem:v10+s16+$0x0] =	vst.idx.msk vm15, v2  }
0x1a2: {  	v10 =	vld [tilespmem:$0xC0];
	_ =	sdelay $0x4  }
0x1a3: {  	vm4 =	vgt.s32 v10, $0x0  }
0x1a4: {  	v11 =	vnsel vm4, $0x0, v10  }
0x1a5: {  	v11 =	vmin.u32 v11, $0x1F7  }
0x1a6: {  	vm5 =	vlt.u32 v10, $0x1F8;
	v10 =	vshll.u32 v11, $0x7  }
0x1a7: {  	v10 =	vor.u32 v6, v10;
	_ =	sdelay $0x4  }
0x1a8: {  	[tilespmem:v10+s16+$0x0] =	vst.idx.msk vm5, v2  }
0x1a9: {  	v10 =	vld [tilespmem:$0xD0];
	_ =	sdelay $0x4  }
0x1aa: {  	vm6 =	vgt.s32 v10, $0x0  }
0x1ab: {  	v11 =	vnsel vm6, $0x0, v10  }
0x1ac: {  	v11 =	vmin.u32 v11, $0x1F7  }
0x1ad: {  	vm7 =	vlt.u32 v10, $0x1F8;
	v10 =	vshll.u32 v11, $0x7  }
0x1ae: {  	v10 =	vor.u32 v7, v10;
	_ =	sdelay $0x4  }
0x1af: {  	[tilespmem:v10+s16+$0x0] =	vst.idx.msk vm7, v2  }
0x1b0: {  	v10 =	vld [tilespmem:$0xE0];
	_ =	sdelay $0x4  }
0x1b1: {  	vm8 =	vgt.s32 v10, $0x0  }
0x1b2: {  	v11 =	vnsel vm8, $0x0, v10  }
0x1b3: {  	v11 =	vmin.u32 v11, $0x1F7  }
0x1b4: {  	vm9 =	vlt.u32 v10, $0x1F8;
	v10 =	vshll.u32 v11, $0x7  }
0x1b5: {  	v10 =	vor.u32 v8, v10;
	_ =	sdelay $0x4  }
0x1b6: {  	[tilespmem:v10+s16+$0x0] =	vst.idx.msk vm9, v2  }
0x1b7: {  	v10 =	vld [tilespmem:$0xF0];
	_ =	sdelay $0x4  }
0x1b8: {  	vm10 =	vgt.s32 v10, $0x0  }
0x1b9: {  	v11 =	vnsel vm10, $0x0, v10  }
0x1ba: {  	v11 =	vmin.u32 v11, $0x1F7  }
0x1bb: {  	vm11 =	vlt.u32 v10, $0x1F8;
	v10 =	vshll.u32 v11, $0x7  }
0x1bc: {  	v10 =	vor.u32 v9, v10;
	_ =	sdelay $0x4  }
0x1bd: {  	[tilespmem:v10+s16+$0x0] =	vst.idx.msk vm11, v2  }
0x1be: {  	[hbm4b:s8+s17] =	stream.strided.scatter [tilespmem:s16], [sflag:$0x1], $0xFC00, s18, s17, $0x38;
	[tilespmem:$0x1F600] =	vst v63  }
0x1bf: {  	_ =	swait.ge [sflag:s22], $0x8000  }
0x1c0: {  	[sflag:s22] =	ssyncset.done $0x0  }
0x1c1: {  	[sflag:s22] =	ssyncadd.s32 $0xFFFF8000  }
0x1c2: {  	_ =	swait.ge [sflag:s22], $0x7800  }
0x1c3: {  	[sflag:s22] =	ssyncset.done $0x0  }
0x1c4: {  	[sflag:s22] =	ssyncadd.s32 $0xFFFF8800  }
0x1c5: {  	v10 =	vld [tilespmem:$0x0];
	_ =	sdelay $0x4  }
0x1c6: {  	v10 =	vadd.s32 $0xFFFFFE08, v10  }
0x1c7: {  	vm12 =	vgt.s32 v10, $0x0  }
0x1c8: {  	v11 =	vnsel vm12, $0x0, v10  }
0x1c9: {  	v11 =	vmin.u32 v11, $0x1EF  }
0x1ca: {  	vm13 =	vlt.u32 v10, $0x1F0;
	v10 =	vshll.u32 v11, $0x7  }
0x1cb: {  	v10 =	vor.u32 v0, v10;
	_ =	sdelay $0x4  }
0x1cc: {  	[tilespmem:v10+s20+$0x0] =	vst.idx.msk vm13, v1  }
0x1cd: {  	v10 =	vld [tilespmem:$0x10];
	_ =	sdelay $0x4  }
0x1ce: {  	v10 =	vadd.s32 $0xFFFFFE08, v10  }
0x1cf: {  	vm14 =	vgt.s32 v10, $0x0  }
0x1d0: {  	v11 =	vnsel vm14, $0x0, v10  }
0x1d1: {  	v11 =	vmin.u32 v11, $0x1EF  }
0x1d2: {  	vm15 =	vlt.u32 v10, $0x1F0;
	v10 =	vshll.u32 v11, $0x7  }
0x1d3: {  	v10 =	vor.u32 v3, v10;
	_ =	sdelay $0x4  }
0x1d4: {  	[tilespmem:v10+s20+$0x0] =	vst.idx.msk vm15, v1  }
0x1d5: {  	v10 =	vld [tilespmem:$0x20];
	_ =	sdelay $0x4  }
0x1d6: {  	v10 =	vadd.s32 $0xFFFFFE08, v10  }
0x1d7: {  	vm4 =	vgt.s32 v10, $0x0  }
0x1d8: {  	v11 =	vnsel vm4, $0x0, v10  }
0x1d9: {  	v11 =	vmin.u32 v11, $0x1EF  }
0x1da: {  	vm5 =	vlt.u32 v10, $0x1F0;
	v10 =	vshll.u32 v11, $0x7  }
0x1db: {  	v10 =	vor.u32 v4, v10;
	_ =	sdelay $0x4  }
0x1dc: {  	[tilespmem:v10+s20+$0x0] =	vst.idx.msk vm5, v1  }
0x1dd: {  	v10 =	vld [tilespmem:$0x30];
	_ =	sdelay $0x4  }
0x1de: {  	v10 =	vadd.s32 $0xFFFFFE08, v10  }
0x1df: {  	vm6 =	vgt.s32 v10, $0x0  }
0x1e0: {  	v11 =	vnsel vm6, $0x0, v10  }
0x1e1: {  	v11 =	vmin.u32 v11, $0x1EF  }
0x1e2: {  	vm7 =	vlt.u32 v10, $0x1F0;
	v10 =	vshll.u32 v11, $0x7  }
0x1e3: {  	v10 =	vor.u32 v5, v10;
	_ =	sdelay $0x4  }
0x1e4: {  	[tilespmem:v10+s20+$0x0] =	vst.idx.msk vm7, v1  }
0x1e5: {  	v10 =	vld [tilespmem:$0x40];
	_ =	sdelay $0x4  }
0x1e6: {  	v10 =	vadd.s32 $0xFFFFFE08, v10  }
0x1e7: {  	vm8 =	vgt.s32 v10, $0x0  }
0x1e8: {  	v11 =	vnsel vm8, $0x0, v10  }
0x1e9: {  	v11 =	vmin.u32 v11, $0x1EF  }
0x1ea: {  	vm9 =	vlt.u32 v10, $0x1F0;
	v10 =	vshll.u32 v11, $0x7  }
0x1eb: {  	v10 =	vor.u32 v6, v10;
	_ =	sdelay $0x4  }
0x1ec: {  	[tilespmem:v10+s20+$0x0] =	vst.idx.msk vm9, v1  }
0x1ed: {  	v10 =	vld [tilespmem:$0x50];
	_ =	sdelay $0x4  }
0x1ee: {  	v10 =	vadd.s32 $0xFFFFFE08, v10  }
0x1ef: {  	vm10 =	vgt.s32 v10, $0x0  }
0x1f0: {  	v11 =	vnsel vm10, $0x0, v10  }
0x1f1: {  	v11 =	vmin.u32 v11, $0x1EF  }
0x1f2: {  	vm11 =	vlt.u32 v10, $0x1F0;
	v10 =	vshll.u32 v11, $0x7  }
0x1f3: {  	v10 =	vor.u32 v7, v10;
	_ =	sdelay $0x4  }
0x1f4: {  	[tilespmem:v10+s20+$0x0] =	vst.idx.msk vm11, v1  }
0x1f5: {  	v10 =	vld [tilespmem:$0x60];
	_ =	sdelay $0x4  }
0x1f6: {  	v10 =	vadd.s32 $0xFFFFFE08, v10  }
0x1f7: {  	vm12 =	vgt.s32 v10, $0x0  }
0x1f8: {  	v11 =	vnsel vm12, $0x0, v10  }
0x1f9: {  	v11 =	vmin.u32 v11, $0x1EF  }
0x1fa: {  	vm13 =	vlt.u32 v10, $0x1F0;
	v10 =	vshll.u32 v11, $0x7  }
0x1fb: {  	v10 =	vor.u32 v8, v10;
	_ =	sdelay $0x4  }
0x1fc: {  	[tilespmem:v10+s20+$0x0] =	vst.idx.msk vm13, v1  }
0x1fd: {  	v10 =	vld [tilespmem:$0x70];
	_ =	sdelay $0x4  }
0x1fe: {  	v10 =	vadd.s32 $0xFFFFFE08, v10  }
0x1ff: {  	vm14 =	vgt.s32 v10, $0x0  }
0x200: {  	v11 =	vnsel vm14, $0x0, v10  }
0x201: {  	v11 =	vmin.u32 v11, $0x1EF  }
0x202: {  	vm15 =	vlt.u32 v10, $0x1F0;
	v10 =	vshll.u32 v11, $0x7  }
0x203: {  	v10 =	vor.u32 v9, v10;
	_ =	sdelay $0x4  }
0x204: {  	[tilespmem:v10+s20+$0x0] =	vst.idx.msk vm15, v1  }
0x205: {  	v10 =	vld [tilespmem:$0x80];
	_ =	sdelay $0x4  }
0x206: {  	v10 =	vadd.s32 $0xFFFFFE08, v10  }
0x207: {  	vm4 =	vgt.s32 v10, $0x0  }
0x208: {  	v11 =	vnsel vm4, $0x0, v10  }
0x209: {  	v11 =	vmin.u32 v11, $0x1EF  }
0x20a: {  	vm5 =	vlt.u32 v10, $0x1F0;
	v10 =	vshll.u32 v11, $0x7  }
0x20b: {  	v10 =	vor.u32 v0, v10;
	_ =	sdelay $0x4  }
0x20c: {  	[tilespmem:v10+s20+$0x0] =	vst.idx.msk vm5, v2  }
0x20d: {  	v10 =	vld [tilespmem:$0x90];
	_ =	sdelay $0x4  }
0x20e: {  	v10 =	vadd.s32 $0xFFFFFE08, v10  }
0x20f: {  	vm6 =	vgt.s32 v10, $0x0  }
0x210: {  	v11 =	vnsel vm6, $0x0, v10  }
0x211: {  	v11 =	vmin.u32 v11, $0x1EF  }
0x212: {  	vm7 =	vlt.u32 v10, $0x1F0;
	v10 =	vshll.u32 v11, $0x7  }
0x213: {  	v10 =	vor.u32 v3, v10;
	_ =	sdelay $0x4  }
0x214: {  	[tilespmem:v10+s20+$0x0] =	vst.idx.msk vm7, v2  }
0x215: {  	v10 =	vld [tilespmem:$0xA0];
	_ =	sdelay $0x4  }
0x216: {  	v10 =	vadd.s32 $0xFFFFFE08, v10  }
0x217: {  	vm8 =	vgt.s32 v10, $0x0  }
0x218: {  	v11 =	vnsel vm8, $0x0, v10  }
0x219: {  	v11 =	vmin.u32 v11, $0x1EF  }
0x21a: {  	vm9 =	vlt.u32 v10, $0x1F0;
	v10 =	vshll.u32 v11, $0x7  }
0x21b: {  	v10 =	vor.u32 v4, v10;
	_ =	sdelay $0x4  }
0x21c: {  	[tilespmem:v10+s20+$0x0] =	vst.idx.msk vm9, v2  }
0x21d: {  	v10 =	vld [tilespmem:$0xB0];
	_ =	sdelay $0x4  }
0x21e: {  	v10 =	vadd.s32 $0xFFFFFE08, v10  }
0x21f: {  	vm10 =	vgt.s32 v10, $0x0  }
0x220: {  	v11 =	vnsel vm10, $0x0, v10  }
0x221: {  	v11 =	vmin.u32 v11, $0x1EF  }
0x222: {  	vm11 =	vlt.u32 v10, $0x1F0;
	v10 =	vshll.u32 v11, $0x7  }
0x223: {  	v10 =	vor.u32 v5, v10;
	_ =	sdelay $0x4  }
0x224: {  	[tilespmem:v10+s20+$0x0] =	vst.idx.msk vm11, v2  }
0x225: {  	v10 =	vld [tilespmem:$0xC0];
	_ =	sdelay $0x4  }
0x226: {  	v10 =	vadd.s32 $0xFFFFFE08, v10  }
0x227: {  	vm12 =	vgt.s32 v10, $0x0  }
0x228: {  	v11 =	vnsel vm12, $0x0, v10  }
0x229: {  	v11 =	vmin.u32 v11, $0x1EF  }
0x22a: {  	vm13 =	vlt.u32 v10, $0x1F0;
	v10 =	vshll.u32 v11, $0x7  }
0x22b: {  	v10 =	vor.u32 v6, v10;
	_ =	sdelay $0x4  }
0x22c: {  	[tilespmem:v10+s20+$0x0] =	vst.idx.msk vm13, v2  }
0x22d: {  	v10 =	vld [tilespmem:$0xD0];
	_ =	sdelay $0x4  }
0x22e: {  	v10 =	vadd.s32 $0xFFFFFE08, v10  }
0x22f: {  	vm14 =	vgt.s32 v10, $0x0  }
0x230: {  	v11 =	vnsel vm14, $0x0, v10  }
0x231: {  	v11 =	vmin.u32 v11, $0x1EF  }
0x232: {  	vm15 =	vlt.u32 v10, $0x1F0;
	v10 =	vshll.u32 v11, $0x7  }
0x233: {  	v10 =	vor.u32 v7, v10;
	_ =	sdelay $0x4  }
0x234: {  	[tilespmem:v10+s20+$0x0] =	vst.idx.msk vm15, v2  }
0x235: {  	v10 =	vld [tilespmem:$0xE0];
	_ =	sdelay $0x4  }
0x236: {  	v10 =	vadd.s32 $0xFFFFFE08, v10  }
0x237: {  	vm4 =	vgt.s32 v10, $0x0  }
0x238: {  	v11 =	vnsel vm4, $0x0, v10  }
0x239: {  	v11 =	vmin.u32 v11, $0x1EF  }
0x23a: {  	vm5 =	vlt.u32 v10, $0x1F0;
	v10 =	vshll.u32 v11, $0x7  }
0x23b: {  	v10 =	vor.u32 v8, v10;
	_ =	sdelay $0x4  }
0x23c: {  	[tilespmem:v10+s20+$0x0] =	vst.idx.msk vm5, v2  }
0x23d: {  	v10 =	vld [tilespmem:$0xF0];
	_ =	sdelay $0x4  }
0x23e: {  	v10 =	vadd.s32 $0xFFFFFE08, v10  }
0x23f: {  	vm6 =	vgt.s32 v10, $0x0  }
0x240: {  	v11 =	vnsel vm6, $0x0, v10  }
0x241: {  	v11 =	vmin.u32 v11, $0x1EF  }
0x242: {  	vm7 =	vlt.u32 v10, $0x1F0;
	v10 =	vshll.u32 v11, $0x7  }
0x243: {  	v10 =	vor.u32 v9, v10;
	_ =	sdelay $0x4  }
0x244: {  	[tilespmem:v10+s20+$0x0] =	vst.idx.msk vm7, v2  }
0x245: {  	[hbm4b:s9+s17] =	stream.strided.scatter [tilespmem:s20], [sflag:$0x2], $0xF800, s18, s17, $0x38;
	[tilespmem:$0x1F600] =	vst v63  }
0x246: {  	_ =	swait.ge [sflag:s15], $0xFC00  }
0x247: {  	[sflag:s15] =	ssyncset.done $0x0  }
0x248: {  	[sflag:s15] =	ssyncadd.s32 $0xFFFF0400  }
0x249: {  	v10 =	vld [tilespmem:$0x80];
	_ =	sdelay $0x4  }
0x24a: {  	vm8 =	vgt.s32 v10, $0x0  }
0x24b: {  	v11 =	vnsel vm8, $0x0, v10  }
0x24c: {  	v11 =	vmin.u32 v11, $0x1F7  }
0x24d: {  	vm9 =	vlt.u32 v10, $0x1F8;
	v10 =	vshll.u32 v11, $0x7  }
0x24e: {  	v10 =	vor.u32 v0, v10;
	_ =	sdelay $0x4  }
0x24f: {  	[tilespmem:v10+s16+$0x0] =	vst.idx.msk vm9, v1  }
0x250: {  	v10 =	vld [tilespmem:$0x90];
	_ =	sdelay $0x4  }
0x251: {  	vm10 =	vgt.s32 v10, $0x0  }
0x252: {  	v11 =	vnsel vm10, $0x0, v10  }
0x253: {  	v11 =	vmin.u32 v11, $0x1F7  }
0x254: {  	vm11 =	vlt.u32 v10, $0x1F8;
	v10 =	vshll.u32 v11, $0x7  }
0x255: {  	v10 =	vor.u32 v3, v10;
	_ =	sdelay $0x4  }
0x256: {  	[tilespmem:v10+s16+$0x0] =	vst.idx.msk vm11, v1  }
0x257: {  	v10 =	vld [tilespmem:$0xA0];
	_ =	sdelay $0x4  }
0x258: {  	vm12 =	vgt.s32 v10, $0x0  }
0x259: {  	v11 =	vnsel vm12, $0x0, v10  }
0x25a: {  	v11 =	vmin.u32 v11, $0x1F7  }
0x25b: {  	vm13 =	vlt.u32 v10, $0x1F8;
	v10 =	vshll.u32 v11, $0x7  }
0x25c: {  	v10 =	vor.u32 v4, v10;
	_ =	sdelay $0x4  }
0x25d: {  	[tilespmem:v10+s16+$0x0] =	vst.idx.msk vm13, v1  }
0x25e: {  	v10 =	vld [tilespmem:$0xB0];
	_ =	sdelay $0x4  }
0x25f: {  	vm14 =	vgt.s32 v10, $0x0  }
0x260: {  	v11 =	vnsel vm14, $0x0, v10  }
0x261: {  	v11 =	vmin.u32 v11, $0x1F7  }
0x262: {  	vm15 =	vlt.u32 v10, $0x1F8;
	v10 =	vshll.u32 v11, $0x7  }
0x263: {  	v10 =	vor.u32 v5, v10;
	_ =	sdelay $0x4  }
0x264: {  	[tilespmem:v10+s16+$0x0] =	vst.idx.msk vm15, v1  }
0x265: {  	v10 =	vld [tilespmem:$0xC0];
	_ =	sdelay $0x4  }
0x266: {  	vm4 =	vgt.s32 v10, $0x0  }
0x267: {  	v11 =	vnsel vm4, $0x0, v10  }
0x268: {  	v11 =	vmin.u32 v11, $0x1F7  }
0x269: {  	vm5 =	vlt.u32 v10, $0x1F8;
	v10 =	vshll.u32 v11, $0x7  }
0x26a: {  	v10 =	vor.u32 v6, v10;
	_ =	sdelay $0x4  }
0x26b: {  	[tilespmem:v10+s16+$0x0] =	vst.idx.msk vm5, v1  }
0x26c: {  	v10 =	vld [tilespmem:$0xD0];
	_ =	sdelay $0x4  }
0x26d: {  	vm6 =	vgt.s32 v10, $0x0  }
0x26e: {  	v11 =	vnsel vm6, $0x0, v10  }
0x26f: {  	v11 =	vmin.u32 v11, $0x1F7  }
0x270: {  	vm7 =	vlt.u32 v10, $0x1F8;
	v10 =	vshll.u32 v11, $0x7  }
0x271: {  	v10 =	vor.u32 v7, v10;
	_ =	sdelay $0x4  }
0x272: {  	[tilespmem:v10+s16+$0x0] =	vst.idx.msk vm7, v1  }
0x273: {  	v10 =	vld [tilespmem:$0xE0];
	_ =	sdelay $0x4  }
0x274: {  	vm8 =	vgt.s32 v10, $0x0  }
0x275: {  	v11 =	vnsel vm8, $0x0, v10  }
0x276: {  	v11 =	vmin.u32 v11, $0x1F7  }
0x277: {  	vm9 =	vlt.u32 v10, $0x1F8;
	v10 =	vshll.u32 v11, $0x7  }
0x278: {  	v10 =	vor.u32 v8, v10;
	_ =	sdelay $0x4  }
0x279: {  	[tilespmem:v10+s16+$0x0] =	vst.idx.msk vm9, v1  }
0x27a: {  	v10 =	vld [tilespmem:$0xF0];
	_ =	sdelay $0x4  }
0x27b: {  	vm10 =	vgt.s32 v10, $0x0  }
0x27c: {  	v11 =	vnsel vm10, $0x0, v10  }
0x27d: {  	v11 =	vmin.u32 v11, $0x1F7  }
0x27e: {  	vm11 =	vlt.u32 v10, $0x1F8;
	v10 =	vshll.u32 v11, $0x7  }
0x27f: {  	v10 =	vor.u32 v9, v10;
	_ =	sdelay $0x4  }
0x280: {  	[tilespmem:v10+s16+$0x0] =	vst.idx.msk vm11, v1  }
0x281: {  	v10 =	vld [tilespmem:$0x100];
	_ =	sdelay $0x4  }
0x282: {  	vm12 =	vgt.s32 v10, $0x0  }
0x283: {  	v11 =	vnsel vm12, $0x0, v10  }
0x284: {  	v11 =	vmin.u32 v11, $0x1F7  }
0x285: {  	vm13 =	vlt.u32 v10, $0x1F8;
	v10 =	vshll.u32 v11, $0x7  }
0x286: {  	v10 =	vor.u32 v0, v10;
	_ =	sdelay $0x4  }
0x287: {  	[tilespmem:v10+s16+$0x0] =	vst.idx.msk vm13, v2  }
0x288: {  	v10 =	vld [tilespmem:$0x110];
	_ =	sdelay $0x4  }
0x289: {  	vm14 =	vgt.s32 v10, $0x0  }
0x28a: {  	v11 =	vnsel vm14, $0x0, v10  }
0x28b: {  	v11 =	vmin.u32 v11, $0x1F7  }
0x28c: {  	vm15 =	vlt.u32 v10, $0x1F8;
	v10 =	vshll.u32 v11, $0x7  }
0x28d: {  	v10 =	vor.u32 v3, v10;
	_ =	sdelay $0x4  }
0x28e: {  	[tilespmem:v10+s16+$0x0] =	vst.idx.msk vm15, v2  }
0x28f: {  	v10 =	vld [tilespmem:$0x120];
	_ =	sdelay $0x4  }
0x290: {  	vm4 =	vgt.s32 v10, $0x0  }
0x291: {  	v11 =	vnsel vm4, $0x0, v10  }
0x292: {  	v11 =	vmin.u32 v11, $0x1F7  }
0x293: {  	vm5 =	vlt.u32 v10, $0x1F8;
	v10 =	vshll.u32 v11, $0x7  }
0x294: {  	v10 =	vor.u32 v4, v10;
	_ =	sdelay $0x4  }
0x295: {  	[tilespmem:v10+s16+$0x0] =	vst.idx.msk vm5, v2  }
0x296: {  	v10 =	vld [tilespmem:$0x130];
	_ =	sdelay $0x4  }
0x297: {  	vm6 =	vgt.s32 v10, $0x0  }
0x298: {  	v11 =	vnsel vm6, $0x0, v10  }
0x299: {  	v11 =	vmin.u32 v11, $0x1F7  }
0x29a: {  	vm7 =	vlt.u32 v10, $0x1F8;
	v10 =	vshll.u32 v11, $0x7  }
0x29b: {  	v10 =	vor.u32 v5, v10;
	_ =	sdelay $0x4  }
0x29c: {  	[tilespmem:v10+s16+$0x0] =	vst.idx.msk vm7, v2  }
0x29d: {  	v10 =	vld [tilespmem:$0x140];
	_ =	sdelay $0x4  }
0x29e: {  	vm8 =	vgt.s32 v10, $0x0  }
0x29f: {  	v11 =	vnsel vm8, $0x0, v10  }
0x2a0: {  	v11 =	vmin.u32 v11, $0x1F7  }
0x2a1: {  	vm9 =	vlt.u32 v10, $0x1F8;
	v10 =	vshll.u32 v11, $0x7  }
0x2a2: {  	v10 =	vor.u32 v6, v10;
	_ =	sdelay $0x4  }
0x2a3: {  	[tilespmem:v10+s16+$0x0] =	vst.idx.msk vm9, v2  }
0x2a4: {  	v10 =	vld [tilespmem:$0x150];
	_ =	sdelay $0x4  }
0x2a5: {  	vm10 =	vgt.s32 v10, $0x0  }
0x2a6: {  	v11 =	vnsel vm10, $0x0, v10  }
0x2a7: {  	v11 =	vmin.u32 v11, $0x1F7  }
0x2a8: {  	vm11 =	vlt.u32 v10, $0x1F8;
	v10 =	vshll.u32 v11, $0x7  }
0x2a9: {  	v10 =	vor.u32 v7, v10;
	_ =	sdelay $0x4  }
0x2aa: {  	[tilespmem:v10+s16+$0x0] =	vst.idx.msk vm11, v2  }
0x2ab: {  	v10 =	vld [tilespmem:$0x160];
	_ =	sdelay $0x4  }
0x2ac: {  	vm12 =	vgt.s32 v10, $0x0  }
0x2ad: {  	v11 =	vnsel vm12, $0x0, v10  }
0x2ae: {  	v11 =	vmin.u32 v11, $0x1F7  }
0x2af: {  	vm13 =	vlt.u32 v10, $0x1F8;
	v10 =	vshll.u32 v11, $0x7  }
0x2b0: {  	v10 =	vor.u32 v8, v10;
	_ =	sdelay $0x4  }
0x2b1: {  	[tilespmem:v10+s16+$0x0] =	vst.idx.msk vm13, v2  }
0x2b2: {  	v10 =	vld [tilespmem:$0x170];
	_ =	sdelay $0x4  }
0x2b3: {  	vm14 =	vgt.s32 v10, $0x0  }
0x2b4: {  	v11 =	vnsel vm14, $0x0, v10  }
0x2b5: {  	v11 =	vmin.u32 v11, $0x1F7  }
0x2b6: {  	vm15 =	vlt.u32 v10, $0x1F8;
	v10 =	vshll.u32 v11, $0x7  }
0x2b7: {  	v10 =	vor.u32 v9, v10;
	_ =	sdelay $0x4  }
0x2b8: {  	[tilespmem:v10+s16+$0x0] =	vst.idx.msk vm15, v2  }
0x2b9: {  	[hbm4b:s10+s17] =	stream.strided.scatter [tilespmem:s16], [sflag:$0x1], $0xFC00, s18, s17, $0x38;
	[tilespmem:$0x1F600] =	vst v63  }
0x2ba: {  	_ =	swait.ge [sflag:s22], $0xF800  }
0x2bb: {  	[sflag:s22] =	ssyncset.done $0x0  }
0x2bc: {  	[sflag:s22] =	ssyncadd.s32 $0xFFFF0800  }
0x2bd: {  	v10 =	vld [tilespmem:$0x80];
	_ =	sdelay $0x4  }
0x2be: {  	v10 =	vadd.s32 $0xFFFFFE08, v10  }
0x2bf: {  	vm4 =	vgt.s32 v10, $0x0  }
0x2c0: {  	v11 =	vnsel vm4, $0x0, v10  }
0x2c1: {  	v11 =	vmin.u32 v11, $0x1EF  }
0x2c2: {  	vm5 =	vlt.u32 v10, $0x1F0;
	v10 =	vshll.u32 v11, $0x7  }
0x2c3: {  	v10 =	vor.u32 v0, v10;
	_ =	sdelay $0x4  }
0x2c4: {  	[tilespmem:v10+s20+$0x0] =	vst.idx.msk vm5, v1  }
0x2c5: {  	v10 =	vld [tilespmem:$0x90];
	_ =	sdelay $0x4  }
0x2c6: {  	v10 =	vadd.s32 $0xFFFFFE08, v10  }
0x2c7: {  	vm6 =	vgt.s32 v10, $0x0  }
0x2c8: {  	v11 =	vnsel vm6, $0x0, v10  }
0x2c9: {  	v11 =	vmin.u32 v11, $0x1EF  }
0x2ca: {  	vm7 =	vlt.u32 v10, $0x1F0;
	v10 =	vshll.u32 v11, $0x7  }
0x2cb: {  	v10 =	vor.u32 v3, v10;
	_ =	sdelay $0x4  }
0x2cc: {  	[tilespmem:v10+s20+$0x0] =	vst.idx.msk vm7, v1  }
0x2cd: {  	v10 =	vld [tilespmem:$0xA0];
	_ =	sdelay $0x4  }
0x2ce: {  	v10 =	vadd.s32 $0xFFFFFE08, v10  }
0x2cf: {  	vm8 =	vgt.s32 v10, $0x0  }
0x2d0: {  	v11 =	vnsel vm8, $0x0, v10  }
0x2d1: {  	v11 =	vmin.u32 v11, $0x1EF  }
0x2d2: {  	vm9 =	vlt.u32 v10, $0x1F0;
	v10 =	vshll.u32 v11, $0x7  }
0x2d3: {  	v10 =	vor.u32 v4, v10;
	_ =	sdelay $0x4  }
0x2d4: {  	[tilespmem:v10+s20+$0x0] =	vst.idx.msk vm9, v1  }
0x2d5: {  	v10 =	vld [tilespmem:$0xB0];
	_ =	sdelay $0x4  }
0x2d6: {  	v10 =	vadd.s32 $0xFFFFFE08, v10  }
0x2d7: {  	vm10 =	vgt.s32 v10, $0x0  }
0x2d8: {  	v11 =	vnsel vm10, $0x0, v10  }
0x2d9: {  	v11 =	vmin.u32 v11, $0x1EF  }
0x2da: {  	vm11 =	vlt.u32 v10, $0x1F0;
	v10 =	vshll.u32 v11, $0x7  }
0x2db: {  	v10 =	vor.u32 v5, v10;
	_ =	sdelay $0x4  }
0x2dc: {  	[tilespmem:v10+s20+$0x0] =	vst.idx.msk vm11, v1  }
0x2dd: {  	v10 =	vld [tilespmem:$0xC0];
	_ =	sdelay $0x4  }
0x2de: {  	v10 =	vadd.s32 $0xFFFFFE08, v10  }
0x2df: {  	vm12 =	vgt.s32 v10, $0x0  }
0x2e0: {  	v11 =	vnsel vm12, $0x0, v10  }
0x2e1: {  	v11 =	vmin.u32 v11, $0x1EF  }
0x2e2: {  	vm13 =	vlt.u32 v10, $0x1F0;
	v10 =	vshll.u32 v11, $0x7  }
0x2e3: {  	v10 =	vor.u32 v6, v10;
	_ =	sdelay $0x4  }
0x2e4: {  	[tilespmem:v10+s20+$0x0] =	vst.idx.msk vm13, v1  }
0x2e5: {  	v10 =	vld [tilespmem:$0xD0];
	_ =	sdelay $0x4  }
0x2e6: {  	v10 =	vadd.s32 $0xFFFFFE08, v10  }
0x2e7: {  	vm14 =	vgt.s32 v10, $0x0  }
0x2e8: {  	v11 =	vnsel vm14, $0x0, v10  }
0x2e9: {  	v11 =	vmin.u32 v11, $0x1EF  }
0x2ea: {  	vm15 =	vlt.u32 v10, $0x1F0;
	v10 =	vshll.u32 v11, $0x7  }
0x2eb: {  	v10 =	vor.u32 v7, v10;
	_ =	sdelay $0x4  }
0x2ec: {  	[tilespmem:v10+s20+$0x0] =	vst.idx.msk vm15, v1  }
0x2ed: {  	v10 =	vld [tilespmem:$0xE0];
	_ =	sdelay $0x4  }
0x2ee: {  	v10 =	vadd.s32 $0xFFFFFE08, v10  }
0x2ef: {  	vm4 =	vgt.s32 v10, $0x0  }
0x2f0: {  	v11 =	vnsel vm4, $0x0, v10  }
0x2f1: {  	v11 =	vmin.u32 v11, $0x1EF  }
0x2f2: {  	vm5 =	vlt.u32 v10, $0x1F0;
	v10 =	vshll.u32 v11, $0x7  }
0x2f3: {  	v10 =	vor.u32 v8, v10;
	_ =	sdelay $0x4  }
0x2f4: {  	[tilespmem:v10+s20+$0x0] =	vst.idx.msk vm5, v1  }
0x2f5: {  	v10 =	vld [tilespmem:$0xF0];
	_ =	sdelay $0x4  }
0x2f6: {  	v10 =	vadd.s32 $0xFFFFFE08, v10  }
0x2f7: {  	vm6 =	vgt.s32 v10, $0x0  }
0x2f8: {  	v11 =	vnsel vm6, $0x0, v10  }
0x2f9: {  	v11 =	vmin.u32 v11, $0x1EF  }
0x2fa: {  	vm7 =	vlt.u32 v10, $0x1F0;
	v10 =	vshll.u32 v11, $0x7  }
0x2fb: {  	v10 =	vor.u32 v9, v10;
	_ =	sdelay $0x4  }
0x2fc: {  	[tilespmem:v10+s20+$0x0] =	vst.idx.msk vm7, v1  }
0x2fd: {  	v10 =	vld [tilespmem:$0x100];
	_ =	sdelay $0x4  }
0x2fe: {  	v10 =	vadd.s32 $0xFFFFFE08, v10  }
0x2ff: {  	vm8 =	vgt.s32 v10, $0x0  }
0x300: {  	v11 =	vnsel vm8, $0x0, v10  }
0x301: {  	v11 =	vmin.u32 v11, $0x1EF  }
0x302: {  	vm9 =	vlt.u32 v10, $0x1F0;
	v10 =	vshll.u32 v11, $0x7  }
0x303: {  	v10 =	vor.u32 v0, v10;
	_ =	sdelay $0x4  }
0x304: {  	[tilespmem:v10+s20+$0x0] =	vst.idx.msk vm9, v2  }
0x305: {  	v10 =	vld [tilespmem:$0x110];
	_ =	sdelay $0x4  }
0x306: {  	v10 =	vadd.s32 $0xFFFFFE08, v10  }
0x307: {  	vm10 =	vgt.s32 v10, $0x0  }
0x308: {  	v11 =	vnsel vm10, $0x0, v10  }
0x309: {  	v11 =	vmin.u32 v11, $0x1EF  }
0x30a: {  	vm11 =	vlt.u32 v10, $0x1F0;
	v10 =	vshll.u32 v11, $0x7  }
0x30b: {  	v10 =	vor.u32 v3, v10;
	_ =	sdelay $0x4  }
0x30c: {  	[tilespmem:v10+s20+$0x0] =	vst.idx.msk vm11, v2  }
0x30d: {  	v10 =	vld [tilespmem:$0x120];
	_ =	sdelay $0x4  }
0x30e: {  	v10 =	vadd.s32 $0xFFFFFE08, v10  }
0x30f: {  	vm12 =	vgt.s32 v10, $0x0  }
0x310: {  	v11 =	vnsel vm12, $0x0, v10  }
0x311: {  	v11 =	vmin.u32 v11, $0x1EF  }
0x312: {  	vm13 =	vlt.u32 v10, $0x1F0;
	v10 =	vshll.u32 v11, $0x7  }
0x313: {  	v10 =	vor.u32 v4, v10;
	_ =	sdelay $0x4  }
0x314: {  	[tilespmem:v10+s20+$0x0] =	vst.idx.msk vm13, v2  }
0x315: {  	v10 =	vld [tilespmem:$0x130];
	_ =	sdelay $0x4  }
0x316: {  	v10 =	vadd.s32 $0xFFFFFE08, v10  }
0x317: {  	vm14 =	vgt.s32 v10, $0x0  }
0x318: {  	v11 =	vnsel vm14, $0x0, v10  }
0x319: {  	v11 =	vmin.u32 v11, $0x1EF  }
0x31a: {  	vm15 =	vlt.u32 v10, $0x1F0;
	v10 =	vshll.u32 v11, $0x7  }
0x31b: {  	v10 =	vor.u32 v5, v10;
	_ =	sdelay $0x4  }
0x31c: {  	[tilespmem:v10+s20+$0x0] =	vst.idx.msk vm15, v2  }
0x31d: {  	v10 =	vld [tilespmem:$0x140];
	_ =	sdelay $0x4  }
0x31e: {  	v10 =	vadd.s32 $0xFFFFFE08, v10  }
0x31f: {  	vm4 =	vgt.s32 v10, $0x0  }
0x320: {  	v11 =	vnsel vm4, $0x0, v10  }
0x321: {  	v11 =	vmin.u32 v11, $0x1EF  }
0x322: {  	vm5 =	vlt.u32 v10, $0x1F0;
	v10 =	vshll.u32 v11, $0x7  }
0x323: {  	v10 =	vor.u32 v6, v10;
	_ =	sdelay $0x4  }
0x324: {  	[tilespmem:v10+s20+$0x0] =	vst.idx.msk vm5, v2  }
0x325: {  	v10 =	vld [tilespmem:$0x150];
	_ =	sdelay $0x4  }
0x326: {  	v10 =	vadd.s32 $0xFFFFFE08, v10  }
0x327: {  	vm6 =	vgt.s32 v10, $0x0  }
0x328: {  	v11 =	vnsel vm6, $0x0, v10  }
0x329: {  	v11 =	vmin.u32 v11, $0x1EF  }
0x32a: {  	vm7 =	vlt.u32 v10, $0x1F0;
	v10 =	vshll.u32 v11, $0x7  }
0x32b: {  	v10 =	vor.u32 v7, v10;
	_ =	sdelay $0x4  }
0x32c: {  	[tilespmem:v10+s20+$0x0] =	vst.idx.msk vm7, v2  }
0x32d: {  	v10 =	vld [tilespmem:$0x160];
	_ =	sdelay $0x4  }
0x32e: {  	v10 =	vadd.s32 $0xFFFFFE08, v10  }
0x32f: {  	vm8 =	vgt.s32 v10, $0x0  }
0x330: {  	v11 =	vnsel vm8, $0x0, v10  }
0x331: {  	v11 =	vmin.u32 v11, $0x1EF  }
0x332: {  	vm9 =	vlt.u32 v10, $0x1F0;
	v10 =	vshll.u32 v11, $0x7  }
0x333: {  	v10 =	vor.u32 v8, v10;
	_ =	sdelay $0x4  }
0x334: {  	[tilespmem:v10+s20+$0x0] =	vst.idx.msk vm9, v2  }
0x335: {  	v10 =	vld [tilespmem:$0x170];
	_ =	sdelay $0x4  }
0x336: {  	v10 =	vadd.s32 $0xFFFFFE08, v10  }
0x337: {  	vm10 =	vgt.s32 v10, $0x0  }
0x338: {  	v11 =	vnsel vm10, $0x0, v10  }
0x339: {  	v11 =	vmin.u32 v11, $0x1EF  }
0x33a: {  	vm11 =	vlt.u32 v10, $0x1F0;
	v10 =	vshll.u32 v11, $0x7  }
0x33b: {  	v10 =	vor.u32 v9, v10;
	_ =	sdelay $0x4  }
0x33c: {  	[tilespmem:v10+s20+$0x0] =	vst.idx.msk vm11, v2  }
0x33d: {  	[hbm4b:s11+s17] =	stream.strided.scatter [tilespmem:s20], [sflag:$0x2], $0xF800, s18, s17, $0x38;
	[tilespmem:$0x1F600] =	vst v63  }
0x33e: {  	_ =	swait.ge [sflag:s15], $0xFC00  }
0x33f: {  	[sflag:s15] =	ssyncset.done $0x0  }
0x340: {  	[sflag:s15] =	ssyncadd.s32 $0xFFFF0400  }
0x341: {  	v10 =	vld [tilespmem:$0x100];
	_ =	sdelay $0x4  }
0x342: {  	vm12 =	vgt.s32 v10, $0x0  }
0x343: {  	v11 =	vnsel vm12, $0x0, v10  }
0x344: {  	v11 =	vmin.u32 v11, $0x1F7  }
0x345: {  	vm13 =	vlt.u32 v10, $0x1F8;
	v10 =	vshll.u32 v11, $0x7  }
0x346: {  	v10 =	vor.u32 v0, v10;
	_ =	sdelay $0x4  }
0x347: {  	[tilespmem:v10+s16+$0x0] =	vst.idx.msk vm13, v1  }
0x348: {  	v10 =	vld [tilespmem:$0x110];
	_ =	sdelay $0x4  }
0x349: {  	vm14 =	vgt.s32 v10, $0x0  }
0x34a: {  	v11 =	vnsel vm14, $0x0, v10  }
0x34b: {  	v11 =	vmin.u32 v11, $0x1F7  }
0x34c: {  	vm15 =	vlt.u32 v10, $0x1F8;
	v10 =	vshll.u32 v11, $0x7  }
0x34d: {  	v10 =	vor.u32 v3, v10;
	_ =	sdelay $0x4  }
0x34e: {  	[tilespmem:v10+s16+$0x0] =	vst.idx.msk vm15, v1  }
0x34f: {  	v10 =	vld [tilespmem:$0x120];
	_ =	sdelay $0x4  }
0x350: {  	vm4 =	vgt.s32 v10, $0x0  }
0x351: {  	v11 =	vnsel vm4, $0x0, v10  }
0x352: {  	v11 =	vmin.u32 v11, $0x1F7  }
0x353: {  	vm5 =	vlt.u32 v10, $0x1F8;
	v10 =	vshll.u32 v11, $0x7  }
0x354: {  	v10 =	vor.u32 v4, v10;
	_ =	sdelay $0x4  }
0x355: {  	[tilespmem:v10+s16+$0x0] =	vst.idx.msk vm5, v1  }
0x356: {  	v10 =	vld [tilespmem:$0x130];
	_ =	sdelay $0x4  }
0x357: {  	vm6 =	vgt.s32 v10, $0x0  }
0x358: {  	v11 =	vnsel vm6, $0x0, v10  }
0x359: {  	v11 =	vmin.u32 v11, $0x1F7  }
0x35a: {  	vm7 =	vlt.u32 v10, $0x1F8;
	v10 =	vshll.u32 v11, $0x7  }
0x35b: {  	v10 =	vor.u32 v5, v10;
	_ =	sdelay $0x4  }
0x35c: {  	[tilespmem:v10+s16+$0x0] =	vst.idx.msk vm7, v1  }
0x35d: {  	v10 =	vld [tilespmem:$0x140];
	_ =	sdelay $0x4  }
0x35e: {  	vm8 =	vgt.s32 v10, $0x0  }
0x35f: {  	v11 =	vnsel vm8, $0x0, v10  }
0x360: {  	v11 =	vmin.u32 v11, $0x1F7  }
0x361: {  	vm9 =	vlt.u32 v10, $0x1F8;
	v10 =	vshll.u32 v11, $0x7  }
0x362: {  	v10 =	vor.u32 v6, v10;
	_ =	sdelay $0x4  }
0x363: {  	[tilespmem:v10+s16+$0x0] =	vst.idx.msk vm9, v1  }
0x364: {  	v10 =	vld [tilespmem:$0x150];
	_ =	sdelay $0x4  }
0x365: {  	vm10 =	vgt.s32 v10, $0x0  }
0x366: {  	v11 =	vnsel vm10, $0x0, v10  }
0x367: {  	v11 =	vmin.u32 v11, $0x1F7  }
0x368: {  	vm11 =	vlt.u32 v10, $0x1F8;
	v10 =	vshll.u32 v11, $0x7  }
0x369: {  	v10 =	vor.u32 v7, v10;
	_ =	sdelay $0x4  }
0x36a: {  	[tilespmem:v10+s16+$0x0] =	vst.idx.msk vm11, v1  }
0x36b: {  	v10 =	vld [tilespmem:$0x160];
	_ =	sdelay $0x4  }
0x36c: {  	vm12 =	vgt.s32 v10, $0x0  }
0x36d: {  	v11 =	vnsel vm12, $0x0, v10  }
0x36e: {  	v11 =	vmin.u32 v11, $0x1F7  }
0x36f: {  	vm13 =	vlt.u32 v10, $0x1F8;
	v10 =	vshll.u32 v11, $0x7  }
0x370: {  	v10 =	vor.u32 v8, v10;
	_ =	sdelay $0x4  }
0x371: {  	[tilespmem:v10+s16+$0x0] =	vst.idx.msk vm13, v1  }
0x372: {  	v10 =	vld [tilespmem:$0x170];
	_ =	sdelay $0x4  }
0x373: {  	vm14 =	vgt.s32 v10, $0x0  }
0x374: {  	v11 =	vnsel vm14, $0x0, v10  }
0x375: {  	v11 =	vmin.u32 v11, $0x1F7  }
0x376: {  	vm15 =	vlt.u32 v10, $0x1F8;
	v10 =	vshll.u32 v11, $0x7  }
0x377: {  	v10 =	vor.u32 v9, v10;
	_ =	sdelay $0x4  }
0x378: {  	[tilespmem:v10+s16+$0x0] =	vst.idx.msk vm15, v1  }
0x379: {  	v10 =	vld [tilespmem:$0x180];
	_ =	sdelay $0x4  }
0x37a: {  	vm4 =	vgt.s32 v10, $0x0  }
0x37b: {  	v11 =	vnsel vm4, $0x0, v10  }
0x37c: {  	v11 =	vmin.u32 v11, $0x1F7  }
0x37d: {  	vm5 =	vlt.u32 v10, $0x1F8;
	v10 =	vshll.u32 v11, $0x7  }
0x37e: {  	v10 =	vor.u32 v0, v10;
	_ =	sdelay $0x4  }
0x37f: {  	[tilespmem:v10+s16+$0x0] =	vst.idx.msk vm5, v2  }
0x380: {  	v10 =	vld [tilespmem:$0x190];
	_ =	sdelay $0x4  }
0x381: {  	vm6 =	vgt.s32 v10, $0x0  }
0x382: {  	v11 =	vnsel vm6, $0x0, v10  }
0x383: {  	v11 =	vmin.u32 v11, $0x1F7  }
0x384: {  	vm7 =	vlt.u32 v10, $0x1F8;
	v10 =	vshll.u32 v11, $0x7  }
0x385: {  	v10 =	vor.u32 v3, v10;
	_ =	sdelay $0x4  }
0x386: {  	[tilespmem:v10+s16+$0x0] =	vst.idx.msk vm7, v2  }
0x387: {  	v10 =	vld [tilespmem:$0x1A0];
	_ =	sdelay $0x4  }
0x388: {  	vm8 =	vgt.s32 v10, $0x0  }
0x389: {  	v11 =	vnsel vm8, $0x0, v10  }
0x38a: {  	v11 =	vmin.u32 v11, $0x1F7  }
0x38b: {  	vm9 =	vlt.u32 v10, $0x1F8;
	v10 =	vshll.u32 v11, $0x7  }
0x38c: {  	v10 =	vor.u32 v4, v10;
	_ =	sdelay $0x4  }
0x38d: {  	[tilespmem:v10+s16+$0x0] =	vst.idx.msk vm9, v2  }
0x38e: {  	v10 =	vld [tilespmem:$0x1B0];
	_ =	sdelay $0x4  }
0x38f: {  	vm10 =	vgt.s32 v10, $0x0  }
0x390: {  	v11 =	vnsel vm10, $0x0, v10  }
0x391: {  	v11 =	vmin.u32 v11, $0x1F7  }
0x392: {  	vm11 =	vlt.u32 v10, $0x1F8;
	v10 =	vshll.u32 v11, $0x7  }
0x393: {  	v10 =	vor.u32 v5, v10;
	_ =	sdelay $0x4  }
0x394: {  	[tilespmem:v10+s16+$0x0] =	vst.idx.msk vm11, v2  }
0x395: {  	v10 =	vld [tilespmem:$0x1C0];
	_ =	sdelay $0x4  }
0x396: {  	vm12 =	vgt.s32 v10, $0x0  }
0x397: {  	v11 =	vnsel vm12, $0x0, v10  }
0x398: {  	v11 =	vmin.u32 v11, $0x1F7  }
0x399: {  	vm13 =	vlt.u32 v10, $0x1F8;
	v10 =	vshll.u32 v11, $0x7  }
0x39a: {  	v10 =	vor.u32 v6, v10;
	_ =	sdelay $0x4  }
0x39b: {  	[tilespmem:v10+s16+$0x0] =	vst.idx.msk vm13, v2  }
0x39c: {  	v10 =	vld [tilespmem:$0x1D0];
	_ =	sdelay $0x4  }
0x39d: {  	vm14 =	vgt.s32 v10, $0x0  }
0x39e: {  	v11 =	vnsel vm14, $0x0, v10  }
0x39f: {  	v11 =	vmin.u32 v11, $0x1F7  }
0x3a0: {  	vm15 =	vlt.u32 v10, $0x1F8;
	v10 =	vshll.u32 v11, $0x7  }
0x3a1: {  	v10 =	vor.u32 v7, v10;
	_ =	sdelay $0x4  }
0x3a2: {  	[tilespmem:v10+s16+$0x0] =	vst.idx.msk vm15, v2  }
0x3a3: {  	v10 =	vld [tilespmem:$0x1E0];
	_ =	sdelay $0x4  }
0x3a4: {  	vm4 =	vgt.s32 v10, $0x0  }
0x3a5: {  	v11 =	vnsel vm4, $0x0, v10  }
0x3a6: {  	v11 =	vmin.u32 v11, $0x1F7  }
0x3a7: {  	vm5 =	vlt.u32 v10, $0x1F8;
	v10 =	vshll.u32 v11, $0x7  }
0x3a8: {  	v10 =	vor.u32 v8, v10;
	_ =	sdelay $0x4  }
0x3a9: {  	[tilespmem:v10+s16+$0x0] =	vst.idx.msk vm5, v2  }
0x3aa: {  	v10 =	vld [tilespmem:$0x1F0];
	_ =	sdelay $0x4  }
0x3ab: {  	vm6 =	vgt.s32 v10, $0x0  }
0x3ac: {  	v11 =	vnsel vm6, $0x0, v10  }
0x3ad: {  	v11 =	vmin.u32 v11, $0x1F7  }
0x3ae: {  	vm7 =	vlt.u32 v10, $0x1F8;
	v10 =	vshll.u32 v11, $0x7  }
0x3af: {  	v10 =	vor.u32 v9, v10;
	_ =	sdelay $0x4  }
0x3b0: {  	[tilespmem:v10+s16+$0x0] =	vst.idx.msk vm7, v2  }
0x3b1: {  	[hbm4b:s12+s17] =	stream.strided.scatter [tilespmem:s16], [sflag:$0x1], $0xFC00, s18, s17, $0x38;
	[tilespmem:$0x1F600] =	vst v63  }
0x3b2: {  	_ =	swait.ge [sflag:s22], $0xF800  }
0x3b3: {  	[sflag:s22] =	ssyncset.done $0x0  }
0x3b4: {  	[sflag:s22] =	ssyncadd.s32 $0xFFFF0800  }
0x3b5: {  	v10 =	vld [tilespmem:$0x100];
	_ =	sdelay $0x4  }
0x3b6: {  	v10 =	vadd.s32 $0xFFFFFE08, v10  }
0x3b7: {  	vm8 =	vgt.s32 v10, $0x0  }
0x3b8: {  	v11 =	vnsel vm8, $0x0, v10  }
0x3b9: {  	v11 =	vmin.u32 v11, $0x1EF  }
0x3ba: {  	vm9 =	vlt.u32 v10, $0x1F0;
	v10 =	vshll.u32 v11, $0x7  }
0x3bb: {  	v10 =	vor.u32 v0, v10;
	_ =	sdelay $0x4  }
0x3bc: {  	[tilespmem:v10+s20+$0x0] =	vst.idx.msk vm9, v1  }
0x3bd: {  	v10 =	vld [tilespmem:$0x110];
	_ =	sdelay $0x4  }
0x3be: {  	v10 =	vadd.s32 $0xFFFFFE08, v10  }
0x3bf: {  	vm10 =	vgt.s32 v10, $0x0  }
0x3c0: {  	v11 =	vnsel vm10, $0x0, v10  }
0x3c1: {  	v11 =	vmin.u32 v11, $0x1EF  }
0x3c2: {  	vm11 =	vlt.u32 v10, $0x1F0;
	v10 =	vshll.u32 v11, $0x7  }
0x3c3: {  	v10 =	vor.u32 v3, v10;
	_ =	sdelay $0x4  }
0x3c4: {  	[tilespmem:v10+s20+$0x0] =	vst.idx.msk vm11, v1  }
0x3c5: {  	v10 =	vld [tilespmem:$0x120];
	_ =	sdelay $0x4  }
0x3c6: {  	v10 =	vadd.s32 $0xFFFFFE08, v10  }
0x3c7: {  	vm12 =	vgt.s32 v10, $0x0  }
0x3c8: {  	v11 =	vnsel vm12, $0x0, v10  }
0x3c9: {  	v11 =	vmin.u32 v11, $0x1EF  }
0x3ca: {  	vm13 =	vlt.u32 v10, $0x1F0;
	v10 =	vshll.u32 v11, $0x7  }
0x3cb: {  	v10 =	vor.u32 v4, v10;
	_ =	sdelay $0x4  }
0x3cc: {  	[tilespmem:v10+s20+$0x0] =	vst.idx.msk vm13, v1  }
0x3cd: {  	v10 =	vld [tilespmem:$0x130];
	_ =	sdelay $0x4  }
0x3ce: {  	v10 =	vadd.s32 $0xFFFFFE08, v10  }
0x3cf: {  	vm14 =	vgt.s32 v10, $0x0  }
0x3d0: {  	v11 =	vnsel vm14, $0x0, v10  }
0x3d1: {  	v11 =	vmin.u32 v11, $0x1EF  }
0x3d2: {  	vm15 =	vlt.u32 v10, $0x1F0;
	v10 =	vshll.u32 v11, $0x7  }
0x3d3: {  	v10 =	vor.u32 v5, v10;
	_ =	sdelay $0x4  }
0x3d4: {  	[tilespmem:v10+s20+$0x0] =	vst.idx.msk vm15, v1  }
0x3d5: {  	v10 =	vld [tilespmem:$0x140];
	_ =	sdelay $0x4  }
0x3d6: {  	v10 =	vadd.s32 $0xFFFFFE08, v10  }
0x3d7: {  	vm4 =	vgt.s32 v10, $0x0  }
0x3d8: {  	v11 =	vnsel vm4, $0x0, v10  }
0x3d9: {  	v11 =	vmin.u32 v11, $0x1EF  }
0x3da: {  	vm5 =	vlt.u32 v10, $0x1F0;
	v10 =	vshll.u32 v11, $0x7  }
0x3db: {  	v10 =	vor.u32 v6, v10;
	_ =	sdelay $0x4  }
0x3dc: {  	[tilespmem:v10+s20+$0x0] =	vst.idx.msk vm5, v1  }
0x3dd: {  	v10 =	vld [tilespmem:$0x150];
	_ =	sdelay $0x4  }
0x3de: {  	v10 =	vadd.s32 $0xFFFFFE08, v10  }
0x3df: {  	vm6 =	vgt.s32 v10, $0x0  }
0x3e0: {  	v11 =	vnsel vm6, $0x0, v10  }
0x3e1: {  	v11 =	vmin.u32 v11, $0x1EF  }
0x3e2: {  	vm7 =	vlt.u32 v10, $0x1F0;
	v10 =	vshll.u32 v11, $0x7  }
0x3e3: {  	v10 =	vor.u32 v7, v10;
	_ =	sdelay $0x4  }
0x3e4: {  	[tilespmem:v10+s20+$0x0] =	vst.idx.msk vm7, v1  }
0x3e5: {  	v10 =	vld [tilespmem:$0x160];
	_ =	sdelay $0x4  }
0x3e6: {  	v10 =	vadd.s32 $0xFFFFFE08, v10  }
0x3e7: {  	vm8 =	vgt.s32 v10, $0x0  }
0x3e8: {  	v11 =	vnsel vm8, $0x0, v10  }
0x3e9: {  	v11 =	vmin.u32 v11, $0x1EF  }
0x3ea: {  	vm9 =	vlt.u32 v10, $0x1F0;
	v10 =	vshll.u32 v11, $0x7  }
0x3eb: {  	v10 =	vor.u32 v8, v10;
	_ =	sdelay $0x4  }
0x3ec: {  	[tilespmem:v10+s20+$0x0] =	vst.idx.msk vm9, v1  }
0x3ed: {  	v10 =	vld [tilespmem:$0x170];
	_ =	sdelay $0x4  }
0x3ee: {  	v10 =	vadd.s32 $0xFFFFFE08, v10  }
0x3ef: {  	vm10 =	vgt.s32 v10, $0x0  }
0x3f0: {  	v11 =	vnsel vm10, $0x0, v10  }
0x3f1: {  	v11 =	vmin.u32 v11, $0x1EF  }
0x3f2: {  	vm11 =	vlt.u32 v10, $0x1F0;
	v10 =	vshll.u32 v11, $0x7  }
0x3f3: {  	v10 =	vor.u32 v9, v10;
	_ =	sdelay $0x4  }
0x3f4: {  	[tilespmem:v10+s20+$0x0] =	vst.idx.msk vm11, v1  }
0x3f5: {  	v10 =	vld [tilespmem:$0x180];
	_ =	sdelay $0x4  }
0x3f6: {  	v10 =	vadd.s32 $0xFFFFFE08, v10  }
0x3f7: {  	vm12 =	vgt.s32 v10, $0x0  }
0x3f8: {  	v11 =	vnsel vm12, $0x0, v10  }
0x3f9: {  	v11 =	vmin.u32 v11, $0x1EF  }
0x3fa: {  	vm13 =	vlt.u32 v10, $0x1F0;
	v10 =	vshll.u32 v11, $0x7  }
0x3fb: {  	v10 =	vor.u32 v0, v10;
	_ =	sdelay $0x4  }
0x3fc: {  	[tilespmem:v10+s20+$0x0] =	vst.idx.msk vm13, v2  }
0x3fd: {  	v10 =	vld [tilespmem:$0x190];
	_ =	sdelay $0x4  }
0x3fe: {  	v10 =	vadd.s32 $0xFFFFFE08, v10  }
0x3ff: {  	vm14 =	vgt.s32 v10, $0x0  }
0x400: {  	v11 =	vnsel vm14, $0x0, v10  }
0x401: {  	v11 =	vmin.u32 v11, $0x1EF  }
0x402: {  	vm15 =	vlt.u32 v10, $0x1F0;
	v10 =	vshll.u32 v11, $0x7  }
0x403: {  	v10 =	vor.u32 v3, v10;
	_ =	sdelay $0x4  }
0x404: {  	[tilespmem:v10+s20+$0x0] =	vst.idx.msk vm15, v2  }
0x405: {  	v10 =	vld [tilespmem:$0x1A0];
	_ =	sdelay $0x4  }
0x406: {  	v10 =	vadd.s32 $0xFFFFFE08, v10  }
0x407: {  	vm4 =	vgt.s32 v10, $0x0  }
0x408: {  	v11 =	vnsel vm4, $0x0, v10  }
0x409: {  	v11 =	vmin.u32 v11, $0x1EF  }
0x40a: {  	vm5 =	vlt.u32 v10, $0x1F0;
	v10 =	vshll.u32 v11, $0x7  }
0x40b: {  	v10 =	vor.u32 v4, v10;
	_ =	sdelay $0x4  }
0x40c: {  	[tilespmem:v10+s20+$0x0] =	vst.idx.msk vm5, v2  }
0x40d: {  	v10 =	vld [tilespmem:$0x1B0];
	_ =	sdelay $0x4  }
0x40e: {  	v10 =	vadd.s32 $0xFFFFFE08, v10  }
0x40f: {  	vm6 =	vgt.s32 v10, $0x0  }
0x410: {  	v11 =	vnsel vm6, $0x0, v10  }
0x411: {  	v11 =	vmin.u32 v11, $0x1EF  }
0x412: {  	vm7 =	vlt.u32 v10, $0x1F0;
	v10 =	vshll.u32 v11, $0x7  }
0x413: {  	v10 =	vor.u32 v5, v10;
	_ =	sdelay $0x4  }
0x414: {  	[tilespmem:v10+s20+$0x0] =	vst.idx.msk vm7, v2  }
0x415: {  	v10 =	vld [tilespmem:$0x1C0];
	_ =	sdelay $0x4  }
0x416: {  	v10 =	vadd.s32 $0xFFFFFE08, v10  }
0x417: {  	vm8 =	vgt.s32 v10, $0x0  }
0x418: {  	v11 =	vnsel vm8, $0x0, v10  }
0x419: {  	v11 =	vmin.u32 v11, $0x1EF  }
0x41a: {  	vm9 =	vlt.u32 v10, $0x1F0;
	v10 =	vshll.u32 v11, $0x7  }
0x41b: {  	v10 =	vor.u32 v6, v10;
	_ =	sdelay $0x4  }
0x41c: {  	[tilespmem:v10+s20+$0x0] =	vst.idx.msk vm9, v2  }
0x41d: {  	v10 =	vld [tilespmem:$0x1D0];
	_ =	sdelay $0x4  }
0x41e: {  	v10 =	vadd.s32 $0xFFFFFE08, v10  }
0x41f: {  	vm10 =	vgt.s32 v10, $0x0  }
0x420: {  	v11 =	vnsel vm10, $0x0, v10  }
0x421: {  	v11 =	vmin.u32 v11, $0x1EF  }
0x422: {  	vm11 =	vlt.u32 v10, $0x1F0;
	v10 =	vshll.u32 v11, $0x7  }
0x423: {  	v10 =	vor.u32 v7, v10;
	_ =	sdelay $0x4  }
0x424: {  	[tilespmem:v10+s20+$0x0] =	vst.idx.msk vm11, v2  }
0x425: {  	v10 =	vld [tilespmem:$0x1E0];
	_ =	sdelay $0x4  }
0x426: {  	v10 =	vadd.s32 $0xFFFFFE08, v10  }
0x427: {  	vm12 =	vgt.s32 v10, $0x0  }
0x428: {  	v11 =	vnsel vm12, $0x0, v10  }
0x429: {  	v11 =	vmin.u32 v11, $0x1EF  }
0x42a: {  	vm13 =	vlt.u32 v10, $0x1F0;
	v10 =	vshll.u32 v11, $0x7  }
0x42b: {  	v10 =	vor.u32 v8, v10;
	_ =	sdelay $0x4  }
0x42c: {  	[tilespmem:v10+s20+$0x0] =	vst.idx.msk vm13, v2  }
0x42d: {  	v10 =	vld [tilespmem:$0x1F0];
	_ =	sdelay $0x4  }
0x42e: {  	v10 =	vadd.s32 $0xFFFFFE08, v10  }
0x42f: {  	vm14 =	vgt.s32 v10, $0x0  }
0x430: {  	v11 =	vnsel vm14, $0x0, v10  }
0x431: {  	v11 =	vmin.u32 v11, $0x1EF  }
0x432: {  	vm15 =	vlt.u32 v10, $0x1F0;
	v10 =	vshll.u32 v11, $0x7  }
0x433: {  	v10 =	vor.u32 v9, v10;
	_ =	sdelay $0x4  }
0x434: {  	s23 =	sadd.s32 $0x1, s23;
	[tilespmem:v10+s20+$0x0] =	vst.idx.msk vm15, v2  }
0x435: {  	[hbm4b:s13+s17] =	stream.strided.scatter [tilespmem:s20], [sflag:$0x2], $0xF800, s18, s17, $0x38;
	[tilespmem:$0x1F600] =	vst v63  }
0x436: {  	p0 =	sne.s32 s23, s14;
	_ =	swait.ge [sflag:s15], $0xFC00  }
.Ltmp4:
0x437: {  	[sflag:s15] =	ssyncset.done $0x0;
	(pc) =	sbr.rel @p0 .LBB2_1-.Ltmp4, $4  }
0x438: {  	[sflag:s15] =	ssyncadd.s32 $0xFFFF0400  }
0x439: {  	_ =	swait.ge [sflag:s22], $0xF800  }
0x43a: {  	[sflag:s22] =	ssyncset.done $0x0  }
0x43b: {  	[sflag:s22] =	ssyncadd.s32 $0xFFFF0800  }
0x43c: {  	_ =	sfence.sel $0x180000  }
0x43d: {  	[bflag:$0x0] =	sbarrier.arrive $0xFFFF  }
0x43e: {  	p0 =	sne.s32 s1, $0x0;
	_ =	strace $0x90000047  }
0x43f: {  	s0 =	sadd.s32 @!p0 $0x100000, s0;
	[bflag:$0x2] =	sbarrier.arrive $0xFFFF  }
0x440: {  	[sflag:s0] =	ssyncadd.tile.s32 @!p0 $0x1;
	_ =	shalt  }
.Lfunc_end2:
_tile_overlayer_lowered:
.L_overlay_start_2:
0x441: {  	(tag) =	ssettag $0x2  }
0x442: {  	s0 =	rddreg [dreg:$0x0];
	s2 =	stileid.u32  }
0x443: {  	s1 =	rddreg [dreg:$0x1];
	p0 =	sne.s32 s2, $0x0  }
0x444: {  	s3 =	rddreg [dreg:$0x2];
	[bflag:$0x3] =	sbarrier.arrive $0xFFFF;
	s2 =	simm.s32 @!p0 $0x1C03  }
0x445: {  	[timem:s3], [sflag:s2] =	dma.local @!p0 [hbm:s0], s1  }
0x446: {  	s0 =	simm.s32 @!p0 $0x3  }
0x447: {  	_ =	swait.ge @!p0 [sflag:s0], s1  }
0x448: {  	s1 =	ssub.s32 @!p0 $0x0, s1;
	[sflag:s0] =	ssyncset.done @!p0 $0x0  }
0x449: {  	[sflag:s0] =	ssyncadd.s32 @!p0 s1  }
0x44a: {  	[bflag:$0x3] =	sbarrier.arrive $0xFFFF  }
0x44b: {  	_ =	shalt  }

</sc_bundles>
